<compile_context>
chip_gen: v7x
topology: tpu7x:2x2x1
jax: 0.10.2.dev20260603
libtpu: 0.0.44.dev20260713+nightly
codegen_flags: <defaults>
</compile_context>

<pallas_src>
import functools

import numpy as np
import jax
import jax.numpy as jnp
from jax import lax
from jax.experimental import pallas as pl
from jax.experimental.pallas import tpu as pltpu
from jax.experimental.pallas import tpu_sc as plsc

N = 10000
E = 320000
IN_CH = 128
HID = 16
HEADS = 8
OUT_CH = 64

NC = 2
NS = 16
NW = NC * NS
LANES = 16

CHUNK = 64
E2 = E + N
PAIRB = NW * CHUNK * 2
NPAIR = (E2 + PAIRB - 1) // PAIRB
NCHUNK = 2 * NPAIR
EPW = NCHUNK * CHUNK
EP = EPW * NW

NR = 10016
STRIPE = NR // NS


def _vgather16(vec, idx):
    return lax.gather(
        vec, idx[:, None],
        lax.GatherDimensionNumbers(offset_dims=(), collapsed_slice_dims=(0,),
                                   start_index_map=(0,)),
        (1,), mode=lax.GatherScatterMode.PROMISE_IN_BOUNDS)


def _make_edge_kernel(kh, hid):
    hrw = kh * hid
    msgw = hrw + 16
    nvreg = hrw // LANES

    mesh = plsc.VectorSubcoreMesh(core_axis_name="c", subcore_axis_name="s")

    @functools.partial(
        pl.kernel,
        out_type=jax.ShapeDtypeStruct((NC, NR, msgw), jnp.float32),
        mesh=mesh,
        compiler_params=pltpu.CompilerParams(use_tc_tiling_on_sc=False),
        scratch_types=[
            pltpu.VMEM((CHUNK,), jnp.int32),
            pltpu.VMEM((CHUNK,), jnp.int32),
            pltpu.VMEM((CHUNK,), jnp.int32),
            pltpu.VMEM((CHUNK,), jnp.int32),
            pltpu.VMEM((CHUNK,), jnp.int32),
            pltpu.VMEM((CHUNK,), jnp.int32),
            pltpu.VMEM((CHUNK, 16), jnp.float32),
            pltpu.VMEM((CHUNK, 16), jnp.float32),
            pltpu.VMEM((CHUNK, 16), jnp.float32),
            pltpu.VMEM((CHUNK, 16), jnp.float32),
            pltpu.VMEM((CHUNK, hrw), jnp.float32),
            pltpu.VMEM((CHUNK, hrw), jnp.float32),
            pltpu.VMEM((CHUNK, msgw), jnp.float32),
            pltpu.VMEM((CHUNK, msgw), jnp.float32),
            pltpu.VMEM_SHARED((NR, msgw), jnp.float32),
        ] + [pltpu.SemaphoreType.DMA] * 12,
    )
    def edge_kernel(src_hbm, dst_hbm, as_hbm, ad_hbm, h_hbm, zeros_hbm, out_hbm,
                    src0, src1, dst0, dst1, dd0, dd1, sa0, sa1, da0, da1,
                    hr0, hr1, msg0, msg1, acc,
                    sS0, sS1, sDd0, sDd1, sSA0, sSA1, sDA0, sDA1,
                    sHR0, sHR1, sSC0, sSC1):
        srcb = (src0, src1)
        dstb = (dst0, dst1)
        ddb = (dd0, dd1)
        sab = (sa0, sa1)
        dab = (da0, da1)
        hrb = (hr0, hr1)
        msgb = (msg0, msg1)
        sS = (sS0, sS1)
        sDd = (sDd0, sDd1)
        sSA = (sSA0, sSA1)
        sDA = (sDA0, sDA1)
        sHR = (sHR0, sHR1)
        sSC = (sSC0, sSC1)

        cid = lax.axis_index("c")
        sid = lax.axis_index("s")
        wid = sid * NC + cid
        base = wid * EPW

        r0 = sid * STRIPE
        pltpu.sync_copy(zeros_hbm.at[pl.ds(r0, STRIPE)],
                        acc.at[pl.ds(r0, STRIPE)])
        plsc.subcore_barrier()

        lane = lax.iota(jnp.int32, 16)
        head_mask = lane < kh

        def start_a(ci, b):
            off = base + ci * CHUNK
            pltpu.async_copy(src_hbm.at[pl.ds(off, CHUNK)], srcb[b], sS[b])
            pltpu.async_copy(dst_hbm.at[pl.ds(off, CHUNK)], dstb[b], sDd[b])

        def wait_a(b):
            pltpu.make_async_copy(src_hbm.at[pl.ds(0, CHUNK)], srcb[b],
                                  sS[b]).wait()
            pltpu.make_async_copy(dst_hbm.at[pl.ds(0, CHUNK)], dstb[b],
                                  sDd[b]).wait()

        def start_b(b):
            pltpu.async_copy(as_hbm.at[srcb[b]], sab[b], sSA[b])
            pltpu.async_copy(ad_hbm.at[dstb[b]], dab[b], sDA[b])
            pltpu.async_copy(h_hbm.at[srcb[b]], hrb[b], sHR[b])

        def wait_b(b):
            pltpu.make_async_copy(as_hbm.at[srcb[b]], sab[b], sSA[b]).wait()
            pltpu.make_async_copy(ad_hbm.at[dstb[b]], dab[b], sDA[b]).wait()
            pltpu.make_async_copy(h_hbm.at[srcb[b]], hrb[b], sHR[b]).wait()

        def start_d(b):
            pltpu.async_copy(msgb[b], acc.at[ddb[b]], sSC[b], add=True)

        def wait_d(b):
            pltpu.make_async_copy(msgb[b], acc.at[ddb[b]], sSC[b]).wait()

        def compute(b):
            sa_v, da_v, hr_v, msg_v = sab[b], dab[b], hrb[b], msgb[b]
            for q in range(CHUNK // 16):
                ddb[b][pl.ds(q * 16, 16)] = dstb[b][pl.ds(q * 16, 16)]

            @plsc.parallel_loop(0, CHUNK, 1, unroll=8)
            def edge_body(i):
                sa = sa_v[i, :]
                da = da_v[i, :]
                e = sa + da
                w = jnp.exp(jnp.maximum(e, 0.2 * e))
                msg_v[i, pl.ds(hrw, 16)] = jnp.where(head_mask, w, 0.0)
                for v in range(nvreg):
                    h_lane = (v * LANES) // hid
                    wk = _vgather16(w, jnp.full((16,), h_lane, jnp.int32))
                    msg_v[i, pl.ds(v * LANES, LANES)] = (
                        wk * hr_v[i, pl.ds(v * LANES, LANES)])

        start_a(0, 0)
        start_a(1, 1)
        wait_a(0)
        start_b(0)

        def pair_body(g, _):
            ci0 = 2 * g
            wait_a(1)
            start_b(1)
            wait_b(0)

            @pl.when(g < NPAIR - 1)
            def _():
                start_a(ci0 + 2, 0)

            @pl.when(g > 0)
            def _():
                wait_d(0)

            compute(0)
            start_d(0)

            wait_b(1)

            @pl.when(g < NPAIR - 1)
            def _():
                start_a(ci0 + 3, 1)

            @pl.when(g > 0)
            def _():
                wait_d(1)

            compute(1)
            start_d(1)

            @pl.when(g < NPAIR - 1)
            def _():
                wait_a(0)
                start_b(0)

            return 0

        lax.fori_loop(0, NPAIR, pair_body, 0)
        wait_d(0)
        wait_d(1)
        plsc.subcore_barrier()
        pltpu.sync_copy(acc.at[pl.ds(r0, STRIPE)],
                        out_hbm.at[cid, pl.ds(r0, STRIPE)])

    return edge_kernel


_edge_l1 = _make_edge_kernel(HEADS, HID)
_edge_l2 = _make_edge_kernel(1, OUT_CH)



def _tc_pre_body(x_ref, w1_ref, ams_ref, amd_ref, h1_ref, as_ref, ad_ref):
    h = jnp.dot(x_ref[...], w1_ref[...], preferred_element_type=jnp.float32)
    h1_ref[...] = h
    as_ref[...] = jnp.dot(h, ams_ref[...], preferred_element_type=jnp.float32)
    ad_ref[...] = jnp.dot(h, amd_ref[...], preferred_element_type=jnp.float32)


def _tc_pre(x, w1, ams, amd):
    grid = (10,)
    return pl.pallas_call(
        _tc_pre_body,
        grid=grid,
        in_specs=[
            pl.BlockSpec((1000, IN_CH), lambda i: (i, 0)),
            pl.BlockSpec((IN_CH, IN_CH), lambda i: (0, 0)),
            pl.BlockSpec((IN_CH, 16), lambda i: (0, 0)),
            pl.BlockSpec((IN_CH, 16), lambda i: (0, 0)),
        ],
        out_specs=[
            pl.BlockSpec((1000, IN_CH), lambda i: (i, 0)),
            pl.BlockSpec((1000, 16), lambda i: (i, 0)),
            pl.BlockSpec((1000, 16), lambda i: (i, 0)),
        ],
        out_shape=[
            jax.ShapeDtypeStruct((N, IN_CH), jnp.float32),
            jax.ShapeDtypeStruct((N, 16), jnp.float32),
            jax.ShapeDtypeStruct((N, 16), jnp.float32),
        ],
    )(x, w1, ams, amd)


def _tc_mid_body(p_ref, seln_ref, seld_ref, b1_ref, w2_ref, ams2_ref,
                 amd2_ref, h2_ref, as2_ref, ad2_ref):
    rows = p_ref[0] + p_ref[1]
    numer = jnp.dot(rows, seln_ref[...], preferred_element_type=jnp.float32)
    denom = jnp.dot(rows, seld_ref[...], preferred_element_type=jnp.float32)
    out1 = numer / (denom + 1e-16) + b1_ref[...]
    x2 = jnp.where(out1 > 0, out1, jnp.exp(out1) - 1.0)
    h2 = jnp.dot(x2, w2_ref[...], preferred_element_type=jnp.float32)
    h2_ref[...] = h2
    as2_ref[...] = jnp.dot(h2, ams2_ref[...], preferred_element_type=jnp.float32)
    ad2_ref[...] = jnp.dot(h2, amd2_ref[...], preferred_element_type=jnp.float32)


def _tc_mid(p, seln, seld, b1, w2, ams2, amd2):
    grid = (4,)
    msgw = HEADS * HID + 16
    return pl.pallas_call(
        _tc_mid_body,
        grid=grid,
        in_specs=[
            pl.BlockSpec((2, 2504, msgw), lambda i: (0, i, 0)),
            pl.BlockSpec((msgw, IN_CH), lambda i: (0, 0)),
            pl.BlockSpec((msgw, IN_CH), lambda i: (0, 0)),
            pl.BlockSpec((1, IN_CH), lambda i: (0, 0)),
            pl.BlockSpec((IN_CH, OUT_CH), lambda i: (0, 0)),
            pl.BlockSpec((OUT_CH, 16), lambda i: (0, 0)),
            pl.BlockSpec((OUT_CH, 16), lambda i: (0, 0)),
        ],
        out_specs=[
            pl.BlockSpec((2504, OUT_CH), lambda i: (i, 0)),
            pl.BlockSpec((2504, 16), lambda i: (i, 0)),
            pl.BlockSpec((2504, 16), lambda i: (i, 0)),
        ],
        out_shape=[
            jax.ShapeDtypeStruct((NR, OUT_CH), jnp.float32),
            jax.ShapeDtypeStruct((NR, 16), jnp.float32),
            jax.ShapeDtypeStruct((NR, 16), jnp.float32),
        ],
    )(p, seln, seld, b1, w2, ams2, amd2)


def _tc_post_body(p_ref, seln_ref, seld_ref, b2_ref, out_ref):
    rows = p_ref[0] + p_ref[1]
    numer = jnp.dot(rows, seln_ref[...], preferred_element_type=jnp.float32)
    denom = jnp.dot(rows, seld_ref[...], preferred_element_type=jnp.float32)
    out_ref[...] = numer / (denom + 1e-16) + b2_ref[...]


def _tc_post(p, seln, seld, b2):
    grid = (4,)
    msgw = OUT_CH + 16
    return pl.pallas_call(
        _tc_post_body,
        grid=grid,
        in_specs=[
            pl.BlockSpec((2, 2504, msgw), lambda i: (0, i, 0)),
            pl.BlockSpec((msgw, OUT_CH), lambda i: (0, 0)),
            pl.BlockSpec((msgw, OUT_CH), lambda i: (0, 0)),
            pl.BlockSpec((1, OUT_CH), lambda i: (0, 0)),
        ],
        out_specs=pl.BlockSpec((2504, OUT_CH), lambda i: (i, 0)),
        out_shape=jax.ShapeDtypeStruct((NR, OUT_CH), jnp.float32),
    )(p, seln, seld, b2)



_HEAD_OF = np.repeat(np.arange(HEADS), HID)

_MS1 = np.zeros((IN_CH, 16), np.float32)
_MS1[np.arange(IN_CH), _HEAD_OF] = 1.0
_MD1 = np.zeros((IN_CH, 16), np.float32)
_MD1[np.arange(IN_CH), _HEAD_OF] = 1.0

_MS2 = np.zeros((OUT_CH, 16), np.float32)
_MS2[:, 0] = 1.0
_MD2 = np.zeros((OUT_CH, 16), np.float32)
_MD2[:, 0] = 1.0

_MSGW1 = HEADS * HID + 16
_SELN1 = np.zeros((_MSGW1, IN_CH), np.float32)
_SELN1[np.arange(IN_CH), np.arange(IN_CH)] = 1.0
_SELD1 = np.zeros((_MSGW1, IN_CH), np.float32)
_SELD1[IN_CH + _HEAD_OF, np.arange(IN_CH)] = 1.0

_MSGW2 = OUT_CH + 16
_SELN2 = np.zeros((_MSGW2, OUT_CH), np.float32)
_SELN2[np.arange(OUT_CH), np.arange(OUT_CH)] = 1.0
_SELD2 = np.zeros((_MSGW2, OUT_CH), np.float32)
_SELD2[OUT_CH, :] = 1.0


def kernel(x, edge_index, W1, a_src1, a_dst1, b1, W2, a_src2, a_dst2, b2):
    loops = jnp.arange(N, dtype=edge_index.dtype)
    src = jnp.concatenate([edge_index[0], loops])
    dst = jnp.concatenate([edge_index[1], loops])
    npad = EP - E2
    src_p = jnp.concatenate([src, jnp.zeros((npad,), src.dtype)]).astype(jnp.int32)
    pad_dst = N + (jnp.arange(npad, dtype=dst.dtype) % 16)
    dst_p = jnp.concatenate([dst, pad_dst]).astype(jnp.int32)

    ams1 = jnp.asarray(_MS1) * a_src1.reshape(IN_CH, 1)
    amd1 = jnp.asarray(_MD1) * a_dst1.reshape(IN_CH, 1)
    ams2 = jnp.asarray(_MS2) * a_src2.reshape(OUT_CH, 1)
    amd2 = jnp.asarray(_MD2) * a_dst2.reshape(OUT_CH, 1)

    zeros1 = jnp.zeros((NR, _MSGW1), jnp.float32)
    zeros2 = jnp.zeros((NR, _MSGW2), jnp.float32)

    h1, a1s, a1d = _tc_pre(x, W1, ams1, amd1)
    part1 = _edge_l1(src_p, dst_p, a1s, a1d, h1, zeros1)
    h2, a2s, a2d = _tc_mid(part1, jnp.asarray(_SELN1), jnp.asarray(_SELD1),
                           b1.reshape(1, IN_CH), W2, ams2, amd2)
    part2 = _edge_l2(src_p, dst_p, a2s, a2d, h2, zeros2)
    out = _tc_post(part2, jnp.asarray(_SELN2), jnp.asarray(_SELD2),
                   b2.reshape(1, OUT_CH))
    return out[:N]

# --- scband reference (transcript-rebuilt; emitter-appended) ---
"""Pipeline reference for scband-gcn-36069135352114 (READ-ONLY COPY).

The authoritative reference and input builder live on the scoring server;
editing this copy changes nothing except your own understanding.
"""

import jax, jax.numpy as jnp
import numpy as np

N = 10000
E = 320000
IN_CH = 128
HID = 16
HEADS = 8
OUT_CH = 64


def gat_conv(x, edge_index, W, a_src, a_dst, bias, heads, out_ch, concat):
    n = x.shape[0]
    loops = jnp.arange(n, dtype=edge_index.dtype)
    src = jnp.concatenate([edge_index[0], loops])
    dst = jnp.concatenate([edge_index[1], loops])
    h = (x @ W).reshape(n, heads, out_ch)
    alpha_s = (h * a_src[None, :, :]).sum(-1)  # [n, heads]
    alpha_d = (h * a_dst[None, :, :]).sum(-1)
    e = alpha_s[src] + alpha_d[dst]            # [num_edges, heads]
    e = jax.nn.leaky_relu(e, 0.2)
    e_max = jax.ops.segment_max(e, dst, num_segments=n)
    e_max = jnp.where(jnp.isfinite(e_max), e_max, 0.0)
    ex = jnp.exp(e - e_max[dst])
    denom = jax.ops.segment_sum(ex, dst, num_segments=n)
    alpha = ex / (denom[dst] + 1e-16)
    msg = h[src] * alpha[:, :, None]
    out = jax.ops.segment_sum(msg, dst, num_segments=n)
    if concat:
        out = out.reshape(n, heads * out_ch)
    else:
        out = out.mean(axis=1)
    return out + bias


def setup_inputs(seed: int = 0):
    key = jax.random.key(seed)
    ks = jax.random.split(key, 10)
    x = jax.random.normal(ks[0], (N, IN_CH), dtype=jnp.float32)
    edge_index = jax.random.randint(ks[1], (2, E), 0, N)
    W1 = jax.random.normal(ks[2], (IN_CH, HEADS * HID), dtype=jnp.float32) * 0.1
    a_src1 = jax.random.normal(ks[3], (HEADS, HID), dtype=jnp.float32) * 0.1
    a_dst1 = jax.random.normal(ks[4], (HEADS, HID), dtype=jnp.float32) * 0.1
    b1 = jnp.zeros((HEADS * HID,), dtype=jnp.float32)
    W2 = jax.random.normal(ks[5], (HEADS * HID, 1 * OUT_CH), dtype=jnp.float32) * 0.1
    a_src2 = jax.random.normal(ks[6], (1, OUT_CH), dtype=jnp.float32) * 0.1
    a_dst2 = jax.random.normal(ks[7], (1, OUT_CH), dtype=jnp.float32) * 0.1
    b2 = jnp.zeros((OUT_CH,), dtype=jnp.float32)
    return {"x": x, "edge_index": edge_index, "W1": W1, "a_src1": a_src1,
            "a_dst1": a_dst1, "b1": b1, "W2": W2, "a_src2": a_src2,
            "a_dst2": a_dst2, "b2": b2}


def reference(x, edge_index, W1, a_src1, a_dst1, b1, W2, a_src2, a_dst2, b2):
    h = gat_conv(x, edge_index, W1, a_src1, a_dst1, b1, HEADS, HID, True)
    h = jax.nn.elu(h)
    out = gat_conv(h, edge_index, W2, a_src2, a_dst2, b2, 1, OUT_CH, False)
    return out

if __name__ == "__main__":
    import jax
    _d = setup_inputs()
    print(jax.jit(kernel)(*tuple(_d.values())))

</pallas_src>

<mosaic_0001>
#map = affine_map<(d0, d1) -> (0)>
#map1 = affine_map<(d0, d1) -> (0, 0)>
#map2 = affine_map<(d0, d1) -> (0, 0, 0)>
module attributes {stable_mosaic.version = 14 : i64} {
  func.func @edge_kernel(%arg0: i32, %arg1: i32, %arg2: memref<331776xi32, #tpu.memory_space<hbm>>, %arg3: memref<331776xi32, #tpu.memory_space<hbm>>, %arg4: memref<10016x16xf32, #tpu.memory_space<hbm>>, %arg5: memref<10016x16xf32, #tpu.memory_space<hbm>>, %arg6: memref<10016x64xf32, #tpu.memory_space<hbm>>, %arg7: memref<10016x80xf32, #tpu.memory_space<hbm>>, %arg8: memref<2x10016x80xf32, #tpu.memory_space<hbm>>, %arg9: memref<64xi32, #tpu.memory_space<vmem>>, %arg10: memref<64xi32, #tpu.memory_space<vmem>>, %arg11: memref<64xi32, #tpu.memory_space<vmem>>, %arg12: memref<64xi32, #tpu.memory_space<vmem>>, %arg13: memref<64xi32, #tpu.memory_space<vmem>>, %arg14: memref<64xi32, #tpu.memory_space<vmem>>, %arg15: memref<64x16xf32, #tpu.memory_space<vmem>>, %arg16: memref<64x16xf32, #tpu.memory_space<vmem>>, %arg17: memref<64x16xf32, #tpu.memory_space<vmem>>, %arg18: memref<64x16xf32, #tpu.memory_space<vmem>>, %arg19: memref<64x64xf32, #tpu.memory_space<vmem>>, %arg20: memref<64x64xf32, #tpu.memory_space<vmem>>, %arg21: memref<64x80xf32, #tpu.memory_space<vmem>>, %arg22: memref<64x80xf32, #tpu.memory_space<vmem>>, %arg23: memref<10016x80xf32, #tpu.memory_space<vmem_shared>>, %arg24: memref<!tpu.dma_semaphore, #tpu.memory_space<semaphore_mem>>, %arg25: memref<!tpu.dma_semaphore, #tpu.memory_space<semaphore_mem>>, %arg26: memref<!tpu.dma_semaphore, #tpu.memory_space<semaphore_mem>>, %arg27: memref<!tpu.dma_semaphore, #tpu.memory_space<semaphore_mem>>, %arg28: memref<!tpu.dma_semaphore, #tpu.memory_space<semaphore_mem>>, %arg29: memref<!tpu.dma_semaphore, #tpu.memory_space<semaphore_mem>>, %arg30: memref<!tpu.dma_semaphore, #tpu.memory_space<semaphore_mem>>, %arg31: memref<!tpu.dma_semaphore, #tpu.memory_space<semaphore_mem>>, %arg32: memref<!tpu.dma_semaphore, #tpu.memory_space<semaphore_mem>>, %arg33: memref<!tpu.dma_semaphore, #tpu.memory_space<semaphore_mem>>, %arg34: memref<!tpu.dma_semaphore, #tpu.memory_space<semaphore_mem>>, %arg35: memref<!tpu.dma_semaphore, #tpu.memory_space<semaphore_mem>>) attributes {dimension_semantics = [#tpu.dimension_semantics<core_parallel>, #tpu.dimension_semantics<subcore_parallel>], iteration_bounds = array<i64: 2, 16>, scalar_prefetch = 0 : i64, scratch_operands = 27 : i64, tpu.core_type = #tpu.core_type<sc_vector_subcore>, window_params = [{transform_indices = #map}, {transform_indices = #map}, {transform_indices = #map1}, {transform_indices = #map1}, {transform_indices = #map1}, {transform_indices = #map1}, {transform_indices = #map2}]} {
    %mul3A = arith.constant 2 : i32
    %mul3A_0 = arith.muli %arg1, %mul3A : i32
    %add3A = arith.addi %mul3A_0, %arg0 : i32
    %mul3A_1 = arith.constant 10368 : i32
    %mul3A_2 = arith.muli %add3A, %mul3A_1 : i32
    %mul3A_3 = arith.constant 626 : i32
    %mul3A_4 = arith.muli %arg1, %mul3A_3 : i32
    "tpu.region"() ({
      %run_scoped3A = tpu.sem_alloc : memref<!tpu.dma_semaphore, #tpu.memory_space<semaphore_mem>>
      %dma_start3A_47 = arith.constant 0 : i32
      %dma_start3A_48 = tpu.memref_slice %arg23[%mul3A_4, %dma_start3A_47] : memref<10016x80xf32, #tpu.memory_space<vmem_shared>> -> memref<626x80xf32, #tpu.memory_space<vmem_shared>>
      %dma_start3A_49 = arith.constant 0 : i32
      %dma_start3A_50 = tpu.memref_slice %arg7[%mul3A_4, %dma_start3A_49] : memref<10016x80xf32, #tpu.memory_space<hbm>> -> memref<626x80xf32, #tpu.memory_space<hbm>>
      tpu.enqueue_dma source(%dma_start3A_50 : memref<626x80xf32, #tpu.memory_space<hbm>>) target(%dma_start3A_48 : memref<626x80xf32, #tpu.memory_space<vmem_shared>>) target_semaphore(%run_scoped3A : memref<!tpu.dma_semaphore, #tpu.memory_space<semaphore_mem>>)
      %dma_wait3A_51 = arith.constant 0 : i32
      %dma_wait3A_52 = tpu.memref_slice %arg23[%mul3A_4, %dma_wait3A_51] : memref<10016x80xf32, #tpu.memory_space<vmem_shared>> -> memref<626x80xf32, #tpu.memory_space<vmem_shared>>
      %dma_wait3A_53 = arith.constant 0 : i32
      %dma_wait3A_54 = tpu.memref_slice %arg7[%mul3A_4, %dma_wait3A_53] : memref<10016x80xf32, #tpu.memory_space<hbm>> -> memref<626x80xf32, #tpu.memory_space<hbm>>
      tpu.wait_dma2 semaphore(%run_scoped3A : memref<!tpu.dma_semaphore, #tpu.memory_space<semaphore_mem>>) src(%dma_wait3A_54 : memref<626x80xf32, #tpu.memory_space<hbm>>) dst(%dma_wait3A_52 : memref<626x80xf32, #tpu.memory_space<vmem_shared>>)
      tpu.yield
    }) : () -> ()
    %barrier3A = arith.constant 0 : index
    tpu.barrier barrier_id(%barrier3A)
    %iota3A = tpu.iota {dimensions = array<i32: 0>} : vector<16xi32>
    %lt3A = arith.constant 1 : i32
    %lt3A_5 = vector.broadcast %lt3A : i32 to vector<16xi32>
    %lt3A_6 = arith.cmpi slt, %iota3A, %lt3A_5 : vector<16xi32>
    %add3A_7 = arith.constant 0 : i32
    %add3A_8 = arith.addi %mul3A_2, %add3A_7 : i32
    %dma_start3A = tpu.memref_slice %arg2[%add3A_8] : memref<331776xi32, #tpu.memory_space<hbm>> -> memref<64xi32, #tpu.memory_space<hbm>>
    %dma_start3A_9 = tpu.memref_slice %arg2[%add3A_8] : memref<331776xi32, #tpu.memory_space<hbm>> -> memref<64xi32, #tpu.memory_space<hbm>>
    tpu.enqueue_dma source(%dma_start3A_9 : memref<64xi32, #tpu.memory_space<hbm>>) target(%arg9 : memref<64xi32, #tpu.memory_space<vmem>>) target_semaphore(%arg24 : memref<!tpu.dma_semaphore, #tpu.memory_space<semaphore_mem>>)
    %dma_start3A_10 = tpu.memref_slice %arg3[%add3A_8] : memref<331776xi32, #tpu.memory_space<hbm>> -> memref<64xi32, #tpu.memory_space<hbm>>
    %dma_start3A_11 = tpu.memref_slice %arg3[%add3A_8] : memref<331776xi32, #tpu.memory_space<hbm>> -> memref<64xi32, #tpu.memory_space<hbm>>
    tpu.enqueue_dma source(%dma_start3A_11 : memref<64xi32, #tpu.memory_space<hbm>>) target(%arg11 : memref<64xi32, #tpu.memory_space<vmem>>) target_semaphore(%arg26 : memref<!tpu.dma_semaphore, #tpu.memory_space<semaphore_mem>>)
    %add3A_12 = arith.constant 64 : i32
    %add3A_13 = arith.addi %mul3A_2, %add3A_12 : i32
    %dma_start3A_14 = tpu.memref_slice %arg2[%add3A_13] : memref<331776xi32, #tpu.memory_space<hbm>> -> memref<64xi32, #tpu.memory_space<hbm>>
    %dma_start3A_15 = tpu.memref_slice %arg2[%add3A_13] : memref<331776xi32, #tpu.memory_space<hbm>> -> memref<64xi32, #tpu.memory_space<hbm>>
    tpu.enqueue_dma source(%dma_start3A_15 : memref<64xi32, #tpu.memory_space<hbm>>) target(%arg10 : memref<64xi32, #tpu.memory_space<vmem>>) target_semaphore(%arg25 : memref<!tpu.dma_semaphore, #tpu.memory_space<semaphore_mem>>)
    %dma_start3A_16 = tpu.memref_slice %arg3[%add3A_13] : memref<331776xi32, #tpu.memory_space<hbm>> -> memref<64xi32, #tpu.memory_space<hbm>>
    %dma_start3A_17 = tpu.memref_slice %arg3[%add3A_13] : memref<331776xi32, #tpu.memory_space<hbm>> -> memref<64xi32, #tpu.memory_space<hbm>>
    tpu.enqueue_dma source(%dma_start3A_17 : memref<64xi32, #tpu.memory_space<hbm>>) target(%arg12 : memref<64xi32, #tpu.memory_space<vmem>>) target_semaphore(%arg27 : memref<!tpu.dma_semaphore, #tpu.memory_space<semaphore_mem>>)
    %dma_wait3A = arith.constant 0 : i32
    %dma_wait3A_18 = tpu.memref_slice %arg2[%dma_wait3A] : memref<331776xi32, #tpu.memory_space<hbm>> -> memref<64xi32, #tpu.memory_space<hbm>>
    %dma_wait3A_19 = arith.constant 0 : i32
    %dma_wait3A_20 = tpu.memref_slice %arg2[%dma_wait3A_19] : memref<331776xi32, #tpu.memory_space<hbm>> -> memref<64xi32, #tpu.memory_space<hbm>>
    tpu.wait_dma2 semaphore(%arg24 : memref<!tpu.dma_semaphore, #tpu.memory_space<semaphore_mem>>) src(%dma_wait3A_20 : memref<64xi32, #tpu.memory_space<hbm>>) dst(%arg9 : memref<64xi32, #tpu.memory_space<vmem>>)
    %dma_wait3A_21 = arith.constant 0 : i32
    %dma_wait3A_22 = tpu.memref_slice %arg3[%dma_wait3A_21] : memref<331776xi32, #tpu.memory_space<hbm>> -> memref<64xi32, #tpu.memory_space<hbm>>
    %dma_wait3A_23 = arith.constant 0 : i32
    %dma_wait3A_24 = tpu.memref_slice %arg3[%dma_wait3A_23] : memref<331776xi32, #tpu.memory_space<hbm>> -> memref<64xi32, #tpu.memory_space<hbm>>
    tpu.wait_dma2 semaphore(%arg26 : memref<!tpu.dma_semaphore, #tpu.memory_space<semaphore_mem>>) src(%dma_wait3A_24 : memref<64xi32, #tpu.memory_space<hbm>>) dst(%arg11 : memref<64xi32, #tpu.memory_space<vmem>>)
    %dma_start3A_25 = arith.constant 0 : i32
    %dma_start3A_26 = arith.constant 0 : i32
    %dma_start3A_27 = tpu.memref_slice %arg4[%dma_start3A_25, %dma_start3A_26] : memref<10016x16xf32, #tpu.memory_space<hbm>> -> memref<10016x16xf32, #tpu.memory_space<hbm>>
    tpu.enqueue_indirect_dma source(%dma_start3A_27 : memref<10016x16xf32, #tpu.memory_space<hbm>>) target(%arg15 : memref<64x16xf32, #tpu.memory_space<vmem>>) offsets(%arg9 : memref<64xi32, #tpu.memory_space<vmem>>) semaphore(%arg28 : memref<!tpu.dma_semaphore, #tpu.memory_space<semaphore_mem>>)
    %dma_start3A_28 = arith.constant 0 : i32
    %dma_start3A_29 = arith.constant 0 : i32
    %dma_start3A_30 = tpu.memref_slice %arg5[%dma_start3A_28, %dma_start3A_29] : memref<10016x16xf32, #tpu.memory_space<hbm>> -> memref<10016x16xf32, #tpu.memory_space<hbm>>
    tpu.enqueue_indirect_dma source(%dma_start3A_30 : memref<10016x16xf32, #tpu.memory_space<hbm>>) target(%arg17 : memref<64x16xf32, #tpu.memory_space<vmem>>) offsets(%arg11 : memref<64xi32, #tpu.memory_space<vmem>>) semaphore(%arg30 : memref<!tpu.dma_semaphore, #tpu.memory_space<semaphore_mem>>)
    %dma_start3A_31 = arith.constant 0 : i32
    %dma_start3A_32 = arith.constant 0 : i32
    %dma_start3A_33 = tpu.memref_slice %arg6[%dma_start3A_31, %dma_start3A_32] : memref<10016x64xf32, #tpu.memory_space<hbm>> -> memref<10016x64xf32, #tpu.memory_space<hbm>>
    tpu.enqueue_indirect_dma source(%dma_start3A_33 : memref<10016x64xf32, #tpu.memory_space<hbm>>) target(%arg19 : memref<64x64xf32, #tpu.memory_space<vmem>>) offsets(%arg9 : memref<64xi32, #tpu.memory_space<vmem>>) semaphore(%arg32 : memref<!tpu.dma_semaphore, #tpu.memory_space<semaphore_mem>>)
    %scan3A = arith.constant 0 : i32
    %scan3A_34 = arith.constant 0 : i32
    %scan3A_35 = arith.constant 81 : i32
    %scan3A_36 = arith.addi %scan3A_34, %scan3A_35 : i32
    %scan3A_37 = arith.constant 1 : i32
    %scan3A_38 = scf.for %scan3A_47 = %scan3A_34 to %scan3A_36 step %scan3A_37 iter_args(%scan3A_48 = %scan3A) -> (i32)  : i32 {
      %mul3A_49 = arith.constant 2 : i32
      %mul3A_50 = arith.muli %mul3A_49, %scan3A_47 : i32
      %dma_wait3A_51 = arith.constant 0 : i32
      %dma_wait3A_52 = tpu.memref_slice %arg2[%dma_wait3A_51] : memref<331776xi32, #tpu.memory_space<hbm>> -> memref<64xi32, #tpu.memory_space<hbm>>
      %dma_wait3A_53 = arith.constant 0 : i32
      %dma_wait3A_54 = tpu.memref_slice %arg2[%dma_wait3A_53] : memref<331776xi32, #tpu.memory_space<hbm>> -> memref<64xi32, #tpu.memory_space<hbm>>
      tpu.wait_dma2 semaphore(%arg25 : memref<!tpu.dma_semaphore, #tpu.memory_space<semaphore_mem>>) src(%dma_wait3A_54 : memref<64xi32, #tpu.memory_space<hbm>>) dst(%arg10 : memref<64xi32, #tpu.memory_space<vmem>>)
      %dma_wait3A_55 = arith.constant 0 : i32
      %dma_wait3A_56 = tpu.memref_slice %arg3[%dma_wait3A_55] : memref<331776xi32, #tpu.memory_space<hbm>> -> memref<64xi32, #tpu.memory_space<hbm>>
      %dma_wait3A_57 = arith.constant 0 : i32
      %dma_wait3A_58 = tpu.memref_slice %arg3[%dma_wait3A_57] : memref<331776xi32, #tpu.memory_space<hbm>> -> memref<64xi32, #tpu.memory_space<hbm>>
      tpu.wait_dma2 semaphore(%arg27 : memref<!tpu.dma_semaphore, #tpu.memory_space<semaphore_mem>>) src(%dma_wait3A_58 : memref<64xi32, #tpu.memory_space<hbm>>) dst(%arg12 : memref<64xi32, #tpu.memory_space<vmem>>)
      %dma_start3A_59 = arith.constant 0 : i32
      %dma_start3A_60 = arith.constant 0 : i32
      %dma_start3A_61 = tpu.memref_slice %arg4[%dma_start3A_59, %dma_start3A_60] : memref<10016x16xf32, #tpu.memory_space<hbm>> -> memref<10016x16xf32, #tpu.memory_space<hbm>>
      tpu.enqueue_indirect_dma source(%dma_start3A_61 : memref<10016x16xf32, #tpu.memory_space<hbm>>) target(%arg16 : memref<64x16xf32, #tpu.memory_space<vmem>>) offsets(%arg10 : memref<64xi32, #tpu.memory_space<vmem>>) semaphore(%arg29 : memref<!tpu.dma_semaphore, #tpu.memory_space<semaphore_mem>>)
      %dma_start3A_62 = arith.constant 0 : i32
      %dma_start3A_63 = arith.constant 0 : i32
      %dma_start3A_64 = tpu.memref_slice %arg5[%dma_start3A_62, %dma_start3A_63] : memref<10016x16xf32, #tpu.memory_space<hbm>> -> memref<10016x16xf32, #tpu.memory_space<hbm>>
      tpu.enqueue_indirect_dma source(%dma_start3A_64 : memref<10016x16xf32, #tpu.memory_space<hbm>>) target(%arg18 : memref<64x16xf32, #tpu.memory_space<vmem>>) offsets(%arg12 : memref<64xi32, #tpu.memory_space<vmem>>) semaphore(%arg31 : memref<!tpu.dma_semaphore, #tpu.memory_space<semaphore_mem>>)
      %dma_start3A_65 = arith.constant 0 : i32
      %dma_start3A_66 = arith.constant 0 : i32
      %dma_start3A_67 = tpu.memref_slice %arg6[%dma_start3A_65, %dma_start3A_66] : memref<10016x64xf32, #tpu.memory_space<hbm>> -> memref<10016x64xf32, #tpu.memory_space<hbm>>
      tpu.enqueue_indirect_dma source(%dma_start3A_67 : memref<10016x64xf32, #tpu.memory_space<hbm>>) target(%arg20 : memref<64x64xf32, #tpu.memory_space<vmem>>) offsets(%arg10 : memref<64xi32, #tpu.memory_space<vmem>>) semaphore(%arg33 : memref<!tpu.dma_semaphore, #tpu.memory_space<semaphore_mem>>)
      %dma_wait3A_68 = arith.constant 0 : i32
      %dma_wait3A_69 = arith.constant 0 : i32
      %dma_wait3A_70 = tpu.memref_slice %arg4[%dma_wait3A_68, %dma_wait3A_69] : memref<10016x16xf32, #tpu.memory_space<hbm>> -> memref<10016x16xf32, #tpu.memory_space<hbm>>
      tpu.wait_indirect_dma semaphore(%arg28 : memref<!tpu.dma_semaphore, #tpu.memory_space<semaphore_mem>>) src(%dma_wait3A_70 : memref<10016x16xf32, #tpu.memory_space<hbm>>) dst(%arg15 : memref<64x16xf32, #tpu.memory_space<vmem>>)
      %dma_wait3A_71 = arith.constant 0 : i32
      %dma_wait3A_72 = arith.constant 0 : i32
      %dma_wait3A_73 = tpu.memref_slice %arg5[%dma_wait3A_71, %dma_wait3A_72] : memref<10016x16xf32, #tpu.memory_space<hbm>> -> memref<10016x16xf32, #tpu.memory_space<hbm>>
      tpu.wait_indirect_dma semaphore(%arg30 : memref<!tpu.dma_semaphore, #tpu.memory_space<semaphore_mem>>) src(%dma_wait3A_73 : memref<10016x16xf32, #tpu.memory_space<hbm>>) dst(%arg17 : memref<64x16xf32, #tpu.memory_space<vmem>>)
      %dma_wait3A_74 = arith.constant 0 : i32
      %dma_wait3A_75 = arith.constant 0 : i32
      %dma_wait3A_76 = tpu.memref_slice %arg6[%dma_wait3A_74, %dma_wait3A_75] : memref<10016x64xf32, #tpu.memory_space<hbm>> -> memref<10016x64xf32, #tpu.memory_space<hbm>>
      tpu.wait_indirect_dma semaphore(%arg32 : memref<!tpu.dma_semaphore, #tpu.memory_space<semaphore_mem>>) src(%dma_wait3A_76 : memref<10016x64xf32, #tpu.memory_space<hbm>>) dst(%arg19 : memref<64x64xf32, #tpu.memory_space<vmem>>)
      %lt3A_77 = arith.constant 80 : i32
      %lt3A_78 = arith.cmpi slt, %scan3A_47, %lt3A_77 : i32
      %convert_element_type3A = arith.extui %lt3A_78 : i1 to i32
      %cond3A = arith.constant 0 : i32
      %cond3A_79 = arith.cmpi ne, %convert_element_type3A, %cond3A : i32
      scf.if %cond3A_79 {
        %add3A_174 = arith.constant 2 : i32
        %add3A_175 = arith.addi %mul3A_50, %add3A_174 : i32
        %mul3A_176 = arith.constant 64 : i32
        %mul3A_177 = arith.muli %add3A_175, %mul3A_176 : i32
        %add3A_178 = arith.addi %mul3A_2, %mul3A_177 : i32
        %dma_start3A_179 = tpu.memref_slice %arg2[%add3A_178] : memref<331776xi32, #tpu.memory_space<hbm>> -> memref<64xi32, #tpu.memory_space<hbm>>
        %dma_start3A_180 = tpu.memref_slice %arg2[%add3A_178] : memref<331776xi32, #tpu.memory_space<hbm>> -> memref<64xi32, #tpu.memory_space<hbm>>
        tpu.enqueue_dma source(%dma_start3A_180 : memref<64xi32, #tpu.memory_space<hbm>>) target(%arg9 : memref<64xi32, #tpu.memory_space<vmem>>) target_semaphore(%arg24 : memref<!tpu.dma_semaphore, #tpu.memory_space<semaphore_mem>>)
        %dma_start3A_181 = tpu.memref_slice %arg3[%add3A_178] : memref<331776xi32, #tpu.memory_space<hbm>> -> memref<64xi32, #tpu.memory_space<hbm>>
        %dma_start3A_182 = tpu.memref_slice %arg3[%add3A_178] : memref<331776xi32, #tpu.memory_space<hbm>> -> memref<64xi32, #tpu.memory_space<hbm>>
        tpu.enqueue_dma source(%dma_start3A_182 : memref<64xi32, #tpu.memory_space<hbm>>) target(%arg11 : memref<64xi32, #tpu.memory_space<vmem>>) target_semaphore(%arg26 : memref<!tpu.dma_semaphore, #tpu.memory_space<semaphore_mem>>)
      } else {
      }
      %gt3A = arith.constant 0 : i32
      %gt3A_80 = arith.cmpi sgt, %scan3A_47, %gt3A : i32
      %convert_element_type3A_81 = arith.extui %gt3A_80 : i1 to i32
      %cond3A_82 = arith.constant 0 : i32
      %cond3A_83 = arith.cmpi ne, %convert_element_type3A_81, %cond3A_82 : i32
      scf.if %cond3A_83 {
        %dma_wait3A_174 = arith.constant 0 : i32
        %dma_wait3A_175 = arith.constant 0 : i32
        %dma_wait3A_176 = tpu.memref_slice %arg23[%dma_wait3A_174, %dma_wait3A_175] : memref<10016x80xf32, #tpu.memory_space<vmem_shared>> -> memref<10016x80xf32, #tpu.memory_space<vmem_shared>>
        tpu.wait_indirect_dma semaphore(%arg34 : memref<!tpu.dma_semaphore, #tpu.memory_space<semaphore_mem>>) src(%arg21 : memref<64x80xf32, #tpu.memory_space<vmem>>) dst(%dma_wait3A_176 : memref<10016x80xf32, #tpu.memory_space<vmem_shared>>)
      } else {
      }
      %get3A = arith.constant 0 : index
      %get3A_84 = tpu.vector_load %arg11[%get3A] {strides = array<i32>} : memref<64xi32, #tpu.memory_space<vmem>>, vector<16xi32>,
      %get3A_85 = vector.shape_cast %get3A_84 : vector<16xi32> to vector<16xi32>
      %swap3A = arith.constant 0 : index
      %swap3A_86 = tpu.vector_load %arg13[%swap3A] {strides = array<i32>} : memref<64xi32, #tpu.memory_space<vmem>>, vector<16xi32>,
      %swap3A_87 = vector.shape_cast %swap3A_86 : vector<16xi32> to vector<16xi32>
      %swap3A_88 = vector.shape_cast %get3A_85 : vector<16xi32> to vector<16xi32>
      tpu.vector_store %arg13[%swap3A], %swap3A_88 {strides = array<i32>} : memref<64xi32, #tpu.memory_space<vmem>>, vector<16xi32>,
      %get3A_89 = arith.constant 16 : index
      %get3A_90 = tpu.vector_load %arg11[%get3A_89] {strides = array<i32>} : memref<64xi32, #tpu.memory_space<vmem>>, vector<16xi32>,
      %get3A_91 = vector.shape_cast %get3A_90 : vector<16xi32> to vector<16xi32>
      %swap3A_92 = arith.constant 16 : index
      %swap3A_93 = tpu.vector_load %arg13[%swap3A_92] {strides = array<i32>} : memref<64xi32, #tpu.memory_space<vmem>>, vector<16xi32>,
      %swap3A_94 = vector.shape_cast %swap3A_93 : vector<16xi32> to vector<16xi32>
      %swap3A_95 = vector.shape_cast %get3A_91 : vector<16xi32> to vector<16xi32>
      tpu.vector_store %arg13[%swap3A_92], %swap3A_95 {strides = array<i32>} : memref<64xi32, #tpu.memory_space<vmem>>, vector<16xi32>,
      %get3A_96 = arith.constant 32 : index
      %get3A_97 = tpu.vector_load %arg11[%get3A_96] {strides = array<i32>} : memref<64xi32, #tpu.memory_space<vmem>>, vector<16xi32>,
      %get3A_98 = vector.shape_cast %get3A_97 : vector<16xi32> to vector<16xi32>
      %swap3A_99 = arith.constant 32 : index
      %swap3A_100 = tpu.vector_load %arg13[%swap3A_99] {strides = array<i32>} : memref<64xi32, #tpu.memory_space<vmem>>, vector<16xi32>,
      %swap3A_101 = vector.shape_cast %swap3A_100 : vector<16xi32> to vector<16xi32>
      %swap3A_102 = vector.shape_cast %get3A_98 : vector<16xi32> to vector<16xi32>
      tpu.vector_store %arg13[%swap3A_99], %swap3A_102 {strides = array<i32>} : memref<64xi32, #tpu.memory_space<vmem>>, vector<16xi32>,
      %get3A_103 = arith.constant 48 : index
      %get3A_104 = tpu.vector_load %arg11[%get3A_103] {strides = array<i32>} : memref<64xi32, #tpu.memory_space<vmem>>, vector<16xi32>,
      %get3A_105 = vector.shape_cast %get3A_104 : vector<16xi32> to vector<16xi32>
      %swap3A_106 = arith.constant 48 : index
      %swap3A_107 = tpu.vector_load %arg13[%swap3A_106] {strides = array<i32>} : memref<64xi32, #tpu.memory_space<vmem>>, vector<16xi32>,
      %swap3A_108 = vector.shape_cast %swap3A_107 : vector<16xi32> to vector<16xi32>
      %swap3A_109 = vector.shape_cast %get3A_105 : vector<16xi32> to vector<16xi32>
      tpu.vector_store %arg13[%swap3A_106], %swap3A_109 {strides = array<i32>} : memref<64xi32, #tpu.memory_space<vmem>>, vector<16xi32>,
      %parallel_loop3A = arith.constant 0 : i32
      %parallel_loop3A_110 = arith.constant 64 : i32
      %parallel_loop3A_111 = arith.constant 1 : i32
      scf.for %parallel_loop3A_174 = %parallel_loop3A to %parallel_loop3A_110 step %parallel_loop3A_111  : i32 {
        %parallel_loop3A_175 = arith.index_cast %parallel_loop3A_174 : i32 to index
        %parallel_loop3A_176 = arith.constant 0 : index
        %parallel_loop3A_177 = tpu.vector_load %arg15[%parallel_loop3A_175, %parallel_loop3A_176] {strides = array<i32>} : memref<64x16xf32, #tpu.memory_space<vmem>>, vector<1x16xf32>,
        %parallel_loop3A_178 = vector.shape_cast %parallel_loop3A_177 : vector<1x16xf32> to vector<16xf32>
        %parallel_loop3A_179 = arith.index_cast %parallel_loop3A_174 : i32 to index
        %parallel_loop3A_180 = arith.constant 0 : index
        %parallel_loop3A_181 = tpu.vector_load %arg17[%parallel_loop3A_179, %parallel_loop3A_180] {strides = array<i32>} : memref<64x16xf32, #tpu.memory_space<vmem>>, vector<1x16xf32>,
        %parallel_loop3A_182 = vector.shape_cast %parallel_loop3A_181 : vector<1x16xf32> to vector<16xf32>
        %parallel_loop3A_183 = arith.addf %parallel_loop3A_178, %parallel_loop3A_182 : vector<16xf32>
        %parallel_loop3A_184 = arith.constant 2.000000e-01 : f32
        %parallel_loop3A_185 = vector.broadcast %parallel_loop3A_184 : f32 to vector<16xf32>
        %parallel_loop3A_186 = arith.mulf %parallel_loop3A_185, %parallel_loop3A_183 : vector<16xf32>
        %parallel_loop3A_187 = arith.maximumf %parallel_loop3A_183, %parallel_loop3A_186 : vector<16xf32>
        %parallel_loop3A_188 = math.exp %parallel_loop3A_187 : vector<16xf32>
        %parallel_loop3A_189 = arith.constant 0.000000e+00 : f32
        %parallel_loop3A_190 = vector.broadcast %parallel_loop3A_189 : f32 to vector<16xf32>
        %parallel_loop3A_191 = arith.select %lt3A_6, %parallel_loop3A_188, %parallel_loop3A_190 : vector<16xi1>, vector<16xf32>
        %parallel_loop3A_192 = arith.index_cast %parallel_loop3A_174 : i32 to index
        %parallel_loop3A_193 = arith.constant 64 : index
        %parallel_loop3A_194 = tpu.vector_load %arg21[%parallel_loop3A_192, %parallel_loop3A_193] {strides = array<i32>} : memref<64x80xf32, #tpu.memory_space<vmem>>, vector<1x16xf32>,
        %parallel_loop3A_195 = vector.shape_cast %parallel_loop3A_194 : vector<1x16xf32> to vector<16xf32>
        %parallel_loop3A_196 = vector.shape_cast %parallel_loop3A_191 : vector<16xf32> to vector<1x16xf32>
        tpu.vector_store %arg21[%parallel_loop3A_192, %parallel_loop3A_193], %parallel_loop3A_196 {strides = array<i32>} : memref<64x80xf32, #tpu.memory_space<vmem>>, vector<1x16xf32>,
        %parallel_loop3A_197 = arith.constant 0 : i32
        %parallel_loop3A_198 = vector.broadcast %parallel_loop3A_197 : i32 to vector<16xi32>
        %parallel_loop3A_199 = vector.shape_cast %parallel_loop3A_198 : vector<16xi32> to vector<16x1xi32>
        %parallel_loop3A_200 = vector.shape_cast %parallel_loop3A_199 : vector<16x1xi32> to vector<16xi32>
        %parallel_loop3A_201 = tpu.dynamic_gather %parallel_loop3A_188[%parallel_loop3A_200] in [0] : vector<16xf32>, vector<16xi32> -> vector<16xf32>
        %parallel_loop3A_202 = arith.index_cast %parallel_loop3A_174 : i32 to index
        %parallel_loop3A_203 = arith.constant 0 : index
        %parallel_loop3A_204 = tpu.vector_load %arg19[%parallel_loop3A_202, %parallel_loop3A_203] {strides = array<i32>} : memref<64x64xf32, #tpu.memory_space<vmem>>, vector<1x16xf32>,
        %parallel_loop3A_205 = vector.shape_cast %parallel_loop3A_204 : vector<1x16xf32> to vector<16xf32>
        %parallel_loop3A_206 = arith.mulf %parallel_loop3A_201, %parallel_loop3A_205 : vector<16xf32>
        %parallel_loop3A_207 = arith.index_cast %parallel_loop3A_174 : i32 to index
        %parallel_loop3A_208 = arith.constant 0 : index
        %parallel_loop3A_209 = tpu.vector_load %arg21[%parallel_loop3A_207, %parallel_loop3A_208] {strides = array<i32>} : memref<64x80xf32, #tpu.memory_space<vmem>>, vector<1x16xf32>,
        %parallel_loop3A_210 = vector.shape_cast %parallel_loop3A_209 : vector<1x16xf32> to vector<16xf32>
        %parallel_loop3A_211 = vector.shape_cast %parallel_loop3A_206 : vector<16xf32> to vector<1x16xf32>
        tpu.vector_store %arg21[%parallel_loop3A_207, %parallel_loop3A_208], %parallel_loop3A_211 {strides = array<i32>} : memref<64x80xf32, #tpu.memory_space<vmem>>, vector<1x16xf32>,
        %parallel_loop3A_212 = arith.constant 0 : i32
        %parallel_loop3A_213 = vector.broadcast %parallel_loop3A_212 : i32 to vector<16xi32>
        %parallel_loop3A_214 = vector.shape_cast %parallel_loop3A_213 : vector<16xi32> to vector<16x1xi32>
        %parallel_loop3A_215 = vector.shape_cast %parallel_loop3A_214 : vector<16x1xi32> to vector<16xi32>
        %parallel_loop3A_216 = tpu.dynamic_gather %parallel_loop3A_188[%parallel_loop3A_215] in [0] : vector<16xf32>, vector<16xi32> -> vector<16xf32>
        %parallel_loop3A_217 = arith.index_cast %parallel_loop3A_174 : i32 to index
        %parallel_loop3A_218 = arith.constant 16 : index
        %parallel_loop3A_219 = tpu.vector_load %arg19[%parallel_loop3A_217, %parallel_loop3A_218] {strides = array<i32>} : memref<64x64xf32, #tpu.memory_space<vmem>>, vector<1x16xf32>,
        %parallel_loop3A_220 = vector.shape_cast %parallel_loop3A_219 : vector<1x16xf32> to vector<16xf32>
        %parallel_loop3A_221 = arith.mulf %parallel_loop3A_216, %parallel_loop3A_220 : vector<16xf32>
        %parallel_loop3A_222 = arith.index_cast %parallel_loop3A_174 : i32 to index
        %parallel_loop3A_223 = arith.constant 16 : index
        %parallel_loop3A_224 = tpu.vector_load %arg21[%parallel_loop3A_222, %parallel_loop3A_223] {strides = array<i32>} : memref<64x80xf32, #tpu.memory_space<vmem>>, vector<1x16xf32>,
        %parallel_loop3A_225 = vector.shape_cast %parallel_loop3A_224 : vector<1x16xf32> to vector<16xf32>
        %parallel_loop3A_226 = vector.shape_cast %parallel_loop3A_221 : vector<16xf32> to vector<1x16xf32>
        tpu.vector_store %arg21[%parallel_loop3A_222, %parallel_loop3A_223], %parallel_loop3A_226 {strides = array<i32>} : memref<64x80xf32, #tpu.memory_space<vmem>>, vector<1x16xf32>,
        %parallel_loop3A_227 = arith.constant 0 : i32
        %parallel_loop3A_228 = vector.broadcast %parallel_loop3A_227 : i32 to vector<16xi32>
        %parallel_loop3A_229 = vector.shape_cast %parallel_loop3A_228 : vector<16xi32> to vector<16x1xi32>
        %parallel_loop3A_230 = vector.shape_cast %parallel_loop3A_229 : vector<16x1xi32> to vector<16xi32>
        %parallel_loop3A_231 = tpu.dynamic_gather %parallel_loop3A_188[%parallel_loop3A_230] in [0] : vector<16xf32>, vector<16xi32> -> vector<16xf32>
        %parallel_loop3A_232 = arith.index_cast %parallel_loop3A_174 : i32 to index
        %parallel_loop3A_233 = arith.constant 32 : index
        %parallel_loop3A_234 = tpu.vector_load %arg19[%parallel_loop3A_232, %parallel_loop3A_233] {strides = array<i32>} : memref<64x64xf32, #tpu.memory_space<vmem>>, vector<1x16xf32>,
        %parallel_loop3A_235 = vector.shape_cast %parallel_loop3A_234 : vector<1x16xf32> to vector<16xf32>
        %parallel_loop3A_236 = arith.mulf %parallel_loop3A_231, %parallel_loop3A_235 : vector<16xf32>
        %parallel_loop3A_237 = arith.index_cast %parallel_loop3A_174 : i32 to index
        %parallel_loop3A_238 = arith.constant 32 : index
        %parallel_loop3A_239 = tpu.vector_load %arg21[%parallel_loop3A_237, %parallel_loop3A_238] {strides = array<i32>} : memref<64x80xf32, #tpu.memory_space<vmem>>, vector<1x16xf32>,
        %parallel_loop3A_240 = vector.shape_cast %parallel_loop3A_239 : vector<1x16xf32> to vector<16xf32>
        %parallel_loop3A_241 = vector.shape_cast %parallel_loop3A_236 : vector<16xf32> to vector<1x16xf32>
        tpu.vector_store %arg21[%parallel_loop3A_237, %parallel_loop3A_238], %parallel_loop3A_241 {strides = array<i32>} : memref<64x80xf32, #tpu.memory_space<vmem>>, vector<1x16xf32>,
        %parallel_loop3A_242 = arith.constant 0 : i32
        %parallel_loop3A_243 = vector.broadcast %parallel_loop3A_242 : i32 to vector<16xi32>
        %parallel_loop3A_244 = vector.shape_cast %parallel_loop3A_243 : vector<16xi32> to vector<16x1xi32>
        %parallel_loop3A_245 = vector.shape_cast %parallel_loop3A_244 : vector<16x1xi32> to vector<16xi32>
        %parallel_loop3A_246 = tpu.dynamic_gather %parallel_loop3A_188[%parallel_loop3A_245] in [0] : vector<16xf32>, vector<16xi32> -> vector<16xf32>
        %parallel_loop3A_247 = arith.index_cast %parallel_loop3A_174 : i32 to index
        %parallel_loop3A_248 = arith.constant 48 : index
        %parallel_loop3A_249 = tpu.vector_load %arg19[%parallel_loop3A_247, %parallel_loop3A_248] {strides = array<i32>} : memref<64x64xf32, #tpu.memory_space<vmem>>, vector<1x16xf32>,
        %parallel_loop3A_250 = vector.shape_cast %parallel_loop3A_249 : vector<1x16xf32> to vector<16xf32>
        %parallel_loop3A_251 = arith.mulf %parallel_loop3A_246, %parallel_loop3A_250 : vector<16xf32>
        %parallel_loop3A_252 = arith.index_cast %parallel_loop3A_174 : i32 to index
        %parallel_loop3A_253 = arith.constant 48 : index
        %parallel_loop3A_254 = tpu.vector_load %arg21[%parallel_loop3A_252, %parallel_loop3A_253] {strides = array<i32>} : memref<64x80xf32, #tpu.memory_space<vmem>>, vector<1x16xf32>,
        %parallel_loop3A_255 = vector.shape_cast %parallel_loop3A_254 : vector<1x16xf32> to vector<16xf32>
        %parallel_loop3A_256 = vector.shape_cast %parallel_loop3A_251 : vector<16xf32> to vector<1x16xf32>
        tpu.vector_store %arg21[%parallel_loop3A_252, %parallel_loop3A_253], %parallel_loop3A_256 {strides = array<i32>} : memref<64x80xf32, #tpu.memory_space<vmem>>, vector<1x16xf32>,
      } {sc.loop_unroll_factor = 8 : i64, sc.parallel_access}
      %dma_start3A_112 = arith.constant 0 : i32
      %dma_start3A_113 = arith.constant 0 : i32
      %dma_start3A_114 = tpu.memref_slice %arg23[%dma_start3A_112, %dma_start3A_113] : memref<10016x80xf32, #tpu.memory_space<vmem_shared>> -> memref<10016x80xf32, #tpu.memory_space<vmem_shared>>
      tpu.enqueue_indirect_dma source(%arg21 : memref<64x80xf32, #tpu.memory_space<vmem>>) target(%dma_start3A_114 : memref<10016x80xf32, #tpu.memory_space<vmem_shared>>) offsets(%arg13 : memref<64xi32, #tpu.memory_space<vmem>>) semaphore(%arg34 : memref<!tpu.dma_semaphore, #tpu.memory_space<semaphore_mem>>) {add = true}
      %dma_wait3A_115 = arith.constant 0 : i32
      %dma_wait3A_116 = arith.constant 0 : i32
      %dma_wait3A_117 = tpu.memref_slice %arg4[%dma_wait3A_115, %dma_wait3A_116] : memref<10016x16xf32, #tpu.memory_space<hbm>> -> memref<10016x16xf32, #tpu.memory_space<hbm>>
      tpu.wait_indirect_dma semaphore(%arg29 : memref<!tpu.dma_semaphore, #tpu.memory_space<semaphore_mem>>) src(%dma_wait3A_117 : memref<10016x16xf32, #tpu.memory_space<hbm>>) dst(%arg16 : memref<64x16xf32, #tpu.memory_space<vmem>>)
      %dma_wait3A_118 = arith.constant 0 : i32
      %dma_wait3A_119 = arith.constant 0 : i32
      %dma_wait3A_120 = tpu.memref_slice %arg5[%dma_wait3A_118, %dma_wait3A_119] : memref<10016x16xf32, #tpu.memory_space<hbm>> -> memref<10016x16xf32, #tpu.memory_space<hbm>>
      tpu.wait_indirect_dma semaphore(%arg31 : memref<!tpu.dma_semaphore, #tpu.memory_space<semaphore_mem>>) src(%dma_wait3A_120 : memref<10016x16xf32, #tpu.memory_space<hbm>>) dst(%arg18 : memref<64x16xf32, #tpu.memory_space<vmem>>)
      %dma_wait3A_121 = arith.constant 0 : i32
      %dma_wait3A_122 = arith.constant 0 : i32
      %dma_wait3A_123 = tpu.memref_slice %arg6[%dma_wait3A_121, %dma_wait3A_122] : memref<10016x64xf32, #tpu.memory_space<hbm>> -> memref<10016x64xf32, #tpu.memory_space<hbm>>
      tpu.wait_indirect_dma semaphore(%arg33 : memref<!tpu.dma_semaphore, #tpu.memory_space<semaphore_mem>>) src(%dma_wait3A_123 : memref<10016x64xf32, #tpu.memory_space<hbm>>) dst(%arg20 : memref<64x64xf32, #tpu.memory_space<vmem>>)
      %lt3A_124 = arith.constant 80 : i32
      %lt3A_125 = arith.cmpi slt, %scan3A_47, %lt3A_124 : i32
      %convert_element_type3A_126 = arith.extui %lt3A_125 : i1 to i32
      %cond3A_127 = arith.constant 0 : i32
      %cond3A_128 = arith.cmpi ne, %convert_element_type3A_126, %cond3A_127 : i32
      scf.if %cond3A_128 {
        %add3A_174 = arith.constant 3 : i32
        %add3A_175 = arith.addi %mul3A_50, %add3A_174 : i32
        %mul3A_176 = arith.constant 64 : i32
        %mul3A_177 = arith.muli %add3A_175, %mul3A_176 : i32
        %add3A_178 = arith.addi %mul3A_2, %mul3A_177 : i32
        %dma_start3A_179 = tpu.memref_slice %arg2[%add3A_178] : memref<331776xi32, #tpu.memory_space<hbm>> -> memref<64xi32, #tpu.memory_space<hbm>>
        %dma_start3A_180 = tpu.memref_slice %arg2[%add3A_178] : memref<331776xi32, #tpu.memory_space<hbm>> -> memref<64xi32, #tpu.memory_space<hbm>>
        tpu.enqueue_dma source(%dma_start3A_180 : memref<64xi32, #tpu.memory_space<hbm>>) target(%arg10 : memref<64xi32, #tpu.memory_space<vmem>>) target_semaphore(%arg25 : memref<!tpu.dma_semaphore, #tpu.memory_space<semaphore_mem>>)
        %dma_start3A_181 = tpu.memref_slice %arg3[%add3A_178] : memref<331776xi32, #tpu.memory_space<hbm>> -> memref<64xi32, #tpu.memory_space<hbm>>
        %dma_start3A_182 = tpu.memref_slice %arg3[%add3A_178] : memref<331776xi32, #tpu.memory_space<hbm>> -> memref<64xi32, #tpu.memory_space<hbm>>
        tpu.enqueue_dma source(%dma_start3A_182 : memref<64xi32, #tpu.memory_space<hbm>>) target(%arg12 : memref<64xi32, #tpu.memory_space<vmem>>) target_semaphore(%arg27 : memref<!tpu.dma_semaphore, #tpu.memory_space<semaphore_mem>>)
      } else {
      }
      %gt3A_129 = arith.constant 0 : i32
      %gt3A_130 = arith.cmpi sgt, %scan3A_47, %gt3A_129 : i32
      %convert_element_type3A_131 = arith.extui %gt3A_130 : i1 to i32
      %cond3A_132 = arith.constant 0 : i32
      %cond3A_133 = arith.cmpi ne, %convert_element_type3A_131, %cond3A_132 : i32
      scf.if %cond3A_133 {
        %dma_wait3A_174 = arith.constant 0 : i32
        %dma_wait3A_175 = arith.constant 0 : i32
        %dma_wait3A_176 = tpu.memref_slice %arg23[%dma_wait3A_174, %dma_wait3A_175] : memref<10016x80xf32, #tpu.memory_space<vmem_shared>> -> memref<10016x80xf32, #tpu.memory_space<vmem_shared>>
        tpu.wait_indirect_dma semaphore(%arg35 : memref<!tpu.dma_semaphore, #tpu.memory_space<semaphore_mem>>) src(%arg22 : memref<64x80xf32, #tpu.memory_space<vmem>>) dst(%dma_wait3A_176 : memref<10016x80xf32, #tpu.memory_space<vmem_shared>>)
      } else {
      }
      %get3A_134 = arith.constant 0 : index
      %get3A_135 = tpu.vector_load %arg12[%get3A_134] {strides = array<i32>} : memref<64xi32, #tpu.memory_space<vmem>>, vector<16xi32>,
      %get3A_136 = vector.shape_cast %get3A_135 : vector<16xi32> to vector<16xi32>
      %swap3A_137 = arith.constant 0 : index
      %swap3A_138 = tpu.vector_load %arg14[%swap3A_137] {strides = array<i32>} : memref<64xi32, #tpu.memory_space<vmem>>, vector<16xi32>,
      %swap3A_139 = vector.shape_cast %swap3A_138 : vector<16xi32> to vector<16xi32>
      %swap3A_140 = vector.shape_cast %get3A_136 : vector<16xi32> to vector<16xi32>
      tpu.vector_store %arg14[%swap3A_137], %swap3A_140 {strides = array<i32>} : memref<64xi32, #tpu.memory_space<vmem>>, vector<16xi32>,
      %get3A_141 = arith.constant 16 : index
      %get3A_142 = tpu.vector_load %arg12[%get3A_141] {strides = array<i32>} : memref<64xi32, #tpu.memory_space<vmem>>, vector<16xi32>,
      %get3A_143 = vector.shape_cast %get3A_142 : vector<16xi32> to vector<16xi32>
      %swap3A_144 = arith.constant 16 : index
      %swap3A_145 = tpu.vector_load %arg14[%swap3A_144] {strides = array<i32>} : memref<64xi32, #tpu.memory_space<vmem>>, vector<16xi32>,
      %swap3A_146 = vector.shape_cast %swap3A_145 : vector<16xi32> to vector<16xi32>
      %swap3A_147 = vector.shape_cast %get3A_143 : vector<16xi32> to vector<16xi32>
      tpu.vector_store %arg14[%swap3A_144], %swap3A_147 {strides = array<i32>} : memref<64xi32, #tpu.memory_space<vmem>>, vector<16xi32>,
      %get3A_148 = arith.constant 32 : index
      %get3A_149 = tpu.vector_load %arg12[%get3A_148] {strides = array<i32>} : memref<64xi32, #tpu.memory_space<vmem>>, vector<16xi32>,
      %get3A_150 = vector.shape_cast %get3A_149 : vector<16xi32> to vector<16xi32>
      %swap3A_151 = arith.constant 32 : index
      %swap3A_152 = tpu.vector_load %arg14[%swap3A_151] {strides = array<i32>} : memref<64xi32, #tpu.memory_space<vmem>>, vector<16xi32>,
      %swap3A_153 = vector.shape_cast %swap3A_152 : vector<16xi32> to vector<16xi32>
      %swap3A_154 = vector.shape_cast %get3A_150 : vector<16xi32> to vector<16xi32>
      tpu.vector_store %arg14[%swap3A_151], %swap3A_154 {strides = array<i32>} : memref<64xi32, #tpu.memory_space<vmem>>, vector<16xi32>,
      %get3A_155 = arith.constant 48 : index
      %get3A_156 = tpu.vector_load %arg12[%get3A_155] {strides = array<i32>} : memref<64xi32, #tpu.memory_space<vmem>>, vector<16xi32>,
      %get3A_157 = vector.shape_cast %get3A_156 : vector<16xi32> to vector<16xi32>
      %swap3A_158 = arith.constant 48 : index
      %swap3A_159 = tpu.vector_load %arg14[%swap3A_158] {strides = array<i32>} : memref<64xi32, #tpu.memory_space<vmem>>, vector<16xi32>,
      %swap3A_160 = vector.shape_cast %swap3A_159 : vector<16xi32> to vector<16xi32>
      %swap3A_161 = vector.shape_cast %get3A_157 : vector<16xi32> to vector<16xi32>
      tpu.vector_store %arg14[%swap3A_158], %swap3A_161 {strides = array<i32>} : memref<64xi32, #tpu.memory_space<vmem>>, vector<16xi32>,
      %parallel_loop3A_162 = arith.constant 0 : i32
      %parallel_loop3A_163 = arith.constant 64 : i32
      %parallel_loop3A_164 = arith.constant 1 : i32
      scf.for %parallel_loop3A_174 = %parallel_loop3A_162 to %parallel_loop3A_163 step %parallel_loop3A_164  : i32 {
        %parallel_loop3A_175 = arith.index_cast %parallel_loop3A_174 : i32 to index
        %parallel_loop3A_176 = arith.constant 0 : index
        %parallel_loop3A_177 = tpu.vector_load %arg16[%parallel_loop3A_175, %parallel_loop3A_176] {strides = array<i32>} : memref<64x16xf32, #tpu.memory_space<vmem>>, vector<1x16xf32>,
        %parallel_loop3A_178 = vector.shape_cast %parallel_loop3A_177 : vector<1x16xf32> to vector<16xf32>
        %parallel_loop3A_179 = arith.index_cast %parallel_loop3A_174 : i32 to index
        %parallel_loop3A_180 = arith.constant 0 : index
        %parallel_loop3A_181 = tpu.vector_load %arg18[%parallel_loop3A_179, %parallel_loop3A_180] {strides = array<i32>} : memref<64x16xf32, #tpu.memory_space<vmem>>, vector<1x16xf32>,
        %parallel_loop3A_182 = vector.shape_cast %parallel_loop3A_181 : vector<1x16xf32> to vector<16xf32>
        %parallel_loop3A_183 = arith.addf %parallel_loop3A_178, %parallel_loop3A_182 : vector<16xf32>
        %parallel_loop3A_184 = arith.constant 2.000000e-01 : f32
        %parallel_loop3A_185 = vector.broadcast %parallel_loop3A_184 : f32 to vector<16xf32>
        %parallel_loop3A_186 = arith.mulf %parallel_loop3A_185, %parallel_loop3A_183 : vector<16xf32>
        %parallel_loop3A_187 = arith.maximumf %parallel_loop3A_183, %parallel_loop3A_186 : vector<16xf32>
        %parallel_loop3A_188 = math.exp %parallel_loop3A_187 : vector<16xf32>
        %parallel_loop3A_189 = arith.constant 0.000000e+00 : f32
        %parallel_loop3A_190 = vector.broadcast %parallel_loop3A_189 : f32 to vector<16xf32>
        %parallel_loop3A_191 = arith.select %lt3A_6, %parallel_loop3A_188, %parallel_loop3A_190 : vector<16xi1>, vector<16xf32>
        %parallel_loop3A_192 = arith.index_cast %parallel_loop3A_174 : i32 to index
        %parallel_loop3A_193 = arith.constant 64 : index
        %parallel_loop3A_194 = tpu.vector_load %arg22[%parallel_loop3A_192, %parallel_loop3A_193] {strides = array<i32>} : memref<64x80xf32, #tpu.memory_space<vmem>>, vector<1x16xf32>,
        %parallel_loop3A_195 = vector.shape_cast %parallel_loop3A_194 : vector<1x16xf32> to vector<16xf32>
        %parallel_loop3A_196 = vector.shape_cast %parallel_loop3A_191 : vector<16xf32> to vector<1x16xf32>
        tpu.vector_store %arg22[%parallel_loop3A_192, %parallel_loop3A_193], %parallel_loop3A_196 {strides = array<i32>} : memref<64x80xf32, #tpu.memory_space<vmem>>, vector<1x16xf32>,
        %parallel_loop3A_197 = arith.constant 0 : i32
        %parallel_loop3A_198 = vector.broadcast %parallel_loop3A_197 : i32 to vector<16xi32>
        %parallel_loop3A_199 = vector.shape_cast %parallel_loop3A_198 : vector<16xi32> to vector<16x1xi32>
        %parallel_loop3A_200 = vector.shape_cast %parallel_loop3A_199 : vector<16x1xi32> to vector<16xi32>
        %parallel_loop3A_201 = tpu.dynamic_gather %parallel_loop3A_188[%parallel_loop3A_200] in [0] : vector<16xf32>, vector<16xi32> -> vector<16xf32>
        %parallel_loop3A_202 = arith.index_cast %parallel_loop3A_174 : i32 to index
        %parallel_loop3A_203 = arith.constant 0 : index
        %parallel_loop3A_204 = tpu.vector_load %arg20[%parallel_loop3A_202, %parallel_loop3A_203] {strides = array<i32>} : memref<64x64xf32, #tpu.memory_space<vmem>>, vector<1x16xf32>,
        %parallel_loop3A_205 = vector.shape_cast %parallel_loop3A_204 : vector<1x16xf32> to vector<16xf32>
        %parallel_loop3A_206 = arith.mulf %parallel_loop3A_201, %parallel_loop3A_205 : vector<16xf32>
        %parallel_loop3A_207 = arith.index_cast %parallel_loop3A_174 : i32 to index
        %parallel_loop3A_208 = arith.constant 0 : index
        %parallel_loop3A_209 = tpu.vector_load %arg22[%parallel_loop3A_207, %parallel_loop3A_208] {strides = array<i32>} : memref<64x80xf32, #tpu.memory_space<vmem>>, vector<1x16xf32>,
        %parallel_loop3A_210 = vector.shape_cast %parallel_loop3A_209 : vector<1x16xf32> to vector<16xf32>
        %parallel_loop3A_211 = vector.shape_cast %parallel_loop3A_206 : vector<16xf32> to vector<1x16xf32>
        tpu.vector_store %arg22[%parallel_loop3A_207, %parallel_loop3A_208], %parallel_loop3A_211 {strides = array<i32>} : memref<64x80xf32, #tpu.memory_space<vmem>>, vector<1x16xf32>,
        %parallel_loop3A_212 = arith.constant 0 : i32
        %parallel_loop3A_213 = vector.broadcast %parallel_loop3A_212 : i32 to vector<16xi32>
        %parallel_loop3A_214 = vector.shape_cast %parallel_loop3A_213 : vector<16xi32> to vector<16x1xi32>
        %parallel_loop3A_215 = vector.shape_cast %parallel_loop3A_214 : vector<16x1xi32> to vector<16xi32>
        %parallel_loop3A_216 = tpu.dynamic_gather %parallel_loop3A_188[%parallel_loop3A_215] in [0] : vector<16xf32>, vector<16xi32> -> vector<16xf32>
        %parallel_loop3A_217 = arith.index_cast %parallel_loop3A_174 : i32 to index
        %parallel_loop3A_218 = arith.constant 16 : index
        %parallel_loop3A_219 = tpu.vector_load %arg20[%parallel_loop3A_217, %parallel_loop3A_218] {strides = array<i32>} : memref<64x64xf32, #tpu.memory_space<vmem>>, vector<1x16xf32>,
        %parallel_loop3A_220 = vector.shape_cast %parallel_loop3A_219 : vector<1x16xf32> to vector<16xf32>
        %parallel_loop3A_221 = arith.mulf %parallel_loop3A_216, %parallel_loop3A_220 : vector<16xf32>
        %parallel_loop3A_222 = arith.index_cast %parallel_loop3A_174 : i32 to index
        %parallel_loop3A_223 = arith.constant 16 : index
        %parallel_loop3A_224 = tpu.vector_load %arg22[%parallel_loop3A_222, %parallel_loop3A_223] {strides = array<i32>} : memref<64x80xf32, #tpu.memory_space<vmem>>, vector<1x16xf32>,
        %parallel_loop3A_225 = vector.shape_cast %parallel_loop3A_224 : vector<1x16xf32> to vector<16xf32>
        %parallel_loop3A_226 = vector.shape_cast %parallel_loop3A_221 : vector<16xf32> to vector<1x16xf32>
        tpu.vector_store %arg22[%parallel_loop3A_222, %parallel_loop3A_223], %parallel_loop3A_226 {strides = array<i32>} : memref<64x80xf32, #tpu.memory_space<vmem>>, vector<1x16xf32>,
        %parallel_loop3A_227 = arith.constant 0 : i32
        %parallel_loop3A_228 = vector.broadcast %parallel_loop3A_227 : i32 to vector<16xi32>
        %parallel_loop3A_229 = vector.shape_cast %parallel_loop3A_228 : vector<16xi32> to vector<16x1xi32>
        %parallel_loop3A_230 = vector.shape_cast %parallel_loop3A_229 : vector<16x1xi32> to vector<16xi32>
        %parallel_loop3A_231 = tpu.dynamic_gather %parallel_loop3A_188[%parallel_loop3A_230] in [0] : vector<16xf32>, vector<16xi32> -> vector<16xf32>
        %parallel_loop3A_232 = arith.index_cast %parallel_loop3A_174 : i32 to index
        %parallel_loop3A_233 = arith.constant 32 : index
        %parallel_loop3A_234 = tpu.vector_load %arg20[%parallel_loop3A_232, %parallel_loop3A_233] {strides = array<i32>} : memref<64x64xf32, #tpu.memory_space<vmem>>, vector<1x16xf32>,
        %parallel_loop3A_235 = vector.shape_cast %parallel_loop3A_234 : vector<1x16xf32> to vector<16xf32>
        %parallel_loop3A_236 = arith.mulf %parallel_loop3A_231, %parallel_loop3A_235 : vector<16xf32>
        %parallel_loop3A_237 = arith.index_cast %parallel_loop3A_174 : i32 to index
        %parallel_loop3A_238 = arith.constant 32 : index
        %parallel_loop3A_239 = tpu.vector_load %arg22[%parallel_loop3A_237, %parallel_loop3A_238] {strides = array<i32>} : memref<64x80xf32, #tpu.memory_space<vmem>>, vector<1x16xf32>,
        %parallel_loop3A_240 = vector.shape_cast %parallel_loop3A_239 : vector<1x16xf32> to vector<16xf32>
        %parallel_loop3A_241 = vector.shape_cast %parallel_loop3A_236 : vector<16xf32> to vector<1x16xf32>
        tpu.vector_store %arg22[%parallel_loop3A_237, %parallel_loop3A_238], %parallel_loop3A_241 {strides = array<i32>} : memref<64x80xf32, #tpu.memory_space<vmem>>, vector<1x16xf32>,
        %parallel_loop3A_242 = arith.constant 0 : i32
        %parallel_loop3A_243 = vector.broadcast %parallel_loop3A_242 : i32 to vector<16xi32>
        %parallel_loop3A_244 = vector.shape_cast %parallel_loop3A_243 : vector<16xi32> to vector<16x1xi32>
        %parallel_loop3A_245 = vector.shape_cast %parallel_loop3A_244 : vector<16x1xi32> to vector<16xi32>
        %parallel_loop3A_246 = tpu.dynamic_gather %parallel_loop3A_188[%parallel_loop3A_245] in [0] : vector<16xf32>, vector<16xi32> -> vector<16xf32>
        %parallel_loop3A_247 = arith.index_cast %parallel_loop3A_174 : i32 to index
        %parallel_loop3A_248 = arith.constant 48 : index
        %parallel_loop3A_249 = tpu.vector_load %arg20[%parallel_loop3A_247, %parallel_loop3A_248] {strides = array<i32>} : memref<64x64xf32, #tpu.memory_space<vmem>>, vector<1x16xf32>,
        %parallel_loop3A_250 = vector.shape_cast %parallel_loop3A_249 : vector<1x16xf32> to vector<16xf32>
        %parallel_loop3A_251 = arith.mulf %parallel_loop3A_246, %parallel_loop3A_250 : vector<16xf32>
        %parallel_loop3A_252 = arith.index_cast %parallel_loop3A_174 : i32 to index
        %parallel_loop3A_253 = arith.constant 48 : index
        %parallel_loop3A_254 = tpu.vector_load %arg22[%parallel_loop3A_252, %parallel_loop3A_253] {strides = array<i32>} : memref<64x80xf32, #tpu.memory_space<vmem>>, vector<1x16xf32>,
        %parallel_loop3A_255 = vector.shape_cast %parallel_loop3A_254 : vector<1x16xf32> to vector<16xf32>
        %parallel_loop3A_256 = vector.shape_cast %parallel_loop3A_251 : vector<16xf32> to vector<1x16xf32>
        tpu.vector_store %arg22[%parallel_loop3A_252, %parallel_loop3A_253], %parallel_loop3A_256 {strides = array<i32>} : memref<64x80xf32, #tpu.memory_space<vmem>>, vector<1x16xf32>,
      } {sc.loop_unroll_factor = 8 : i64, sc.parallel_access}
      %dma_start3A_165 = arith.constant 0 : i32
      %dma_start3A_166 = arith.constant 0 : i32
      %dma_start3A_167 = tpu.memref_slice %arg23[%dma_start3A_165, %dma_start3A_166] : memref<10016x80xf32, #tpu.memory_space<vmem_shared>> -> memref<10016x80xf32, #tpu.memory_space<vmem_shared>>
      tpu.enqueue_indirect_dma source(%arg22 : memref<64x80xf32, #tpu.memory_space<vmem>>) target(%dma_start3A_167 : memref<10016x80xf32, #tpu.memory_space<vmem_shared>>) offsets(%arg14 : memref<64xi32, #tpu.memory_space<vmem>>) semaphore(%arg35 : memref<!tpu.dma_semaphore, #tpu.memory_space<semaphore_mem>>) {add = true}
      %lt3A_168 = arith.constant 80 : i32
      %lt3A_169 = arith.cmpi slt, %scan3A_47, %lt3A_168 : i32
      %convert_element_type3A_170 = arith.extui %lt3A_169 : i1 to i32
      %cond3A_171 = arith.constant 0 : i32
      %cond3A_172 = arith.cmpi ne, %convert_element_type3A_170, %cond3A_171 : i32
      scf.if %cond3A_172 {
        %dma_wait3A_174 = arith.constant 0 : i32
        %dma_wait3A_175 = tpu.memref_slice %arg2[%dma_wait3A_174] : memref<331776xi32, #tpu.memory_space<hbm>> -> memref<64xi32, #tpu.memory_space<hbm>>
        %dma_wait3A_176 = arith.constant 0 : i32
        %dma_wait3A_177 = tpu.memref_slice %arg2[%dma_wait3A_176] : memref<331776xi32, #tpu.memory_space<hbm>> -> memref<64xi32, #tpu.memory_space<hbm>>
        tpu.wait_dma2 semaphore(%arg24 : memref<!tpu.dma_semaphore, #tpu.memory_space<semaphore_mem>>) src(%dma_wait3A_177 : memref<64xi32, #tpu.memory_space<hbm>>) dst(%arg9 : memref<64xi32, #tpu.memory_space<vmem>>)
        %dma_wait3A_178 = arith.constant 0 : i32
        %dma_wait3A_179 = tpu.memref_slice %arg3[%dma_wait3A_178] : memref<331776xi32, #tpu.memory_space<hbm>> -> memref<64xi32, #tpu.memory_space<hbm>>
        %dma_wait3A_180 = arith.constant 0 : i32
        %dma_wait3A_181 = tpu.memref_slice %arg3[%dma_wait3A_180] : memref<331776xi32, #tpu.memory_space<hbm>> -> memref<64xi32, #tpu.memory_space<hbm>>
        tpu.wait_dma2 semaphore(%arg26 : memref<!tpu.dma_semaphore, #tpu.memory_space<semaphore_mem>>) src(%dma_wait3A_181 : memref<64xi32, #tpu.memory_space<hbm>>) dst(%arg11 : memref<64xi32, #tpu.memory_space<vmem>>)
        %dma_start3A_182 = arith.constant 0 : i32
        %dma_start3A_183 = arith.constant 0 : i32
        %dma_start3A_184 = tpu.memref_slice %arg4[%dma_start3A_182, %dma_start3A_183] : memref<10016x16xf32, #tpu.memory_space<hbm>> -> memref<10016x16xf32, #tpu.memory_space<hbm>>
        tpu.enqueue_indirect_dma source(%dma_start3A_184 : memref<10016x16xf32, #tpu.memory_space<hbm>>) target(%arg15 : memref<64x16xf32, #tpu.memory_space<vmem>>) offsets(%arg9 : memref<64xi32, #tpu.memory_space<vmem>>) semaphore(%arg28 : memref<!tpu.dma_semaphore, #tpu.memory_space<semaphore_mem>>)
        %dma_start3A_185 = arith.constant 0 : i32
        %dma_start3A_186 = arith.constant 0 : i32
        %dma_start3A_187 = tpu.memref_slice %arg5[%dma_start3A_185, %dma_start3A_186] : memref<10016x16xf32, #tpu.memory_space<hbm>> -> memref<10016x16xf32, #tpu.memory_space<hbm>>
        tpu.enqueue_indirect_dma source(%dma_start3A_187 : memref<10016x16xf32, #tpu.memory_space<hbm>>) target(%arg17 : memref<64x16xf32, #tpu.memory_space<vmem>>) offsets(%arg11 : memref<64xi32, #tpu.memory_space<vmem>>) semaphore(%arg30 : memref<!tpu.dma_semaphore, #tpu.memory_space<semaphore_mem>>)
        %dma_start3A_188 = arith.constant 0 : i32
        %dma_start3A_189 = arith.constant 0 : i32
        %dma_start3A_190 = tpu.memref_slice %arg6[%dma_start3A_188, %dma_start3A_189] : memref<10016x64xf32, #tpu.memory_space<hbm>> -> memref<10016x64xf32, #tpu.memory_space<hbm>>
        tpu.enqueue_indirect_dma source(%dma_start3A_190 : memref<10016x64xf32, #tpu.memory_space<hbm>>) target(%arg19 : memref<64x64xf32, #tpu.memory_space<vmem>>) offsets(%arg9 : memref<64xi32, #tpu.memory_space<vmem>>) semaphore(%arg32 : memref<!tpu.dma_semaphore, #tpu.memory_space<semaphore_mem>>)
      } else {
      }
      %scan3A_173 = arith.constant 0 : i32
      scf.yield %scan3A_173 : i32
    }
    %scan3A_39 = arith.constant 81 : i32
    %dma_wait3A_40 = arith.constant 0 : i32
    %dma_wait3A_41 = arith.constant 0 : i32
    %dma_wait3A_42 = tpu.memref_slice %arg23[%dma_wait3A_40, %dma_wait3A_41] : memref<10016x80xf32, #tpu.memory_space<vmem_shared>> -> memref<10016x80xf32, #tpu.memory_space<vmem_shared>>
    tpu.wait_indirect_dma semaphore(%arg34 : memref<!tpu.dma_semaphore, #tpu.memory_space<semaphore_mem>>) src(%arg21 : memref<64x80xf32, #tpu.memory_space<vmem>>) dst(%dma_wait3A_42 : memref<10016x80xf32, #tpu.memory_space<vmem_shared>>)
    %dma_wait3A_43 = arith.constant 0 : i32
    %dma_wait3A_44 = arith.constant 0 : i32
    %dma_wait3A_45 = tpu.memref_slice %arg23[%dma_wait3A_43, %dma_wait3A_44] : memref<10016x80xf32, #tpu.memory_space<vmem_shared>> -> memref<10016x80xf32, #tpu.memory_space<vmem_shared>>
    tpu.wait_indirect_dma semaphore(%arg35 : memref<!tpu.dma_semaphore, #tpu.memory_space<semaphore_mem>>) src(%arg22 : memref<64x80xf32, #tpu.memory_space<vmem>>) dst(%dma_wait3A_45 : memref<10016x80xf32, #tpu.memory_space<vmem_shared>>)
    %barrier3A_46 = arith.constant 0 : index
    tpu.barrier barrier_id(%barrier3A_46)
    "tpu.region"() ({
      %run_scoped3A = tpu.sem_alloc : memref<!tpu.dma_semaphore, #tpu.memory_space<semaphore_mem>>
      %dma_start3A_47 = arith.constant 0 : i32
      %dma_start3A_48 = tpu.memref_slice %arg8[%arg0, %mul3A_4, %dma_start3A_47] : memref<2x10016x80xf32, #tpu.memory_space<hbm>> -> memref<1x626x80xf32, #tpu.memory_space<hbm>>
      %dma_start3A_49 = tpu.memref_squeeze %dma_start3A_48 : memref<1x626x80xf32, #tpu.memory_space<hbm>> -> memref<626x80xf32, #tpu.memory_space<hbm>>
      %dma_start3A_50 = arith.constant 0 : i32
      %dma_start3A_51 = tpu.memref_slice %arg23[%mul3A_4, %dma_start3A_50] : memref<10016x80xf32, #tpu.memory_space<vmem_shared>> -> memref<626x80xf32, #tpu.memory_space<vmem_shared>>
      tpu.enqueue_dma source(%dma_start3A_51 : memref<626x80xf32, #tpu.memory_space<vmem_shared>>) target(%dma_start3A_49 : memref<626x80xf32, #tpu.memory_space<hbm>>) target_semaphore(%run_scoped3A : memref<!tpu.dma_semaphore, #tpu.memory_space<semaphore_mem>>)
      %dma_wait3A_52 = arith.constant 0 : i32
      %dma_wait3A_53 = tpu.memref_slice %arg8[%arg0, %mul3A_4, %dma_wait3A_52] : memref<2x10016x80xf32, #tpu.memory_space<hbm>> -> memref<1x626x80xf32, #tpu.memory_space<hbm>>
      %dma_wait3A_54 = tpu.memref_squeeze %dma_wait3A_53 : memref<1x626x80xf32, #tpu.memory_space<hbm>> -> memref<626x80xf32, #tpu.memory_space<hbm>>
      %dma_wait3A_55 = arith.constant 0 : i32
      %dma_wait3A_56 = tpu.memref_slice %arg23[%mul3A_4, %dma_wait3A_55] : memref<10016x80xf32, #tpu.memory_space<vmem_shared>> -> memref<626x80xf32, #tpu.memory_space<vmem_shared>>
      tpu.wait_dma2 semaphore(%run_scoped3A : memref<!tpu.dma_semaphore, #tpu.memory_space<semaphore_mem>>) src(%dma_wait3A_56 : memref<626x80xf32, #tpu.memory_space<vmem_shared>>) dst(%dma_wait3A_54 : memref<626x80xf32, #tpu.memory_space<hbm>>)
      tpu.yield
    }) : () -> ()
    return
  }
}

#map = affine_map<(d0, d1) -> (0)>
#map1 = affine_map<(d0, d1) -> (0, 0)>
#map2 = affine_map<(d0, d1) -> (0, 0, 0)>
module attributes {stable_mosaic.version = 14 : i64} {
  func.func @edge_kernel(%arg0: i32, %arg1: i32, %arg2: memref<331776xi32, #tpu.memory_space<hbm>>, %arg3: memref<331776xi32, #tpu.memory_space<hbm>>, %arg4: memref<10000x16xf32, #tpu.memory_space<hbm>>, %arg5: memref<10000x16xf32, #tpu.memory_space<hbm>>, %arg6: memref<10000x128xf32, #tpu.memory_space<hbm>>, %arg7: memref<10016x144xf32, #tpu.memory_space<hbm>>, %arg8: memref<2x10016x144xf32, #tpu.memory_space<hbm>>, %arg9: memref<64xi32, #tpu.memory_space<vmem>>, %arg10: memref<64xi32, #tpu.memory_space<vmem>>, %arg11: memref<64xi32, #tpu.memory_space<vmem>>, %arg12: memref<64xi32, #tpu.memory_space<vmem>>, %arg13: memref<64xi32, #tpu.memory_space<vmem>>, %arg14: memref<64xi32, #tpu.memory_space<vmem>>, %arg15: memref<64x16xf32, #tpu.memory_space<vmem>>, %arg16: memref<64x16xf32, #tpu.memory_space<vmem>>, %arg17: memref<64x16xf32, #tpu.memory_space<vmem>>, %arg18: memref<64x16xf32, #tpu.memory_space<vmem>>, %arg19: memref<64x128xf32, #tpu.memory_space<vmem>>, %arg20: memref<64x128xf32, #tpu.memory_space<vmem>>, %arg21: memref<64x144xf32, #tpu.memory_space<vmem>>, %arg22: memref<64x144xf32, #tpu.memory_space<vmem>>, %arg23: memref<10016x144xf32, #tpu.memory_space<vmem_shared>>, %arg24: memref<!tpu.dma_semaphore, #tpu.memory_space<semaphore_mem>>, %arg25: memref<!tpu.dma_semaphore, #tpu.memory_space<semaphore_mem>>, %arg26: memref<!tpu.dma_semaphore, #tpu.memory_space<semaphore_mem>>, %arg27: memref<!tpu.dma_semaphore, #tpu.memory_space<semaphore_mem>>, %arg28: memref<!tpu.dma_semaphore, #tpu.memory_space<semaphore_mem>>, %arg29: memref<!tpu.dma_semaphore, #tpu.memory_space<semaphore_mem>>, %arg30: memref<!tpu.dma_semaphore, #tpu.memory_space<semaphore_mem>>, %arg31: memref<!tpu.dma_semaphore, #tpu.memory_space<semaphore_mem>>, %arg32: memref<!tpu.dma_semaphore, #tpu.memory_space<semaphore_mem>>, %arg33: memref<!tpu.dma_semaphore, #tpu.memory_space<semaphore_mem>>, %arg34: memref<!tpu.dma_semaphore, #tpu.memory_space<semaphore_mem>>, %arg35: memref<!tpu.dma_semaphore, #tpu.memory_space<semaphore_mem>>) attributes {dimension_semantics = [#tpu.dimension_semantics<core_parallel>, #tpu.dimension_semantics<subcore_parallel>], iteration_bounds = array<i64: 2, 16>, scalar_prefetch = 0 : i64, scratch_operands = 27 : i64, tpu.core_type = #tpu.core_type<sc_vector_subcore>, window_params = [{transform_indices = #map}, {transform_indices = #map}, {transform_indices = #map1}, {transform_indices = #map1}, {transform_indices = #map1}, {transform_indices = #map1}, {transform_indices = #map2}]} {
    %mul3A = arith.constant 2 : i32
    %mul3A_0 = arith.muli %arg1, %mul3A : i32
    %add3A = arith.addi %mul3A_0, %arg0 : i32
    %mul3A_1 = arith.constant 10368 : i32
    %mul3A_2 = arith.muli %add3A, %mul3A_1 : i32
    %mul3A_3 = arith.constant 626 : i32
    %mul3A_4 = arith.muli %arg1, %mul3A_3 : i32
    "tpu.region"() ({
      %run_scoped3A = tpu.sem_alloc : memref<!tpu.dma_semaphore, #tpu.memory_space<semaphore_mem>>
      %dma_start3A_47 = arith.constant 0 : i32
      %dma_start3A_48 = tpu.memref_slice %arg23[%mul3A_4, %dma_start3A_47] : memref<10016x144xf32, #tpu.memory_space<vmem_shared>> -> memref<626x144xf32, #tpu.memory_space<vmem_shared>>
      %dma_start3A_49 = arith.constant 0 : i32
      %dma_start3A_50 = tpu.memref_slice %arg7[%mul3A_4, %dma_start3A_49] : memref<10016x144xf32, #tpu.memory_space<hbm>> -> memref<626x144xf32, #tpu.memory_space<hbm>>
      tpu.enqueue_dma source(%dma_start3A_50 : memref<626x144xf32, #tpu.memory_space<hbm>>) target(%dma_start3A_48 : memref<626x144xf32, #tpu.memory_space<vmem_shared>>) target_semaphore(%run_scoped3A : memref<!tpu.dma_semaphore, #tpu.memory_space<semaphore_mem>>)
      %dma_wait3A_51 = arith.constant 0 : i32
      %dma_wait3A_52 = tpu.memref_slice %arg23[%mul3A_4, %dma_wait3A_51] : memref<10016x144xf32, #tpu.memory_space<vmem_shared>> -> memref<626x144xf32, #tpu.memory_space<vmem_shared>>
      %dma_wait3A_53 = arith.constant 0 : i32
      %dma_wait3A_54 = tpu.memref_slice %arg7[%mul3A_4, %dma_wait3A_53] : memref<10016x144xf32, #tpu.memory_space<hbm>> -> memref<626x144xf32, #tpu.memory_space<hbm>>
      tpu.wait_dma2 semaphore(%run_scoped3A : memref<!tpu.dma_semaphore, #tpu.memory_space<semaphore_mem>>) src(%dma_wait3A_54 : memref<626x144xf32, #tpu.memory_space<hbm>>) dst(%dma_wait3A_52 : memref<626x144xf32, #tpu.memory_space<vmem_shared>>)
      tpu.yield
    }) : () -> ()
    %barrier3A = arith.constant 0 : index
    tpu.barrier barrier_id(%barrier3A)
    %iota3A = tpu.iota {dimensions = array<i32: 0>} : vector<16xi32>
    %lt3A = arith.constant 8 : i32
    %lt3A_5 = vector.broadcast %lt3A : i32 to vector<16xi32>
    %lt3A_6 = arith.cmpi slt, %iota3A, %lt3A_5 : vector<16xi32>
    %add3A_7 = arith.constant 0 : i32
    %add3A_8 = arith.addi %mul3A_2, %add3A_7 : i32
    %dma_start3A = tpu.memref_slice %arg2[%add3A_8] : memref<331776xi32, #tpu.memory_space<hbm>> -> memref<64xi32, #tpu.memory_space<hbm>>
    %dma_start3A_9 = tpu.memref_slice %arg2[%add3A_8] : memref<331776xi32, #tpu.memory_space<hbm>> -> memref<64xi32, #tpu.memory_space<hbm>>
    tpu.enqueue_dma source(%dma_start3A_9 : memref<64xi32, #tpu.memory_space<hbm>>) target(%arg9 : memref<64xi32, #tpu.memory_space<vmem>>) target_semaphore(%arg24 : memref<!tpu.dma_semaphore, #tpu.memory_space<semaphore_mem>>)
    %dma_start3A_10 = tpu.memref_slice %arg3[%add3A_8] : memref<331776xi32, #tpu.memory_space<hbm>> -> memref<64xi32, #tpu.memory_space<hbm>>
    %dma_start3A_11 = tpu.memref_slice %arg3[%add3A_8] : memref<331776xi32, #tpu.memory_space<hbm>> -> memref<64xi32, #tpu.memory_space<hbm>>
    tpu.enqueue_dma source(%dma_start3A_11 : memref<64xi32, #tpu.memory_space<hbm>>) target(%arg11 : memref<64xi32, #tpu.memory_space<vmem>>) target_semaphore(%arg26 : memref<!tpu.dma_semaphore, #tpu.memory_space<semaphore_mem>>)
    %add3A_12 = arith.constant 64 : i32
    %add3A_13 = arith.addi %mul3A_2, %add3A_12 : i32
    %dma_start3A_14 = tpu.memref_slice %arg2[%add3A_13] : memref<331776xi32, #tpu.memory_space<hbm>> -> memref<64xi32, #tpu.memory_space<hbm>>
    %dma_start3A_15 = tpu.memref_slice %arg2[%add3A_13] : memref<331776xi32, #tpu.memory_space<hbm>> -> memref<64xi32, #tpu.memory_space<hbm>>
    tpu.enqueue_dma source(%dma_start3A_15 : memref<64xi32, #tpu.memory_space<hbm>>) target(%arg10 : memref<64xi32, #tpu.memory_space<vmem>>) target_semaphore(%arg25 : memref<!tpu.dma_semaphore, #tpu.memory_space<semaphore_mem>>)
    %dma_start3A_16 = tpu.memref_slice %arg3[%add3A_13] : memref<331776xi32, #tpu.memory_space<hbm>> -> memref<64xi32, #tpu.memory_space<hbm>>
    %dma_start3A_17 = tpu.memref_slice %arg3[%add3A_13] : memref<331776xi32, #tpu.memory_space<hbm>> -> memref<64xi32, #tpu.memory_space<hbm>>
    tpu.enqueue_dma source(%dma_start3A_17 : memref<64xi32, #tpu.memory_space<hbm>>) target(%arg12 : memref<64xi32, #tpu.memory_space<vmem>>) target_semaphore(%arg27 : memref<!tpu.dma_semaphore, #tpu.memory_space<semaphore_mem>>)
    %dma_wait3A = arith.constant 0 : i32
    %dma_wait3A_18 = tpu.memref_slice %arg2[%dma_wait3A] : memref<331776xi32, #tpu.memory_space<hbm>> -> memref<64xi32, #tpu.memory_space<hbm>>
    %dma_wait3A_19 = arith.constant 0 : i32
    %dma_wait3A_20 = tpu.memref_slice %arg2[%dma_wait3A_19] : memref<331776xi32, #tpu.memory_space<hbm>> -> memref<64xi32, #tpu.memory_space<hbm>>
    tpu.wait_dma2 semaphore(%arg24 : memref<!tpu.dma_semaphore, #tpu.memory_space<semaphore_mem>>) src(%dma_wait3A_20 : memref<64xi32, #tpu.memory_space<hbm>>) dst(%arg9 : memref<64xi32, #tpu.memory_space<vmem>>)
    %dma_wait3A_21 = arith.constant 0 : i32
    %dma_wait3A_22 = tpu.memref_slice %arg3[%dma_wait3A_21] : memref<331776xi32, #tpu.memory_space<hbm>> -> memref<64xi32, #tpu.memory_space<hbm>>
    %dma_wait3A_23 = arith.constant 0 : i32
    %dma_wait3A_24 = tpu.memref_slice %arg3[%dma_wait3A_23] : memref<331776xi32, #tpu.memory_space<hbm>> -> memref<64xi32, #tpu.memory_space<hbm>>
    tpu.wait_dma2 semaphore(%arg26 : memref<!tpu.dma_semaphore, #tpu.memory_space<semaphore_mem>>) src(%dma_wait3A_24 : memref<64xi32, #tpu.memory_space<hbm>>) dst(%arg11 : memref<64xi32, #tpu.memory_space<vmem>>)
    %dma_start3A_25 = arith.constant 0 : i32
    %dma_start3A_26 = arith.constant 0 : i32
    %dma_start3A_27 = tpu.memref_slice %arg4[%dma_start3A_25, %dma_start3A_26] : memref<10000x16xf32, #tpu.memory_space<hbm>> -> memref<10000x16xf32, #tpu.memory_space<hbm>>
    tpu.enqueue_indirect_dma source(%dma_start3A_27 : memref<10000x16xf32, #tpu.memory_space<hbm>>) target(%arg15 : memref<64x16xf32, #tpu.memory_space<vmem>>) offsets(%arg9 : memref<64xi32, #tpu.memory_space<vmem>>) semaphore(%arg28 : memref<!tpu.dma_semaphore, #tpu.memory_space<semaphore_mem>>)
    %dma_start3A_28 = arith.constant 0 : i32
    %dma_start3A_29 = arith.constant 0 : i32
    %dma_start3A_30 = tpu.memref_slice %arg5[%dma_start3A_28, %dma_start3A_29] : memref<10000x16xf32, #tpu.memory_space<hbm>> -> memref<10000x16xf32, #tpu.memory_space<hbm>>
    tpu.enqueue_indirect_dma source(%dma_start3A_30 : memref<10000x16xf32, #tpu.memory_space<hbm>>) target(%arg17 : memref<64x16xf32, #tpu.memory_space<vmem>>) offsets(%arg11 : memref<64xi32, #tpu.memory_space<vmem>>) semaphore(%arg30 : memref<!tpu.dma_semaphore, #tpu.memory_space<semaphore_mem>>)
    %dma_start3A_31 = arith.constant 0 : i32
    %dma_start3A_32 = arith.constant 0 : i32
    %dma_start3A_33 = tpu.memref_slice %arg6[%dma_start3A_31, %dma_start3A_32] : memref<10000x128xf32, #tpu.memory_space<hbm>> -> memref<10000x128xf32, #tpu.memory_space<hbm>>
    tpu.enqueue_indirect_dma source(%dma_start3A_33 : memref<10000x128xf32, #tpu.memory_space<hbm>>) target(%arg19 : memref<64x128xf32, #tpu.memory_space<vmem>>) offsets(%arg9 : memref<64xi32, #tpu.memory_space<vmem>>) semaphore(%arg32 : memref<!tpu.dma_semaphore, #tpu.memory_space<semaphore_mem>>)
    %scan3A = arith.constant 0 : i32
    %scan3A_34 = arith.constant 0 : i32
    %scan3A_35 = arith.constant 81 : i32
    %scan3A_36 = arith.addi %scan3A_34, %scan3A_35 : i32
    %scan3A_37 = arith.constant 1 : i32
    %scan3A_38 = scf.for %scan3A_47 = %scan3A_34 to %scan3A_36 step %scan3A_37 iter_args(%scan3A_48 = %scan3A) -> (i32)  : i32 {
      %mul3A_49 = arith.constant 2 : i32
      %mul3A_50 = arith.muli %mul3A_49, %scan3A_47 : i32
      %dma_wait3A_51 = arith.constant 0 : i32
      %dma_wait3A_52 = tpu.memref_slice %arg2[%dma_wait3A_51] : memref<331776xi32, #tpu.memory_space<hbm>> -> memref<64xi32, #tpu.memory_space<hbm>>
      %dma_wait3A_53 = arith.constant 0 : i32
      %dma_wait3A_54 = tpu.memref_slice %arg2[%dma_wait3A_53] : memref<331776xi32, #tpu.memory_space<hbm>> -> memref<64xi32, #tpu.memory_space<hbm>>
      tpu.wait_dma2 semaphore(%arg25 : memref<!tpu.dma_semaphore, #tpu.memory_space<semaphore_mem>>) src(%dma_wait3A_54 : memref<64xi32, #tpu.memory_space<hbm>>) dst(%arg10 : memref<64xi32, #tpu.memory_space<vmem>>)
      %dma_wait3A_55 = arith.constant 0 : i32
      %dma_wait3A_56 = tpu.memref_slice %arg3[%dma_wait3A_55] : memref<331776xi32, #tpu.memory_space<hbm>> -> memref<64xi32, #tpu.memory_space<hbm>>
      %dma_wait3A_57 = arith.constant 0 : i32
      %dma_wait3A_58 = tpu.memref_slice %arg3[%dma_wait3A_57] : memref<331776xi32, #tpu.memory_space<hbm>> -> memref<64xi32, #tpu.memory_space<hbm>>
      tpu.wait_dma2 semaphore(%arg27 : memref<!tpu.dma_semaphore, #tpu.memory_space<semaphore_mem>>) src(%dma_wait3A_58 : memref<64xi32, #tpu.memory_space<hbm>>) dst(%arg12 : memref<64xi32, #tpu.memory_space<vmem>>)
      %dma_start3A_59 = arith.constant 0 : i32
      %dma_start3A_60 = arith.constant 0 : i32
      %dma_start3A_61 = tpu.memref_slice %arg4[%dma_start3A_59, %dma_start3A_60] : memref<10000x16xf32, #tpu.memory_space<hbm>> -> memref<10000x16xf32, #tpu.memory_space<hbm>>
      tpu.enqueue_indirect_dma source(%dma_start3A_61 : memref<10000x16xf32, #tpu.memory_space<hbm>>) target(%arg16 : memref<64x16xf32, #tpu.memory_space<vmem>>) offsets(%arg10 : memref<64xi32, #tpu.memory_space<vmem>>) semaphore(%arg29 : memref<!tpu.dma_semaphore, #tpu.memory_space<semaphore_mem>>)
      %dma_start3A_62 = arith.constant 0 : i32
      %dma_start3A_63 = arith.constant 0 : i32
      %dma_start3A_64 = tpu.memref_slice %arg5[%dma_start3A_62, %dma_start3A_63] : memref<10000x16xf32, #tpu.memory_space<hbm>> -> memref<10000x16xf32, #tpu.memory_space<hbm>>
      tpu.enqueue_indirect_dma source(%dma_start3A_64 : memref<10000x16xf32, #tpu.memory_space<hbm>>) target(%arg18 : memref<64x16xf32, #tpu.memory_space<vmem>>) offsets(%arg12 : memref<64xi32, #tpu.memory_space<vmem>>) semaphore(%arg31 : memref<!tpu.dma_semaphore, #tpu.memory_space<semaphore_mem>>)
      %dma_start3A_65 = arith.constant 0 : i32
      %dma_start3A_66 = arith.constant 0 : i32
      %dma_start3A_67 = tpu.memref_slice %arg6[%dma_start3A_65, %dma_start3A_66] : memref<10000x128xf32, #tpu.memory_space<hbm>> -> memref<10000x128xf32, #tpu.memory_space<hbm>>
      tpu.enqueue_indirect_dma source(%dma_start3A_67 : memref<10000x128xf32, #tpu.memory_space<hbm>>) target(%arg20 : memref<64x128xf32, #tpu.memory_space<vmem>>) offsets(%arg10 : memref<64xi32, #tpu.memory_space<vmem>>) semaphore(%arg33 : memref<!tpu.dma_semaphore, #tpu.memory_space<semaphore_mem>>)
      %dma_wait3A_68 = arith.constant 0 : i32
      %dma_wait3A_69 = arith.constant 0 : i32
      %dma_wait3A_70 = tpu.memref_slice %arg4[%dma_wait3A_68, %dma_wait3A_69] : memref<10000x16xf32, #tpu.memory_space<hbm>> -> memref<10000x16xf32, #tpu.memory_space<hbm>>
      tpu.wait_indirect_dma semaphore(%arg28 : memref<!tpu.dma_semaphore, #tpu.memory_space<semaphore_mem>>) src(%dma_wait3A_70 : memref<10000x16xf32, #tpu.memory_space<hbm>>) dst(%arg15 : memref<64x16xf32, #tpu.memory_space<vmem>>)
      %dma_wait3A_71 = arith.constant 0 : i32
      %dma_wait3A_72 = arith.constant 0 : i32
      %dma_wait3A_73 = tpu.memref_slice %arg5[%dma_wait3A_71, %dma_wait3A_72] : memref<10000x16xf32, #tpu.memory_space<hbm>> -> memref<10000x16xf32, #tpu.memory_space<hbm>>
      tpu.wait_indirect_dma semaphore(%arg30 : memref<!tpu.dma_semaphore, #tpu.memory_space<semaphore_mem>>) src(%dma_wait3A_73 : memref<10000x16xf32, #tpu.memory_space<hbm>>) dst(%arg17 : memref<64x16xf32, #tpu.memory_space<vmem>>)
      %dma_wait3A_74 = arith.constant 0 : i32
      %dma_wait3A_75 = arith.constant 0 : i32
      %dma_wait3A_76 = tpu.memref_slice %arg6[%dma_wait3A_74, %dma_wait3A_75] : memref<10000x128xf32, #tpu.memory_space<hbm>> -> memref<10000x128xf32, #tpu.memory_space<hbm>>
      tpu.wait_indirect_dma semaphore(%arg32 : memref<!tpu.dma_semaphore, #tpu.memory_space<semaphore_mem>>) src(%dma_wait3A_76 : memref<10000x128xf32, #tpu.memory_space<hbm>>) dst(%arg19 : memref<64x128xf32, #tpu.memory_space<vmem>>)
      %lt3A_77 = arith.constant 80 : i32
      %lt3A_78 = arith.cmpi slt, %scan3A_47, %lt3A_77 : i32
      %convert_element_type3A = arith.extui %lt3A_78 : i1 to i32
      %cond3A = arith.constant 0 : i32
      %cond3A_79 = arith.cmpi ne, %convert_element_type3A, %cond3A : i32
      scf.if %cond3A_79 {
        %add3A_174 = arith.constant 2 : i32
        %add3A_175 = arith.addi %mul3A_50, %add3A_174 : i32
        %mul3A_176 = arith.constant 64 : i32
        %mul3A_177 = arith.muli %add3A_175, %mul3A_176 : i32
        %add3A_178 = arith.addi %mul3A_2, %mul3A_177 : i32
        %dma_start3A_179 = tpu.memref_slice %arg2[%add3A_178] : memref<331776xi32, #tpu.memory_space<hbm>> -> memref<64xi32, #tpu.memory_space<hbm>>
        %dma_start3A_180 = tpu.memref_slice %arg2[%add3A_178] : memref<331776xi32, #tpu.memory_space<hbm>> -> memref<64xi32, #tpu.memory_space<hbm>>
        tpu.enqueue_dma source(%dma_start3A_180 : memref<64xi32, #tpu.memory_space<hbm>>) target(%arg9 : memref<64xi32, #tpu.memory_space<vmem>>) target_semaphore(%arg24 : memref<!tpu.dma_semaphore, #tpu.memory_space<semaphore_mem>>)
        %dma_start3A_181 = tpu.memref_slice %arg3[%add3A_178] : memref<331776xi32, #tpu.memory_space<hbm>> -> memref<64xi32, #tpu.memory_space<hbm>>
        %dma_start3A_182 = tpu.memref_slice %arg3[%add3A_178] : memref<331776xi32, #tpu.memory_space<hbm>> -> memref<64xi32, #tpu.memory_space<hbm>>
        tpu.enqueue_dma source(%dma_start3A_182 : memref<64xi32, #tpu.memory_space<hbm>>) target(%arg11 : memref<64xi32, #tpu.memory_space<vmem>>) target_semaphore(%arg26 : memref<!tpu.dma_semaphore, #tpu.memory_space<semaphore_mem>>)
      } else {
      }
      %gt3A = arith.constant 0 : i32
      %gt3A_80 = arith.cmpi sgt, %scan3A_47, %gt3A : i32
      %convert_element_type3A_81 = arith.extui %gt3A_80 : i1 to i32
      %cond3A_82 = arith.constant 0 : i32
      %cond3A_83 = arith.cmpi ne, %convert_element_type3A_81, %cond3A_82 : i32
      scf.if %cond3A_83 {
        %dma_wait3A_174 = arith.constant 0 : i32
        %dma_wait3A_175 = arith.constant 0 : i32
        %dma_wait3A_176 = tpu.memref_slice %arg23[%dma_wait3A_174, %dma_wait3A_175] : memref<10016x144xf32, #tpu.memory_space<vmem_shared>> -> memref<10016x144xf32, #tpu.memory_space<vmem_shared>>
        tpu.wait_indirect_dma semaphore(%arg34 : memref<!tpu.dma_semaphore, #tpu.memory_space<semaphore_mem>>) src(%arg21 : memref<64x144xf32, #tpu.memory_space<vmem>>) dst(%dma_wait3A_176 : memref<10016x144xf32, #tpu.memory_space<vmem_shared>>)
      } else {
      }
      %get3A = arith.constant 0 : index
      %get3A_84 = tpu.vector_load %arg11[%get3A] {strides = array<i32>} : memref<64xi32, #tpu.memory_space<vmem>>, vector<16xi32>,
      %get3A_85 = vector.shape_cast %get3A_84 : vector<16xi32> to vector<16xi32>
      %swap3A = arith.constant 0 : index
      %swap3A_86 = tpu.vector_load %arg13[%swap3A] {strides = array<i32>} : memref<64xi32, #tpu.memory_space<vmem>>, vector<16xi32>,
      %swap3A_87 = vector.shape_cast %swap3A_86 : vector<16xi32> to vector<16xi32>
      %swap3A_88 = vector.shape_cast %get3A_85 : vector<16xi32> to vector<16xi32>
      tpu.vector_store %arg13[%swap3A], %swap3A_88 {strides = array<i32>} : memref<64xi32, #tpu.memory_space<vmem>>, vector<16xi32>,
      %get3A_89 = arith.constant 16 : index
      %get3A_90 = tpu.vector_load %arg11[%get3A_89] {strides = array<i32>} : memref<64xi32, #tpu.memory_space<vmem>>, vector<16xi32>,
      %get3A_91 = vector.shape_cast %get3A_90 : vector<16xi32> to vector<16xi32>
      %swap3A_92 = arith.constant 16 : index
      %swap3A_93 = tpu.vector_load %arg13[%swap3A_92] {strides = array<i32>} : memref<64xi32, #tpu.memory_space<vmem>>, vector<16xi32>,
      %swap3A_94 = vector.shape_cast %swap3A_93 : vector<16xi32> to vector<16xi32>
      %swap3A_95 = vector.shape_cast %get3A_91 : vector<16xi32> to vector<16xi32>
      tpu.vector_store %arg13[%swap3A_92], %swap3A_95 {strides = array<i32>} : memref<64xi32, #tpu.memory_space<vmem>>, vector<16xi32>,
      %get3A_96 = arith.constant 32 : index
      %get3A_97 = tpu.vector_load %arg11[%get3A_96] {strides = array<i32>} : memref<64xi32, #tpu.memory_space<vmem>>, vector<16xi32>,
      %get3A_98 = vector.shape_cast %get3A_97 : vector<16xi32> to vector<16xi32>
      %swap3A_99 = arith.constant 32 : index
      %swap3A_100 = tpu.vector_load %arg13[%swap3A_99] {strides = array<i32>} : memref<64xi32, #tpu.memory_space<vmem>>, vector<16xi32>,
      %swap3A_101 = vector.shape_cast %swap3A_100 : vector<16xi32> to vector<16xi32>
      %swap3A_102 = vector.shape_cast %get3A_98 : vector<16xi32> to vector<16xi32>
      tpu.vector_store %arg13[%swap3A_99], %swap3A_102 {strides = array<i32>} : memref<64xi32, #tpu.memory_space<vmem>>, vector<16xi32>,
      %get3A_103 = arith.constant 48 : index
      %get3A_104 = tpu.vector_load %arg11[%get3A_103] {strides = array<i32>} : memref<64xi32, #tpu.memory_space<vmem>>, vector<16xi32>,
      %get3A_105 = vector.shape_cast %get3A_104 : vector<16xi32> to vector<16xi32>
      %swap3A_106 = arith.constant 48 : index
      %swap3A_107 = tpu.vector_load %arg13[%swap3A_106] {strides = array<i32>} : memref<64xi32, #tpu.memory_space<vmem>>, vector<16xi32>,
      %swap3A_108 = vector.shape_cast %swap3A_107 : vector<16xi32> to vector<16xi32>
      %swap3A_109 = vector.shape_cast %get3A_105 : vector<16xi32> to vector<16xi32>
      tpu.vector_store %arg13[%swap3A_106], %swap3A_109 {strides = array<i32>} : memref<64xi32, #tpu.memory_space<vmem>>, vector<16xi32>,
      %parallel_loop3A = arith.constant 0 : i32
      %parallel_loop3A_110 = arith.constant 64 : i32
      %parallel_loop3A_111 = arith.constant 1 : i32
      scf.for %parallel_loop3A_174 = %parallel_loop3A to %parallel_loop3A_110 step %parallel_loop3A_111  : i32 {
        %parallel_loop3A_175 = arith.index_cast %parallel_loop3A_174 : i32 to index
        %parallel_loop3A_176 = arith.constant 0 : index
        %parallel_loop3A_177 = tpu.vector_load %arg15[%parallel_loop3A_175, %parallel_loop3A_176] {strides = array<i32>} : memref<64x16xf32, #tpu.memory_space<vmem>>, vector<1x16xf32>,
        %parallel_loop3A_178 = vector.shape_cast %parallel_loop3A_177 : vector<1x16xf32> to vector<16xf32>
        %parallel_loop3A_179 = arith.index_cast %parallel_loop3A_174 : i32 to index
        %parallel_loop3A_180 = arith.constant 0 : index
        %parallel_loop3A_181 = tpu.vector_load %arg17[%parallel_loop3A_179, %parallel_loop3A_180] {strides = array<i32>} : memref<64x16xf32, #tpu.memory_space<vmem>>, vector<1x16xf32>,
        %parallel_loop3A_182 = vector.shape_cast %parallel_loop3A_181 : vector<1x16xf32> to vector<16xf32>
        %parallel_loop3A_183 = arith.addf %parallel_loop3A_178, %parallel_loop3A_182 : vector<16xf32>
        %parallel_loop3A_184 = arith.constant 2.000000e-01 : f32
        %parallel_loop3A_185 = vector.broadcast %parallel_loop3A_184 : f32 to vector<16xf32>
        %parallel_loop3A_186 = arith.mulf %parallel_loop3A_185, %parallel_loop3A_183 : vector<16xf32>
        %parallel_loop3A_187 = arith.maximumf %parallel_loop3A_183, %parallel_loop3A_186 : vector<16xf32>
        %parallel_loop3A_188 = math.exp %parallel_loop3A_187 : vector<16xf32>
        %parallel_loop3A_189 = arith.constant 0.000000e+00 : f32
        %parallel_loop3A_190 = vector.broadcast %parallel_loop3A_189 : f32 to vector<16xf32>
        %parallel_loop3A_191 = arith.select %lt3A_6, %parallel_loop3A_188, %parallel_loop3A_190 : vector<16xi1>, vector<16xf32>
        %parallel_loop3A_192 = arith.index_cast %parallel_loop3A_174 : i32 to index
        %parallel_loop3A_193 = arith.constant 128 : index
        %parallel_loop3A_194 = tpu.vector_load %arg21[%parallel_loop3A_192, %parallel_loop3A_193] {strides = array<i32>} : memref<64x144xf32, #tpu.memory_space<vmem>>, vector<1x16xf32>,
        %parallel_loop3A_195 = vector.shape_cast %parallel_loop3A_194 : vector<1x16xf32> to vector<16xf32>
        %parallel_loop3A_196 = vector.shape_cast %parallel_loop3A_191 : vector<16xf32> to vector<1x16xf32>
        tpu.vector_store %arg21[%parallel_loop3A_192, %parallel_loop3A_193], %parallel_loop3A_196 {strides = array<i32>} : memref<64x144xf32, #tpu.memory_space<vmem>>, vector<1x16xf32>,
        %parallel_loop3A_197 = arith.constant 0 : i32
        %parallel_loop3A_198 = vector.broadcast %parallel_loop3A_197 : i32 to vector<16xi32>
        %parallel_loop3A_199 = vector.shape_cast %parallel_loop3A_198 : vector<16xi32> to vector<16x1xi32>
        %parallel_loop3A_200 = vector.shape_cast %parallel_loop3A_199 : vector<16x1xi32> to vector<16xi32>
        %parallel_loop3A_201 = tpu.dynamic_gather %parallel_loop3A_188[%parallel_loop3A_200] in [0] : vector<16xf32>, vector<16xi32> -> vector<16xf32>
        %parallel_loop3A_202 = arith.index_cast %parallel_loop3A_174 : i32 to index
        %parallel_loop3A_203 = arith.constant 0 : index
        %parallel_loop3A_204 = tpu.vector_load %arg19[%parallel_loop3A_202, %parallel_loop3A_203] {strides = array<i32>} : memref<64x128xf32, #tpu.memory_space<vmem>>, vector<1x16xf32>,
        %parallel_loop3A_205 = vector.shape_cast %parallel_loop3A_204 : vector<1x16xf32> to vector<16xf32>
        %parallel_loop3A_206 = arith.mulf %parallel_loop3A_201, %parallel_loop3A_205 : vector<16xf32>
        %parallel_loop3A_207 = arith.index_cast %parallel_loop3A_174 : i32 to index
        %parallel_loop3A_208 = arith.constant 0 : index
        %parallel_loop3A_209 = tpu.vector_load %arg21[%parallel_loop3A_207, %parallel_loop3A_208] {strides = array<i32>} : memref<64x144xf32, #tpu.memory_space<vmem>>, vector<1x16xf32>,
        %parallel_loop3A_210 = vector.shape_cast %parallel_loop3A_209 : vector<1x16xf32> to vector<16xf32>
        %parallel_loop3A_211 = vector.shape_cast %parallel_loop3A_206 : vector<16xf32> to vector<1x16xf32>
        tpu.vector_store %arg21[%parallel_loop3A_207, %parallel_loop3A_208], %parallel_loop3A_211 {strides = array<i32>} : memref<64x144xf32, #tpu.memory_space<vmem>>, vector<1x16xf32>,
        %parallel_loop3A_212 = arith.constant 1 : i32
        %parallel_loop3A_213 = vector.broadcast %parallel_loop3A_212 : i32 to vector<16xi32>
        %parallel_loop3A_214 = vector.shape_cast %parallel_loop3A_213 : vector<16xi32> to vector<16x1xi32>
        %parallel_loop3A_215 = vector.shape_cast %parallel_loop3A_214 : vector<16x1xi32> to vector<16xi32>
        %parallel_loop3A_216 = tpu.dynamic_gather %parallel_loop3A_188[%parallel_loop3A_215] in [0] : vector<16xf32>, vector<16xi32> -> vector<16xf32>
        %parallel_loop3A_217 = arith.index_cast %parallel_loop3A_174 : i32 to index
        %parallel_loop3A_218 = arith.constant 16 : index
        %parallel_loop3A_219 = tpu.vector_load %arg19[%parallel_loop3A_217, %parallel_loop3A_218] {strides = array<i32>} : memref<64x128xf32, #tpu.memory_space<vmem>>, vector<1x16xf32>,
        %parallel_loop3A_220 = vector.shape_cast %parallel_loop3A_219 : vector<1x16xf32> to vector<16xf32>
        %parallel_loop3A_221 = arith.mulf %parallel_loop3A_216, %parallel_loop3A_220 : vector<16xf32>
        %parallel_loop3A_222 = arith.index_cast %parallel_loop3A_174 : i32 to index
        %parallel_loop3A_223 = arith.constant 16 : index
        %parallel_loop3A_224 = tpu.vector_load %arg21[%parallel_loop3A_222, %parallel_loop3A_223] {strides = array<i32>} : memref<64x144xf32, #tpu.memory_space<vmem>>, vector<1x16xf32>,
        %parallel_loop3A_225 = vector.shape_cast %parallel_loop3A_224 : vector<1x16xf32> to vector<16xf32>
        %parallel_loop3A_226 = vector.shape_cast %parallel_loop3A_221 : vector<16xf32> to vector<1x16xf32>
        tpu.vector_store %arg21[%parallel_loop3A_222, %parallel_loop3A_223], %parallel_loop3A_226 {strides = array<i32>} : memref<64x144xf32, #tpu.memory_space<vmem>>, vector<1x16xf32>,
        %parallel_loop3A_227 = arith.constant 2 : i32
        %parallel_loop3A_228 = vector.broadcast %parallel_loop3A_227 : i32 to vector<16xi32>
        %parallel_loop3A_229 = vector.shape_cast %parallel_loop3A_228 : vector<16xi32> to vector<16x1xi32>
        %parallel_loop3A_230 = vector.shape_cast %parallel_loop3A_229 : vector<16x1xi32> to vector<16xi32>
        %parallel_loop3A_231 = tpu.dynamic_gather %parallel_loop3A_188[%parallel_loop3A_230] in [0] : vector<16xf32>, vector<16xi32> -> vector<16xf32>
        %parallel_loop3A_232 = arith.index_cast %parallel_loop3A_174 : i32 to index
        %parallel_loop3A_233 = arith.constant 32 : index
        %parallel_loop3A_234 = tpu.vector_load %arg19[%parallel_loop3A_232, %parallel_loop3A_233] {strides = array<i32>} : memref<64x128xf32, #tpu.memory_space<vmem>>, vector<1x16xf32>,
        %parallel_loop3A_235 = vector.shape_cast %parallel_loop3A_234 : vector<1x16xf32> to vector<16xf32>
        %parallel_loop3A_236 = arith.mulf %parallel_loop3A_231, %parallel_loop3A_235 : vector<16xf32>
        %parallel_loop3A_237 = arith.index_cast %parallel_loop3A_174 : i32 to index
        %parallel_loop3A_238 = arith.constant 32 : index
        %parallel_loop3A_239 = tpu.vector_load %arg21[%parallel_loop3A_237, %parallel_loop3A_238] {strides = array<i32>} : memref<64x144xf32, #tpu.memory_space<vmem>>, vector<1x16xf32>,
        %parallel_loop3A_240 = vector.shape_cast %parallel_loop3A_239 : vector<1x16xf32> to vector<16xf32>
        %parallel_loop3A_241 = vector.shape_cast %parallel_loop3A_236 : vector<16xf32> to vector<1x16xf32>
        tpu.vector_store %arg21[%parallel_loop3A_237, %parallel_loop3A_238], %parallel_loop3A_241 {strides = array<i32>} : memref<64x144xf32, #tpu.memory_space<vmem>>, vector<1x16xf32>,
        %parallel_loop3A_242 = arith.constant 3 : i32
        %parallel_loop3A_243 = vector.broadcast %parallel_loop3A_242 : i32 to vector<16xi32>
        %parallel_loop3A_244 = vector.shape_cast %parallel_loop3A_243 : vector<16xi32> to vector<16x1xi32>
        %parallel_loop3A_245 = vector.shape_cast %parallel_loop3A_244 : vector<16x1xi32> to vector<16xi32>
        %parallel_loop3A_246 = tpu.dynamic_gather %parallel_loop3A_188[%parallel_loop3A_245] in [0] : vector<16xf32>, vector<16xi32> -> vector<16xf32>
        %parallel_loop3A_247 = arith.index_cast %parallel_loop3A_174 : i32 to index
        %parallel_loop3A_248 = arith.constant 48 : index
        %parallel_loop3A_249 = tpu.vector_load %arg19[%parallel_loop3A_247, %parallel_loop3A_248] {strides = array<i32>} : memref<64x128xf32, #tpu.memory_space<vmem>>, vector<1x16xf32>,
        %parallel_loop3A_250 = vector.shape_cast %parallel_loop3A_249 : vector<1x16xf32> to vector<16xf32>
        %parallel_loop3A_251 = arith.mulf %parallel_loop3A_246, %parallel_loop3A_250 : vector<16xf32>
        %parallel_loop3A_252 = arith.index_cast %parallel_loop3A_174 : i32 to index
        %parallel_loop3A_253 = arith.constant 48 : index
        %parallel_loop3A_254 = tpu.vector_load %arg21[%parallel_loop3A_252, %parallel_loop3A_253] {strides = array<i32>} : memref<64x144xf32, #tpu.memory_space<vmem>>, vector<1x16xf32>,
        %parallel_loop3A_255 = vector.shape_cast %parallel_loop3A_254 : vector<1x16xf32> to vector<16xf32>
        %parallel_loop3A_256 = vector.shape_cast %parallel_loop3A_251 : vector<16xf32> to vector<1x16xf32>
        tpu.vector_store %arg21[%parallel_loop3A_252, %parallel_loop3A_253], %parallel_loop3A_256 {strides = array<i32>} : memref<64x144xf32, #tpu.memory_space<vmem>>, vector<1x16xf32>,
        %parallel_loop3A_257 = arith.constant 4 : i32
        %parallel_loop3A_258 = vector.broadcast %parallel_loop3A_257 : i32 to vector<16xi32>
        %parallel_loop3A_259 = vector.shape_cast %parallel_loop3A_258 : vector<16xi32> to vector<16x1xi32>
        %parallel_loop3A_260 = vector.shape_cast %parallel_loop3A_259 : vector<16x1xi32> to vector<16xi32>
        %parallel_loop3A_261 = tpu.dynamic_gather %parallel_loop3A_188[%parallel_loop3A_260] in [0] : vector<16xf32>, vector<16xi32> -> vector<16xf32>
        %parallel_loop3A_262 = arith.index_cast %parallel_loop3A_174 : i32 to index
        %parallel_loop3A_263 = arith.constant 64 : index
        %parallel_loop3A_264 = tpu.vector_load %arg19[%parallel_loop3A_262, %parallel_loop3A_263] {strides = array<i32>} : memref<64x128xf32, #tpu.memory_space<vmem>>, vector<1x16xf32>,
        %parallel_loop3A_265 = vector.shape_cast %parallel_loop3A_264 : vector<1x16xf32> to vector<16xf32>
        %parallel_loop3A_266 = arith.mulf %parallel_loop3A_261, %parallel_loop3A_265 : vector<16xf32>
        %parallel_loop3A_267 = arith.index_cast %parallel_loop3A_174 : i32 to index
        %parallel_loop3A_268 = arith.constant 64 : index
        %parallel_loop3A_269 = tpu.vector_load %arg21[%parallel_loop3A_267, %parallel_loop3A_268] {strides = array<i32>} : memref<64x144xf32, #tpu.memory_space<vmem>>, vector<1x16xf32>,
        %parallel_loop3A_270 = vector.shape_cast %parallel_loop3A_269 : vector<1x16xf32> to vector<16xf32>
        %parallel_loop3A_271 = vector.shape_cast %parallel_loop3A_266 : vector<16xf32> to vector<1x16xf32>
        tpu.vector_store %arg21[%parallel_loop3A_267, %parallel_loop3A_268], %parallel_loop3A_271 {strides = array<i32>} : memref<64x144xf32, #tpu.memory_space<vmem>>, vector<1x16xf32>,
        %parallel_loop3A_272 = arith.constant 5 : i32
        %parallel_loop3A_273 = vector.broadcast %parallel_loop3A_272 : i32 to vector<16xi32>
        %parallel_loop3A_274 = vector.shape_cast %parallel_loop3A_273 : vector<16xi32> to vector<16x1xi32>
        %parallel_loop3A_275 = vector.shape_cast %parallel_loop3A_274 : vector<16x1xi32> to vector<16xi32>
        %parallel_loop3A_276 = tpu.dynamic_gather %parallel_loop3A_188[%parallel_loop3A_275] in [0] : vector<16xf32>, vector<16xi32> -> vector<16xf32>
        %parallel_loop3A_277 = arith.index_cast %parallel_loop3A_174 : i32 to index
        %parallel_loop3A_278 = arith.constant 80 : index
        %parallel_loop3A_279 = tpu.vector_load %arg19[%parallel_loop3A_277, %parallel_loop3A_278] {strides = array<i32>} : memref<64x128xf32, #tpu.memory_space<vmem>>, vector<1x16xf32>,
        %parallel_loop3A_280 = vector.shape_cast %parallel_loop3A_279 : vector<1x16xf32> to vector<16xf32>
        %parallel_loop3A_281 = arith.mulf %parallel_loop3A_276, %parallel_loop3A_280 : vector<16xf32>
        %parallel_loop3A_282 = arith.index_cast %parallel_loop3A_174 : i32 to index
        %parallel_loop3A_283 = arith.constant 80 : index
        %parallel_loop3A_284 = tpu.vector_load %arg21[%parallel_loop3A_282, %parallel_loop3A_283] {strides = array<i32>} : memref<64x144xf32, #tpu.memory_space<vmem>>, vector<1x16xf32>,
        %parallel_loop3A_285 = vector.shape_cast %parallel_loop3A_284 : vector<1x16xf32> to vector<16xf32>
        %parallel_loop3A_286 = vector.shape_cast %parallel_loop3A_281 : vector<16xf32> to vector<1x16xf32>
        tpu.vector_store %arg21[%parallel_loop3A_282, %parallel_loop3A_283], %parallel_loop3A_286 {strides = array<i32>} : memref<64x144xf32, #tpu.memory_space<vmem>>, vector<1x16xf32>,
        %parallel_loop3A_287 = arith.constant 6 : i32
        %parallel_loop3A_288 = vector.broadcast %parallel_loop3A_287 : i32 to vector<16xi32>
        %parallel_loop3A_289 = vector.shape_cast %parallel_loop3A_288 : vector<16xi32> to vector<16x1xi32>
        %parallel_loop3A_290 = vector.shape_cast %parallel_loop3A_289 : vector<16x1xi32> to vector<16xi32>
        %parallel_loop3A_291 = tpu.dynamic_gather %parallel_loop3A_188[%parallel_loop3A_290] in [0] : vector<16xf32>, vector<16xi32> -> vector<16xf32>
        %parallel_loop3A_292 = arith.index_cast %parallel_loop3A_174 : i32 to index
        %parallel_loop3A_293 = arith.constant 96 : index
        %parallel_loop3A_294 = tpu.vector_load %arg19[%parallel_loop3A_292, %parallel_loop3A_293] {strides = array<i32>} : memref<64x128xf32, #tpu.memory_space<vmem>>, vector<1x16xf32>,
        %parallel_loop3A_295 = vector.shape_cast %parallel_loop3A_294 : vector<1x16xf32> to vector<16xf32>
        %parallel_loop3A_296 = arith.mulf %parallel_loop3A_291, %parallel_loop3A_295 : vector<16xf32>
        %parallel_loop3A_297 = arith.index_cast %parallel_loop3A_174 : i32 to index
        %parallel_loop3A_298 = arith.constant 96 : index
        %parallel_loop3A_299 = tpu.vector_load %arg21[%parallel_loop3A_297, %parallel_loop3A_298] {strides = array<i32>} : memref<64x144xf32, #tpu.memory_space<vmem>>, vector<1x16xf32>,
        %parallel_loop3A_300 = vector.shape_cast %parallel_loop3A_299 : vector<1x16xf32> to vector<16xf32>
        %parallel_loop3A_301 = vector.shape_cast %parallel_loop3A_296 : vector<16xf32> to vector<1x16xf32>
        tpu.vector_store %arg21[%parallel_loop3A_297, %parallel_loop3A_298], %parallel_loop3A_301 {strides = array<i32>} : memref<64x144xf32, #tpu.memory_space<vmem>>, vector<1x16xf32>,
        %parallel_loop3A_302 = arith.constant 7 : i32
        %parallel_loop3A_303 = vector.broadcast %parallel_loop3A_302 : i32 to vector<16xi32>
        %parallel_loop3A_304 = vector.shape_cast %parallel_loop3A_303 : vector<16xi32> to vector<16x1xi32>
        %parallel_loop3A_305 = vector.shape_cast %parallel_loop3A_304 : vector<16x1xi32> to vector<16xi32>
        %parallel_loop3A_306 = tpu.dynamic_gather %parallel_loop3A_188[%parallel_loop3A_305] in [0] : vector<16xf32>, vector<16xi32> -> vector<16xf32>
        %parallel_loop3A_307 = arith.index_cast %parallel_loop3A_174 : i32 to index
        %parallel_loop3A_308 = arith.constant 112 : index
        %parallel_loop3A_309 = tpu.vector_load %arg19[%parallel_loop3A_307, %parallel_loop3A_308] {strides = array<i32>} : memref<64x128xf32, #tpu.memory_space<vmem>>, vector<1x16xf32>,
        %parallel_loop3A_310 = vector.shape_cast %parallel_loop3A_309 : vector<1x16xf32> to vector<16xf32>
        %parallel_loop3A_311 = arith.mulf %parallel_loop3A_306, %parallel_loop3A_310 : vector<16xf32>
        %parallel_loop3A_312 = arith.index_cast %parallel_loop3A_174 : i32 to index
        %parallel_loop3A_313 = arith.constant 112 : index
        %parallel_loop3A_314 = tpu.vector_load %arg21[%parallel_loop3A_312, %parallel_loop3A_313] {strides = array<i32>} : memref<64x144xf32, #tpu.memory_space<vmem>>, vector<1x16xf32>,
        %parallel_loop3A_315 = vector.shape_cast %parallel_loop3A_314 : vector<1x16xf32> to vector<16xf32>
        %parallel_loop3A_316 = vector.shape_cast %parallel_loop3A_311 : vector<16xf32> to vector<1x16xf32>
        tpu.vector_store %arg21[%parallel_loop3A_312, %parallel_loop3A_313], %parallel_loop3A_316 {strides = array<i32>} : memref<64x144xf32, #tpu.memory_space<vmem>>, vector<1x16xf32>,
      } {sc.loop_unroll_factor = 8 : i64, sc.parallel_access}
      %dma_start3A_112 = arith.constant 0 : i32
      %dma_start3A_113 = arith.constant 0 : i32
      %dma_start3A_114 = tpu.memref_slice %arg23[%dma_start3A_112, %dma_start3A_113] : memref<10016x144xf32, #tpu.memory_space<vmem_shared>> -> memref<10016x144xf32, #tpu.memory_space<vmem_shared>>
      tpu.enqueue_indirect_dma source(%arg21 : memref<64x144xf32, #tpu.memory_space<vmem>>) target(%dma_start3A_114 : memref<10016x144xf32, #tpu.memory_space<vmem_shared>>) offsets(%arg13 : memref<64xi32, #tpu.memory_space<vmem>>) semaphore(%arg34 : memref<!tpu.dma_semaphore, #tpu.memory_space<semaphore_mem>>) {add = true}
      %dma_wait3A_115 = arith.constant 0 : i32
      %dma_wait3A_116 = arith.constant 0 : i32
      %dma_wait3A_117 = tpu.memref_slice %arg4[%dma_wait3A_115, %dma_wait3A_116] : memref<10000x16xf32, #tpu.memory_space<hbm>> -> memref<10000x16xf32, #tpu.memory_space<hbm>>
      tpu.wait_indirect_dma semaphore(%arg29 : memref<!tpu.dma_semaphore, #tpu.memory_space<semaphore_mem>>) src(%dma_wait3A_117 : memref<10000x16xf32, #tpu.memory_space<hbm>>) dst(%arg16 : memref<64x16xf32, #tpu.memory_space<vmem>>)
      %dma_wait3A_118 = arith.constant 0 : i32
      %dma_wait3A_119 = arith.constant 0 : i32
      %dma_wait3A_120 = tpu.memref_slice %arg5[%dma_wait3A_118, %dma_wait3A_119] : memref<10000x16xf32, #tpu.memory_space<hbm>> -> memref<10000x16xf32, #tpu.memory_space<hbm>>
      tpu.wait_indirect_dma semaphore(%arg31 : memref<!tpu.dma_semaphore, #tpu.memory_space<semaphore_mem>>) src(%dma_wait3A_120 : memref<10000x16xf32, #tpu.memory_space<hbm>>) dst(%arg18 : memref<64x16xf32, #tpu.memory_space<vmem>>)
      %dma_wait3A_121 = arith.constant 0 : i32
      %dma_wait3A_122 = arith.constant 0 : i32
      %dma_wait3A_123 = tpu.memref_slice %arg6[%dma_wait3A_121, %dma_wait3A_122] : memref<10000x128xf32, #tpu.memory_space<hbm>> -> memref<10000x128xf32, #tpu.memory_space<hbm>>
      tpu.wait_indirect_dma semaphore(%arg33 : memref<!tpu.dma_semaphore, #tpu.memory_space<semaphore_mem>>) src(%dma_wait3A_123 : memref<10000x128xf32, #tpu.memory_space<hbm>>) dst(%arg20 : memref<64x128xf32, #tpu.memory_space<vmem>>)
      %lt3A_124 = arith.constant 80 : i32
      %lt3A_125 = arith.cmpi slt, %scan3A_47, %lt3A_124 : i32
      %convert_element_type3A_126 = arith.extui %lt3A_125 : i1 to i32
      %cond3A_127 = arith.constant 0 : i32
      %cond3A_128 = arith.cmpi ne, %convert_element_type3A_126, %cond3A_127 : i32
      scf.if %cond3A_128 {
        %add3A_174 = arith.constant 3 : i32
        %add3A_175 = arith.addi %mul3A_50, %add3A_174 : i32
        %mul3A_176 = arith.constant 64 : i32
        %mul3A_177 = arith.muli %add3A_175, %mul3A_176 : i32
        %add3A_178 = arith.addi %mul3A_2, %mul3A_177 : i32
        %dma_start3A_179 = tpu.memref_slice %arg2[%add3A_178] : memref<331776xi32, #tpu.memory_space<hbm>> -> memref<64xi32, #tpu.memory_space<hbm>>
        %dma_start3A_180 = tpu.memref_slice %arg2[%add3A_178] : memref<331776xi32, #tpu.memory_space<hbm>> -> memref<64xi32, #tpu.memory_space<hbm>>
        tpu.enqueue_dma source(%dma_start3A_180 : memref<64xi32, #tpu.memory_space<hbm>>) target(%arg10 : memref<64xi32, #tpu.memory_space<vmem>>) target_semaphore(%arg25 : memref<!tpu.dma_semaphore, #tpu.memory_space<semaphore_mem>>)
        %dma_start3A_181 = tpu.memref_slice %arg3[%add3A_178] : memref<331776xi32, #tpu.memory_space<hbm>> -> memref<64xi32, #tpu.memory_space<hbm>>
        %dma_start3A_182 = tpu.memref_slice %arg3[%add3A_178] : memref<331776xi32, #tpu.memory_space<hbm>> -> memref<64xi32, #tpu.memory_space<hbm>>
        tpu.enqueue_dma source(%dma_start3A_182 : memref<64xi32, #tpu.memory_space<hbm>>) target(%arg12 : memref<64xi32, #tpu.memory_space<vmem>>) target_semaphore(%arg27 : memref<!tpu.dma_semaphore, #tpu.memory_space<semaphore_mem>>)
      } else {
      }
      %gt3A_129 = arith.constant 0 : i32
      %gt3A_130 = arith.cmpi sgt, %scan3A_47, %gt3A_129 : i32
      %convert_element_type3A_131 = arith.extui %gt3A_130 : i1 to i32
      %cond3A_132 = arith.constant 0 : i32
      %cond3A_133 = arith.cmpi ne, %convert_element_type3A_131, %cond3A_132 : i32
      scf.if %cond3A_133 {
        %dma_wait3A_174 = arith.constant 0 : i32
        %dma_wait3A_175 = arith.constant 0 : i32
        %dma_wait3A_176 = tpu.memref_slice %arg23[%dma_wait3A_174, %dma_wait3A_175] : memref<10016x144xf32, #tpu.memory_space<vmem_shared>> -> memref<10016x144xf32, #tpu.memory_space<vmem_shared>>
        tpu.wait_indirect_dma semaphore(%arg35 : memref<!tpu.dma_semaphore, #tpu.memory_space<semaphore_mem>>) src(%arg22 : memref<64x144xf32, #tpu.memory_space<vmem>>) dst(%dma_wait3A_176 : memref<10016x144xf32, #tpu.memory_space<vmem_shared>>)
      } else {
      }
      %get3A_134 = arith.constant 0 : index
      %get3A_135 = tpu.vector_load %arg12[%get3A_134] {strides = array<i32>} : memref<64xi32, #tpu.memory_space<vmem>>, vector<16xi32>,
      %get3A_136 = vector.shape_cast %get3A_135 : vector<16xi32> to vector<16xi32>
      %swap3A_137 = arith.constant 0 : index
      %swap3A_138 = tpu.vector_load %arg14[%swap3A_137] {strides = array<i32>} : memref<64xi32, #tpu.memory_space<vmem>>, vector<16xi32>,
      %swap3A_139 = vector.shape_cast %swap3A_138 : vector<16xi32> to vector<16xi32>
      %swap3A_140 = vector.shape_cast %get3A_136 : vector<16xi32> to vector<16xi32>
      tpu.vector_store %arg14[%swap3A_137], %swap3A_140 {strides = array<i32>} : memref<64xi32, #tpu.memory_space<vmem>>, vector<16xi32>,
      %get3A_141 = arith.constant 16 : index
      %get3A_142 = tpu.vector_load %arg12[%get3A_141] {strides = array<i32>} : memref<64xi32, #tpu.memory_space<vmem>>, vector<16xi32>,
      %get3A_143 = vector.shape_cast %get3A_142 : vector<16xi32> to vector<16xi32>
      %swap3A_144 = arith.constant 16 : index
      %swap3A_145 = tpu.vector_load %arg14[%swap3A_144] {strides = array<i32>} : memref<64xi32, #tpu.memory_space<vmem>>, vector<16xi32>,
      %swap3A_146 = vector.shape_cast %swap3A_145 : vector<16xi32> to vector<16xi32>
      %swap3A_147 = vector.shape_cast %get3A_143 : vector<16xi32> to vector<16xi32>
      tpu.vector_store %arg14[%swap3A_144], %swap3A_147 {strides = array<i32>} : memref<64xi32, #tpu.memory_space<vmem>>, vector<16xi32>,
      %get3A_148 = arith.constant 32 : index
      %get3A_149 = tpu.vector_load %arg12[%get3A_148] {strides = array<i32>} : memref<64xi32, #tpu.memory_space<vmem>>, vector<16xi32>,
      %get3A_150 = vector.shape_cast %get3A_149 : vector<16xi32> to vector<16xi32>
      %swap3A_151 = arith.constant 32 : index
      %swap3A_152 = tpu.vector_load %arg14[%swap3A_151] {strides = array<i32>} : memref<64xi32, #tpu.memory_space<vmem>>, vector<16xi32>,
      %swap3A_153 = vector.shape_cast %swap3A_152 : vector<16xi32> to vector<16xi32>
      %swap3A_154 = vector.shape_cast %get3A_150 : vector<16xi32> to vector<16xi32>
      tpu.vector_store %arg14[%swap3A_151], %swap3A_154 {strides = array<i32>} : memref<64xi32, #tpu.memory_space<vmem>>, vector<16xi32>,
      %get3A_155 = arith.constant 48 : index
      %get3A_156 = tpu.vector_load %arg12[%get3A_155] {strides = array<i32>} : memref<64xi32, #tpu.memory_space<vmem>>, vector<16xi32>,
      %get3A_157 = vector.shape_cast %get3A_156 : vector<16xi32> to vector<16xi32>
      %swap3A_158 = arith.constant 48 : index
      %swap3A_159 = tpu.vector_load %arg14[%swap3A_158] {strides = array<i32>} : memref<64xi32, #tpu.memory_space<vmem>>, vector<16xi32>,
      %swap3A_160 = vector.shape_cast %swap3A_159 : vector<16xi32> to vector<16xi32>
      %swap3A_161 = vector.shape_cast %get3A_157 : vector<16xi32> to vector<16xi32>
      tpu.vector_store %arg14[%swap3A_158], %swap3A_161 {strides = array<i32>} : memref<64xi32, #tpu.memory_space<vmem>>, vector<16xi32>,
      %parallel_loop3A_162 = arith.constant 0 : i32
      %parallel_loop3A_163 = arith.constant 64 : i32
      %parallel_loop3A_164 = arith.constant 1 : i32
      scf.for %parallel_loop3A_174 = %parallel_loop3A_162 to %parallel_loop3A_163 step %parallel_loop3A_164  : i32 {
        %parallel_loop3A_175 = arith.index_cast %parallel_loop3A_174 : i32 to index
        %parallel_loop3A_176 = arith.constant 0 : index
        %parallel_loop3A_177 = tpu.vector_load %arg16[%parallel_loop3A_175, %parallel_loop3A_176] {strides = array<i32>} : memref<64x16xf32, #tpu.memory_space<vmem>>, vector<1x16xf32>,
        %parallel_loop3A_178 = vector.shape_cast %parallel_loop3A_177 : vector<1x16xf32> to vector<16xf32>
        %parallel_loop3A_179 = arith.index_cast %parallel_loop3A_174 : i32 to index
        %parallel_loop3A_180 = arith.constant 0 : index
        %parallel_loop3A_181 = tpu.vector_load %arg18[%parallel_loop3A_179, %parallel_loop3A_180] {strides = array<i32>} : memref<64x16xf32, #tpu.memory_space<vmem>>, vector<1x16xf32>,
        %parallel_loop3A_182 = vector.shape_cast %parallel_loop3A_181 : vector<1x16xf32> to vector<16xf32>
        %parallel_loop3A_183 = arith.addf %parallel_loop3A_178, %parallel_loop3A_182 : vector<16xf32>
        %parallel_loop3A_184 = arith.constant 2.000000e-01 : f32
        %parallel_loop3A_185 = vector.broadcast %parallel_loop3A_184 : f32 to vector<16xf32>
        %parallel_loop3A_186 = arith.mulf %parallel_loop3A_185, %parallel_loop3A_183 : vector<16xf32>
        %parallel_loop3A_187 = arith.maximumf %parallel_loop3A_183, %parallel_loop3A_186 : vector<16xf32>
        %parallel_loop3A_188 = math.exp %parallel_loop3A_187 : vector<16xf32>
        %parallel_loop3A_189 = arith.constant 0.000000e+00 : f32
        %parallel_loop3A_190 = vector.broadcast %parallel_loop3A_189 : f32 to vector<16xf32>
        %parallel_loop3A_191 = arith.select %lt3A_6, %parallel_loop3A_188, %parallel_loop3A_190 : vector<16xi1>, vector<16xf32>
        %parallel_loop3A_192 = arith.index_cast %parallel_loop3A_174 : i32 to index
        %parallel_loop3A_193 = arith.constant 128 : index
        %parallel_loop3A_194 = tpu.vector_load %arg22[%parallel_loop3A_192, %parallel_loop3A_193] {strides = array<i32>} : memref<64x144xf32, #tpu.memory_space<vmem>>, vector<1x16xf32>,
        %parallel_loop3A_195 = vector.shape_cast %parallel_loop3A_194 : vector<1x16xf32> to vector<16xf32>
        %parallel_loop3A_196 = vector.shape_cast %parallel_loop3A_191 : vector<16xf32> to vector<1x16xf32>
        tpu.vector_store %arg22[%parallel_loop3A_192, %parallel_loop3A_193], %parallel_loop3A_196 {strides = array<i32>} : memref<64x144xf32, #tpu.memory_space<vmem>>, vector<1x16xf32>,
        %parallel_loop3A_197 = arith.constant 0 : i32
        %parallel_loop3A_198 = vector.broadcast %parallel_loop3A_197 : i32 to vector<16xi32>
        %parallel_loop3A_199 = vector.shape_cast %parallel_loop3A_198 : vector<16xi32> to vector<16x1xi32>
        %parallel_loop3A_200 = vector.shape_cast %parallel_loop3A_199 : vector<16x1xi32> to vector<16xi32>
        %parallel_loop3A_201 = tpu.dynamic_gather %parallel_loop3A_188[%parallel_loop3A_200] in [0] : vector<16xf32>, vector<16xi32> -> vector<16xf32>
        %parallel_loop3A_202 = arith.index_cast %parallel_loop3A_174 : i32 to index
        %parallel_loop3A_203 = arith.constant 0 : index
        %parallel_loop3A_204 = tpu.vector_load %arg20[%parallel_loop3A_202, %parallel_loop3A_203] {strides = array<i32>} : memref<64x128xf32, #tpu.memory_space<vmem>>, vector<1x16xf32>,
        %parallel_loop3A_205 = vector.shape_cast %parallel_loop3A_204 : vector<1x16xf32> to vector<16xf32>
        %parallel_loop3A_206 = arith.mulf %parallel_loop3A_201, %parallel_loop3A_205 : vector<16xf32>
        %parallel_loop3A_207 = arith.index_cast %parallel_loop3A_174 : i32 to index
        %parallel_loop3A_208 = arith.constant 0 : index
        %parallel_loop3A_209 = tpu.vector_load %arg22[%parallel_loop3A_207, %parallel_loop3A_208] {strides = array<i32>} : memref<64x144xf32, #tpu.memory_space<vmem>>, vector<1x16xf32>,
        %parallel_loop3A_210 = vector.shape_cast %parallel_loop3A_209 : vector<1x16xf32> to vector<16xf32>
        %parallel_loop3A_211 = vector.shape_cast %parallel_loop3A_206 : vector<16xf32> to vector<1x16xf32>
        tpu.vector_store %arg22[%parallel_loop3A_207, %parallel_loop3A_208], %parallel_loop3A_211 {strides = array<i32>} : memref<64x144xf32, #tpu.memory_space<vmem>>, vector<1x16xf32>,
        %parallel_loop3A_212 = arith.constant 1 : i32
        %parallel_loop3A_213 = vector.broadcast %parallel_loop3A_212 : i32 to vector<16xi32>
        %parallel_loop3A_214 = vector.shape_cast %parallel_loop3A_213 : vector<16xi32> to vector<16x1xi32>
        %parallel_loop3A_215 = vector.shape_cast %parallel_loop3A_214 : vector<16x1xi32> to vector<16xi32>
        %parallel_loop3A_216 = tpu.dynamic_gather %parallel_loop3A_188[%parallel_loop3A_215] in [0] : vector<16xf32>, vector<16xi32> -> vector<16xf32>
        %parallel_loop3A_217 = arith.index_cast %parallel_loop3A_174 : i32 to index
        %parallel_loop3A_218 = arith.constant 16 : index
        %parallel_loop3A_219 = tpu.vector_load %arg20[%parallel_loop3A_217, %parallel_loop3A_218] {strides = array<i32>} : memref<64x128xf32, #tpu.memory_space<vmem>>, vector<1x16xf32>,
        %parallel_loop3A_220 = vector.shape_cast %parallel_loop3A_219 : vector<1x16xf32> to vector<16xf32>
        %parallel_loop3A_221 = arith.mulf %parallel_loop3A_216, %parallel_loop3A_220 : vector<16xf32>
        %parallel_loop3A_222 = arith.index_cast %parallel_loop3A_174 : i32 to index
        %parallel_loop3A_223 = arith.constant 16 : index
        %parallel_loop3A_224 = tpu.vector_load %arg22[%parallel_loop3A_222, %parallel_loop3A_223] {strides = array<i32>} : memref<64x144xf32, #tpu.memory_space<vmem>>, vector<1x16xf32>,
        %parallel_loop3A_225 = vector.shape_cast %parallel_loop3A_224 : vector<1x16xf32> to vector<16xf32>
        %parallel_loop3A_226 = vector.shape_cast %parallel_loop3A_221 : vector<16xf32> to vector<1x16xf32>
        tpu.vector_store %arg22[%parallel_loop3A_222, %parallel_loop3A_223], %parallel_loop3A_226 {strides = array<i32>} : memref<64x144xf32, #tpu.memory_space<vmem>>, vector<1x16xf32>,
        %parallel_loop3A_227 = arith.constant 2 : i32
        %parallel_loop3A_228 = vector.broadcast %parallel_loop3A_227 : i32 to vector<16xi32>
        %parallel_loop3A_229 = vector.shape_cast %parallel_loop3A_228 : vector<16xi32> to vector<16x1xi32>
        %parallel_loop3A_230 = vector.shape_cast %parallel_loop3A_229 : vector<16x1xi32> to vector<16xi32>
        %parallel_loop3A_231 = tpu.dynamic_gather %parallel_loop3A_188[%parallel_loop3A_230] in [0] : vector<16xf32>, vector<16xi32> -> vector<16xf32>
        %parallel_loop3A_232 = arith.index_cast %parallel_loop3A_174 : i32 to index
        %parallel_loop3A_233 = arith.constant 32 : index
        %parallel_loop3A_234 = tpu.vector_load %arg20[%parallel_loop3A_232, %parallel_loop3A_233] {strides = array<i32>} : memref<64x128xf32, #tpu.memory_space<vmem>>, vector<1x16xf32>,
        %parallel_loop3A_235 = vector.shape_cast %parallel_loop3A_234 : vector<1x16xf32> to vector<16xf32>
        %parallel_loop3A_236 = arith.mulf %parallel_loop3A_231, %parallel_loop3A_235 : vector<16xf32>
        %parallel_loop3A_237 = arith.index_cast %parallel_loop3A_174 : i32 to index
        %parallel_loop3A_238 = arith.constant 32 : index
        %parallel_loop3A_239 = tpu.vector_load %arg22[%parallel_loop3A_237, %parallel_loop3A_238] {strides = array<i32>} : memref<64x144xf32, #tpu.memory_space<vmem>>, vector<1x16xf32>,
        %parallel_loop3A_240 = vector.shape_cast %parallel_loop3A_239 : vector<1x16xf32> to vector<16xf32>
        %parallel_loop3A_241 = vector.shape_cast %parallel_loop3A_236 : vector<16xf32> to vector<1x16xf32>
        tpu.vector_store %arg22[%parallel_loop3A_237, %parallel_loop3A_238], %parallel_loop3A_241 {strides = array<i32>} : memref<64x144xf32, #tpu.memory_space<vmem>>, vector<1x16xf32>,
        %parallel_loop3A_242 = arith.constant 3 : i32
        %parallel_loop3A_243 = vector.broadcast %parallel_loop3A_242 : i32 to vector<16xi32>
        %parallel_loop3A_244 = vector.shape_cast %parallel_loop3A_243 : vector<16xi32> to vector<16x1xi32>
        %parallel_loop3A_245 = vector.shape_cast %parallel_loop3A_244 : vector<16x1xi32> to vector<16xi32>
        %parallel_loop3A_246 = tpu.dynamic_gather %parallel_loop3A_188[%parallel_loop3A_245] in [0] : vector<16xf32>, vector<16xi32> -> vector<16xf32>
        %parallel_loop3A_247 = arith.index_cast %parallel_loop3A_174 : i32 to index
        %parallel_loop3A_248 = arith.constant 48 : index
        %parallel_loop3A_249 = tpu.vector_load %arg20[%parallel_loop3A_247, %parallel_loop3A_248] {strides = array<i32>} : memref<64x128xf32, #tpu.memory_space<vmem>>, vector<1x16xf32>,
        %parallel_loop3A_250 = vector.shape_cast %parallel_loop3A_249 : vector<1x16xf32> to vector<16xf32>
        %parallel_loop3A_251 = arith.mulf %parallel_loop3A_246, %parallel_loop3A_250 : vector<16xf32>
        %parallel_loop3A_252 = arith.index_cast %parallel_loop3A_174 : i32 to index
        %parallel_loop3A_253 = arith.constant 48 : index
        %parallel_loop3A_254 = tpu.vector_load %arg22[%parallel_loop3A_252, %parallel_loop3A_253] {strides = array<i32>} : memref<64x144xf32, #tpu.memory_space<vmem>>, vector<1x16xf32>,
        %parallel_loop3A_255 = vector.shape_cast %parallel_loop3A_254 : vector<1x16xf32> to vector<16xf32>
        %parallel_loop3A_256 = vector.shape_cast %parallel_loop3A_251 : vector<16xf32> to vector<1x16xf32>
        tpu.vector_store %arg22[%parallel_loop3A_252, %parallel_loop3A_253], %parallel_loop3A_256 {strides = array<i32>} : memref<64x144xf32, #tpu.memory_space<vmem>>, vector<1x16xf32>,
        %parallel_loop3A_257 = arith.constant 4 : i32
        %parallel_loop3A_258 = vector.broadcast %parallel_loop3A_257 : i32 to vector<16xi32>
        %parallel_loop3A_259 = vector.shape_cast %parallel_loop3A_258 : vector<16xi32> to vector<16x1xi32>
        %parallel_loop3A_260 = vector.shape_cast %parallel_loop3A_259 : vector<16x1xi32> to vector<16xi32>
        %parallel_loop3A_261 = tpu.dynamic_gather %parallel_loop3A_188[%parallel_loop3A_260] in [0] : vector<16xf32>, vector<16xi32> -> vector<16xf32>
        %parallel_loop3A_262 = arith.index_cast %parallel_loop3A_174 : i32 to index
        %parallel_loop3A_263 = arith.constant 64 : index
        %parallel_loop3A_264 = tpu.vector_load %arg20[%parallel_loop3A_262, %parallel_loop3A_263] {strides = array<i32>} : memref<64x128xf32, #tpu.memory_space<vmem>>, vector<1x16xf32>,
        %parallel_loop3A_265 = vector.shape_cast %parallel_loop3A_264 : vector<1x16xf32> to vector<16xf32>
        %parallel_loop3A_266 = arith.mulf %parallel_loop3A_261, %parallel_loop3A_265 : vector<16xf32>
        %parallel_loop3A_267 = arith.index_cast %parallel_loop3A_174 : i32 to index
        %parallel_loop3A_268 = arith.constant 64 : index
        %parallel_loop3A_269 = tpu.vector_load %arg22[%parallel_loop3A_267, %parallel_loop3A_268] {strides = array<i32>} : memref<64x144xf32, #tpu.memory_space<vmem>>, vector<1x16xf32>,
        %parallel_loop3A_270 = vector.shape_cast %parallel_loop3A_269 : vector<1x16xf32> to vector<16xf32>
        %parallel_loop3A_271 = vector.shape_cast %parallel_loop3A_266 : vector<16xf32> to vector<1x16xf32>
        tpu.vector_store %arg22[%parallel_loop3A_267, %parallel_loop3A_268], %parallel_loop3A_271 {strides = array<i32>} : memref<64x144xf32, #tpu.memory_space<vmem>>, vector<1x16xf32>,
        %parallel_loop3A_272 = arith.constant 5 : i32
        %parallel_loop3A_273 = vector.broadcast %parallel_loop3A_272 : i32 to vector<16xi32>
        %parallel_loop3A_274 = vector.shape_cast %parallel_loop3A_273 : vector<16xi32> to vector<16x1xi32>
        %parallel_loop3A_275 = vector.shape_cast %parallel_loop3A_274 : vector<16x1xi32> to vector<16xi32>
        %parallel_loop3A_276 = tpu.dynamic_gather %parallel_loop3A_188[%parallel_loop3A_275] in [0] : vector<16xf32>, vector<16xi32> -> vector<16xf32>
        %parallel_loop3A_277 = arith.index_cast %parallel_loop3A_174 : i32 to index
        %parallel_loop3A_278 = arith.constant 80 : index
        %parallel_loop3A_279 = tpu.vector_load %arg20[%parallel_loop3A_277, %parallel_loop3A_278] {strides = array<i32>} : memref<64x128xf32, #tpu.memory_space<vmem>>, vector<1x16xf32>,
        %parallel_loop3A_280 = vector.shape_cast %parallel_loop3A_279 : vector<1x16xf32> to vector<16xf32>
        %parallel_loop3A_281 = arith.mulf %parallel_loop3A_276, %parallel_loop3A_280 : vector<16xf32>
        %parallel_loop3A_282 = arith.index_cast %parallel_loop3A_174 : i32 to index
        %parallel_loop3A_283 = arith.constant 80 : index
        %parallel_loop3A_284 = tpu.vector_load %arg22[%parallel_loop3A_282, %parallel_loop3A_283] {strides = array<i32>} : memref<64x144xf32, #tpu.memory_space<vmem>>, vector<1x16xf32>,
        %parallel_loop3A_285 = vector.shape_cast %parallel_loop3A_284 : vector<1x16xf32> to vector<16xf32>
        %parallel_loop3A_286 = vector.shape_cast %parallel_loop3A_281 : vector<16xf32> to vector<1x16xf32>
        tpu.vector_store %arg22[%parallel_loop3A_282, %parallel_loop3A_283], %parallel_loop3A_286 {strides = array<i32>} : memref<64x144xf32, #tpu.memory_space<vmem>>, vector<1x16xf32>,
        %parallel_loop3A_287 = arith.constant 6 : i32
        %parallel_loop3A_288 = vector.broadcast %parallel_loop3A_287 : i32 to vector<16xi32>
        %parallel_loop3A_289 = vector.shape_cast %parallel_loop3A_288 : vector<16xi32> to vector<16x1xi32>
        %parallel_loop3A_290 = vector.shape_cast %parallel_loop3A_289 : vector<16x1xi32> to vector<16xi32>
        %parallel_loop3A_291 = tpu.dynamic_gather %parallel_loop3A_188[%parallel_loop3A_290] in [0] : vector<16xf32>, vector<16xi32> -> vector<16xf32>
        %parallel_loop3A_292 = arith.index_cast %parallel_loop3A_174 : i32 to index
        %parallel_loop3A_293 = arith.constant 96 : index
        %parallel_loop3A_294 = tpu.vector_load %arg20[%parallel_loop3A_292, %parallel_loop3A_293] {strides = array<i32>} : memref<64x128xf32, #tpu.memory_space<vmem>>, vector<1x16xf32>,
        %parallel_loop3A_295 = vector.shape_cast %parallel_loop3A_294 : vector<1x16xf32> to vector<16xf32>
        %parallel_loop3A_296 = arith.mulf %parallel_loop3A_291, %parallel_loop3A_295 : vector<16xf32>
        %parallel_loop3A_297 = arith.index_cast %parallel_loop3A_174 : i32 to index
        %parallel_loop3A_298 = arith.constant 96 : index
        %parallel_loop3A_299 = tpu.vector_load %arg22[%parallel_loop3A_297, %parallel_loop3A_298] {strides = array<i32>} : memref<64x144xf32, #tpu.memory_space<vmem>>, vector<1x16xf32>,
        %parallel_loop3A_300 = vector.shape_cast %parallel_loop3A_299 : vector<1x16xf32> to vector<16xf32>
        %parallel_loop3A_301 = vector.shape_cast %parallel_loop3A_296 : vector<16xf32> to vector<1x16xf32>
        tpu.vector_store %arg22[%parallel_loop3A_297, %parallel_loop3A_298], %parallel_loop3A_301 {strides = array<i32>} : memref<64x144xf32, #tpu.memory_space<vmem>>, vector<1x16xf32>,
        %parallel_loop3A_302 = arith.constant 7 : i32
        %parallel_loop3A_303 = vector.broadcast %parallel_loop3A_302 : i32 to vector<16xi32>
        %parallel_loop3A_304 = vector.shape_cast %parallel_loop3A_303 : vector<16xi32> to vector<16x1xi32>
        %parallel_loop3A_305 = vector.shape_cast %parallel_loop3A_304 : vector<16x1xi32> to vector<16xi32>
        %parallel_loop3A_306 = tpu.dynamic_gather %parallel_loop3A_188[%parallel_loop3A_305] in [0] : vector<16xf32>, vector<16xi32> -> vector<16xf32>
        %parallel_loop3A_307 = arith.index_cast %parallel_loop3A_174 : i32 to index
        %parallel_loop3A_308 = arith.constant 112 : index
        %parallel_loop3A_309 = tpu.vector_load %arg20[%parallel_loop3A_307, %parallel_loop3A_308] {strides = array<i32>} : memref<64x128xf32, #tpu.memory_space<vmem>>, vector<1x16xf32>,
        %parallel_loop3A_310 = vector.shape_cast %parallel_loop3A_309 : vector<1x16xf32> to vector<16xf32>
        %parallel_loop3A_311 = arith.mulf %parallel_loop3A_306, %parallel_loop3A_310 : vector<16xf32>
        %parallel_loop3A_312 = arith.index_cast %parallel_loop3A_174 : i32 to index
        %parallel_loop3A_313 = arith.constant 112 : index
        %parallel_loop3A_314 = tpu.vector_load %arg22[%parallel_loop3A_312, %parallel_loop3A_313] {strides = array<i32>} : memref<64x144xf32, #tpu.memory_space<vmem>>, vector<1x16xf32>,
        %parallel_loop3A_315 = vector.shape_cast %parallel_loop3A_314 : vector<1x16xf32> to vector<16xf32>
        %parallel_loop3A_316 = vector.shape_cast %parallel_loop3A_311 : vector<16xf32> to vector<1x16xf32>
        tpu.vector_store %arg22[%parallel_loop3A_312, %parallel_loop3A_313], %parallel_loop3A_316 {strides = array<i32>} : memref<64x144xf32, #tpu.memory_space<vmem>>, vector<1x16xf32>,
      } {sc.loop_unroll_factor = 8 : i64, sc.parallel_access}
      %dma_start3A_165 = arith.constant 0 : i32
      %dma_start3A_166 = arith.constant 0 : i32
      %dma_start3A_167 = tpu.memref_slice %arg23[%dma_start3A_165, %dma_start3A_166] : memref<10016x144xf32, #tpu.memory_space<vmem_shared>> -> memref<10016x144xf32, #tpu.memory_space<vmem_shared>>
      tpu.enqueue_indirect_dma source(%arg22 : memref<64x144xf32, #tpu.memory_space<vmem>>) target(%dma_start3A_167 : memref<10016x144xf32, #tpu.memory_space<vmem_shared>>) offsets(%arg14 : memref<64xi32, #tpu.memory_space<vmem>>) semaphore(%arg35 : memref<!tpu.dma_semaphore, #tpu.memory_space<semaphore_mem>>) {add = true}
      %lt3A_168 = arith.constant 80 : i32
      %lt3A_169 = arith.cmpi slt, %scan3A_47, %lt3A_168 : i32
      %convert_element_type3A_170 = arith.extui %lt3A_169 : i1 to i32
      %cond3A_171 = arith.constant 0 : i32
      %cond3A_172 = arith.cmpi ne, %convert_element_type3A_170, %cond3A_171 : i32
      scf.if %cond3A_172 {
        %dma_wait3A_174 = arith.constant 0 : i32
        %dma_wait3A_175 = tpu.memref_slice %arg2[%dma_wait3A_174] : memref<331776xi32, #tpu.memory_space<hbm>> -> memref<64xi32, #tpu.memory_space<hbm>>
        %dma_wait3A_176 = arith.constant 0 : i32
        %dma_wait3A_177 = tpu.memref_slice %arg2[%dma_wait3A_176] : memref<331776xi32, #tpu.memory_space<hbm>> -> memref<64xi32, #tpu.memory_space<hbm>>
        tpu.wait_dma2 semaphore(%arg24 : memref<!tpu.dma_semaphore, #tpu.memory_space<semaphore_mem>>) src(%dma_wait3A_177 : memref<64xi32, #tpu.memory_space<hbm>>) dst(%arg9 : memref<64xi32, #tpu.memory_space<vmem>>)
        %dma_wait3A_178 = arith.constant 0 : i32
        %dma_wait3A_179 = tpu.memref_slice %arg3[%dma_wait3A_178] : memref<331776xi32, #tpu.memory_space<hbm>> -> memref<64xi32, #tpu.memory_space<hbm>>
        %dma_wait3A_180 = arith.constant 0 : i32
        %dma_wait3A_181 = tpu.memref_slice %arg3[%dma_wait3A_180] : memref<331776xi32, #tpu.memory_space<hbm>> -> memref<64xi32, #tpu.memory_space<hbm>>
        tpu.wait_dma2 semaphore(%arg26 : memref<!tpu.dma_semaphore, #tpu.memory_space<semaphore_mem>>) src(%dma_wait3A_181 : memref<64xi32, #tpu.memory_space<hbm>>) dst(%arg11 : memref<64xi32, #tpu.memory_space<vmem>>)
        %dma_start3A_182 = arith.constant 0 : i32
        %dma_start3A_183 = arith.constant 0 : i32
        %dma_start3A_184 = tpu.memref_slice %arg4[%dma_start3A_182, %dma_start3A_183] : memref<10000x16xf32, #tpu.memory_space<hbm>> -> memref<10000x16xf32, #tpu.memory_space<hbm>>
        tpu.enqueue_indirect_dma source(%dma_start3A_184 : memref<10000x16xf32, #tpu.memory_space<hbm>>) target(%arg15 : memref<64x16xf32, #tpu.memory_space<vmem>>) offsets(%arg9 : memref<64xi32, #tpu.memory_space<vmem>>) semaphore(%arg28 : memref<!tpu.dma_semaphore, #tpu.memory_space<semaphore_mem>>)
        %dma_start3A_185 = arith.constant 0 : i32
        %dma_start3A_186 = arith.constant 0 : i32
        %dma_start3A_187 = tpu.memref_slice %arg5[%dma_start3A_185, %dma_start3A_186] : memref<10000x16xf32, #tpu.memory_space<hbm>> -> memref<10000x16xf32, #tpu.memory_space<hbm>>
        tpu.enqueue_indirect_dma source(%dma_start3A_187 : memref<10000x16xf32, #tpu.memory_space<hbm>>) target(%arg17 : memref<64x16xf32, #tpu.memory_space<vmem>>) offsets(%arg11 : memref<64xi32, #tpu.memory_space<vmem>>) semaphore(%arg30 : memref<!tpu.dma_semaphore, #tpu.memory_space<semaphore_mem>>)
        %dma_start3A_188 = arith.constant 0 : i32
        %dma_start3A_189 = arith.constant 0 : i32
        %dma_start3A_190 = tpu.memref_slice %arg6[%dma_start3A_188, %dma_start3A_189] : memref<10000x128xf32, #tpu.memory_space<hbm>> -> memref<10000x128xf32, #tpu.memory_space<hbm>>
        tpu.enqueue_indirect_dma source(%dma_start3A_190 : memref<10000x128xf32, #tpu.memory_space<hbm>>) target(%arg19 : memref<64x128xf32, #tpu.memory_space<vmem>>) offsets(%arg9 : memref<64xi32, #tpu.memory_space<vmem>>) semaphore(%arg32 : memref<!tpu.dma_semaphore, #tpu.memory_space<semaphore_mem>>)
      } else {
      }
      %scan3A_173 = arith.constant 0 : i32
      scf.yield %scan3A_173 : i32
    }
    %scan3A_39 = arith.constant 81 : i32
    %dma_wait3A_40 = arith.constant 0 : i32
    %dma_wait3A_41 = arith.constant 0 : i32
    %dma_wait3A_42 = tpu.memref_slice %arg23[%dma_wait3A_40, %dma_wait3A_41] : memref<10016x144xf32, #tpu.memory_space<vmem_shared>> -> memref<10016x144xf32, #tpu.memory_space<vmem_shared>>
    tpu.wait_indirect_dma semaphore(%arg34 : memref<!tpu.dma_semaphore, #tpu.memory_space<semaphore_mem>>) src(%arg21 : memref<64x144xf32, #tpu.memory_space<vmem>>) dst(%dma_wait3A_42 : memref<10016x144xf32, #tpu.memory_space<vmem_shared>>)
    %dma_wait3A_43 = arith.constant 0 : i32
    %dma_wait3A_44 = arith.constant 0 : i32
    %dma_wait3A_45 = tpu.memref_slice %arg23[%dma_wait3A_43, %dma_wait3A_44] : memref<10016x144xf32, #tpu.memory_space<vmem_shared>> -> memref<10016x144xf32, #tpu.memory_space<vmem_shared>>
    tpu.wait_indirect_dma semaphore(%arg35 : memref<!tpu.dma_semaphore, #tpu.memory_space<semaphore_mem>>) src(%arg22 : memref<64x144xf32, #tpu.memory_space<vmem>>) dst(%dma_wait3A_45 : memref<10016x144xf32, #tpu.memory_space<vmem_shared>>)
    %barrier3A_46 = arith.constant 0 : index
    tpu.barrier barrier_id(%barrier3A_46)
    "tpu.region"() ({
      %run_scoped3A = tpu.sem_alloc : memref<!tpu.dma_semaphore, #tpu.memory_space<semaphore_mem>>
      %dma_start3A_47 = arith.constant 0 : i32
      %dma_start3A_48 = tpu.memref_slice %arg8[%arg0, %mul3A_4, %dma_start3A_47] : memref<2x10016x144xf32, #tpu.memory_space<hbm>> -> memref<1x626x144xf32, #tpu.memory_space<hbm>>
      %dma_start3A_49 = tpu.memref_squeeze %dma_start3A_48 : memref<1x626x144xf32, #tpu.memory_space<hbm>> -> memref<626x144xf32, #tpu.memory_space<hbm>>
      %dma_start3A_50 = arith.constant 0 : i32
      %dma_start3A_51 = tpu.memref_slice %arg23[%mul3A_4, %dma_start3A_50] : memref<10016x144xf32, #tpu.memory_space<vmem_shared>> -> memref<626x144xf32, #tpu.memory_space<vmem_shared>>
      tpu.enqueue_dma source(%dma_start3A_51 : memref<626x144xf32, #tpu.memory_space<vmem_shared>>) target(%dma_start3A_49 : memref<626x144xf32, #tpu.memory_space<hbm>>) target_semaphore(%run_scoped3A : memref<!tpu.dma_semaphore, #tpu.memory_space<semaphore_mem>>)
      %dma_wait3A_52 = arith.constant 0 : i32
      %dma_wait3A_53 = tpu.memref_slice %arg8[%arg0, %mul3A_4, %dma_wait3A_52] : memref<2x10016x144xf32, #tpu.memory_space<hbm>> -> memref<1x626x144xf32, #tpu.memory_space<hbm>>
      %dma_wait3A_54 = tpu.memref_squeeze %dma_wait3A_53 : memref<1x626x144xf32, #tpu.memory_space<hbm>> -> memref<626x144xf32, #tpu.memory_space<hbm>>
      %dma_wait3A_55 = arith.constant 0 : i32
      %dma_wait3A_56 = tpu.memref_slice %arg23[%mul3A_4, %dma_wait3A_55] : memref<10016x144xf32, #tpu.memory_space<vmem_shared>> -> memref<626x144xf32, #tpu.memory_space<vmem_shared>>
      tpu.wait_dma2 semaphore(%run_scoped3A : memref<!tpu.dma_semaphore, #tpu.memory_space<semaphore_mem>>) src(%dma_wait3A_56 : memref<626x144xf32, #tpu.memory_space<vmem_shared>>) dst(%dma_wait3A_54 : memref<626x144xf32, #tpu.memory_space<hbm>>)
      tpu.yield
    }) : () -> ()
    return
  }
}

module attributes {stable_mosaic.version = 14 : i64} {
  func.func @_tc_pre_body(%arg0: i32, %arg1: memref<1000x128xf32, #tpu.memory_space<vmem>>, %arg2: memref<128x128xf32, #tpu.memory_space<vmem>>, %arg3: memref<128x16xf32, #tpu.memory_space<vmem>>, %arg4: memref<128x16xf32, #tpu.memory_space<vmem>>, %arg5: memref<1000x128xf32, #tpu.memory_space<vmem>>, %arg6: memref<1000x16xf32, #tpu.memory_space<vmem>>, %arg7: memref<1000x16xf32, #tpu.memory_space<vmem>>) attributes {dimension_semantics = [#tpu.dimension_semantics<arbitrary>], iteration_bounds = array<i64: 10>, scalar_prefetch = 0 : i64, scratch_operands = 0 : i64, tpu.core_type = #tpu.core_type<tc>, window_params = [{transform_indices = @transform_0, window_bounds = array<i64: 1000, 128>}, {pipeline_mode = #tpu.pipeline_mode<synchronous>, transform_indices = @transform_1, window_bounds = array<i64: 128, 128>}, {pipeline_mode = #tpu.pipeline_mode<synchronous>, transform_indices = @transform_2, window_bounds = array<i64: 128, 16>}, {pipeline_mode = #tpu.pipeline_mode<synchronous>, transform_indices = @transform_3, window_bounds = array<i64: 128, 16>}, {transform_indices = @transform_4, window_bounds = array<i64: 1000, 128>}, {transform_indices = @transform_5, window_bounds = array<i64: 1000, 16>}, {transform_indices = @transform_6, window_bounds = array<i64: 1000, 16>}]} {
    %get3A = arith.constant 0 : index
    %get3A_0 = arith.constant 0 : index
    %get3A_1 = vector.load %arg1[%get3A, %get3A_0] : memref<1000x128xf32, #tpu.memory_space<vmem>>, vector<1000x128xf32>
    %get3A_2 = arith.constant 0 : index
    %get3A_3 = arith.constant 0 : index
    %get3A_4 = vector.load %arg2[%get3A_2, %get3A_3] : memref<128x128xf32, #tpu.memory_space<vmem>>, vector<128x128xf32>
    %dot_general3A = arith.constant dense<0.000000e+00> : vector<1000x128xf32>
    %dot_general3A_5 = tpu.matmul %get3A_1, %get3A_4, %dot_general3A {dimension_numbers = #tpu.dot_dimension_numbers<[1], [0], [0], [1], [0, 0, 1, 1], [], []>, transpose_lhs_hint = false} : vector<1000x128xf32>, vector<128x128xf32>, vector<1000x128xf32> -> vector<1000x128xf32>
    %swap3A = arith.constant 0 : index
    %swap3A_6 = arith.constant 0 : index
    %swap3A_7 = vector.load %arg5[%swap3A, %swap3A_6] : memref<1000x128xf32, #tpu.memory_space<vmem>>, vector<1000x128xf32>
    tpu.vector_store %arg5[%swap3A, %swap3A_6], %dot_general3A_5 {strides = array<i32>} : memref<1000x128xf32, #tpu.memory_space<vmem>>, vector<1000x128xf32>,
    %get3A_8 = arith.constant 0 : index
    %get3A_9 = arith.constant 0 : index
    %get3A_10 = vector.load %arg3[%get3A_8, %get3A_9] : memref<128x16xf32, #tpu.memory_space<vmem>>, vector<128x16xf32>
    %dot_general3A_11 = arith.constant dense<0.000000e+00> : vector<1000x16xf32>
    %dot_general3A_12 = tpu.matmul %dot_general3A_5, %get3A_10, %dot_general3A_11 {dimension_numbers = #tpu.dot_dimension_numbers<[1], [0], [0], [1], [0, 0, 1, 1], [], []>, transpose_lhs_hint = false} : vector<1000x128xf32>, vector<128x16xf32>, vector<1000x16xf32> -> vector<1000x16xf32>
    %swap3A_13 = arith.constant 0 : index
    %swap3A_14 = arith.constant 0 : index
    %swap3A_15 = vector.load %arg6[%swap3A_13, %swap3A_14] : memref<1000x16xf32, #tpu.memory_space<vmem>>, vector<1000x16xf32>
    tpu.vector_store %arg6[%swap3A_13, %swap3A_14], %dot_general3A_12 {strides = array<i32>} : memref<1000x16xf32, #tpu.memory_space<vmem>>, vector<1000x16xf32>,
    %get3A_16 = arith.constant 0 : index
    %get3A_17 = arith.constant 0 : index
    %get3A_18 = vector.load %arg4[%get3A_16, %get3A_17] : memref<128x16xf32, #tpu.memory_space<vmem>>, vector<128x16xf32>
    %dot_general3A_19 = arith.constant dense<0.000000e+00> : vector<1000x16xf32>
    %dot_general3A_20 = tpu.matmul %dot_general3A_5, %get3A_18, %dot_general3A_19 {dimension_numbers = #tpu.dot_dimension_numbers<[1], [0], [0], [1], [0, 0, 1, 1], [], []>, transpose_lhs_hint = false} : vector<1000x128xf32>, vector<128x16xf32>, vector<1000x16xf32> -> vector<1000x16xf32>
    %swap3A_21 = arith.constant 0 : index
    %swap3A_22 = arith.constant 0 : index
    %swap3A_23 = vector.load %arg7[%swap3A_21, %swap3A_22] : memref<1000x16xf32, #tpu.memory_space<vmem>>, vector<1000x16xf32>
    tpu.vector_store %arg7[%swap3A_21, %swap3A_22], %dot_general3A_20 {strides = array<i32>} : memref<1000x16xf32, #tpu.memory_space<vmem>>, vector<1000x16xf32>,
    return
  }
  func.func @transform_0(%arg0: i32) -> (i32, i32) {
    %c0_i32 = arith.constant 0 : i32
    %c0_i32_0 = arith.constant 0 : i32
    return %arg0, %c0_i32 : i32, i32
  }
  func.func @transform_1(%arg0: i32) -> (i32, i32) {
    %c0_i32 = arith.constant 0 : i32
    %c0_i32_0 = arith.constant 0 : i32
    %c0_i32_1 = arith.constant 0 : i32
    return %c0_i32, %c0_i32_0 : i32, i32
  }
  func.func @transform_2(%arg0: i32) -> (i32, i32) {
    %c0_i32 = arith.constant 0 : i32
    %c0_i32_0 = arith.constant 0 : i32
    %c0_i32_1 = arith.constant 0 : i32
    return %c0_i32, %c0_i32_0 : i32, i32
  }
  func.func @transform_3(%arg0: i32) -> (i32, i32) {
    %c0_i32 = arith.constant 0 : i32
    %c0_i32_0 = arith.constant 0 : i32
    %c0_i32_1 = arith.constant 0 : i32
    return %c0_i32, %c0_i32_0 : i32, i32
  }
  func.func @transform_4(%arg0: i32) -> (i32, i32) {
    %c0_i32 = arith.constant 0 : i32
    %c0_i32_0 = arith.constant 0 : i32
    return %arg0, %c0_i32 : i32, i32
  }
  func.func @transform_5(%arg0: i32) -> (i32, i32) {
    %c0_i32 = arith.constant 0 : i32
    %c0_i32_0 = arith.constant 0 : i32
    return %arg0, %c0_i32 : i32, i32
  }
  func.func @transform_6(%arg0: i32) -> (i32, i32) {
    %c0_i32 = arith.constant 0 : i32
    %c0_i32_0 = arith.constant 0 : i32
    return %arg0, %c0_i32 : i32, i32
  }
}

module attributes {stable_mosaic.version = 14 : i64} {
  func.func @_tc_mid_body(%arg0: i32, %arg1: memref<2x2504x144xf32, #tpu.memory_space<vmem>>, %arg2: memref<144x128xf32, #tpu.memory_space<vmem>>, %arg3: memref<144x128xf32, #tpu.memory_space<vmem>>, %arg4: memref<1x128xf32, #tpu.memory_space<vmem>>, %arg5: memref<128x64xf32, #tpu.memory_space<vmem>>, %arg6: memref<64x16xf32, #tpu.memory_space<vmem>>, %arg7: memref<64x16xf32, #tpu.memory_space<vmem>>, %arg8: memref<2504x64xf32, #tpu.memory_space<vmem>>, %arg9: memref<2504x16xf32, #tpu.memory_space<vmem>>, %arg10: memref<2504x16xf32, #tpu.memory_space<vmem>>) attributes {dimension_semantics = [#tpu.dimension_semantics<arbitrary>], iteration_bounds = array<i64: 4>, scalar_prefetch = 0 : i64, scratch_operands = 0 : i64, tpu.core_type = #tpu.core_type<tc>, window_params = [{transform_indices = @transform_0, window_bounds = array<i64: 2, 2504, 144>}, {pipeline_mode = #tpu.pipeline_mode<synchronous>, transform_indices = @transform_1, window_bounds = array<i64: 144, 128>}, {pipeline_mode = #tpu.pipeline_mode<synchronous>, transform_indices = @transform_2, window_bounds = array<i64: 144, 128>}, {pipeline_mode = #tpu.pipeline_mode<synchronous>, transform_indices = @transform_3, window_bounds = array<i64: 1, 128>}, {pipeline_mode = #tpu.pipeline_mode<synchronous>, transform_indices = @transform_4, window_bounds = array<i64: 128, 64>}, {pipeline_mode = #tpu.pipeline_mode<synchronous>, transform_indices = @transform_5, window_bounds = array<i64: 64, 16>}, {pipeline_mode = #tpu.pipeline_mode<synchronous>, transform_indices = @transform_6, window_bounds = array<i64: 64, 16>}, {transform_indices = @transform_7, window_bounds = array<i64: 2504, 64>}, {transform_indices = @transform_8, window_bounds = array<i64: 2504, 16>}, {transform_indices = @transform_9, window_bounds = array<i64: 2504, 16>}]} {
    %get3A = arith.constant 0 : index
    %get3A_0 = arith.constant 0 : index
    %get3A_1 = arith.constant 0 : index
    %get3A_2 = vector.load %arg1[%get3A, %get3A_0, %get3A_1] : memref<2x2504x144xf32, #tpu.memory_space<vmem>>, vector<1x2504x144xf32>
    %get3A_3 = vector.shape_cast %get3A_2 : vector<1x2504x144xf32> to vector<2504x144xf32>
    %get3A_4 = arith.constant 1 : index
    %get3A_5 = arith.constant 0 : index
    %get3A_6 = arith.constant 0 : index
    %get3A_7 = vector.load %arg1[%get3A_4, %get3A_5, %get3A_6] : memref<2x2504x144xf32, #tpu.memory_space<vmem>>, vector<1x2504x144xf32>
    %get3A_8 = vector.shape_cast %get3A_7 : vector<1x2504x144xf32> to vector<2504x144xf32>
    %add3A = arith.addf %get3A_3, %get3A_8 : vector<2504x144xf32>
    %get3A_9 = arith.constant 0 : index
    %get3A_10 = arith.constant 0 : index
    %get3A_11 = vector.load %arg2[%get3A_9, %get3A_10] : memref<144x128xf32, #tpu.memory_space<vmem>>, vector<144x128xf32>
    %dot_general3A = arith.constant dense<0.000000e+00> : vector<2504x128xf32>
    %dot_general3A_12 = tpu.matmul %add3A, %get3A_11, %dot_general3A {dimension_numbers = #tpu.dot_dimension_numbers<[1], [0], [0], [1], [0, 0, 1, 1], [], []>, transpose_lhs_hint = false} : vector<2504x144xf32>, vector<144x128xf32>, vector<2504x128xf32> -> vector<2504x128xf32>
    %get3A_13 = arith.constant 0 : index
    %get3A_14 = arith.constant 0 : index
    %get3A_15 = vector.load %arg3[%get3A_13, %get3A_14] : memref<144x128xf32, #tpu.memory_space<vmem>>, vector<144x128xf32>
    %dot_general3A_16 = arith.constant dense<0.000000e+00> : vector<2504x128xf32>
    %dot_general3A_17 = tpu.matmul %add3A, %get3A_15, %dot_general3A_16 {dimension_numbers = #tpu.dot_dimension_numbers<[1], [0], [0], [1], [0, 0, 1, 1], [], []>, transpose_lhs_hint = false} : vector<2504x144xf32>, vector<144x128xf32>, vector<2504x128xf32> -> vector<2504x128xf32>
    %add3A_18 = arith.constant 1.000000e-16 : f32
    %add3A_19 = vector.broadcast %add3A_18 : f32 to vector<2504x128xf32>
    %add3A_20 = arith.addf %dot_general3A_17, %add3A_19 : vector<2504x128xf32>
    %div3A = arith.divf %dot_general3A_12, %add3A_20 : vector<2504x128xf32>
    %get3A_21 = arith.constant 0 : index
    %get3A_22 = arith.constant 0 : index
    %get3A_23 = vector.load %arg4[%get3A_21, %get3A_22] : memref<1x128xf32, #tpu.memory_space<vmem>>, vector<1x128xf32>
    %add3A_24 = vector.broadcast %get3A_23 : vector<1x128xf32> to vector<2504x128xf32>
    %add3A_25 = arith.addf %div3A, %add3A_24 : vector<2504x128xf32>
    %gt3A = arith.constant 0.000000e+00 : f32
    %gt3A_26 = vector.broadcast %gt3A : f32 to vector<2504x128xf32>
    %gt3A_27 = arith.cmpf ogt, %add3A_25, %gt3A_26 : vector<2504x128xf32>
    %exp3A = math.exp %add3A_25 : vector<2504x128xf32>
    %sub3A = arith.constant 1.000000e+00 : f32
    %sub3A_28 = vector.broadcast %sub3A : f32 to vector<2504x128xf32>
    %sub3A_29 = arith.subf %exp3A, %sub3A_28 : vector<2504x128xf32>
    %select_n3A = arith.select %gt3A_27, %add3A_25, %sub3A_29 : vector<2504x128xi1>, vector<2504x128xf32>
    %get3A_30 = arith.constant 0 : index
    %get3A_31 = arith.constant 0 : index
    %get3A_32 = vector.load %arg5[%get3A_30, %get3A_31] : memref<128x64xf32, #tpu.memory_space<vmem>>, vector<128x64xf32>
    %dot_general3A_33 = arith.constant dense<0.000000e+00> : vector<2504x64xf32>
    %dot_general3A_34 = tpu.matmul %select_n3A, %get3A_32, %dot_general3A_33 {dimension_numbers = #tpu.dot_dimension_numbers<[1], [0], [0], [1], [0, 0, 1, 1], [], []>, transpose_lhs_hint = false} : vector<2504x128xf32>, vector<128x64xf32>, vector<2504x64xf32> -> vector<2504x64xf32>
    %swap3A = arith.constant 0 : index
    %swap3A_35 = arith.constant 0 : index
    %swap3A_36 = vector.load %arg8[%swap3A, %swap3A_35] : memref<2504x64xf32, #tpu.memory_space<vmem>>, vector<2504x64xf32>
    tpu.vector_store %arg8[%swap3A, %swap3A_35], %dot_general3A_34 {strides = array<i32>} : memref<2504x64xf32, #tpu.memory_space<vmem>>, vector<2504x64xf32>,
    %get3A_37 = arith.constant 0 : index
    %get3A_38 = arith.constant 0 : index
    %get3A_39 = vector.load %arg6[%get3A_37, %get3A_38] : memref<64x16xf32, #tpu.memory_space<vmem>>, vector<64x16xf32>
    %dot_general3A_40 = arith.constant dense<0.000000e+00> : vector<2504x16xf32>
    %dot_general3A_41 = tpu.matmul %dot_general3A_34, %get3A_39, %dot_general3A_40 {dimension_numbers = #tpu.dot_dimension_numbers<[1], [0], [0], [1], [0, 0, 1, 1], [], []>, transpose_lhs_hint = false} : vector<2504x64xf32>, vector<64x16xf32>, vector<2504x16xf32> -> vector<2504x16xf32>
    %swap3A_42 = arith.constant 0 : index
    %swap3A_43 = arith.constant 0 : index
    %swap3A_44 = vector.load %arg9[%swap3A_42, %swap3A_43] : memref<2504x16xf32, #tpu.memory_space<vmem>>, vector<2504x16xf32>
    tpu.vector_store %arg9[%swap3A_42, %swap3A_43], %dot_general3A_41 {strides = array<i32>} : memref<2504x16xf32, #tpu.memory_space<vmem>>, vector<2504x16xf32>,
    %get3A_45 = arith.constant 0 : index
    %get3A_46 = arith.constant 0 : index
    %get3A_47 = vector.load %arg7[%get3A_45, %get3A_46] : memref<64x16xf32, #tpu.memory_space<vmem>>, vector<64x16xf32>
    %dot_general3A_48 = arith.constant dense<0.000000e+00> : vector<2504x16xf32>
    %dot_general3A_49 = tpu.matmul %dot_general3A_34, %get3A_47, %dot_general3A_48 {dimension_numbers = #tpu.dot_dimension_numbers<[1], [0], [0], [1], [0, 0, 1, 1], [], []>, transpose_lhs_hint = false} : vector<2504x64xf32>, vector<64x16xf32>, vector<2504x16xf32> -> vector<2504x16xf32>
    %swap3A_50 = arith.constant 0 : index
    %swap3A_51 = arith.constant 0 : index
    %swap3A_52 = vector.load %arg10[%swap3A_50, %swap3A_51] : memref<2504x16xf32, #tpu.memory_space<vmem>>, vector<2504x16xf32>
    tpu.vector_store %arg10[%swap3A_50, %swap3A_51], %dot_general3A_49 {strides = array<i32>} : memref<2504x16xf32, #tpu.memory_space<vmem>>, vector<2504x16xf32>,
    return
  }
  func.func @transform_0(%arg0: i32) -> (i32, i32, i32) {
    %c0_i32 = arith.constant 0 : i32
    %c0_i32_0 = arith.constant 0 : i32
    %c0_i32_1 = arith.constant 0 : i32
    return %c0_i32, %arg0, %c0_i32_0 : i32, i32, i32
  }
  func.func @transform_1(%arg0: i32) -> (i32, i32) {
    %c0_i32 = arith.constant 0 : i32
    %c0_i32_0 = arith.constant 0 : i32
    %c0_i32_1 = arith.constant 0 : i32
    return %c0_i32, %c0_i32_0 : i32, i32
  }
  func.func @transform_2(%arg0: i32) -> (i32, i32) {
    %c0_i32 = arith.constant 0 : i32
    %c0_i32_0 = arith.constant 0 : i32
    %c0_i32_1 = arith.constant 0 : i32
    return %c0_i32, %c0_i32_0 : i32, i32
  }
  func.func @transform_3(%arg0: i32) -> (i32, i32) {
    %c0_i32 = arith.constant 0 : i32
    %c0_i32_0 = arith.constant 0 : i32
    %c0_i32_1 = arith.constant 0 : i32
    return %c0_i32, %c0_i32_0 : i32, i32
  }
  func.func @transform_4(%arg0: i32) -> (i32, i32) {
    %c0_i32 = arith.constant 0 : i32
    %c0_i32_0 = arith.constant 0 : i32
    %c0_i32_1 = arith.constant 0 : i32
    return %c0_i32, %c0_i32_0 : i32, i32
  }
  func.func @transform_5(%arg0: i32) -> (i32, i32) {
    %c0_i32 = arith.constant 0 : i32
    %c0_i32_0 = arith.constant 0 : i32
    %c0_i32_1 = arith.constant 0 : i32
    return %c0_i32, %c0_i32_0 : i32, i32
  }
  func.func @transform_6(%arg0: i32) -> (i32, i32) {
    %c0_i32 = arith.constant 0 : i32
    %c0_i32_0 = arith.constant 0 : i32
    %c0_i32_1 = arith.constant 0 : i32
    return %c0_i32, %c0_i32_0 : i32, i32
  }
  func.func @transform_7(%arg0: i32) -> (i32, i32) {
    %c0_i32 = arith.constant 0 : i32
    %c0_i32_0 = arith.constant 0 : i32
    return %arg0, %c0_i32 : i32, i32
  }
  func.func @transform_8(%arg0: i32) -> (i32, i32) {
    %c0_i32 = arith.constant 0 : i32
    %c0_i32_0 = arith.constant 0 : i32
    return %arg0, %c0_i32 : i32, i32
  }
  func.func @transform_9(%arg0: i32) -> (i32, i32) {
    %c0_i32 = arith.constant 0 : i32
    %c0_i32_0 = arith.constant 0 : i32
    return %arg0, %c0_i32 : i32, i32
  }
}

module attributes {stable_mosaic.version = 14 : i64} {
  func.func @_tc_post_body(%arg0: i32, %arg1: memref<2x2504x80xf32, #tpu.memory_space<vmem>>, %arg2: memref<80x64xf32, #tpu.memory_space<vmem>>, %arg3: memref<80x64xf32, #tpu.memory_space<vmem>>, %arg4: memref<1x64xf32, #tpu.memory_space<vmem>>, %arg5: memref<2504x64xf32, #tpu.memory_space<vmem>>) attributes {dimension_semantics = [#tpu.dimension_semantics<arbitrary>], iteration_bounds = array<i64: 4>, scalar_prefetch = 0 : i64, scratch_operands = 0 : i64, tpu.core_type = #tpu.core_type<tc>, window_params = [{transform_indices = @transform_0, window_bounds = array<i64: 2, 2504, 80>}, {pipeline_mode = #tpu.pipeline_mode<synchronous>, transform_indices = @transform_1, window_bounds = array<i64: 80, 64>}, {pipeline_mode = #tpu.pipeline_mode<synchronous>, transform_indices = @transform_2, window_bounds = array<i64: 80, 64>}, {pipeline_mode = #tpu.pipeline_mode<synchronous>, transform_indices = @transform_3, window_bounds = array<i64: 1, 64>}, {transform_indices = @transform_4, window_bounds = array<i64: 2504, 64>}]} {
    %get3A = arith.constant 0 : index
    %get3A_0 = arith.constant 0 : index
    %get3A_1 = arith.constant 0 : index
    %get3A_2 = vector.load %arg1[%get3A, %get3A_0, %get3A_1] : memref<2x2504x80xf32, #tpu.memory_space<vmem>>, vector<1x2504x80xf32>
    %get3A_3 = vector.shape_cast %get3A_2 : vector<1x2504x80xf32> to vector<2504x80xf32>
    %get3A_4 = arith.constant 1 : index
    %get3A_5 = arith.constant 0 : index
    %get3A_6 = arith.constant 0 : index
    %get3A_7 = vector.load %arg1[%get3A_4, %get3A_5, %get3A_6] : memref<2x2504x80xf32, #tpu.memory_space<vmem>>, vector<1x2504x80xf32>
    %get3A_8 = vector.shape_cast %get3A_7 : vector<1x2504x80xf32> to vector<2504x80xf32>
    %add3A = arith.addf %get3A_3, %get3A_8 : vector<2504x80xf32>
    %get3A_9 = arith.constant 0 : index
    %get3A_10 = arith.constant 0 : index
    %get3A_11 = vector.load %arg2[%get3A_9, %get3A_10] : memref<80x64xf32, #tpu.memory_space<vmem>>, vector<80x64xf32>
    %dot_general3A = arith.constant dense<0.000000e+00> : vector<2504x64xf32>
    %dot_general3A_12 = tpu.matmul %add3A, %get3A_11, %dot_general3A {dimension_numbers = #tpu.dot_dimension_numbers<[1], [0], [0], [1], [0, 0, 1, 1], [], []>, transpose_lhs_hint = false} : vector<2504x80xf32>, vector<80x64xf32>, vector<2504x64xf32> -> vector<2504x64xf32>
    %get3A_13 = arith.constant 0 : index
    %get3A_14 = arith.constant 0 : index
    %get3A_15 = vector.load %arg3[%get3A_13, %get3A_14] : memref<80x64xf32, #tpu.memory_space<vmem>>, vector<80x64xf32>
    %dot_general3A_16 = arith.constant dense<0.000000e+00> : vector<2504x64xf32>
    %dot_general3A_17 = tpu.matmul %add3A, %get3A_15, %dot_general3A_16 {dimension_numbers = #tpu.dot_dimension_numbers<[1], [0], [0], [1], [0, 0, 1, 1], [], []>, transpose_lhs_hint = false} : vector<2504x80xf32>, vector<80x64xf32>, vector<2504x64xf32> -> vector<2504x64xf32>
    %add3A_18 = arith.constant 1.000000e-16 : f32
    %add3A_19 = vector.broadcast %add3A_18 : f32 to vector<2504x64xf32>
    %add3A_20 = arith.addf %dot_general3A_17, %add3A_19 : vector<2504x64xf32>
    %div3A = arith.divf %dot_general3A_12, %add3A_20 : vector<2504x64xf32>
    %get3A_21 = arith.constant 0 : index
    %get3A_22 = arith.constant 0 : index
    %get3A_23 = vector.load %arg4[%get3A_21, %get3A_22] : memref<1x64xf32, #tpu.memory_space<vmem>>, vector<1x64xf32>
    %add3A_24 = vector.broadcast %get3A_23 : vector<1x64xf32> to vector<2504x64xf32>
    %add3A_25 = arith.addf %div3A, %add3A_24 : vector<2504x64xf32>
    %swap3A = arith.constant 0 : index
    %swap3A_26 = arith.constant 0 : index
    %swap3A_27 = vector.load %arg5[%swap3A, %swap3A_26] : memref<2504x64xf32, #tpu.memory_space<vmem>>, vector<2504x64xf32>
    tpu.vector_store %arg5[%swap3A, %swap3A_26], %add3A_25 {strides = array<i32>} : memref<2504x64xf32, #tpu.memory_space<vmem>>, vector<2504x64xf32>,
    return
  }
  func.func @transform_0(%arg0: i32) -> (i32, i32, i32) {
    %c0_i32 = arith.constant 0 : i32
    %c0_i32_0 = arith.constant 0 : i32
    %c0_i32_1 = arith.constant 0 : i32
    return %c0_i32, %arg0, %c0_i32_0 : i32, i32, i32
  }
  func.func @transform_1(%arg0: i32) -> (i32, i32) {
    %c0_i32 = arith.constant 0 : i32
    %c0_i32_0 = arith.constant 0 : i32
    %c0_i32_1 = arith.constant 0 : i32
    return %c0_i32, %c0_i32_0 : i32, i32
  }
  func.func @transform_2(%arg0: i32) -> (i32, i32) {
    %c0_i32 = arith.constant 0 : i32
    %c0_i32_0 = arith.constant 0 : i32
    %c0_i32_1 = arith.constant 0 : i32
    return %c0_i32, %c0_i32_0 : i32, i32
  }
  func.func @transform_3(%arg0: i32) -> (i32, i32) {
    %c0_i32 = arith.constant 0 : i32
    %c0_i32_0 = arith.constant 0 : i32
    %c0_i32_1 = arith.constant 0 : i32
    return %c0_i32, %c0_i32_0 : i32, i32
  }
  func.func @transform_4(%arg0: i32) -> (i32, i32) {
    %c0_i32 = arith.constant 0 : i32
    %c0_i32_0 = arith.constant 0 : i32
    return %arg0, %c0_i32 : i32, i32
  }
}

</mosaic_0001>

<sc_bundles>
// kernel: kernel.10.cloned.1.call-start
scs
__scs_entry_jumppad:
0x0: {  	(pc) =	sbr.rel $0x88, $3  }
0x1: {  	(tag) =	ssettag $0x0;
	lr =	simm.s32 $0x1  }
0x2: {  	[smem:$0x3F97] =	sst lr;
	_ =	strace $0xD0000000  }
0x3: {  	_ = 	snop  }
0x4: {  	_ = 	snop  }
0x5: {  	_ = 	snop  }
0x6: {  	_ = 	snop  }
0x7: {  	_ = 	snop  }
__scs_overlays_trampoline_lowered:
0x8: {  	[smem:$0x3FA6] =	sst s0  }
0x9: {  	[smem:$0x3FA7] =	sst s1  }
0xa: {  	[smem:$0x3FA8] =	sst s2  }
0xb: {  	[smem:$0x3FA9] =	sst s3  }
0xc: {  	[smem:$0x3FAA] =	sst s4  }
0xd: {  	[smem:$0x3FAB] =	sst s5  }
0xe: {  	[smem:$0x3FAC] =	sst s6  }
0xf: {  	[smem:$0x3FAD] =	sst s7  }
0x10: {  	[smem:$0x3FAE] =	sst s8  }
0x11: {  	[smem:$0x3FAF] =	sst s9;
	s0 =	simm.s32 @!p0 $0x0  }
0x12: {  	s1 =	sld [smem:$0x3F95];
	s0 =	simm.s32 @p0 $0x1  }
0x13: {  	[smem:$0x3FB0] =	sst s0;
	s0 =	simm.s32 @!p1 $0x0  }
0x14: {  	s2 =	sld [smem:$0x3F94];
	s0 =	simm.s32 @p1 $0x1  }
0x15: {  	[smem:$0x3FB1] =	sst s0;
	s0 =	simm.s32 @!p2 $0x0  }
0x16: {  	s3 =	sld [smem:$0x3FDB];
	s0 =	simm.s32 @p2 $0x1  }
0x17: {  	s4 =	simm.s32 $0x1BF5;
	[smem:$0x3FB3] =	sst s0  }
0x18: {  	s0 =	sld [smem:$0x3F96];
	_ =	swait.ge [sflag:s4], $0x0  }
0x19: {  	s7 =	sld [smem:$0x3F97]  }
0x1a: {  	s8 =	sadd.s32 $0xFFFFE003, lr  }
0x1b: {  	s9 =	sadd.s32 $0xFFFFFEF7, lr;
	s5 =	simm.s32 $0xFFFFFFFF;
	p2 =	slt.u32 s8, $0xFFFFF086  }
0x1c: {  	p1 =	slt.u32 s9, $0xF7A;
	s5 =	simm.s32 @!p2 $0x0  }
0x1d: {  	s5 =	simm.s32 @p1 $0x1;
	p0 =	seq.s32 s7, s2  }
0x1e: {  	s7 =	smul.u32 @!p0 $0xF7A, s2;
	p2 =	seq.s32 @!p0 s5, $0x0  }
0x1f: {  	s9 =	smul.u32 $0xF7A, s1;
	s8 =	simm.s32 @!p0 $0x1BF5;
	p2 =	por !p2, p0  }
0x20: {  	[sflag:s8] =	ssyncset.s32 @!p0 $0xFFFFF086;
	s6 =	sadd.s32 @!p0 s3, s7;
	s7 =	simm.s32 @!p0 $0x108  }
0x21: {  	s3 =	sadd.s32 s3, s9;
	s6 =	sadd.s32 @!p0 $0x88, s6;
	s7 =	simm.s32 @p2 $0x1082  }
0x22: {  	[simem:s7], [sflag:s8] =	dma.local @!p0 [hbm:s6], $0xF7A  }
0x23: {  	s9 =	sor.u32 $0xD0000000, s2;
	s6 =	simm.s32 $0x108;
	_ =	swait.ge @!p0 [sflag:s8], $0x0  }
0x24: {  	s3 =	sadd.s32 $0x88, s3;
	s6 =	simm.s32 @!p1 $0x1082;
	[sflag:s4] =	ssyncset.s32 $0xFFFFF086  }
0x25: {  	[simem:s6], [sflag:s4] =	dma.local [hbm:s3], $0xF7A  }
0x26: {  	[smem:$0x3F97] =	sst s1;
	(tag) =	ssettag s2;
	_ =	strace s9  }
0x27: {  	s1 =	sld [smem:$0x3FA7]  }
0x28: {  	s2 =	sld [smem:$0x3FA8]  }
0x29: {  	s4 =	sld [smem:$0x3FAA]  }
0x2a: {  	p0 =	seq.s32 s5, $0x0;
	s5 =	sld [smem:$0x3FAB]  }
0x2b: {  	s6 =	sld [smem:$0x3FAC]  }
0x2c: {  	s7 =	sld [smem:$0x3FAD]  }
0x2d: {  	s3 =	simm.s32 $0x108;
	s8 =	sld [smem:$0x3FAE]  }
0x2e: {  	s3 =	simm.s32 @!p0 $0x1082;
	s9 =	sld [smem:$0x3FAF]  }
0x2f: {  	lr =	sadd.s32 s0, s3;
	s0 =	sld [smem:$0x3FA6]  }
0x30: {  	s3 =	sld [smem:$0x3FA9]  }
0x31: {  	[smem:$0x3FB2] =	sst s10  }
0x32: {  	s10 =	sld [smem:$0x3FB0];
	_ =	sdelay $0x3  }
0x33: {  	p0 =	seq.s32 s10, $0x1;
	s10 =	sld [smem:$0x3FB2];
	_ =	sdelay $0x3  }
0x34: {  	[smem:$0x3FB2] =	sst s10  }
0x35: {  	s10 =	sld [smem:$0x3FB1];
	_ =	sdelay $0x3  }
0x36: {  	p1 =	seq.s32 s10, $0x1;
	s10 =	sld [smem:$0x3FB2];
	_ =	sdelay $0x3  }
0x37: {  	[smem:$0x3FB2] =	sst s10  }
0x38: {  	s10 =	sld [smem:$0x3FB3]  }
0x39: {  	_ = 	snop;
	(pc) =	sbr.ind lr, $3  }
0x3a: {  	_ = 	snop  }
0x3b: {  	_ = 	snop  }
0x3c: {  	p2 =	seq.s32 s10, $0x1;
	s10 =	sld [smem:$0x3FB2]  }
0x3d: {  	_ =	shalt  }
0x3e: {  	_ =	shalt  }
0x3f: {  	_ =	shalt  }
0x40: {  	_ =	shalt  }
0x41: {  	_ =	shalt  }
0x42: {  	_ =	shalt  }
0x43: {  	_ =	shalt  }
0x44: {  	_ =	shalt  }
0x45: {  	_ =	shalt  }
0x46: {  	_ =	shalt  }
0x47: {  	_ =	shalt  }
0x48: {  	_ =	shalt  }
0x49: {  	_ =	shalt  }
0x4a: {  	_ =	shalt  }
0x4b: {  	_ =	shalt  }
0x4c: {  	_ =	shalt  }
0x4d: {  	_ =	shalt  }
0x4e: {  	_ =	shalt  }
0x4f: {  	_ =	shalt  }
0x50: {  	_ =	shalt  }
0x51: {  	_ =	shalt  }
0x52: {  	_ =	shalt  }
0x53: {  	_ =	shalt  }
0x54: {  	_ =	shalt  }
0x55: {  	_ =	shalt  }
0x56: {  	_ =	shalt  }
0x57: {  	_ =	shalt  }
0x58: {  	_ =	shalt  }
0x59: {  	_ =	shalt  }
0x5a: {  	_ =	shalt  }
0x5b: {  	_ =	shalt  }
0x5c: {  	_ =	shalt  }
0x5d: {  	_ =	shalt  }
0x5e: {  	_ =	shalt  }
0x5f: {  	_ =	shalt  }
0x60: {  	_ =	shalt  }
0x61: {  	_ =	shalt  }
0x62: {  	_ =	shalt  }
0x63: {  	_ =	shalt  }
0x64: {  	_ =	shalt  }
0x65: {  	_ =	shalt  }
0x66: {  	_ =	shalt  }
0x67: {  	_ =	shalt  }
0x68: {  	_ =	shalt  }
0x69: {  	_ =	shalt  }
0x6a: {  	_ =	shalt  }
0x6b: {  	_ =	shalt  }
0x6c: {  	_ =	shalt  }
0x6d: {  	_ =	shalt  }
0x6e: {  	_ =	shalt  }
0x6f: {  	_ =	shalt  }
0x70: {  	_ =	shalt  }
0x71: {  	_ =	shalt  }
0x72: {  	_ =	shalt  }
0x73: {  	_ =	shalt  }
0x74: {  	_ =	shalt  }
0x75: {  	_ =	shalt  }
0x76: {  	_ =	shalt  }
0x77: {  	_ =	shalt  }
0x78: {  	_ =	shalt  }
0x79: {  	_ =	shalt  }
0x7a: {  	_ =	shalt  }
0x7b: {  	_ =	shalt  }
0x7c: {  	_ =	shalt  }
0x7d: {  	_ =	shalt  }
0x7e: {  	_ =	shalt  }
0x7f: {  	_ =	shalt  }
0x80: {  	_ =	shalt  }
0x81: {  	_ =	shalt  }
0x82: {  	_ =	shalt  }
0x83: {  	_ =	shalt  }
0x84: {  	_ =	shalt  }
0x85: {  	_ =	shalt  }
0x86: {  	_ =	shalt  }
0x87: {  	_ =	shalt  }
.Lfunc_end0:
.L_simem_size_0:
called_computation.1_lowered:
.L_overlay_start_0:
0x88: {  	s2 =	sld [smem:$0x3FD9]  }
0x89: {  	s3 =	sld [smem:$0x3FFE];
	_ =	sdelay $0x1  }
0x8a: {  	s1 =	srdreg.scid  }
0x8b: {  	s0 =	sand.u32 $0x1, s1  }
0x8c: {  	s17 =	sshll.u32 s0, $0xA;
	s2 =	sadd.s32 s3, s2  }
0x8d: {  	s2 =	sadd.s32 s2, s17  }
0x8e: {  	[smem:$0x3FBE] =	sst s2  }
0x8f: {  	_ = 	snop  }
0x90: {  	s2 =	sld [smem:$0x3FD0];
	(tm) =	ssettm $0x1  }
0x91: {  	s18 =	sld [smem:$0x3FFB];
	_ =	sdelay $0x3  }
0x92: {  	_ =	strace s18  }
0x93: {  	s3 =	sld [smem:$0x3FFC];
	_ =	sdelay $0x3  }
0x94: {  	_ =	strace s3  }
0x95: {  	s3 =	sld [smem:$0x3FFD];
	_ =	sdelay $0x3  }
0x96: {  	_ =	strace s3  }
0x97: {  	_ =	strace $0x8FFFFFFF  }
0x98: {  	s19 =	sld [smem:$0x3FDB];
	_ =	sdelay $0x1  }
0x99: {  	s4 =	simm.s32 $_scs_section_size  }
0x9a: {  	s5 =	simm.s32 $_size__tile_overlayer_lowered;
	s6 =	simm.s32 $_tile_overlayer_lowered  }
0x9b: {  	s22 =	simm.s32 $0x1BFF;
	s21 =	sshll.u32 s6, $0x1;
	s3 =	sadd.s32 s4, s19  }
0x9c: {  	s7 =	simm.s32 $0x0;
	s20 =	sshll.u32 s5, $0x1;
	s5 =	sadd.s32 s21, s3  }
0x9d: {  	[timem:s7], [sflag:s22] =	dma.local [hbm:s5], s20  }
0x9e: {  	_ =	swait.ge [sflag:s22], s20  }
0x9f: {  	s4 =	ssub.s32 $0x0, s20;
	[sflag:s22] =	ssyncset.done $0x0  }
0xa0: {  	[sflag:s22] =	ssyncadd.s32 s4;
	_ =	sdelay $0x1  }
0xa1: {  	s23 =	simm.s32 $0x1B8B  }
0xa2: {  	_ =	swait.ge [sflag:s23], $0x1  }
0xa3: {  	[sflag:s23] =	ssyncset.done $0x0  }
0xa4: {  	s25 =	simm.s32 $0x1B8E;
	s24 =	sld [smem:$0x3FFE];
	[sflag:s23] =	ssyncadd.s32 $0xFFFFFFFF  }
0xa5: {  	s26 =	simm.s32 $execute0_lowered;
	[smem:$0x3FD2] =	sst s25  }
0xa6: {  	s5 =	sshll.u32 s26, $0x1;
	_ =	strace $0x80000049;
	[dreg:$0x1] =	wrdreg $0xFFFFFFFF  }
0xa7: {  	s28 =	simm.s32 $_size_execute0_lowered;
	s3 =	sadd.s32 s3, s5;
	[dreg:$0x0] =	wrdreg $0x0  }
0xa8: {  	s5 =	sshll.u32 s28, $0x1;
	[dreg:$0x2] =	wrdreg s3  }
0xa9: {  	[dreg:$0x3] =	wrdreg s5  }
0xaa: {  	[dreg:$0x4] =	wrdreg $0xC0  }
0xab: {  	_ =	task [dreg:s7], $0x5FFFF  }
0xac: {  	[dreg:$0x1] =	wrdreg $0xFFFFFFFF  }
0xad: {  	[dreg:$0x0] =	wrdreg $0x60  }
0xae: {  	[dreg:$0x2] =	wrdreg s24  }
0xaf: {  	[dreg:$0x3] =	wrdreg s2  }
0xb0: {  	[dreg:$0x4] =	wrdreg $0x59800  }
0xb1: {  	[dreg:$0x5] =	wrdreg $0x9  }
0xb2: {  	_ =	task.clear_ibuf [dreg:s7], $0x6FFFF;
	_ =	strace $0x90000049  }
0xb3: {  	s29 =	simm.s32 $0x9;
	_ =	strace $0x8000004B  }
0xb4: {  	_ =	swait.ge [sflag:s29], $0x1  }
0xb5: {  	[sflag:s29] =	ssyncadd.s32 $0xFFFFFFFF  }
0xb6: {  	_ =	strace $0x9000004B  }
0xb7: {  	_ =	sfence  }
0xb8: {  	s30 =	sld [smem:$0x0];
	_ =	sdelay $0x2  }
0xb9: {  	s31 =	sshll.u32 s1, $0xD;
	s1 =	sshrl.u32 s1, $0x2  }
0xba: {  	s3 =	sand.u32 $0x4000, s31;
	s1 =	sadd.s32 s1, s30  }
0xbb: {  	s0 =	sor.u32 s3, s0;
	s1 =	sshll.u32 s1, $0x11  }
0xbc: {  	s0 =	sor.u32 s1, s0  }
0xbd: {  	s0 =	sadd.s32 $0x8F2B, s0  }
0xbe: {  	[sflag:s0] =	ssyncadd.remote.s32 $0x1  }
0xbf: {  	_ =	sfence.sel $0xFFFF  }
0xc0: {  	[dreg:$0x0] =	wrdreg $0xFFFFFFFF;
	(pc) =	sbr.abs _section_cstart, $3  }
0xc1: {  	[dreg:$0x1] =	wrdreg $0xFFFFFFFF  }
0xc2: {  	_ =	task.clear_ibuf [dreg:s7], $0x2FFFF;
	_ =	strace $0x9FFFFFFF  }
0xc3: {  	(tm) =	ssettm $0x7FFFFFFF  }
tec
execute0_lowered:
.L_overlay_start_1:
0x0: {  	(tag) =	ssettag $0x1  }
0x1: {  	s0 =	rddreg [dreg:$0x0]  }
0x2: {  	s14 =	rddreg [dreg:$0x1]  }
0x3: {  	s2 =	rddreg [dreg:$0x2];
	s4 =	simm.s32 $0x0;
	s13 =	stileid.u32  }
0x4: {  	s1 =	srdreg.scid;
	s30 =	simm.s32 $0x2;
	s31 =	simm.s32 $0x4  }
0x5: {  	s18 =	simm.s32 $0x6;
	s28 =	simm.s32 $0xB;
	[smem:$0x7FF] =	sst s4  }
0x6: {  	s5 =	sadd.s32 $0x38800, s0;
	s3 =	smul.u32 $0xC3A0, s13;
	s1 =	sand.u32 $0x1, s1  }
0x7: {  	s6 =	sadd.s32 $0x2E600, s0;
	s7 =	sadd.s32 $0x7400, s0;
	s8 =	sadd.s32 $0x2400, s0  }
0x8: {  	s11 =	sshll.u32 s13, $0x1;
	s21 =	sshll.u32 s13, $0x6;
	s13 =	simm.s32 $0x9  }
0x9: {  	_ =	strace $0x8000004A;
	s9 =	smul.u32 $0xC3A00, s1;
	s12 =	ssub.s32 $0x2, s1  }
0xa: {  	s1 =	sor.u32 s1, s11;
	s17 =	sor.u32 $0x1C0D, s21;
	s11 =	simm.s32 $0x5  }
0xb: {  	s10 =	sshrl.u32 s3, $0x3;
	s19 =	sshrl.u32 s12, $0x1;
	s1 =	smul.u32 $0x2880, s1  }
0xc: {  	[dreg:$0x5] =	wrdreg s17;
	s9 =	sadd.s32 s3, s9;
	s10 =	sadd.s32 s10, s0  }
0xd: {  	s20 =	ssub.s32 s12, s19;
	s3 =	sadd.s32 s3, s2;
	s12 =	simm.s32 $0x7  }
0xe: {  	s19 =	simm.s32 $0xA;
	s9 =	sshrl.u32 s9, $0x3;
	s22 =	sshrl.u32 s1, $0x3  }
0xf: {  	s10 =	sadd.s32 $0xC400, s10;
	s15 =	sadd.s32 $0x80, s1;
	s16 =	sadd.s32 $0xC0, s1  }
0x10: {  	s29 =	smax.u32 s20, $0x1;
	s1 =	sshrl.u32 s3, $0x3;
	[dreg:$0x4] =	wrdreg s10  }
0x11: {  	s3 =	simm.s32 $0xD;
	s0 =	sadd.s32 s9, s0;
	[dreg:$0xb] =	wrdreg s29  }
0x12: {  	s23 =	sor.u32 $0x8, s22;
	s24 =	sadd.s32 s5, s22;
	[dreg:$0xc] =	wrdreg s1  }
.Ltmp0:
0x13: {  	s25 =	sadd.s32 s6, s22;
	[dreg:$0x6] =	wrdreg s24;
	(pc) =	sbr.rel .LBB2_1-.Ltmp0, $4  }
0x14: {  	s22 =	simm.s32 $0x40;
	[dreg:$0x7] =	wrdreg s25;
	s26 =	sadd.s32 s5, s23  }
0x15: {  	s9 =	simm.s32 $0x0;
	s10 =	sadd.s32 s6, s23;
	[dreg:$0x8] =	wrdreg s26  }
0x16: {  	s0 =	sadd.s32 $0x42A00, s0;
	s24 =	simm.s32 $0x1;
	[dreg:$0x9] =	wrdreg s10  }
0x17: {  	vm0 =	vmmov $0x1;
	v0 =	vimm.s32 $0x0;
	s25 =	simm.s32 $0x3;
	[dreg:$0xa] =	wrdreg s0;
	s10 =	simm.s32 $0x8  }
.LBB2_11:
0x18: {  	_ =	swait.ge [sflag:s28], $0x1400  }
0x19: {  	[sflag:s28] =	ssyncset.done $0x0  }
0x1a: {  	s0 =	simm.s32 $0xC;
	[sflag:s28] =	ssyncadd.s32 $0xFFFFEC00  }
0x1b: {  	_ =	swait.ge [sflag:s0], $0x1400  }
0x1c: {  	[sflag:s0] =	ssyncset.done $0x0  }
0x1d: {  	[sflag:s0] =	ssyncadd.s32 $0xFFFFEC00  }
0x1e: {  	[bflag:$0x0] =	sbarrier.arrive $0xFFFF  }
0x1f: {  	s17 =	rddreg [dreg:$0x5]  }
0x20: {  	s26 =	rddreg [dreg:$0xa]  }
0x21: {  	s3 =	simm.s32 $0xD;
	s1 =	rddreg [dreg:$0xc]  }
0x22: {  	[hbm:s26], [sflag:s17] =	dma.local [spmem:s1], $0x1874  }
0x23: {  	_ =	swait.ge [sflag:s3], $0x1874  }
0x24: {  	s9 =	rddreg [dreg:$0xd]  }
0x25: {  	s29 =	rddreg [dreg:$0xb];
	s9 =	sadd.s32 $0x1, s9  }
0x26: {  	p0 =	sne.s32 s9, s29  }
.Ltmp1:
0x27: {  	_ = 	snop;
	(pc) =	sbr.rel @!p0 .LBB2_12-.Ltmp1, $4  }
0x28: {  	_ = 	snop  }
0x29: {  	[sflag:s3] =	ssyncset.done $0x0  }
0x2a: {  	[sflag:s3] =	ssyncadd.s32 $0xFFFFE78C  }
0x2b: {  	s14 =	rddreg [dreg:$0x1]  }
.LBB2_1:
0x2c: {  	[dreg:$0xd] =	wrdreg s9  }
0x2d: {  	s0 =	rddreg [dreg:$0x4]  }
0x2e: {  	[spmem:s1], [sflag:s17] =	dma.local [hbm:s0], $0x1874  }
0x2f: {  	_ =	swait.ge [sflag:s3], $0x1874  }
0x30: {  	[sflag:s3] =	ssyncset.done $0x0  }
0x31: {  	[sflag:s3] =	ssyncadd.s32 $0xFFFFE78C  }
0x32: {  	[bflag:$0x0] =	sbarrier.arrive $0xFFFF  }
0x33: {  	s21 =	rddreg [dreg:$0x6]  }
0x34: {  	[tilespmem:s4], [sflag:$0x1] =	stream.linear.gather [hbm4b:s21+s4], $0x40, $0x38;
	[tilespmem:$0x11D20] =	vst v63  }
0x35: {  	s26 =	simm.s32 $0x80;
	s23 =	rddreg [dreg:$0x7]  }
0x36: {  	[tilespmem:s26], [sflag:$0x3] =	stream.linear.gather [hbm4b:s23+s4], $0x40, $0x38;
	[tilespmem:$0x11D20] =	vst v63  }
0x37: {  	s9 =	rddreg [dreg:$0x8]  }
0x38: {  	[tilespmem:s22], [sflag:$0x2] =	stream.linear.gather [hbm4b:s9+s4], $0x40, $0x38;
	[tilespmem:$0x11D20] =	vst v63  }
0x39: {  	s20 =	simm.s32 $0xC0;
	s17 =	rddreg [dreg:$0x9]  }
0x3a: {  	[tilespmem:s20], [sflag:$0x4] =	stream.linear.gather [hbm4b:s17+s4], $0x40, $0x38;
	[tilespmem:$0x11D20] =	vst v63  }
0x3b: {  	_ =	swait.ge [sflag:s24], $0x40  }
0x3c: {  	[sflag:s24] =	ssyncset.done $0x0  }
0x3d: {  	[sflag:s24] =	ssyncadd.s32 $0xFFFFFFC0  }
0x3e: {  	_ =	swait.ge [sflag:s25], $0x40  }
0x3f: {  	[sflag:s25] =	ssyncset.done $0x0  }
0x40: {  	s21 =	simm.s32 $0x180;
	[sflag:s25] =	ssyncadd.s32 $0xFFFFFFC0  }
0x41: {  	[tilespmem:s21], [sflag:$0x5] =	stream.indirect.gather [hbm4b:s7+s22], $0x10, s4, s22, $0xb8;
	[tilespmem:$0x11D20] =	vst v63  }
0x42: {  	s23 =	simm.s32 $0x980  }
0x43: {  	[tilespmem:s23], [sflag:$0x7] =	stream.indirect.gather [hbm4b:s8+s22], $0x10, s26, s22, $0xb8;
	[tilespmem:$0x11D20] =	vst v63  }
0x44: {  	s29 =	simm.s32 $0x0;
	s26 =	simm.s32 $0x1180  }
0x45: {  	[tilespmem:s26], [sflag:$0x9] =	stream.indirect.gather [hbm4b:s14+s22], $0x40, s4, s22, $0xb8;
	[tilespmem:$0x11D20] =	vst v63  }
.LBB2_2:
0x46: {  	_ =	swait.ge [sflag:s30], $0x40  }
0x47: {  	[sflag:s30] =	ssyncset.done $0x0  }
0x48: {  	[sflag:s30] =	ssyncadd.s32 $0xFFFFFFC0  }
0x49: {  	_ =	swait.ge [sflag:s31], $0x40  }
0x4a: {  	[sflag:s31] =	ssyncset.done $0x0  }
0x4b: {  	s0 =	simm.s32 $0x580;
	[sflag:s31] =	ssyncadd.s32 $0xFFFFFFC0  }
0x4c: {  	[tilespmem:s0], [sflag:$0x6] =	stream.indirect.gather [hbm4b:s7+s22], $0x10, s22, s22, $0xb8;
	[tilespmem:$0x11D20] =	vst v63  }
0x4d: {  	s23 =	simm.s32 $0xC0;
	s1 =	simm.s32 $0xD80  }
0x4e: {  	[tilespmem:s1], [sflag:$0x8] =	stream.indirect.gather [hbm4b:s8+s22], $0x10, s23, s22, $0xb8;
	[tilespmem:$0x11D20] =	vst v63  }
0x4f: {  	s26 =	simm.s32 $0x2180  }
0x50: {  	[tilespmem:s26], [sflag:$0xA] =	stream.indirect.gather [hbm4b:s14+s22], $0x40, s22, s22, $0xb8;
	[tilespmem:$0x11D20] =	vst v63  }
0x51: {  	_ =	swait.ge [sflag:s11], $0x400  }
0x52: {  	[sflag:s11] =	ssyncset.done $0x0  }
0x53: {  	[sflag:s11] =	ssyncadd.s32 $0xFFFFFC00  }
0x54: {  	_ =	swait.ge [sflag:s12], $0x400  }
0x55: {  	p0 =	seq.s32 s29, $0x50;
	[sflag:s12] =	ssyncset.done $0x0  }
0x56: {  	p1 =	seq.s32 @!p0 s29, $0x0;
	s0 =	sshll.u32 s29, $0x7;
	[sflag:s12] =	ssyncadd.s32 $0xFFFFFC00  }
0x57: {  	p1 =	por p0, !p1;
	s1 =	sadd.s32 @!p0 s0, s15;
	_ =	swait.ge [sflag:s13], $0x1000  }
.Ltmp2:
0x58: {  	s1 =	sshrl.u32 @!p0 s1, $0x3;
	[sflag:s13] =	ssyncset.done $0x0;
	(pc) =	sbr.rel @!p1 .LBB2_3-.Ltmp2, $4  }
0x59: {  	s9 =	simm.s32 @!p0 $0x0;
	s3 =	sadd.s32 @!p0 s5, s1;
	[sflag:s13] =	ssyncadd.s32 $0xFFFFF000  }
0x5a: {  	[tilespmem:s9], [sflag:$0x1] =	stream.linear.gather @!p0 [hbm4b:s3+s9], $0x40, $0x38;
	[tilespmem:$0x11D20] =	vst v63  }
0x5b: {  	s1 =	sadd.s32 @!p0 s6, s1;
	s3 =	simm.s32 @!p0 $0x80  }
0x5c: {  	[tilespmem:s3], [sflag:$0x3] =	stream.linear.gather @!p0 [hbm4b:s1+s9], $0x40, $0x38;
	[tilespmem:$0x11D20] =	vst v63  }
.Ltmp3:
0x5d: {  	(pc) =	sbr.rel .LBB2_5-.Ltmp3, $4  }
0x5e: {  	_ = 	snop  }
0x5f: {  	_ =	swait.ge [sflag:s28], $0x1400  }
0x60: {  	[sflag:s28] =	ssyncset.done $0x0  }
0x61: {  	p1 =	por $0x0, $0x0;
	[sflag:s28] =	ssyncadd.s32 $0xFFFFEC00  }
.LBB2_3:
0x62: {  	p1 =	por @!p0 $0x1, $0x1  }
.LBB2_5:
0x63: {  	v1 =	vld [tilespmem:$0x80]  }
0x64: {  	v2 =	vld [tilespmem:$0x90]  }
0x65: {  	v3 =	vld [tilespmem:$0xA0]  }
0x66: {  	v4 =	vld [tilespmem:$0xB0];
	_ =	sdelay $0x1  }
0x67: {  	[tilespmem:$0x100] =	vst v1  }
0x68: {  	[tilespmem:$0x110] =	vst v2  }
0x69: {  	[tilespmem:$0x120] =	vst v3  }
0x6a: {  	s1 =	simm.s32 $0x1C0;
	[tilespmem:$0x130] =	vst v4  }
0x6b: {  	s3 =	simm.s32 $0x9C0;
	v1 =	vld [tilespmem:s1+$0x30]  }
0x6c: {  	v2 =	vld [tilespmem:s3+$0x30]  }
0x6d: {  	v3 =	vld [tilespmem:s3+$0xFFFFFFC0]  }
0x6e: {  	v4 =	vld [tilespmem:s1+$0xFFFFFFD0]  }
0x6f: {  	v5 =	vld [tilespmem:s3+$0xFFFFFFD0]  }
0x70: {  	v6 =	vld [tilespmem:s1+$0xFFFFFFE0]  }
0x71: {  	v7 =	vld [tilespmem:s3+$0xFFFFFFE0]  }
0x72: {  	v8 =	vld [tilespmem:s3+$0xFFFFFFF0];
	v1 =	vadd.f32 v2, v1  }
0x73: {  	v2 =	vld [tilespmem:s1+$0xFFFFFFF0]  }
0x74: {  	v10 =	vld [tilespmem:s1+$0x0];
	v9 =	vmul.f32 $2.000000030e-01, v1  }
0x75: {  	v11 =	vld [tilespmem:s3+$0x0]  }
0x76: {  	v12 =	vld [tilespmem:s3+$0x20];
	v1 =	vmax.f32 v1, v9  }
0x77: {  	v4 =	vadd.f32 v5, v4;
	v5 =	vadd.f32 v7, v6;
	v6 =	vld [tilespmem:s3+$0x10];
	v1 =	vmul.f32 $1.442695020e+00, v1  }
0x78: {  	v9 =	vld [tilespmem:s1+$0x10];
	v2 =	vadd.f32 v8, v2  }
0x79: {  	v13 =	vld [tilespmem:s1+$0xFFFFFFC0];
	(erf) = vpow2.f32 v1;
	v1 =	vmul.f32 $2.000000030e-01, v4  }
0x7a: {  	v7 =	vld [tilespmem:s1+$0x20];
	v8 =	vmul.f32 $2.000000030e-01, v5;
	v14 =	vmul.f32 $2.000000030e-01, v2  }
0x7b: {  	v10 =	vadd.f32 v11, v10;
	v1 =	vmax.f32 v4, v1  }
0x7c: {  	v4 =	vmax.f32 v5, v8;
	v2 =	vmax.f32 v2, v14;
	v1 =	vmul.f32 $1.442695020e+00, v1  }
0x7d: {  	s23 =	simm.s32 $0x240;
	v5 =	vmul.f32 $2.000000030e-01, v10;
	v6 =	vadd.f32 v6, v9;
	v4 =	vmul.f32 $1.442695020e+00, v4  }
0x7e: {  	s9 =	simm.s32 $0xA40;
	v18 =	vld [tilespmem:s23+$0x30];
	v3 =	vadd.f32 v3, v13;
	v2 =	vmul.f32 $1.442695020e+00, v2;
	(erf) = vpow2.f32 v1  }
0x7f: {  	v19 =	vld [tilespmem:s9+$0x30];
	v1 =	vmax.f32 v10, v5;
	v5 =	vadd.f32 v12, v7;
	v7 =	vmul.f32 $2.000000030e-01, v6  }
0x80: {  	v20 =	vld [tilespmem:s9+$0xFFFFFFC0];
	v1 =	vmul.f32 $1.442695020e+00, v1;
	(erf) = vpow2.f32 v4  }
0x81: {  	v21 =	vld [tilespmem:s23+$0xFFFFFFD0];
	(erf) = vpow2.f32 v2;
	v2 =	vmul.f32 $2.000000030e-01, v3  }
0x82: {  	v22 =	vld [tilespmem:s9+$0xFFFFFFD0];
	v4 =	vmul.f32 $2.000000030e-01, v5  }
0x83: {  	v23 =	vld [tilespmem:s23+$0xFFFFFFE0];
	v6 =	vmax.f32 v6, v7;
	v7 =	vpop (erf);
	(erf) = vpow2.f32 v1;
	v1 =	vmax.f32 v3, v2  }
0x84: {  	v24 =	vld [tilespmem:s9+$0xFFFFFFF0];
	v6 =	vmul.f32 $1.442695020e+00, v6;
	v4 =	vmax.f32 v5, v4;
	v1 =	vmul.f32 $1.442695020e+00, v1  }
0x85: {  	v26 =	vld [tilespmem:s23+$0x0];
	s3 =	simm.s32 $0x32C0;
	v5 =	vnsel vm0, $0x0, v7;
	v2 =	vmul.f32 $1.442695020e+00, v4  }
0x86: {  	s21 =	simm.s32 $0x1280;
	v27 =	vld [tilespmem:s9+$0x10];
	(erf) = vpow2.f32 v6;
	[tilespmem:s3+$0x130] =	vst v5  }
0x87: {  	s26 =	simm.s32 $0x2C0;
	v3 =	vld [tilespmem:s21+$0xC0];
	(erf) = vpow2.f32 v2  }
0x88: {  	s17 =	simm.s32 $0xAC0;
	v46 =	vld [tilespmem:s26+$0x30];
	(erf) = vpow2.f32 v1;
	v1 =	vpop (erf)  }
0x89: {  	v34 =	vld [tilespmem:s17+$0x30];
	v2 =	vnsel vm0, $0x0, v1  }
0x8a: {  	v35 =	vld [tilespmem:s17+$0xFFFFFFC0];
	v5 =	vperm.xlane v7, v0  }
0x8b: {  	v18 =	vadd.f32 v19, v18;
	v19 =	vld [tilespmem:s23+$0xFFFFFFF0]  }
0x8c: {  	v36 =	vld [tilespmem:s26+$0xFFFFFFD0];
	[tilespmem:s3+$0xFFFFFF50] =	vst v2;
	v3 =	vmul.f32 v3, v5;
	v2 =	vpop (erf)  }
0x8d: {  	v38 =	vld [tilespmem:s26+$0xFFFFFFE0];
	v7 =	vpop (erf)  }
0x8e: {  	v21 =	vadd.f32 v22, v21;
	v22 =	vld [tilespmem:s9+$0x0];
	[tilespmem:s3+$0xF0] =	vst v3;
	v3 =	vnsel vm0, $0x0, v7;
	v9 =	vpop (erf)  }
0x8f: {  	v25 =	vmul.f32 $2.000000030e-01, v18;
	v4 =	vld [tilespmem:s21+$0xFFFFFF40];
	[tilespmem:s3+$0xFFFFFFF0] =	vst v3;
	v3 =	vnsel vm0, $0x0, v9  }
0x90: {  	v19 =	vadd.f32 v24, v19;
	v24 =	vld [tilespmem:s23+$0x20];
	[tilespmem:s3+$0x40] =	vst v3  }
0x91: {  	v18 =	vmax.f32 v18, v25;
	v25 =	vmul.f32 $2.000000030e-01, v21;
	v6 =	vnsel vm0, $0x0, v2;
	v15 =	vld [tilespmem:s21+$0x0]  }
0x92: {  	v18 =	vmul.f32 $1.442695020e+00, v18;
	[tilespmem:s3+$0xFFFFFFA0] =	vst v6;
	v10 =	vld [tilespmem:s21+$0xD0];
	v6 =	vperm.xlane v1, v0  }
0x93: {  	v8 =	vperm.xlane v2, v0;
	v11 =	vperm.xlane v7, v0;
	v12 =	vld [tilespmem:s21+$0xFFFFFF80];
	v13 =	vpop (erf)  }
0x94: {  	v7 =	vperm.xlane v9, v0;
	v1 =	vld [tilespmem:s21+$0xFFFFFFC0];
	v3 =	vnsel vm0, $0x0, v13;
	v14 =	vpop (erf);
	v2 =	vmul.f32 v4, v6  }
0x95: {  	(erf) = vpow2.f32 v18;
	v18 =	vmax.f32 v21, v25;
	v25 =	vld [tilespmem:s23+$0xFFFFFFC0];
	[tilespmem:s3+$0x90] =	vst v3;
	v3 =	vnsel vm0, $0x0, v14  }
0x96: {  	v9 =	vperm.xlane v13, v0;
	v4 =	vld [tilespmem:s21+$0x40];
	[tilespmem:s3+$0xE0] =	vst v3;
	v13 =	vmul.f32 v15, v7  }
0x97: {  	v16 =	vpop (erf);
	[tilespmem:s3+$0xFFFFFF10] =	vst v2;
	v3 =	vld [tilespmem:s21+$0x80]  }
0x98: {  	v17 =	vnsel vm0, $0x0, v16;
	v10 =	vmul.f32 v10, v5;
	[tilespmem:s3+$0x0] =	vst v13;
	v13 =	vperm.xlane v16, v0;
	v16 =	vld [tilespmem:s9+$0xFFFFFFE0]  }
0x99: {  	[tilespmem:s3+$0xFFFFFF00] =	vst v17;
	v2 =	vld [tilespmem:s21+$0xFFFFFF50];
	v12 =	vmul.f32 v12, v8  }
0x9a: {  	v17 =	vld [tilespmem:s21+$0xFFFFFF00];
	v1 =	vmul.f32 v1, v11;
	[tilespmem:s3+$0x100] =	vst v10  }
0x9b: {  	v22 =	vadd.f32 v22, v26;
	[tilespmem:s3+$0xFFFFFF60] =	vst v12;
	v12 =	vld [tilespmem:s21+$0xE0]  }
0x9c: {  	v18 =	vmul.f32 $1.442695020e+00, v18;
	v10 =	vperm.xlane v14, v0;
	v14 =	vld [tilespmem:s21+$0xFFFFFF90];
	[tilespmem:s3+$0xFFFFFFB0] =	vst v1  }
0x9d: {  	v26 =	vmul.f32 $2.000000030e-01, v22;
	v1 =	vld [tilespmem:s21+$0xFFFFFFD0];
	v16 =	vadd.f32 v16, v23  }
0x9e: {  	(erf) = vpow2.f32 v18;
	v4 =	vmul.f32 v4, v9;
	v23 =	vld [tilespmem:s23+$0x10]  }
0x9f: {  	v3 =	vmul.f32 v3, v10;
	v15 =	vld [tilespmem:s21+$0x10];
	v28 =	vmul.f32 $2.000000030e-01, v16  }
0xa0: {  	v21 =	vld [tilespmem:s9+$0x20];
	v2 =	vmul.f32 v2, v6;
	v17 =	vmul.f32 v17, v13  }
0xa1: {  	v48 =	vld [tilespmem:s26+$0x0];
	[tilespmem:s3+$0x50] =	vst v4;
	v12 =	vmul.f32 v12, v5;
	v16 =	vmax.f32 v16, v28;
	v28 =	vmul.f32 $2.000000030e-01, v19  }
0xa2: {  	v4 =	vld [tilespmem:s21+$0x50];
	[tilespmem:s3+$0xA0] =	vst v3;
	v14 =	vmul.f32 v14, v8;
	v1 =	vmul.f32 v1, v11  }
0xa3: {  	[tilespmem:s3+$0xFFFFFF20] =	vst v2;
	v3 =	vld [tilespmem:s21+$0x90];
	v16 =	vmul.f32 $1.442695020e+00, v16;
	v23 =	vadd.f32 v27, v23;
	v19 =	vmax.f32 v19, v28  }
0xa4: {  	v49 =	vld [tilespmem:s17+$0x0];
	v20 =	vadd.f32 v20, v25;
	[tilespmem:s3+$0x110] =	vst v12;
	v15 =	vmul.f32 v15, v7;
	v12 =	vmul.f32 $1.442695020e+00, v19  }
0xa5: {  	v50 =	vld [tilespmem:s17+$0x10];
	v21 =	vadd.f32 v21, v24;
	[tilespmem:s3+$0xFFFFFEC0] =	vst v17;
	v19 =	vmul.f32 $2.000000030e-01, v23;
	(erf) = vpow2.f32 v16  }
0xa6: {  	v18 =	vmax.f32 v22, v26;
	[tilespmem:s3+$0xFFFFFF70] =	vst v14;
	v14 =	vld [tilespmem:s21+$0xFFFFFF60];
	(erf) = vpow2.f32 v12;
	v12 =	vmul.f32 $2.000000030e-01, v20  }
0xa7: {  	v2 =	vld [tilespmem:s21+$0xFFFFFF10];
	v4 =	vmul.f32 v4, v9;
	[tilespmem:s3+$0xFFFFFFC0] =	vst v1;
	v16 =	vmax.f32 v23, v19;
	v19 =	vmul.f32 $2.000000030e-01, v21  }
0xa8: {  	v18 =	vmul.f32 $1.442695020e+00, v18;
	v17 =	vld [tilespmem:s21+$0xF0];
	v3 =	vmul.f32 v3, v10;
	[tilespmem:s3+$0x10] =	vst v15;
	v12 =	vmax.f32 v20, v12  }
0xa9: {  	v22 =	vpop (erf);
	v1 =	vld [tilespmem:s21+$0xFFFFFFA0];
	[tilespmem:s3+$0x60] =	vst v4;
	v16 =	vmul.f32 $1.442695020e+00, v16;
	v19 =	vmax.f32 v21, v19;
	v4 =	vmul.f32 $1.442695020e+00, v12  }
0xaa: {  	s9 =	simm.s32 $0x3540;
	v15 =	vld [tilespmem:s21+$0xFFFFFFE0];
	[tilespmem:s3+$0xB0] =	vst v3;
	(erf) = vpow2.f32 v18;
	v21 =	vnsel vm0, $0x0, v22;
	v18 =	vmul.f32 $1.442695020e+00, v19  }
0xab: {  	s14 =	simm.s32 $0x1480;
	v3 =	vmul.f32 v14, v6;
	v14 =	vld [tilespmem:s21+$0xA0];
	[tilespmem:s9+$0x130] =	vst v21;
	(erf) = vpow2.f32 v16  }
0xac: {  	v2 =	vmul.f32 v2, v13;
	v12 =	vld [tilespmem:s14+$0xC0];
	(erf) = vpow2.f32 v18  }
0xad: {  	v5 =	vmul.f32 v17, v5;
	v17 =	vld [tilespmem:s17+$0xFFFFFFD0];
	[tilespmem:s3+$0xFFFFFF30] =	vst v3;
	(erf) = vpow2.f32 v4;
	v4 =	vpop (erf)  }
0xae: {  	[tilespmem:s3+$0xFFFFFED0] =	vst v2;
	v1 =	vmul.f32 v1, v8;
	v20 =	vld [tilespmem:s21+$0xFFFFFF70];
	v2 =	vnsel vm0, $0x0, v4  }
0xaf: {  	v19 =	vperm.xlane v22, v0;
	v18 =	vld [tilespmem:s21+$0xFFFFFF20]  }
0xb0: {  	v23 =	vld [tilespmem:s21+$0x20]  }
0xb1: {  	v16 =	vld [tilespmem:s21+$0x60];
	[tilespmem:s9+$0xFFFFFF50] =	vst v2;
	v12 =	vmul.f32 v12, v19;
	v2 =	vpop (erf)  }
0xb2: {  	[tilespmem:s3+$0xFFFFFF80] =	vst v1;
	v3 =	vld [tilespmem:s14+$0xFFFFFF40];
	v1 =	vpop (erf)  }
0xb3: {  	v6 =	vmul.f32 v20, v6;
	v20 =	vld [tilespmem:s17+$0xFFFFFFE0];
	[tilespmem:s9+$0xF0] =	vst v12;
	v21 =	vnsel vm0, $0x0, v2;
	v25 =	vpop (erf)  }
0xb4: {  	v18 =	vmul.f32 v18, v13;
	[tilespmem:s9+$0xFFFFFFA0] =	vst v21;
	v21 =	vld [tilespmem:s21+$0xFFFFFFB0];
	v12 =	vnsel vm0, $0x0, v25;
	v26 =	vpop (erf)  }
0xb5: {  	v22 =	vnsel vm0, $0x0, v1;
	v24 =	vld [tilespmem:s14+$0xFFFFFF80];
	[tilespmem:s9+$0x40] =	vst v12;
	v28 =	vnsel vm0, $0x0, v26;
	v12 =	vperm.xlane v4, v0  }
0xb6: {  	[tilespmem:s9+$0xFFFFFFF0] =	vst v22;
	v22 =	vld [tilespmem:s14+$0xD0]  }
0xb7: {  	[tilespmem:s3+$0xFFFFFEE0] =	vst v18;
	v18 =	vperm.xlane v2, v0;
	v27 =	vld [tilespmem:s14+$0xFFFFFFC0];
	v2 =	vmul.f32 v3, v12  }
0xb8: {  	v29 =	vld [tilespmem:s14+$0x0];
	[tilespmem:s9+$0x90] =	vst v28;
	v28 =	vpop (erf)  }
0xb9: {  	v1 =	vperm.xlane v1, v0;
	v30 =	vld [tilespmem:s14+$0x40];
	v4 =	vnsel vm0, $0x0, v28;
	v31 =	vpop (erf);
	[tilespmem:s9+$0xFFFFFF10] =	vst v2  }
0xba: {  	v8 =	vmul.f32 v21, v8;
	v21 =	vld [tilespmem:s26+$0xFFFFFFF0];
	v2 =	vperm.xlane v26, v0;
	v3 =	vnsel vm0, $0x0, v31;
	[tilespmem:s9+$0xE0] =	vst v4  }
0xbb: {  	v4 =	vperm.xlane v25, v0;
	v26 =	vld [tilespmem:s14+$0xFFFFFF50];
	[tilespmem:s9+$0xFFFFFF00] =	vst v3;
	v3 =	vmul.f32 v22, v19  }
0xbc: {  	v33 =	vld [tilespmem:s14+$0x80];
	v22 =	vmul.f32 v24, v18  }
0xbd: {  	v25 =	vmul.f32 v27, v1;
	v24 =	vld [tilespmem:s14+$0xFFFFFF00];
	v27 =	vmul.f32 v29, v4;
	[tilespmem:s9+$0x100] =	vst v3  }
0xbe: {  	v3 =	vperm.xlane v28, v0;
	[tilespmem:s9+$0xFFFFFF60] =	vst v22;
	v28 =	vmul.f32 v30, v2;
	v22 =	vld [tilespmem:s14+$0xE0]  }
0xbf: {  	v29 =	vld [tilespmem:s14+$0xFFFFFF90];
	[tilespmem:s9+$0x0] =	vst v27  }
0xc0: {  	v37 =	vmul.f32 v23, v7;
	v23 =	vperm.xlane v31, v0;
	v30 =	vld [tilespmem:s14+$0x10];
	[tilespmem:s9+$0x50] =	vst v28  }
0xc1: {  	v15 =	vmul.f32 v15, v11;
	[tilespmem:s3+$0x120] =	vst v5;
	v27 =	vmul.f32 v33, v3;
	v28 =	vld [tilespmem:s14+$0x50];
	v33 =	vadd.f32 v34, v46  }
0xc2: {  	v14 =	vmul.f32 v14, v10;
	v31 =	vld [tilespmem:s17+$0xFFFFFFF0];
	[tilespmem:s9+$0xFFFFFFB0] =	vst v25;
	v24 =	vmul.f32 v24, v23  }
0xc3: {  	v17 =	vadd.f32 v17, v36;
	v25 =	vld [tilespmem:s14+$0xFFFFFFD0];
	[tilespmem:s9+$0xA0] =	vst v27;
	v47 =	vmul.f32 $2.000000030e-01, v33;
	v22 =	vmul.f32 v22, v19  }
0xc4: {  	v16 =	vmul.f32 v16, v9;
	v20 =	vadd.f32 v20, v38;
	v32 =	vld [tilespmem:s21+$0xFFFFFF30];
	v26 =	vmul.f32 v26, v12;
	[tilespmem:s9+$0xFFFFFEC0] =	vst v24  }
0xc5: {  	v27 =	vld [tilespmem:s14+$0x90];
	v5 =	vmul.f32 v29, v18;
	v29 =	vmax.f32 v33, v47;
	v24 =	vmul.f32 v30, v4;
	[tilespmem:s9+$0x110] =	vst v22  }
0xc6: {  	[tilespmem:s9+$0xFFFFFF20] =	vst v26;
	v29 =	vmul.f32 $1.442695020e+00, v29;
	v26 =	vmul.f32 v28, v2;
	v22 =	vld [tilespmem:s14+$0xF0]  }
0xc7: {  	v30 =	vld [tilespmem:s26+$0x10];
	v28 =	vmul.f32 $2.000000030e-01, v17;
	[tilespmem:s9+$0xFFFFFF70] =	vst v5;
	v5 =	vadd.f32 v31, v21;
	v21 =	vmul.f32 $2.000000030e-01, v20  }
0xc8: {  	v25 =	vmul.f32 v25, v1;
	[tilespmem:s9+$0x10] =	vst v24;
	v24 =	vld [tilespmem:s26+$0xFFFFFFC0];
	(erf) = vpow2.f32 v29  }
0xc9: {  	v29 =	vld [tilespmem:s26+$0x20];
	v17 =	vmax.f32 v17, v28;
	v20 =	vmax.f32 v20, v21;
	v21 =	vmul.f32 $2.000000030e-01, v5  }
0xca: {  	[tilespmem:s9+$0xFFFFFFC0] =	vst v25;
	v28 =	vld [tilespmem:s14+$0xFFFFFF60];
	v25 =	vmul.f32 v27, v3;
	v27 =	vadd.f32 v49, v48;
	v17 =	vmul.f32 $1.442695020e+00, v17  }
0xcb: {  	[tilespmem:s3+$0xFFFFFFD0] =	vst v15;
	v20 =	vmul.f32 $1.442695020e+00, v20;
	v19 =	vmul.f32 v22, v19;
	v22 =	vld [tilespmem:s17+$0x20]  }
0xcc: {  	v5 =	vmax.f32 v5, v21;
	[tilespmem:s9+$0xB0] =	vst v25;
	v21 =	vmul.f32 $2.000000030e-01, v27;
	v25 =	vadd.f32 v50, v30  }
0xcd: {  	[tilespmem:s3+$0x70] =	vst v16;
	v5 =	vmul.f32 $1.442695020e+00, v5;
	(erf) = vpow2.f32 v17  }
0xce: {  	v15 =	vld [tilespmem:s14+$0xFFFFFFA0];
	[tilespmem:s9+$0x60] =	vst v26;
	(erf) = vpow2.f32 v20;
	v17 =	vmax.f32 v27, v21;
	v21 =	vmul.f32 $2.000000030e-01, v25  }
0xcf: {  	v13 =	vmul.f32 v32, v13;
	v26 =	vld [tilespmem:s14+$0xFFFFFF10];
	(erf) = vpow2.f32 v5;
	[tilespmem:s9+$0x120] =	vst v19;
	v19 =	vadd.f32 v35, v24  }
0xd0: {  	[tilespmem:s3+$0xFFFFFF90] =	vst v8;
	v20 =	vld [tilespmem:s14+$0x20];
	v8 =	vmul.f32 v28, v12;
	v16 =	vmax.f32 v25, v21;
	v22 =	vadd.f32 v22, v29  }
0xd1: {  	v27 =	vld [tilespmem:s14+$0xFFFFFFE0];
	v17 =	vmul.f32 $1.442695020e+00, v17;
	v5 =	vmul.f32 $2.000000030e-01, v19  }
0xd2: {  	[tilespmem:s3+$0xC0] =	vst v14;
	v28 =	vld [tilespmem:s21+$0x70];
	v14 =	vmul.f32 $1.442695020e+00, v16;
	v21 =	vmul.f32 $2.000000030e-01, v22  }
0xd3: {  	[tilespmem:s3+$0x20] =	vst v37;
	v24 =	vld [tilespmem:s14+$0x60];
	(erf) = vpow2.f32 v17;
	v16 =	vpop (erf);
	v5 =	vmax.f32 v19, v5  }
0xd4: {  	s20 =	simm.s32 $0x37C0;
	[tilespmem:s3+$0xFFFFFEF0] =	vst v13;
	v25 =	vld [tilespmem:s14+$0xA0];
	(erf) = vpow2.f32 v14;
	v13 =	vmax.f32 v22, v21;
	v21 =	vnsel vm0, $0x0, v16  }
0xd5: {  	s26 =	simm.s32 $0x1680;
	v29 =	vld [tilespmem:s21+$0xB0];
	v5 =	vmul.f32 $1.442695020e+00, v5;
	v13 =	vmul.f32 $1.442695020e+00, v13;
	[tilespmem:s20+$0x130] =	vst v21  }
0xd6: {  	[tilespmem:s3+$0xFFFFFF40] =	vst v6;
	v6 =	vld [tilespmem:s26+$0xC0]  }
0xd7: {  	[tilespmem:s9+$0xFFFFFF30] =	vst v8;
	v19 =	vld [tilespmem:s21+$0x30];
	v14 =	vmul.f32 v26, v23;
	(erf) = vpow2.f32 v13  }
0xd8: {  	v26 =	vld [tilespmem:s14+$0xFFFFFF70];
	v13 =	vmul.f32 v15, v18;
	(erf) = vpow2.f32 v5  }
0xd9: {  	[tilespmem:s9+$0xFFFFFED0] =	vst v14;
	v14 =	vperm.xlane v16, v0;
	v22 =	vld [tilespmem:s21+$0xFFFFFFF0];
	v5 =	vpop (erf)  }
0xda: {  	v21 =	vld [tilespmem:s14+$0xFFFFFF20];
	v15 =	vnsel vm0, $0x0, v5;
	v8 =	vpop (erf);
	[tilespmem:s9+$0xFFFFFF80] =	vst v13  }
0xdb: {  	[tilespmem:s20+$0xFFFFFF50] =	vst v15;
	v15 =	vnsel vm0, $0x0, v8;
	v31 =	vld [tilespmem:s14+$0xFFFFFFB0];
	v6 =	vmul.f32 v6, v14  }
0xdc: {  	v30 =	vld [tilespmem:s26+$0xFFFFFF40];
	v13 =	vpop (erf);
	[tilespmem:s20+$0xFFFFFFA0] =	vst v15  }
0xdd: {  	v17 =	vmul.f32 v27, v1;
	v16 =	vmul.f32 v20, v4;
	v15 =	vnsel vm0, $0x0, v13;
	v51 =	vld [tilespmem:s26+$0xFFFFFF80];
	v52 =	vpop (erf);
	[tilespmem:s20+$0xF0] =	vst v6  }
0xde: {  	v20 =	vmul.f32 v24, v2;
	v19 =	vmul.f32 v19, v7;
	[tilespmem:s20+$0xFFFFFFF0] =	vst v15;
	v15 =	vnsel vm0, $0x0, v52;
	v53 =	vpop (erf);
	v27 =	vld [tilespmem:s26+$0xD0]  }
0xdf: {  	v5 =	vperm.xlane v5, v0;
	v54 =	vmul.f32 v21, v23;
	v55 =	vld [tilespmem:s26+$0xFFFFFFC0];
	[tilespmem:s20+$0x40] =	vst v15;
	v15 =	vnsel vm0, $0x0, v53  }
0xe0: {  	v6 =	vperm.xlane v8, v0;
	v8 =	vperm.xlane v13, v0;
	v13 =	vld [tilespmem:s26+$0x0];
	[tilespmem:s20+$0x90] =	vst v15;
	v24 =	vpop (erf)  }
0xe1: {  	v21 =	vmul.f32 v26, v12;
	[tilespmem:s9+$0xFFFFFEE0] =	vst v54;
	v15 =	vmul.f32 v22, v11;
	v26 =	vld [tilespmem:s26+$0x40];
	v11 =	vnsel vm0, $0x0, v24;
	v56 =	vpop (erf)  }
0xe2: {  	v22 =	vmul.f32 v25, v3;
	v12 =	vmul.f32 v30, v5;
	v30 =	vld [tilespmem:s14+$0xFFFFFF30];
	v7 =	vnsel vm0, $0x0, v56;
	[tilespmem:s20+$0xE0] =	vst v11  }
0xe3: {  	v11 =	vperm.xlane v53, v0;
	[tilespmem:s20+$0xFFFFFF00] =	vst v7;
	v57 =	vld [tilespmem:s26+$0x80];
	v25 =	vmul.f32 v27, v14  }
0xe4: {  	[tilespmem:s20+$0xFFFFFF10] =	vst v12;
	v7 =	vperm.xlane v52, v0;
	v27 =	vmul.f32 v51, v6;
	v58 =	vld [tilespmem:s26+$0xFFFFFF00]  }
0xe5: {  	v12 =	vperm.xlane v24, v0;
	v59 =	vmul.f32 v55, v8;
	v60 =	vld [tilespmem:s26+$0xFFFFFF50];
	[tilespmem:s20+$0x100] =	vst v25  }
0xe6: {  	v24 =	vmul.f32 v31, v18;
	v61 =	vmul.f32 v13, v7;
	[tilespmem:s20+$0xFFFFFF60] =	vst v27;
	v62 =	vld [tilespmem:s26+$0xE0]  }
0xe7: {  	v13 =	vperm.xlane v56, v0;
	v63 =	vmul.f32 v26, v11;
	[tilespmem:s20+$0xFFFFFFB0] =	vst v59;
	v25 =	vld [tilespmem:s26+$0xFFFFFF90]  }
0xe8: {  	v18 =	vmul.f32 v28, v9;
	v26 =	vld [tilespmem:s26+$0xFFFFFFD0];
	[tilespmem:s20+$0x0] =	vst v61;
	v31 =	vmul.f32 v57, v12  }
0xe9: {  	v9 =	vmul.f32 v29, v10;
	[tilespmem:s20+$0x50] =	vst v63;
	v27 =	vld [tilespmem:s26+$0x10];
	v28 =	vmul.f32 v58, v13  }
0xea: {  	v10 =	vmul.f32 v30, v23;
	v23 =	vld [tilespmem:s26+$0x50];
	v29 =	vmul.f32 v60, v5;
	[tilespmem:s20+$0xA0] =	vst v31  }
0xeb: {  	s1 =	simm.s32 $0x340;
	s23 =	simm.s32 $0x10;
	s21 =	simm.s32 $0x1680;
	[tilespmem:s20+$0xFFFFFEC0] =	vst v28;
	v28 =	vld [tilespmem:s26+$0x90];
	v30 =	vmul.f32 v62, v14  }
.LBB2_6:
0xec: {  	v31 =	vld [tilespmem:s1+$0x30];
	[tilespmem:s20+$0xFFFFFF20] =	vst v29;
	v25 =	vmul.f32 v25, v6;
	s17 =	sadd.s32 $0x80, s17  }
0xed: {  	v29 =	vld [tilespmem:s17+$0x30];
	v26 =	vmul.f32 v26, v8;
	[tilespmem:s20+$0x110] =	vst v30  }
0xee: {  	s23 =	sadd.s32 $0x8, s23;
	[tilespmem:s20+$0xFFFFFF70] =	vst v25;
	v25 =	vmul.f32 v27, v7;
	v27 =	vld [tilespmem:s26+$0xF0]  }
0xef: {  	p2 =	slt.u32 s23, $0x38;
	v30 =	vld [tilespmem:s17+$0xFFFFFFC0];
	[tilespmem:s20+$0xFFFFFFC0] =	vst v26;
	v23 =	vmul.f32 v23, v11  }
0xf0: {  	v26 =	vld [tilespmem:s1+$0xFFFFFFD0];
	[tilespmem:s20+$0x10] =	vst v25;
	v25 =	vmul.f32 v28, v12  }
0xf1: {  	v28 =	vld [tilespmem:s17+$0xFFFFFFD0];
	[tilespmem:s20+$0x60] =	vst v23  }
0xf2: {  	v23 =	vld [tilespmem:s1+$0xFFFFFFE0];
	[tilespmem:s20+$0xB0] =	vst v25  }
0xf3: {  	v29 =	vadd.f32 v29, v31;
	v25 =	vld [tilespmem:s17+$0xFFFFFFE0];
	v14 =	vmul.f32 v27, v14;
	[tilespmem:s9+$0xFFFFFFD0] =	vst v17  }
0xf4: {  	v17 =	vld [tilespmem:s1+$0xFFFFFFF0];
	[tilespmem:s9+$0x20] =	vst v16  }
0xf5: {  	v27 =	vmul.f32 $2.000000030e-01, v29;
	v16 =	vld [tilespmem:s17+$0xFFFFFFF0];
	[tilespmem:s20+$0x120] =	vst v14  }
0xf6: {  	v14 =	vadd.f32 v28, v26;
	v26 =	vld [tilespmem:s1+$0x0];
	[tilespmem:s9+$0x70] =	vst v20  }
0xf7: {  	v27 =	vmax.f32 v29, v27;
	v20 =	vld [tilespmem:s17+$0x0];
	[tilespmem:s9+$0xC0] =	vst v22  }
0xf8: {  	v27 =	vmul.f32 $1.442695020e+00, v27;
	v22 =	vmul.f32 $2.000000030e-01, v14;
	v23 =	vadd.f32 v25, v23;
	v25 =	vld [tilespmem:s1+$0x10];
	[tilespmem:s9+$0xFFFFFEF0] =	vst v10  }
0xf9: {  	v10 =	vld [tilespmem:s17+$0x10];
	[tilespmem:s9+$0xFFFFFF40] =	vst v21  }
0xfa: {  	v21 =	vmul.f32 $2.000000030e-01, v23;
	v16 =	vadd.f32 v16, v17;
	v17 =	vld [tilespmem:s1+$0x20];
	(erf) = vpow2.f32 v27;
	[tilespmem:s9+$0xFFFFFF90] =	vst v24  }
0xfb: {  	v14 =	vmax.f32 v14, v22;
	v22 =	vld [tilespmem:s17+$0x20];
	[tilespmem:s3+$0xFFFFFFE0] =	vst v15  }
0xfc: {  	v15 =	vld [tilespmem:s1+$0xFFFFFFC0];
	v21 =	vmax.f32 v23, v21;
	v23 =	vmul.f32 $2.000000030e-01, v16;
	v20 =	vadd.f32 v20, v26;
	[tilespmem:s3+$0x30] =	vst v19  }
0xfd: {  	v14 =	vmul.f32 $1.442695020e+00, v14;
	v19 =	vmul.f32 $1.442695020e+00, v21;
	v21 =	vld [tilespmem:s26+$0xFFFFFF10];
	[tilespmem:s3+$0x80] =	vst v18  }
0xfe: {  	v16 =	vmax.f32 v16, v23;
	v18 =	vmul.f32 $2.000000030e-01, v20;
	v10 =	vadd.f32 v10, v25;
	v23 =	vld [tilespmem:s26+$0xFFFFFF60];
	[tilespmem:s3+$0xD0] =	vst v9;
	s3 =	smov.u32 s9;
	s9 =	smov.u32 s20  }
0xff: {  	v9 =	vmul.f32 $1.442695020e+00, v16;
	(erf) = vpow2.f32 v14;
	v14 =	vld [tilespmem:s26+$0xFFFFFFA0]  }
0x100: {  	v16 =	vmax.f32 v20, v18;
	v18 =	vmul.f32 $2.000000030e-01, v10;
	v17 =	vadd.f32 v22, v17;
	v20 =	vld [tilespmem:s26+$0xFFFFFFE0]  }
0x101: {  	v15 =	vadd.f32 v30, v15;
	v16 =	vmul.f32 $1.442695020e+00, v16;
	(erf) = vpow2.f32 v19;
	v19 =	vld [tilespmem:s26+$0x20]  }
0x102: {  	v10 =	vmax.f32 v10, v18;
	v18 =	vmul.f32 $2.000000030e-01, v17;
	(erf) = vpow2.f32 v9;
	v9 =	vld [tilespmem:s26+$0x60]  }
0x103: {  	v22 =	vmul.f32 $2.000000030e-01, v15;
	v10 =	vmul.f32 $1.442695020e+00, v10;
	v24 =	vpop (erf);
	v25 =	vld [tilespmem:s26+$0xA0]  }
0x104: {  	s20 =	sadd.s32 $0x280, s20;
	v17 =	vmax.f32 v17, v18;
	v18 =	vnsel vm0, $0x0, v24;
	(erf) = vpow2.f32 v16;
	v26 =	vld [tilespmem:s14+$0xFFFFFFF0]  }
0x105: {  	s26 =	sadd.s32 $0x200, s26;
	v15 =	vmax.f32 v15, v22;
	v16 =	vmul.f32 $1.442695020e+00, v17;
	[tilespmem:s20+$0x130] =	vst v18;
	(erf) = vpow2.f32 v10;
	v10 =	vld [tilespmem:s14+$0x30]  }
0x106: {  	v17 =	vmul.f32 v21, v13;
	v22 =	vmul.f32 $1.442695020e+00, v15;
	v18 =	vld [tilespmem:s26+$0xC0]  }
0x107: {  	(erf) = vpow2.f32 v16;
	v16 =	vmul.f32 v23, v5;
	v23 =	vld [tilespmem:s14+$0x70]  }
0x108: {  	v21 =	vmul.f32 v14, v6;
	(erf) = vpow2.f32 v22;
	v15 =	vpop (erf);
	[tilespmem:s9+$0xFFFFFED0] =	vst v17;
	v27 =	vld [tilespmem:s14+$0xB0];
	s14 =	smov.u32 s21;
	s21 =	smov.u32 s26  }
0x109: {  	v14 =	vperm.xlane v24, v0;
	v17 =	vnsel vm0, $0x0, v15;
	v28 =	vperm.xlane v15, v0;
	v24 =	vld [tilespmem:s14+$0xFFFFFF20];
	[tilespmem:s9+$0xFFFFFF30] =	vst v16  }
0x10a: {  	v16 =	vmul.f32 v19, v7;
	[tilespmem:s20+$0xFFFFFF50] =	vst v17;
	v15 =	vpop (erf);
	v29 =	vld [tilespmem:s14+$0xFFFFFF70];
	v17 =	vmul.f32 v20, v8  }
0x10b: {  	v19 =	vld [tilespmem:s26+$0xFFFFFF40];
	v20 =	vnsel vm0, $0x0, v15;
	v30 =	vperm.xlane v15, v0;
	v15 =	vmul.f32 v18, v14;
	v18 =	vpop (erf);
	[tilespmem:s9+$0xFFFFFF80] =	vst v21  }
0x10c: {  	[tilespmem:s20+$0xFFFFFFA0] =	vst v20;
	v33 =	vnsel vm0, $0x0, v18;
	v18 =	vperm.xlane v18, v0;
	v31 =	vld [tilespmem:s14+$0xFFFFFFB0];
	v20 =	vmul.f32 v9, v11  }
0x10d: {  	v22 =	vmul.f32 v25, v12;
	v9 =	vld [tilespmem:s26+$0xFFFFFF80];
	[tilespmem:s20+$0xF0] =	vst v15;
	v32 =	vpop (erf);
	v15 =	vmul.f32 v26, v1;
	v1 =	vmov v8  }
0x10e: {  	[tilespmem:s20+$0xFFFFFFF0] =	vst v33;
	v36 =	vnsel vm0, $0x0, v32;
	v25 =	vperm.xlane v32, v0;
	v26 =	vld [tilespmem:s26+$0xD0];
	v21 =	vpop (erf);
	v24 =	vmul.f32 v24, v13  }
0x10f: {  	v32 =	vld [tilespmem:s26+$0xFFFFFFC0];
	[tilespmem:s20+$0x40] =	vst v36;
	v35 =	vnsel vm0, $0x0, v21;
	v33 =	vperm.xlane v21, v0;
	v21 =	vmul.f32 v29, v5;
	v5 =	vmovc v28  }
0x110: {  	v8 =	vmov v18;
	v28 =	vmul.f32 v19, v5;
	v29 =	vld [tilespmem:s26+$0x0];
	[tilespmem:s20+$0x90] =	vst v35;
	v34 =	vpop (erf);
	v19 =	vmul.f32 v10, v4  }
0x111: {  	v10 =	vld [tilespmem:s26+$0x40];
	v38 =	vnsel vm0, $0x0, v34;
	v34 =	vperm.xlane v34, v0;
	v18 =	vpop (erf);
	[tilespmem:s9+$0xFFFFFEE0] =	vst v24;
	v24 =	vmul.f32 v31, v6  }
0x112: {  	v6 =	vmovc v30;
	v31 =	vnsel vm0, $0x0, v18;
	v35 =	vperm.xlane v18, v0;
	v36 =	vmul.f32 v9, v30;
	[tilespmem:s20+$0xE0] =	vst v38;
	v37 =	vld [tilespmem:s14+$0xFFFFFF30]  }
0x113: {  	v4 =	vmovc v7;
	v7 =	vmov v25;
	v18 =	vmul.f32 v23, v2;
	[tilespmem:s20+$0xFFFFFF00] =	vst v31;
	v30 =	vld [tilespmem:s26+$0x80];
	v26 =	vmul.f32 v26, v14  }
0x114: {  	v9 =	vmul.f32 v27, v3;
	v2 =	vmovc v11;
	v11 =	vmov v33;
	v23 =	vld [tilespmem:s26+$0xFFFFFF00];
	[tilespmem:s20+$0xFFFFFF10] =	vst v28;
	v28 =	vmul.f32 v32, v8  }
0x115: {  	v3 =	vmov v12;
	v12 =	vmov v34;
	v31 =	vld [tilespmem:s26+$0xFFFFFF50];
	v27 =	vmul.f32 v29, v7;
	[tilespmem:s20+$0x100] =	vst v26  }
0x116: {  	[tilespmem:s20+$0xFFFFFF60] =	vst v36;
	v29 =	vmul.f32 v10, v11;
	v32 =	vld [tilespmem:s26+$0xE0]  }
.Ltmp4:
0x117: {  	v25 =	vld [tilespmem:s26+$0xFFFFFF90];
	[tilespmem:s20+$0xFFFFFFB0] =	vst v28;
	v10 =	vmul.f32 v37, v13;
	v13 =	vmov v35;
	(pc) =	sbr.rel @p2 .LBB2_6-.Ltmp4, $4  }
0x118: {  	v26 =	vld [tilespmem:s26+$0xFFFFFFD0];
	[tilespmem:s20+$0x0] =	vst v27;
	v28 =	vmul.f32 v30, v12  }
0x119: {  	v30 =	vmul.f32 v23, v13;
	v27 =	vld [tilespmem:s26+$0x10];
	[tilespmem:s20+$0x50] =	vst v29  }
0x11a: {  	v29 =	vmul.f32 v31, v5;
	v23 =	vld [tilespmem:s26+$0x50];
	[tilespmem:s20+$0xA0] =	vst v28  }
0x11b: {  	s1 =	sadd.s32 $0x80, s1;
	[tilespmem:s20+$0xFFFFFEC0] =	vst v30;
	v28 =	vld [tilespmem:s26+$0x90];
	v30 =	vmul.f32 v32, v14  }
0x11c: {  	[tilespmem:s20+$0xFFFFFF20] =	vst v29  }
0x11d: {  	[tilespmem:s9+$0xFFFFFFD0] =	vst v17  }
0x11e: {  	v25 =	vmul.f32 v25, v6;
	[tilespmem:s9+$0x20] =	vst v16  }
0x11f: {  	[tilespmem:s20+$0x110] =	vst v30  }
0x120: {  	v26 =	vmul.f32 v26, v8;
	[tilespmem:s20+$0xFFFFFF70] =	vst v25;
	v25 =	vmul.f32 v27, v7;
	v27 =	vld [tilespmem:s26+$0xF0]  }
0x121: {  	[tilespmem:s9+$0x70] =	vst v20  }
0x122: {  	[tilespmem:s20+$0xFFFFFFC0] =	vst v26;
	v26 =	vld [tilespmem:s26+$0xFFFFFF10]  }
0x123: {  	[tilespmem:s9+$0xC0] =	vst v22  }
0x124: {  	[tilespmem:s9+$0xFFFFFEF0] =	vst v10  }
0x125: {  	[tilespmem:s9+$0xFFFFFF40] =	vst v21;
	v14 =	vmul.f32 v27, v14  }
0x126: {  	[tilespmem:s3+$0xFFFFFFE0] =	vst v15  }
0x127: {  	v10 =	vld [tilespmem:s26+$0xFFFFFF60];
	[tilespmem:s20+$0x120] =	vst v14;
	v14 =	vmul.f32 v26, v13  }
0x128: {  	v16 =	vld [tilespmem:s26+$0xFFFFFFA0];
	[tilespmem:s20+$0x10] =	vst v25  }
0x129: {  	v17 =	vld [tilespmem:s26+$0x20];
	[tilespmem:s20+$0xFFFFFED0] =	vst v14  }
0x12a: {  	[tilespmem:s3+$0x30] =	vst v19;
	v23 =	vmul.f32 v23, v11;
	v14 =	vld [tilespmem:s21+$0xFFFFFF20]  }
0x12b: {  	[tilespmem:s3+$0x80] =	vst v18;
	v25 =	vmul.f32 v28, v12;
	v15 =	vld [tilespmem:s26+$0xFFFFFFE0]  }
0x12c: {  	[tilespmem:s20+$0x60] =	vst v23  }
0x12d: {  	[tilespmem:s20+$0xB0] =	vst v25;
	v18 =	vld [tilespmem:s26+$0x60];
	v16 =	vmul.f32 v16, v6  }
0x12e: {  	[tilespmem:s3+$0xD0] =	vst v9;
	v10 =	vmul.f32 v10, v5;
	v19 =	vld [tilespmem:s26+$0xA0]  }
0x12f: {  	[tilespmem:s20+$0xFFFFFF80] =	vst v16;
	v9 =	vmul.f32 v17, v7;
	v17 =	vld [tilespmem:s14+$0xFFFFFFF0];
	v14 =	vmul.f32 v14, v13  }
0x130: {  	[tilespmem:s20+$0xFFFFFF30] =	vst v10;
	v15 =	vmul.f32 v15, v8;
	v16 =	vld [tilespmem:s21+$0xFFFFFFB0]  }
0x131: {  	[tilespmem:s20+$0xFFFFFEE0] =	vst v14  }
0x132: {  	v18 =	vmul.f32 v18, v11;
	[tilespmem:s20+$0xFFFFFFD0] =	vst v15;
	v10 =	vld [tilespmem:s21+$0xFFFFFF30]  }
0x133: {  	v19 =	vmul.f32 v19, v12;
	[tilespmem:s20+$0x20] =	vst v9;
	v14 =	vld [tilespmem:s21+$0xFFFFFF70]  }
0x134: {  	v15 =	vld [tilespmem:s14+$0x30];
	[tilespmem:s20+$0x70] =	vst v18;
	v1 =	vmul.f32 v17, v1  }
0x135: {  	v9 =	vld [tilespmem:s14+$0x70];
	[tilespmem:s20+$0xC0] =	vst v19;
	v6 =	vmul.f32 v16, v6  }
0x136: {  	[tilespmem:s9+$0xFFFFFFE0] =	vst v1;
	v1 =	vld [tilespmem:s21+$0xB0]  }
0x137: {  	[tilespmem:s20+$0xFFFFFF90] =	vst v6;
	v6 =	vld [tilespmem:s21+$0x70];
	v10 =	vmul.f32 v10, v13  }
0x138: {  	[tilespmem:s9+$0xFFFFFF90] =	vst v24;
	v5 =	vmul.f32 v14, v5;
	v13 =	vld [tilespmem:s14+$0xB0]  }
0x139: {  	v4 =	vmul.f32 v15, v4;
	[tilespmem:s20+$0xFFFFFEF0] =	vst v10;
	v10 =	vld [tilespmem:s21+$0xFFFFFFF0]  }
0x13a: {  	v2 =	vmul.f32 v9, v2;
	[tilespmem:s20+$0xFFFFFF40] =	vst v5;
	v5 =	vld [tilespmem:s21+$0x30]  }
0x13b: {  	[tilespmem:s9+$0x30] =	vst v4;
	v1 =	vmul.f32 v1, v12  }
0x13c: {  	[tilespmem:s9+$0x80] =	vst v2;
	v4 =	vmul.f32 v6, v11  }
0x13d: {  	[tilespmem:s20+$0xD0] =	vst v1;
	v3 =	vmul.f32 v13, v3  }
0x13e: {  	[tilespmem:s20+$0x80] =	vst v4;
	v2 =	vmul.f32 v10, v8  }
0x13f: {  	[tilespmem:s9+$0xD0] =	vst v3;
	v3 =	vmul.f32 v5, v7  }
0x140: {  	[tilespmem:s20+$0xFFFFFFE0] =	vst v2  }
0x141: {  	s1 =	simm.s32 $0x100;
	s9 =	simm.s32 $0x3180;
	[tilespmem:s20+$0x30] =	vst v3  }
0x142: {  	[spmem:s2] =	stream.indirect.scatter.add.f32 [tilespmem:s9], [sflag:$0xB], $0x50, s1, s22, $0xb8;
	[tilespmem:$0x11D20] =	vst v63  }
0x143: {  	_ =	swait.ge [sflag:s18], $0x400  }
0x144: {  	[sflag:s18] =	ssyncset.done $0x0  }
0x145: {  	[sflag:s18] =	ssyncadd.s32 $0xFFFFFC00  }
0x146: {  	_ =	swait.ge [sflag:s10], $0x400  }
0x147: {  	[sflag:s10] =	ssyncset.done $0x0  }
0x148: {  	[sflag:s10] =	ssyncadd.s32 $0xFFFFFC00  }
0x149: {  	s0 =	sadd.s32 @!p0 s0, s16;
	_ =	swait.ge [sflag:s19], $0x1000  }
0x14a: {  	s3 =	simm.s32 @!p0 $0x0;
	s0 =	sshrl.u32 @!p0 s0, $0x3;
	[sflag:s19] =	ssyncset.done $0x0  }
0x14b: {  	s1 =	sadd.s32 @!p0 s5, s0;
	s9 =	simm.s32 @!p0 $0x40;
	[sflag:s19] =	ssyncadd.s32 $0xFFFFF000  }
0x14c: {  	[tilespmem:s9], [sflag:$0x2] =	stream.linear.gather @!p0 [hbm4b:s1+s3], $0x40, $0x38;
	[tilespmem:$0x11D20] =	vst v63  }
0x14d: {  	s0 =	sadd.s32 @!p0 s6, s0;
	s1 =	simm.s32 @!p0 $0xC0  }
0x14e: {  	[tilespmem:s1], [sflag:$0x4] =	stream.linear.gather @!p0 [hbm4b:s0+s3], $0x40, $0x38;
	[tilespmem:$0x11D20] =	vst v63  }
0x14f: {  	s0 =	simm.s32 @!p1 $0xC  }
0x150: {  	_ =	swait.ge @!p1 [sflag:s0], $0x1400  }
0x151: {  	[sflag:s0] =	ssyncset.done @!p1 $0x0  }
0x152: {  	[sflag:s0] =	ssyncadd.s32 @!p1 $0xFFFFEC00  }
0x153: {  	v1 =	vld [tilespmem:$0xC0]  }
0x154: {  	v2 =	vld [tilespmem:$0xD0]  }
0x155: {  	v3 =	vld [tilespmem:$0xE0]  }
0x156: {  	v4 =	vld [tilespmem:$0xF0];
	_ =	sdelay $0x1  }
0x157: {  	[tilespmem:$0x140] =	vst v1  }
0x158: {  	[tilespmem:$0x150] =	vst v2  }
0x159: {  	[tilespmem:$0x160] =	vst v3  }
0x15a: {  	s14 =	simm.s32 $0x5C0;
	[tilespmem:$0x170] =	vst v4  }
0x15b: {  	s17 =	simm.s32 $0xDC0;
	v1 =	vld [tilespmem:s14+$0x30]  }
0x15c: {  	v2 =	vld [tilespmem:s17+$0x30]  }
0x15d: {  	v3 =	vld [tilespmem:s17+$0xFFFFFFC0]  }
0x15e: {  	v4 =	vld [tilespmem:s14+$0xFFFFFFD0]  }
0x15f: {  	v5 =	vld [tilespmem:s17+$0xFFFFFFD0]  }
0x160: {  	v6 =	vld [tilespmem:s14+$0xFFFFFFE0]  }
0x161: {  	v7 =	vld [tilespmem:s17+$0xFFFFFFE0]  }
0x162: {  	v8 =	vld [tilespmem:s17+$0xFFFFFFF0];
	v1 =	vadd.f32 v2, v1  }
0x163: {  	v2 =	vld [tilespmem:s14+$0xFFFFFFF0]  }
0x164: {  	v10 =	vld [tilespmem:s14+$0x0];
	v9 =	vmul.f32 $2.000000030e-01, v1  }
0x165: {  	v11 =	vld [tilespmem:s17+$0x0]  }
0x166: {  	v12 =	vld [tilespmem:s17+$0x20];
	v1 =	vmax.f32 v1, v9  }
0x167: {  	v4 =	vadd.f32 v5, v4;
	v5 =	vadd.f32 v7, v6;
	v6 =	vld [tilespmem:s17+$0x10];
	v1 =	vmul.f32 $1.442695020e+00, v1  }
0x168: {  	v9 =	vld [tilespmem:s14+$0x10];
	v2 =	vadd.f32 v8, v2  }
0x169: {  	v13 =	vld [tilespmem:s14+$0xFFFFFFC0];
	(erf) = vpow2.f32 v1;
	v1 =	vmul.f32 $2.000000030e-01, v4  }
0x16a: {  	v7 =	vld [tilespmem:s14+$0x20];
	v8 =	vmul.f32 $2.000000030e-01, v5;
	v14 =	vmul.f32 $2.000000030e-01, v2  }
0x16b: {  	v10 =	vadd.f32 v11, v10;
	v1 =	vmax.f32 v4, v1  }
0x16c: {  	v4 =	vmax.f32 v5, v8;
	v2 =	vmax.f32 v2, v14;
	v1 =	vmul.f32 $1.442695020e+00, v1  }
0x16d: {  	s20 =	simm.s32 $0x640;
	v5 =	vmul.f32 $2.000000030e-01, v10;
	v6 =	vadd.f32 v6, v9;
	v4 =	vmul.f32 $1.442695020e+00, v4  }
0x16e: {  	s23 =	simm.s32 $0xE40;
	v18 =	vld [tilespmem:s20+$0x30];
	v3 =	vadd.f32 v3, v13;
	v2 =	vmul.f32 $1.442695020e+00, v2;
	(erf) = vpow2.f32 v1  }
0x16f: {  	v19 =	vld [tilespmem:s23+$0x30];
	v1 =	vmax.f32 v10, v5;
	v5 =	vadd.f32 v12, v7;
	v7 =	vmul.f32 $2.000000030e-01, v6  }
0x170: {  	v20 =	vld [tilespmem:s23+$0xFFFFFFC0];
	v1 =	vmul.f32 $1.442695020e+00, v1;
	(erf) = vpow2.f32 v4  }
0x171: {  	v21 =	vld [tilespmem:s20+$0xFFFFFFD0];
	(erf) = vpow2.f32 v2;
	v2 =	vmul.f32 $2.000000030e-01, v3  }
0x172: {  	v22 =	vld [tilespmem:s23+$0xFFFFFFD0];
	v4 =	vmul.f32 $2.000000030e-01, v5  }
0x173: {  	v23 =	vld [tilespmem:s20+$0xFFFFFFE0];
	v6 =	vmax.f32 v6, v7;
	v7 =	vpop (erf);
	(erf) = vpow2.f32 v1;
	v1 =	vmax.f32 v3, v2  }
0x174: {  	v24 =	vld [tilespmem:s23+$0xFFFFFFF0];
	v6 =	vmul.f32 $1.442695020e+00, v6;
	v4 =	vmax.f32 v5, v4;
	v1 =	vmul.f32 $1.442695020e+00, v1  }
0x175: {  	s0 =	simm.s32 $0x46C0;
	v26 =	vld [tilespmem:s20+$0x0];
	v5 =	vnsel vm0, $0x0, v7;
	v2 =	vmul.f32 $1.442695020e+00, v4  }
0x176: {  	s21 =	simm.s32 $0x2280;
	v27 =	vld [tilespmem:s23+$0x10];
	(erf) = vpow2.f32 v6;
	[tilespmem:s0+$0x130] =	vst v5  }
0x177: {  	s26 =	simm.s32 $0x6C0;
	v3 =	vld [tilespmem:s21+$0xC0];
	(erf) = vpow2.f32 v2  }
0x178: {  	v46 =	vld [tilespmem:s26+$0x30];
	(erf) = vpow2.f32 v1;
	v1 =	vpop (erf)  }
0x179: {  	v18 =	vadd.f32 v19, v18;
	v19 =	vld [tilespmem:s20+$0xFFFFFFF0];
	v2 =	vnsel vm0, $0x0, v1  }
0x17a: {  	v36 =	vld [tilespmem:s26+$0xFFFFFFD0];
	v5 =	vperm.xlane v7, v0  }
0x17b: {  	v38 =	vld [tilespmem:s26+$0xFFFFFFE0]  }
0x17c: {  	v48 =	vld [tilespmem:s26+$0x0];
	[tilespmem:s0+$0xFFFFFF50] =	vst v2;
	v3 =	vmul.f32 v3, v5;
	v2 =	vpop (erf)  }
0x17d: {  	v21 =	vadd.f32 v22, v21;
	v22 =	vld [tilespmem:s23+$0x0];
	v7 =	vpop (erf)  }
0x17e: {  	v19 =	vadd.f32 v24, v19;
	v24 =	vld [tilespmem:s20+$0x20];
	[tilespmem:s0+$0xF0] =	vst v3;
	v3 =	vnsel vm0, $0x0, v7;
	v9 =	vpop (erf)  }
0x17f: {  	v25 =	vmul.f32 $2.000000030e-01, v18;
	s14 =	simm.s32 $0xEC0;
	v4 =	vld [tilespmem:s21+$0xFFFFFF40];
	[tilespmem:s0+$0xFFFFFFF0] =	vst v3;
	v3 =	vnsel vm0, $0x0, v9  }
0x180: {  	v34 =	vld [tilespmem:s14+$0x30];
	[tilespmem:s0+$0x40] =	vst v3  }
0x181: {  	v18 =	vmax.f32 v18, v25;
	v25 =	vmul.f32 $2.000000030e-01, v21;
	v6 =	vnsel vm0, $0x0, v2;
	v15 =	vld [tilespmem:s21+$0x0]  }
0x182: {  	v18 =	vmul.f32 $1.442695020e+00, v18;
	[tilespmem:s0+$0xFFFFFFA0] =	vst v6;
	v10 =	vld [tilespmem:s21+$0xD0];
	v6 =	vperm.xlane v1, v0  }
0x183: {  	v8 =	vperm.xlane v2, v0;
	v11 =	vperm.xlane v7, v0;
	v12 =	vld [tilespmem:s21+$0xFFFFFF80];
	v13 =	vpop (erf)  }
0x184: {  	v7 =	vperm.xlane v9, v0;
	v1 =	vld [tilespmem:s21+$0xFFFFFFC0];
	v3 =	vnsel vm0, $0x0, v13;
	v14 =	vpop (erf);
	v2 =	vmul.f32 v4, v6  }
0x185: {  	(erf) = vpow2.f32 v18;
	v18 =	vmax.f32 v21, v25;
	v25 =	vld [tilespmem:s20+$0xFFFFFFC0];
	[tilespmem:s0+$0x90] =	vst v3;
	v3 =	vnsel vm0, $0x0, v14  }
0x186: {  	v9 =	vperm.xlane v13, v0;
	v4 =	vld [tilespmem:s21+$0x40];
	[tilespmem:s0+$0xE0] =	vst v3;
	v13 =	vmul.f32 v15, v7  }
0x187: {  	v16 =	vpop (erf);
	[tilespmem:s0+$0xFFFFFF10] =	vst v2;
	v3 =	vld [tilespmem:s21+$0x80]  }
0x188: {  	v17 =	vnsel vm0, $0x0, v16;
	v10 =	vmul.f32 v10, v5;
	[tilespmem:s0+$0x0] =	vst v13;
	v13 =	vperm.xlane v16, v0;
	v16 =	vld [tilespmem:s23+$0xFFFFFFE0]  }
0x189: {  	[tilespmem:s0+$0xFFFFFF00] =	vst v17;
	v2 =	vld [tilespmem:s21+$0xFFFFFF50];
	v12 =	vmul.f32 v12, v8  }
0x18a: {  	v17 =	vld [tilespmem:s21+$0xFFFFFF00];
	v1 =	vmul.f32 v1, v11;
	[tilespmem:s0+$0x100] =	vst v10  }
0x18b: {  	v22 =	vadd.f32 v22, v26;
	[tilespmem:s0+$0xFFFFFF60] =	vst v12;
	v12 =	vld [tilespmem:s21+$0xE0]  }
0x18c: {  	v18 =	vmul.f32 $1.442695020e+00, v18;
	v10 =	vperm.xlane v14, v0;
	v14 =	vld [tilespmem:s21+$0xFFFFFF90];
	[tilespmem:s0+$0xFFFFFFB0] =	vst v1  }
0x18d: {  	v26 =	vmul.f32 $2.000000030e-01, v22;
	v1 =	vld [tilespmem:s21+$0xFFFFFFD0];
	v16 =	vadd.f32 v16, v23  }
0x18e: {  	(erf) = vpow2.f32 v18;
	v4 =	vmul.f32 v4, v9;
	v23 =	vld [tilespmem:s20+$0x10]  }
0x18f: {  	v3 =	vmul.f32 v3, v10;
	v15 =	vld [tilespmem:s21+$0x10];
	v28 =	vmul.f32 $2.000000030e-01, v16  }
0x190: {  	v21 =	vld [tilespmem:s23+$0x20];
	v2 =	vmul.f32 v2, v6;
	v17 =	vmul.f32 v17, v13  }
0x191: {  	v35 =	vld [tilespmem:s14+$0xFFFFFFC0];
	[tilespmem:s0+$0x50] =	vst v4;
	v12 =	vmul.f32 v12, v5;
	v16 =	vmax.f32 v16, v28;
	v28 =	vmul.f32 $2.000000030e-01, v19  }
0x192: {  	v4 =	vld [tilespmem:s21+$0x50];
	[tilespmem:s0+$0xA0] =	vst v3;
	v14 =	vmul.f32 v14, v8;
	v1 =	vmul.f32 v1, v11  }
0x193: {  	[tilespmem:s0+$0xFFFFFF20] =	vst v2;
	v3 =	vld [tilespmem:s21+$0x90];
	v16 =	vmul.f32 $1.442695020e+00, v16;
	v23 =	vadd.f32 v27, v23;
	v19 =	vmax.f32 v19, v28  }
0x194: {  	v49 =	vld [tilespmem:s14+$0x0];
	v20 =	vadd.f32 v20, v25;
	[tilespmem:s0+$0x110] =	vst v12;
	v15 =	vmul.f32 v15, v7;
	v12 =	vmul.f32 $1.442695020e+00, v19  }
0x195: {  	v50 =	vld [tilespmem:s14+$0x10];
	v21 =	vadd.f32 v21, v24;
	[tilespmem:s0+$0xFFFFFEC0] =	vst v17;
	v19 =	vmul.f32 $2.000000030e-01, v23;
	(erf) = vpow2.f32 v16  }
0x196: {  	v18 =	vmax.f32 v22, v26;
	[tilespmem:s0+$0xFFFFFF70] =	vst v14;
	v14 =	vld [tilespmem:s21+$0xFFFFFF60];
	(erf) = vpow2.f32 v12;
	v12 =	vmul.f32 $2.000000030e-01, v20  }
0x197: {  	v2 =	vld [tilespmem:s21+$0xFFFFFF10];
	v4 =	vmul.f32 v4, v9;
	[tilespmem:s0+$0xFFFFFFC0] =	vst v1;
	v16 =	vmax.f32 v23, v19;
	v19 =	vmul.f32 $2.000000030e-01, v21  }
0x198: {  	v18 =	vmul.f32 $1.442695020e+00, v18;
	v17 =	vld [tilespmem:s21+$0xF0];
	v3 =	vmul.f32 v3, v10;
	[tilespmem:s0+$0x10] =	vst v15;
	v12 =	vmax.f32 v20, v12  }
0x199: {  	v22 =	vpop (erf);
	v1 =	vld [tilespmem:s21+$0xFFFFFFA0];
	[tilespmem:s0+$0x60] =	vst v4;
	v16 =	vmul.f32 $1.442695020e+00, v16;
	v19 =	vmax.f32 v21, v19;
	v4 =	vmul.f32 $1.442695020e+00, v12  }
0x19a: {  	s3 =	simm.s32 $0x4940;
	v15 =	vld [tilespmem:s21+$0xFFFFFFE0];
	[tilespmem:s0+$0xB0] =	vst v3;
	(erf) = vpow2.f32 v18;
	v21 =	vnsel vm0, $0x0, v22;
	v18 =	vmul.f32 $1.442695020e+00, v19  }
0x19b: {  	s9 =	simm.s32 $0x2480;
	v3 =	vmul.f32 v14, v6;
	v14 =	vld [tilespmem:s21+$0xA0];
	[tilespmem:s3+$0x130] =	vst v21;
	(erf) = vpow2.f32 v16  }
0x19c: {  	v2 =	vmul.f32 v2, v13;
	v12 =	vld [tilespmem:s9+$0xC0];
	(erf) = vpow2.f32 v18  }
0x19d: {  	v5 =	vmul.f32 v17, v5;
	v17 =	vld [tilespmem:s14+$0xFFFFFFD0];
	[tilespmem:s0+$0xFFFFFF30] =	vst v3;
	(erf) = vpow2.f32 v4;
	v4 =	vpop (erf)  }
0x19e: {  	[tilespmem:s0+$0xFFFFFED0] =	vst v2;
	v1 =	vmul.f32 v1, v8;
	v20 =	vld [tilespmem:s21+$0xFFFFFF70];
	v2 =	vnsel vm0, $0x0, v4  }
0x19f: {  	v19 =	vperm.xlane v22, v0;
	v18 =	vld [tilespmem:s21+$0xFFFFFF20]  }
0x1a0: {  	v23 =	vld [tilespmem:s21+$0x20]  }
0x1a1: {  	v16 =	vld [tilespmem:s21+$0x60];
	[tilespmem:s3+$0xFFFFFF50] =	vst v2;
	v12 =	vmul.f32 v12, v19;
	v2 =	vpop (erf)  }
0x1a2: {  	[tilespmem:s0+$0xFFFFFF80] =	vst v1;
	v3 =	vld [tilespmem:s9+$0xFFFFFF40];
	v1 =	vpop (erf)  }
0x1a3: {  	v6 =	vmul.f32 v20, v6;
	v20 =	vld [tilespmem:s14+$0xFFFFFFE0];
	[tilespmem:s3+$0xF0] =	vst v12;
	v21 =	vnsel vm0, $0x0, v2;
	v25 =	vpop (erf)  }
0x1a4: {  	v18 =	vmul.f32 v18, v13;
	[tilespmem:s3+$0xFFFFFFA0] =	vst v21;
	v21 =	vld [tilespmem:s21+$0xFFFFFFB0];
	v12 =	vnsel vm0, $0x0, v25;
	v26 =	vpop (erf)  }
0x1a5: {  	v22 =	vnsel vm0, $0x0, v1;
	v24 =	vld [tilespmem:s9+$0xFFFFFF80];
	[tilespmem:s3+$0x40] =	vst v12;
	v28 =	vnsel vm0, $0x0, v26;
	v12 =	vperm.xlane v4, v0  }
0x1a6: {  	[tilespmem:s3+$0xFFFFFFF0] =	vst v22;
	v22 =	vld [tilespmem:s9+$0xD0]  }
0x1a7: {  	[tilespmem:s0+$0xFFFFFEE0] =	vst v18;
	v18 =	vperm.xlane v2, v0;
	v27 =	vld [tilespmem:s9+$0xFFFFFFC0];
	v2 =	vmul.f32 v3, v12  }
0x1a8: {  	v29 =	vld [tilespmem:s9+$0x0];
	[tilespmem:s3+$0x90] =	vst v28;
	v28 =	vpop (erf)  }
0x1a9: {  	v1 =	vperm.xlane v1, v0;
	v30 =	vld [tilespmem:s9+$0x40];
	v4 =	vnsel vm0, $0x0, v28;
	v31 =	vpop (erf);
	[tilespmem:s3+$0xFFFFFF10] =	vst v2  }
0x1aa: {  	v8 =	vmul.f32 v21, v8;
	v21 =	vld [tilespmem:s26+$0xFFFFFFF0];
	v2 =	vperm.xlane v26, v0;
	v3 =	vnsel vm0, $0x0, v31;
	[tilespmem:s3+$0xE0] =	vst v4  }
0x1ab: {  	v4 =	vperm.xlane v25, v0;
	v26 =	vld [tilespmem:s9+$0xFFFFFF50];
	[tilespmem:s3+$0xFFFFFF00] =	vst v3;
	v3 =	vmul.f32 v22, v19  }
0x1ac: {  	v33 =	vld [tilespmem:s9+$0x80];
	v22 =	vmul.f32 v24, v18  }
0x1ad: {  	v25 =	vmul.f32 v27, v1;
	v24 =	vld [tilespmem:s9+$0xFFFFFF00];
	v27 =	vmul.f32 v29, v4;
	[tilespmem:s3+$0x100] =	vst v3  }
0x1ae: {  	v3 =	vperm.xlane v28, v0;
	[tilespmem:s3+$0xFFFFFF60] =	vst v22;
	v28 =	vmul.f32 v30, v2;
	v22 =	vld [tilespmem:s9+$0xE0]  }
0x1af: {  	v29 =	vld [tilespmem:s9+$0xFFFFFF90];
	[tilespmem:s3+$0x0] =	vst v27  }
0x1b0: {  	v37 =	vmul.f32 v23, v7;
	v23 =	vperm.xlane v31, v0;
	v30 =	vld [tilespmem:s9+$0x10];
	[tilespmem:s3+$0x50] =	vst v28  }
0x1b1: {  	v15 =	vmul.f32 v15, v11;
	[tilespmem:s0+$0x120] =	vst v5;
	v27 =	vmul.f32 v33, v3;
	v28 =	vld [tilespmem:s9+$0x50];
	v33 =	vadd.f32 v34, v46  }
0x1b2: {  	v14 =	vmul.f32 v14, v10;
	v31 =	vld [tilespmem:s14+$0xFFFFFFF0];
	[tilespmem:s3+$0xFFFFFFB0] =	vst v25;
	v24 =	vmul.f32 v24, v23  }
0x1b3: {  	v17 =	vadd.f32 v17, v36;
	v25 =	vld [tilespmem:s9+$0xFFFFFFD0];
	[tilespmem:s3+$0xA0] =	vst v27;
	v47 =	vmul.f32 $2.000000030e-01, v33;
	v22 =	vmul.f32 v22, v19  }
0x1b4: {  	v16 =	vmul.f32 v16, v9;
	v20 =	vadd.f32 v20, v38;
	v32 =	vld [tilespmem:s21+$0xFFFFFF30];
	v26 =	vmul.f32 v26, v12;
	[tilespmem:s3+$0xFFFFFEC0] =	vst v24  }
0x1b5: {  	v27 =	vld [tilespmem:s9+$0x90];
	v5 =	vmul.f32 v29, v18;
	v29 =	vmax.f32 v33, v47;
	v24 =	vmul.f32 v30, v4;
	[tilespmem:s3+$0x110] =	vst v22  }
0x1b6: {  	[tilespmem:s3+$0xFFFFFF20] =	vst v26;
	v29 =	vmul.f32 $1.442695020e+00, v29;
	v26 =	vmul.f32 v28, v2;
	v22 =	vld [tilespmem:s9+$0xF0]  }
0x1b7: {  	v30 =	vld [tilespmem:s26+$0x10];
	v28 =	vmul.f32 $2.000000030e-01, v17;
	[tilespmem:s3+$0xFFFFFF70] =	vst v5;
	v5 =	vadd.f32 v31, v21;
	v21 =	vmul.f32 $2.000000030e-01, v20  }
0x1b8: {  	v25 =	vmul.f32 v25, v1;
	[tilespmem:s3+$0x10] =	vst v24;
	v24 =	vld [tilespmem:s26+$0xFFFFFFC0];
	(erf) = vpow2.f32 v29  }
0x1b9: {  	v29 =	vld [tilespmem:s26+$0x20];
	v17 =	vmax.f32 v17, v28;
	v20 =	vmax.f32 v20, v21;
	v21 =	vmul.f32 $2.000000030e-01, v5  }
0x1ba: {  	[tilespmem:s3+$0xFFFFFFC0] =	vst v25;
	v28 =	vld [tilespmem:s9+$0xFFFFFF60];
	v25 =	vmul.f32 v27, v3;
	v27 =	vadd.f32 v49, v48;
	v17 =	vmul.f32 $1.442695020e+00, v17  }
0x1bb: {  	[tilespmem:s0+$0xFFFFFFD0] =	vst v15;
	v20 =	vmul.f32 $1.442695020e+00, v20;
	v19 =	vmul.f32 v22, v19;
	v22 =	vld [tilespmem:s14+$0x20]  }
0x1bc: {  	v5 =	vmax.f32 v5, v21;
	[tilespmem:s3+$0xB0] =	vst v25;
	v21 =	vmul.f32 $2.000000030e-01, v27;
	v25 =	vadd.f32 v50, v30  }
0x1bd: {  	[tilespmem:s0+$0x70] =	vst v16;
	v5 =	vmul.f32 $1.442695020e+00, v5;
	(erf) = vpow2.f32 v17  }
0x1be: {  	v15 =	vld [tilespmem:s9+$0xFFFFFFA0];
	[tilespmem:s3+$0x60] =	vst v26;
	(erf) = vpow2.f32 v20;
	v17 =	vmax.f32 v27, v21;
	v21 =	vmul.f32 $2.000000030e-01, v25  }
0x1bf: {  	v13 =	vmul.f32 v32, v13;
	v26 =	vld [tilespmem:s9+$0xFFFFFF10];
	(erf) = vpow2.f32 v5;
	[tilespmem:s3+$0x120] =	vst v19;
	v19 =	vadd.f32 v35, v24  }
0x1c0: {  	[tilespmem:s0+$0xFFFFFF90] =	vst v8;
	v20 =	vld [tilespmem:s9+$0x20];
	v8 =	vmul.f32 v28, v12;
	v16 =	vmax.f32 v25, v21;
	v22 =	vadd.f32 v22, v29  }
0x1c1: {  	v27 =	vld [tilespmem:s9+$0xFFFFFFE0];
	v17 =	vmul.f32 $1.442695020e+00, v17;
	v5 =	vmul.f32 $2.000000030e-01, v19  }
0x1c2: {  	[tilespmem:s0+$0xC0] =	vst v14;
	v28 =	vld [tilespmem:s21+$0x70];
	v14 =	vmul.f32 $1.442695020e+00, v16;
	v21 =	vmul.f32 $2.000000030e-01, v22  }
0x1c3: {  	[tilespmem:s0+$0x20] =	vst v37;
	v24 =	vld [tilespmem:s9+$0x60];
	(erf) = vpow2.f32 v17;
	v16 =	vpop (erf);
	v5 =	vmax.f32 v19, v5  }
0x1c4: {  	s17 =	simm.s32 $0x4BC0;
	[tilespmem:s0+$0xFFFFFEF0] =	vst v13;
	v25 =	vld [tilespmem:s9+$0xA0];
	(erf) = vpow2.f32 v14;
	v13 =	vmax.f32 v22, v21;
	v21 =	vnsel vm0, $0x0, v16  }
0x1c5: {  	s20 =	simm.s32 $0x2680;
	v29 =	vld [tilespmem:s21+$0xB0];
	v5 =	vmul.f32 $1.442695020e+00, v5;
	v13 =	vmul.f32 $1.442695020e+00, v13;
	[tilespmem:s17+$0x130] =	vst v21  }
0x1c6: {  	[tilespmem:s0+$0xFFFFFF40] =	vst v6;
	v6 =	vld [tilespmem:s20+$0xC0]  }
0x1c7: {  	[tilespmem:s3+$0xFFFFFF30] =	vst v8;
	v19 =	vld [tilespmem:s21+$0x30];
	v14 =	vmul.f32 v26, v23;
	(erf) = vpow2.f32 v13  }
0x1c8: {  	v26 =	vld [tilespmem:s9+$0xFFFFFF70];
	v13 =	vmul.f32 v15, v18;
	(erf) = vpow2.f32 v5  }
0x1c9: {  	[tilespmem:s3+$0xFFFFFED0] =	vst v14;
	v14 =	vperm.xlane v16, v0;
	v22 =	vld [tilespmem:s21+$0xFFFFFFF0];
	v5 =	vpop (erf)  }
0x1ca: {  	v21 =	vld [tilespmem:s9+$0xFFFFFF20];
	v15 =	vnsel vm0, $0x0, v5;
	v8 =	vpop (erf);
	[tilespmem:s3+$0xFFFFFF80] =	vst v13  }
0x1cb: {  	[tilespmem:s17+$0xFFFFFF50] =	vst v15;
	v15 =	vnsel vm0, $0x0, v8;
	v31 =	vld [tilespmem:s9+$0xFFFFFFB0];
	v6 =	vmul.f32 v6, v14  }
0x1cc: {  	v30 =	vld [tilespmem:s20+$0xFFFFFF40];
	v13 =	vpop (erf);
	[tilespmem:s17+$0xFFFFFFA0] =	vst v15  }
0x1cd: {  	v17 =	vmul.f32 v27, v1;
	v16 =	vmul.f32 v20, v4;
	v15 =	vnsel vm0, $0x0, v13;
	v51 =	vld [tilespmem:s20+$0xFFFFFF80];
	v52 =	vpop (erf);
	[tilespmem:s17+$0xF0] =	vst v6  }
0x1ce: {  	v20 =	vmul.f32 v24, v2;
	v19 =	vmul.f32 v19, v7;
	[tilespmem:s17+$0xFFFFFFF0] =	vst v15;
	v15 =	vnsel vm0, $0x0, v52;
	v53 =	vpop (erf);
	v27 =	vld [tilespmem:s20+$0xD0]  }
0x1cf: {  	v5 =	vperm.xlane v5, v0;
	v54 =	vmul.f32 v21, v23;
	v55 =	vld [tilespmem:s20+$0xFFFFFFC0];
	[tilespmem:s17+$0x40] =	vst v15;
	v15 =	vnsel vm0, $0x0, v53  }
0x1d0: {  	v6 =	vperm.xlane v8, v0;
	v8 =	vperm.xlane v13, v0;
	v13 =	vld [tilespmem:s20+$0x0];
	[tilespmem:s17+$0x90] =	vst v15;
	v24 =	vpop (erf)  }
0x1d1: {  	v21 =	vmul.f32 v26, v12;
	[tilespmem:s3+$0xFFFFFEE0] =	vst v54;
	v15 =	vmul.f32 v22, v11;
	v26 =	vld [tilespmem:s20+$0x40];
	v11 =	vnsel vm0, $0x0, v24;
	v56 =	vpop (erf)  }
0x1d2: {  	v22 =	vmul.f32 v25, v3;
	v12 =	vmul.f32 v30, v5;
	v30 =	vld [tilespmem:s9+$0xFFFFFF30];
	v7 =	vnsel vm0, $0x0, v56;
	[tilespmem:s17+$0xE0] =	vst v11  }
0x1d3: {  	v11 =	vperm.xlane v53, v0;
	[tilespmem:s17+$0xFFFFFF00] =	vst v7;
	v57 =	vld [tilespmem:s20+$0x80];
	v25 =	vmul.f32 v27, v14  }
0x1d4: {  	[tilespmem:s17+$0xFFFFFF10] =	vst v12;
	v7 =	vperm.xlane v52, v0;
	v27 =	vmul.f32 v51, v6;
	v58 =	vld [tilespmem:s20+$0xFFFFFF00]  }
0x1d5: {  	v12 =	vperm.xlane v24, v0;
	v59 =	vmul.f32 v55, v8;
	v60 =	vld [tilespmem:s20+$0xFFFFFF50];
	[tilespmem:s17+$0x100] =	vst v25  }
0x1d6: {  	v24 =	vmul.f32 v31, v18;
	v61 =	vmul.f32 v13, v7;
	[tilespmem:s17+$0xFFFFFF60] =	vst v27;
	v62 =	vld [tilespmem:s20+$0xE0]  }
0x1d7: {  	v13 =	vperm.xlane v56, v0;
	v63 =	vmul.f32 v26, v11;
	[tilespmem:s17+$0xFFFFFFB0] =	vst v59;
	v25 =	vld [tilespmem:s20+$0xFFFFFF90]  }
0x1d8: {  	v18 =	vmul.f32 v28, v9;
	v26 =	vld [tilespmem:s20+$0xFFFFFFD0];
	[tilespmem:s17+$0x0] =	vst v61;
	v31 =	vmul.f32 v57, v12  }
0x1d9: {  	v9 =	vmul.f32 v29, v10;
	[tilespmem:s17+$0x50] =	vst v63;
	v27 =	vld [tilespmem:s20+$0x10];
	v28 =	vmul.f32 v58, v13  }
0x1da: {  	v10 =	vmul.f32 v30, v23;
	v23 =	vld [tilespmem:s20+$0x50];
	v29 =	vmul.f32 v60, v5;
	[tilespmem:s17+$0xA0] =	vst v31  }
0x1db: {  	s1 =	simm.s32 $0x740;
	s23 =	simm.s32 $0x10;
	s21 =	simm.s32 $0x2680;
	[tilespmem:s17+$0xFFFFFEC0] =	vst v28;
	v28 =	vld [tilespmem:s20+$0x90];
	v30 =	vmul.f32 v62, v14  }
.LBB2_8:
0x1dc: {  	v31 =	vld [tilespmem:s1+$0x30];
	[tilespmem:s17+$0xFFFFFF20] =	vst v29;
	v25 =	vmul.f32 v25, v6;
	s14 =	sadd.s32 $0x80, s14  }
0x1dd: {  	v29 =	vld [tilespmem:s14+$0x30];
	v26 =	vmul.f32 v26, v8;
	[tilespmem:s17+$0x110] =	vst v30  }
0x1de: {  	s23 =	sadd.s32 $0x8, s23;
	[tilespmem:s17+$0xFFFFFF70] =	vst v25;
	v25 =	vmul.f32 v27, v7;
	v27 =	vld [tilespmem:s20+$0xF0]  }
0x1df: {  	p1 =	slt.u32 s23, $0x38;
	v30 =	vld [tilespmem:s14+$0xFFFFFFC0];
	[tilespmem:s17+$0xFFFFFFC0] =	vst v26;
	v23 =	vmul.f32 v23, v11  }
0x1e0: {  	v26 =	vld [tilespmem:s1+$0xFFFFFFD0];
	[tilespmem:s17+$0x10] =	vst v25;
	v25 =	vmul.f32 v28, v12  }
0x1e1: {  	v28 =	vld [tilespmem:s14+$0xFFFFFFD0];
	[tilespmem:s17+$0x60] =	vst v23  }
0x1e2: {  	v23 =	vld [tilespmem:s1+$0xFFFFFFE0];
	[tilespmem:s17+$0xB0] =	vst v25  }
0x1e3: {  	v29 =	vadd.f32 v29, v31;
	v25 =	vld [tilespmem:s14+$0xFFFFFFE0];
	v14 =	vmul.f32 v27, v14;
	[tilespmem:s3+$0xFFFFFFD0] =	vst v17  }
0x1e4: {  	v17 =	vld [tilespmem:s1+$0xFFFFFFF0];
	[tilespmem:s3+$0x20] =	vst v16  }
0x1e5: {  	v27 =	vmul.f32 $2.000000030e-01, v29;
	v16 =	vld [tilespmem:s14+$0xFFFFFFF0];
	[tilespmem:s17+$0x120] =	vst v14  }
0x1e6: {  	v14 =	vadd.f32 v28, v26;
	v26 =	vld [tilespmem:s1+$0x0];
	[tilespmem:s3+$0x70] =	vst v20  }
0x1e7: {  	v27 =	vmax.f32 v29, v27;
	v20 =	vld [tilespmem:s14+$0x0];
	[tilespmem:s3+$0xC0] =	vst v22  }
0x1e8: {  	v27 =	vmul.f32 $1.442695020e+00, v27;
	v22 =	vmul.f32 $2.000000030e-01, v14;
	v23 =	vadd.f32 v25, v23;
	v25 =	vld [tilespmem:s1+$0x10];
	[tilespmem:s3+$0xFFFFFEF0] =	vst v10  }
0x1e9: {  	v10 =	vld [tilespmem:s14+$0x10];
	[tilespmem:s3+$0xFFFFFF40] =	vst v21  }
0x1ea: {  	v21 =	vmul.f32 $2.000000030e-01, v23;
	v16 =	vadd.f32 v16, v17;
	v17 =	vld [tilespmem:s1+$0x20];
	(erf) = vpow2.f32 v27;
	[tilespmem:s3+$0xFFFFFF90] =	vst v24  }
0x1eb: {  	v14 =	vmax.f32 v14, v22;
	v22 =	vld [tilespmem:s14+$0x20];
	[tilespmem:s0+$0xFFFFFFE0] =	vst v15  }
0x1ec: {  	v15 =	vld [tilespmem:s1+$0xFFFFFFC0];
	v21 =	vmax.f32 v23, v21;
	v23 =	vmul.f32 $2.000000030e-01, v16;
	v20 =	vadd.f32 v20, v26;
	[tilespmem:s0+$0x30] =	vst v19  }
0x1ed: {  	v14 =	vmul.f32 $1.442695020e+00, v14;
	v19 =	vmul.f32 $1.442695020e+00, v21;
	v21 =	vld [tilespmem:s20+$0xFFFFFF10];
	[tilespmem:s0+$0x80] =	vst v18  }
0x1ee: {  	v16 =	vmax.f32 v16, v23;
	v18 =	vmul.f32 $2.000000030e-01, v20;
	v10 =	vadd.f32 v10, v25;
	v23 =	vld [tilespmem:s20+$0xFFFFFF60];
	[tilespmem:s0+$0xD0] =	vst v9;
	s0 =	smov.u32 s3;
	s3 =	smov.u32 s17  }
0x1ef: {  	v9 =	vmul.f32 $1.442695020e+00, v16;
	(erf) = vpow2.f32 v14;
	v14 =	vld [tilespmem:s20+$0xFFFFFFA0]  }
0x1f0: {  	v16 =	vmax.f32 v20, v18;
	v18 =	vmul.f32 $2.000000030e-01, v10;
	v17 =	vadd.f32 v22, v17;
	v20 =	vld [tilespmem:s20+$0xFFFFFFE0]  }
0x1f1: {  	v15 =	vadd.f32 v30, v15;
	v16 =	vmul.f32 $1.442695020e+00, v16;
	(erf) = vpow2.f32 v19;
	v19 =	vld [tilespmem:s20+$0x20]  }
0x1f2: {  	v10 =	vmax.f32 v10, v18;
	v18 =	vmul.f32 $2.000000030e-01, v17;
	(erf) = vpow2.f32 v9;
	v9 =	vld [tilespmem:s20+$0x60]  }
0x1f3: {  	v22 =	vmul.f32 $2.000000030e-01, v15;
	v10 =	vmul.f32 $1.442695020e+00, v10;
	v24 =	vpop (erf);
	v25 =	vld [tilespmem:s20+$0xA0]  }
0x1f4: {  	s17 =	sadd.s32 $0x280, s17;
	v17 =	vmax.f32 v17, v18;
	v18 =	vnsel vm0, $0x0, v24;
	(erf) = vpow2.f32 v16;
	v26 =	vld [tilespmem:s9+$0xFFFFFFF0]  }
0x1f5: {  	s20 =	sadd.s32 $0x200, s20;
	v15 =	vmax.f32 v15, v22;
	v16 =	vmul.f32 $1.442695020e+00, v17;
	[tilespmem:s17+$0x130] =	vst v18;
	(erf) = vpow2.f32 v10;
	v10 =	vld [tilespmem:s9+$0x30]  }
0x1f6: {  	v17 =	vmul.f32 v21, v13;
	v22 =	vmul.f32 $1.442695020e+00, v15;
	v18 =	vld [tilespmem:s20+$0xC0]  }
0x1f7: {  	(erf) = vpow2.f32 v16;
	v16 =	vmul.f32 v23, v5;
	v23 =	vld [tilespmem:s9+$0x70]  }
0x1f8: {  	v21 =	vmul.f32 v14, v6;
	(erf) = vpow2.f32 v22;
	v15 =	vpop (erf);
	[tilespmem:s3+$0xFFFFFED0] =	vst v17;
	v27 =	vld [tilespmem:s9+$0xB0];
	s9 =	smov.u32 s21;
	s21 =	smov.u32 s20  }
0x1f9: {  	v14 =	vperm.xlane v24, v0;
	v17 =	vnsel vm0, $0x0, v15;
	v28 =	vperm.xlane v15, v0;
	v24 =	vld [tilespmem:s9+$0xFFFFFF20];
	[tilespmem:s3+$0xFFFFFF30] =	vst v16  }
0x1fa: {  	v16 =	vmul.f32 v19, v7;
	[tilespmem:s17+$0xFFFFFF50] =	vst v17;
	v15 =	vpop (erf);
	v29 =	vld [tilespmem:s9+$0xFFFFFF70];
	v17 =	vmul.f32 v20, v8  }
0x1fb: {  	v19 =	vld [tilespmem:s20+$0xFFFFFF40];
	v20 =	vnsel vm0, $0x0, v15;
	v30 =	vperm.xlane v15, v0;
	v15 =	vmul.f32 v18, v14;
	v18 =	vpop (erf);
	[tilespmem:s3+$0xFFFFFF80] =	vst v21  }
0x1fc: {  	[tilespmem:s17+$0xFFFFFFA0] =	vst v20;
	v33 =	vnsel vm0, $0x0, v18;
	v18 =	vperm.xlane v18, v0;
	v31 =	vld [tilespmem:s9+$0xFFFFFFB0];
	v20 =	vmul.f32 v9, v11  }
0x1fd: {  	v22 =	vmul.f32 v25, v12;
	v9 =	vld [tilespmem:s20+$0xFFFFFF80];
	[tilespmem:s17+$0xF0] =	vst v15;
	v32 =	vpop (erf);
	v15 =	vmul.f32 v26, v1;
	v1 =	vmov v8  }
0x1fe: {  	[tilespmem:s17+$0xFFFFFFF0] =	vst v33;
	v36 =	vnsel vm0, $0x0, v32;
	v25 =	vperm.xlane v32, v0;
	v26 =	vld [tilespmem:s20+$0xD0];
	v21 =	vpop (erf);
	v24 =	vmul.f32 v24, v13  }
0x1ff: {  	v32 =	vld [tilespmem:s20+$0xFFFFFFC0];
	[tilespmem:s17+$0x40] =	vst v36;
	v35 =	vnsel vm0, $0x0, v21;
	v33 =	vperm.xlane v21, v0;
	v21 =	vmul.f32 v29, v5;
	v5 =	vmovc v28  }
0x200: {  	v8 =	vmov v18;
	v28 =	vmul.f32 v19, v5;
	v29 =	vld [tilespmem:s20+$0x0];
	[tilespmem:s17+$0x90] =	vst v35;
	v34 =	vpop (erf);
	v19 =	vmul.f32 v10, v4  }
0x201: {  	v10 =	vld [tilespmem:s20+$0x40];
	v38 =	vnsel vm0, $0x0, v34;
	v34 =	vperm.xlane v34, v0;
	v18 =	vpop (erf);
	[tilespmem:s3+$0xFFFFFEE0] =	vst v24;
	v24 =	vmul.f32 v31, v6  }
0x202: {  	v6 =	vmovc v30;
	v31 =	vnsel vm0, $0x0, v18;
	v35 =	vperm.xlane v18, v0;
	v36 =	vmul.f32 v9, v30;
	[tilespmem:s17+$0xE0] =	vst v38;
	v37 =	vld [tilespmem:s9+$0xFFFFFF30]  }
0x203: {  	v4 =	vmovc v7;
	v7 =	vmov v25;
	v18 =	vmul.f32 v23, v2;
	[tilespmem:s17+$0xFFFFFF00] =	vst v31;
	v30 =	vld [tilespmem:s20+$0x80];
	v26 =	vmul.f32 v26, v14  }
0x204: {  	v9 =	vmul.f32 v27, v3;
	v2 =	vmovc v11;
	v11 =	vmov v33;
	v23 =	vld [tilespmem:s20+$0xFFFFFF00];
	[tilespmem:s17+$0xFFFFFF10] =	vst v28;
	v28 =	vmul.f32 v32, v8  }
0x205: {  	v3 =	vmov v12;
	v12 =	vmov v34;
	v31 =	vld [tilespmem:s20+$0xFFFFFF50];
	v27 =	vmul.f32 v29, v7;
	[tilespmem:s17+$0x100] =	vst v26  }
0x206: {  	[tilespmem:s17+$0xFFFFFF60] =	vst v36;
	v29 =	vmul.f32 v10, v11;
	v32 =	vld [tilespmem:s20+$0xE0]  }
.Ltmp5:
0x207: {  	v25 =	vld [tilespmem:s20+$0xFFFFFF90];
	[tilespmem:s17+$0xFFFFFFB0] =	vst v28;
	v10 =	vmul.f32 v37, v13;
	v13 =	vmov v35;
	(pc) =	sbr.rel @p1 .LBB2_8-.Ltmp5, $4  }
0x208: {  	v26 =	vld [tilespmem:s20+$0xFFFFFFD0];
	[tilespmem:s17+$0x0] =	vst v27;
	v28 =	vmul.f32 v30, v12  }
0x209: {  	v30 =	vmul.f32 v23, v13;
	v27 =	vld [tilespmem:s20+$0x10];
	[tilespmem:s17+$0x50] =	vst v29  }
0x20a: {  	v29 =	vmul.f32 v31, v5;
	v23 =	vld [tilespmem:s20+$0x50];
	[tilespmem:s17+$0xA0] =	vst v28  }
0x20b: {  	s1 =	sadd.s32 $0x80, s1;
	[tilespmem:s17+$0xFFFFFEC0] =	vst v30;
	v28 =	vld [tilespmem:s20+$0x90];
	v30 =	vmul.f32 v32, v14  }
0x20c: {  	[tilespmem:s17+$0xFFFFFF20] =	vst v29  }
0x20d: {  	[tilespmem:s3+$0xFFFFFFD0] =	vst v17  }
0x20e: {  	[tilespmem:s3+$0x20] =	vst v16  }
0x20f: {  	[tilespmem:s3+$0x70] =	vst v20  }
0x210: {  	[tilespmem:s3+$0xC0] =	vst v22  }
0x211: {  	[tilespmem:s3+$0xFFFFFEF0] =	vst v10  }
0x212: {  	[tilespmem:s3+$0xFFFFFF40] =	vst v21  }
0x213: {  	[tilespmem:s3+$0xFFFFFF90] =	vst v24  }
0x214: {  	[tilespmem:s0+$0xFFFFFFE0] =	vst v15  }
0x215: {  	[tilespmem:s0+$0x30] =	vst v19  }
0x216: {  	[tilespmem:s0+$0x80] =	vst v18  }
0x217: {  	v25 =	vmul.f32 v25, v6;
	v43 =	vld [tilespmem:s20+$0xFFFFFF10];
	[tilespmem:s0+$0xD0] =	vst v9  }
0x218: {  	v26 =	vmul.f32 v26, v8;
	[tilespmem:s17+$0x110] =	vst v30;
	v45 =	vld [tilespmem:s20+$0xFFFFFF60]  }
0x219: {  	v54 =	vld [tilespmem:s9+$0xFFFFFFF0];
	[tilespmem:s17+$0xFFFFFF70] =	vst v25;
	v40 =	vmul.f32 v27, v7  }
0x21a: {  	v55 =	vld [tilespmem:s9+$0x30];
	[tilespmem:s17+$0xFFFFFFC0] =	vst v26;
	v23 =	vmul.f32 v23, v11  }
0x21b: {  	v41 =	vld [tilespmem:s20+$0xF0];
	[tilespmem:s17+$0x10] =	vst v40;
	v42 =	vmul.f32 v28, v12  }
0x21c: {  	v56 =	vld [tilespmem:s9+$0x70];
	[tilespmem:s17+$0x60] =	vst v23;
	v44 =	vmul.f32 v43, v13  }
0x21d: {  	v46 =	vld [tilespmem:s20+$0xFFFFFFA0];
	[tilespmem:s17+$0xB0] =	vst v42;
	v10 =	vmul.f32 v45, v5  }
0x21e: {  	v47 =	vld [tilespmem:s20+$0xFFFFFFE0];
	v1 =	vmul.f32 v54, v1;
	[tilespmem:s17+$0xFFFFFED0] =	vst v44  }
0x21f: {  	v48 =	vld [tilespmem:s20+$0x20];
	v4 =	vmul.f32 v55, v4;
	[tilespmem:s17+$0xFFFFFF30] =	vst v10  }
0x220: {  	v49 =	vld [tilespmem:s20+$0x60];
	v14 =	vmul.f32 v41, v14;
	[tilespmem:s3+$0xFFFFFFE0] =	vst v1  }
0x221: {  	v2 =	vmul.f32 v56, v2;
	v50 =	vld [tilespmem:s20+$0xA0];
	[tilespmem:s3+$0x30] =	vst v4  }
0x222: {  	v16 =	vmul.f32 v46, v6;
	[tilespmem:s17+$0x120] =	vst v14;
	v14 =	vld [tilespmem:s21+$0xFFFFFF20]  }
0x223: {  	v57 =	vld [tilespmem:s9+$0xB0];
	[tilespmem:s3+$0x80] =	vst v2;
	v15 =	vmul.f32 v47, v8  }
0x224: {  	v52 =	vld [tilespmem:s21+$0xFFFFFF70];
	[tilespmem:s17+$0xFFFFFF80] =	vst v16;
	v53 =	vmul.f32 v48, v7  }
0x225: {  	v16 =	vld [tilespmem:s21+$0xFFFFFFB0];
	v18 =	vmul.f32 v49, v11;
	[tilespmem:s17+$0xFFFFFFD0] =	vst v15  }
0x226: {  	v19 =	vmul.f32 v50, v12;
	[tilespmem:s17+$0x20] =	vst v53;
	v60 =	vld [tilespmem:s21+$0xFFFFFFF0]  }
0x227: {  	[tilespmem:s17+$0x70] =	vst v18;
	v61 =	vld [tilespmem:s21+$0x30];
	v14 =	vmul.f32 v14, v13  }
0x228: {  	v3 =	vmul.f32 v57, v3;
	[tilespmem:s17+$0xC0] =	vst v19;
	v62 =	vld [tilespmem:s21+$0x70]  }
0x229: {  	v58 =	vmul.f32 v52, v5;
	v1 =	vld [tilespmem:s21+$0xB0];
	[tilespmem:s17+$0xFFFFFEE0] =	vst v14  }
0x22a: {  	[tilespmem:s3+$0xD0] =	vst v3;
	v59 =	vmul.f32 v16, v6;
	v51 =	vld [tilespmem:s21+$0xFFFFFF30]  }
0x22b: {  	[tilespmem:s17+$0xFFFFFF40] =	vst v58;
	v2 =	vmul.f32 v60, v8  }
0x22c: {  	[tilespmem:s17+$0xFFFFFF90] =	vst v59;
	v3 =	vmul.f32 v61, v7  }
0x22d: {  	v63 =	vmul.f32 v62, v11;
	[tilespmem:s17+$0xFFFFFFE0] =	vst v2  }
.Ltmp6:
0x22e: {  	v1 =	vmul.f32 v1, v12;
	[tilespmem:s17+$0x30] =	vst v3;
	(pc) =	sbr.rel @p0 .LBB2_11-.Ltmp6, $4  }
0x22f: {  	[tilespmem:s17+$0x80] =	vst v63;
	v10 =	vmul.f32 v51, v13  }
0x230: {  	[tilespmem:s17+$0xD0] =	vst v1  }
0x231: {  	s26 =	simm.s32 $0x140;
	s1 =	simm.s32 $0x4580;
	[tilespmem:s17+$0xFFFFFEF0] =	vst v10  }
0x232: {  	[spmem:s2] =	stream.indirect.scatter.add.f32 [tilespmem:s1], [sflag:$0xC], $0x50, s26, s22, $0xb8;
	[tilespmem:$0x11D20] =	vst v63  }
0x233: {  	_ =	swait.ge [sflag:s24], $0x40  }
0x234: {  	[sflag:s24] =	ssyncset.done $0x0  }
0x235: {  	[sflag:s24] =	ssyncadd.s32 $0xFFFFFFC0  }
0x236: {  	_ =	swait.ge [sflag:s25], $0x40  }
0x237: {  	[sflag:s25] =	ssyncset.done $0x0  }
0x238: {  	s0 =	simm.s32 $0x180;
	[sflag:s25] =	ssyncadd.s32 $0xFFFFFFC0  }
0x239: {  	[tilespmem:s0], [sflag:$0x5] =	stream.indirect.gather [hbm4b:s7+s22], $0x10, s4, s22, $0xb8;
	[tilespmem:$0x11D20] =	vst v63  }
.Ltmp7:
0x23a: {  	_ = 	snop;
	(pc) =	sbr.rel .LBB2_2-.Ltmp7, $4  }
0x23b: {  	s23 =	simm.s32 $0x80;
	s1 =	simm.s32 $0x980  }
0x23c: {  	[tilespmem:s1], [sflag:$0x7] =	stream.indirect.gather [hbm4b:s8+s22], $0x10, s23, s22, $0xb8;
	[tilespmem:$0x11D20] =	vst v63  }
0x23d: {  	s26 =	simm.s32 $0x1180;
	s29 =	sadd.s32 $0x1, s29;
	s14 =	rddreg [dreg:$0x1]  }
0x23e: {  	[tilespmem:s26], [sflag:$0x9] =	stream.indirect.gather [hbm4b:s14+s22], $0x40, s4, s22, $0xb8;
	[tilespmem:$0x11D20] =	vst v63  }
.LBB2_12:
0x23f: {  	_ =	sfence.sel $0x180000  }
0x240: {  	[bflag:$0x0] =	sbarrier.arrive $0xFFFF  }
0x241: {  	_ =	strace $0x9000004A  }
0x242: {  	s0 =	stileid.u32;
	[bflag:$0x2] =	sbarrier.arrive $0xFFFF  }
0x243: {  	p0 =	sne.s32 s0, $0x0;
	s0 =	rddreg [dreg:$0x3]  }
0x244: {  	s0 =	sadd.s32 @!p0 $0x100000, s0  }
0x245: {  	[sflag:s0] =	ssyncadd.tile.s32 @!p0 $0x1;
	_ =	shalt  }
.Lfunc_end2:
_tile_overlayer_lowered:
.L_overlay_start_2:
0x246: {  	(tag) =	ssettag $0x2  }
0x247: {  	s0 =	rddreg [dreg:$0x0];
	s2 =	stileid.u32  }
0x248: {  	s1 =	rddreg [dreg:$0x1];
	p0 =	sne.s32 s2, $0x0  }
0x249: {  	s3 =	rddreg [dreg:$0x2];
	[bflag:$0x3] =	sbarrier.arrive $0xFFFF;
	s2 =	simm.s32 @!p0 $0x1C0D  }
0x24a: {  	[timem:s3], [sflag:s2] =	dma.local @!p0 [hbm:s0], s1  }
0x24b: {  	s0 =	simm.s32 @!p0 $0xD  }
0x24c: {  	_ =	swait.ge @!p0 [sflag:s0], s1  }
0x24d: {  	s1 =	ssub.s32 @!p0 $0x0, s1;
	[sflag:s0] =	ssyncset.done @!p0 $0x0  }
0x24e: {  	[sflag:s0] =	ssyncadd.s32 @!p0 s1  }
0x24f: {  	[bflag:$0x3] =	sbarrier.arrive $0xFFFF  }
0x250: {  	_ =	shalt  }

// kernel: kernel.7.cloned.1.call-start
scs
__scs_entry_jumppad:
0x0: {  	(pc) =	sbr.rel $0x88, $3  }
0x1: {  	(tag) =	ssettag $0x0;
	lr =	simm.s32 $0x1  }
0x2: {  	[smem:$0x3F97] =	sst lr;
	_ =	strace $0xD0000000  }
0x3: {  	_ = 	snop  }
0x4: {  	_ = 	snop  }
0x5: {  	_ = 	snop  }
0x6: {  	_ = 	snop  }
0x7: {  	_ = 	snop  }
__scs_overlays_trampoline_lowered:
0x8: {  	[smem:$0x3FA6] =	sst s0  }
0x9: {  	[smem:$0x3FA7] =	sst s1  }
0xa: {  	[smem:$0x3FA8] =	sst s2  }
0xb: {  	[smem:$0x3FA9] =	sst s3  }
0xc: {  	[smem:$0x3FAA] =	sst s4  }
0xd: {  	[smem:$0x3FAB] =	sst s5  }
0xe: {  	[smem:$0x3FAC] =	sst s6  }
0xf: {  	[smem:$0x3FAD] =	sst s7  }
0x10: {  	[smem:$0x3FAE] =	sst s8  }
0x11: {  	[smem:$0x3FAF] =	sst s9;
	s0 =	simm.s32 @!p0 $0x0  }
0x12: {  	s1 =	sld [smem:$0x3F95];
	s0 =	simm.s32 @p0 $0x1  }
0x13: {  	[smem:$0x3FB0] =	sst s0;
	s0 =	simm.s32 @!p1 $0x0  }
0x14: {  	s2 =	sld [smem:$0x3F94];
	s0 =	simm.s32 @p1 $0x1  }
0x15: {  	[smem:$0x3FB1] =	sst s0;
	s0 =	simm.s32 @!p2 $0x0  }
0x16: {  	s3 =	sld [smem:$0x3FDB];
	s0 =	simm.s32 @p2 $0x1  }
0x17: {  	s4 =	simm.s32 $0x1BF5;
	[smem:$0x3FB3] =	sst s0  }
0x18: {  	s0 =	sld [smem:$0x3F96];
	_ =	swait.ge [sflag:s4], $0x0  }
0x19: {  	s7 =	sld [smem:$0x3F97]  }
0x1a: {  	s8 =	sadd.s32 $0xFFFFE003, lr  }
0x1b: {  	s9 =	sadd.s32 $0xFFFFFEF7, lr;
	s5 =	simm.s32 $0xFFFFFFFF;
	p2 =	slt.u32 s8, $0xFFFFF086  }
0x1c: {  	p1 =	slt.u32 s9, $0xF7A;
	s5 =	simm.s32 @!p2 $0x0  }
0x1d: {  	s5 =	simm.s32 @p1 $0x1;
	p0 =	seq.s32 s7, s2  }
0x1e: {  	s7 =	smul.u32 @!p0 $0xF7A, s2;
	p2 =	seq.s32 @!p0 s5, $0x0  }
0x1f: {  	s9 =	smul.u32 $0xF7A, s1;
	s8 =	simm.s32 @!p0 $0x1BF5;
	p2 =	por !p2, p0  }
0x20: {  	[sflag:s8] =	ssyncset.s32 @!p0 $0xFFFFF086;
	s6 =	sadd.s32 @!p0 s3, s7;
	s7 =	simm.s32 @!p0 $0x108  }
0x21: {  	s3 =	sadd.s32 s3, s9;
	s6 =	sadd.s32 @!p0 $0x88, s6;
	s7 =	simm.s32 @p2 $0x1082  }
0x22: {  	[simem:s7], [sflag:s8] =	dma.local @!p0 [hbm:s6], $0xF7A  }
0x23: {  	s9 =	sor.u32 $0xD0000000, s2;
	s6 =	simm.s32 $0x108;
	_ =	swait.ge @!p0 [sflag:s8], $0x0  }
0x24: {  	s3 =	sadd.s32 $0x88, s3;
	s6 =	simm.s32 @!p1 $0x1082;
	[sflag:s4] =	ssyncset.s32 $0xFFFFF086  }
0x25: {  	[simem:s6], [sflag:s4] =	dma.local [hbm:s3], $0xF7A  }
0x26: {  	[smem:$0x3F97] =	sst s1;
	(tag) =	ssettag s2;
	_ =	strace s9  }
0x27: {  	s1 =	sld [smem:$0x3FA7]  }
0x28: {  	s2 =	sld [smem:$0x3FA8]  }
0x29: {  	s4 =	sld [smem:$0x3FAA]  }
0x2a: {  	p0 =	seq.s32 s5, $0x0;
	s5 =	sld [smem:$0x3FAB]  }
0x2b: {  	s6 =	sld [smem:$0x3FAC]  }
0x2c: {  	s7 =	sld [smem:$0x3FAD]  }
0x2d: {  	s3 =	simm.s32 $0x108;
	s8 =	sld [smem:$0x3FAE]  }
0x2e: {  	s3 =	simm.s32 @!p0 $0x1082;
	s9 =	sld [smem:$0x3FAF]  }
0x2f: {  	lr =	sadd.s32 s0, s3;
	s0 =	sld [smem:$0x3FA6]  }
0x30: {  	s3 =	sld [smem:$0x3FA9]  }
0x31: {  	[smem:$0x3FB2] =	sst s10  }
0x32: {  	s10 =	sld [smem:$0x3FB0];
	_ =	sdelay $0x3  }
0x33: {  	p0 =	seq.s32 s10, $0x1;
	s10 =	sld [smem:$0x3FB2];
	_ =	sdelay $0x3  }
0x34: {  	[smem:$0x3FB2] =	sst s10  }
0x35: {  	s10 =	sld [smem:$0x3FB1];
	_ =	sdelay $0x3  }
0x36: {  	p1 =	seq.s32 s10, $0x1;
	s10 =	sld [smem:$0x3FB2];
	_ =	sdelay $0x3  }
0x37: {  	[smem:$0x3FB2] =	sst s10  }
0x38: {  	s10 =	sld [smem:$0x3FB3]  }
0x39: {  	_ = 	snop;
	(pc) =	sbr.ind lr, $3  }
0x3a: {  	_ = 	snop  }
0x3b: {  	_ = 	snop  }
0x3c: {  	p2 =	seq.s32 s10, $0x1;
	s10 =	sld [smem:$0x3FB2]  }
0x3d: {  	_ =	shalt  }
0x3e: {  	_ =	shalt  }
0x3f: {  	_ =	shalt  }
0x40: {  	_ =	shalt  }
0x41: {  	_ =	shalt  }
0x42: {  	_ =	shalt  }
0x43: {  	_ =	shalt  }
0x44: {  	_ =	shalt  }
0x45: {  	_ =	shalt  }
0x46: {  	_ =	shalt  }
0x47: {  	_ =	shalt  }
0x48: {  	_ =	shalt  }
0x49: {  	_ =	shalt  }
0x4a: {  	_ =	shalt  }
0x4b: {  	_ =	shalt  }
0x4c: {  	_ =	shalt  }
0x4d: {  	_ =	shalt  }
0x4e: {  	_ =	shalt  }
0x4f: {  	_ =	shalt  }
0x50: {  	_ =	shalt  }
0x51: {  	_ =	shalt  }
0x52: {  	_ =	shalt  }
0x53: {  	_ =	shalt  }
0x54: {  	_ =	shalt  }
0x55: {  	_ =	shalt  }
0x56: {  	_ =	shalt  }
0x57: {  	_ =	shalt  }
0x58: {  	_ =	shalt  }
0x59: {  	_ =	shalt  }
0x5a: {  	_ =	shalt  }
0x5b: {  	_ =	shalt  }
0x5c: {  	_ =	shalt  }
0x5d: {  	_ =	shalt  }
0x5e: {  	_ =	shalt  }
0x5f: {  	_ =	shalt  }
0x60: {  	_ =	shalt  }
0x61: {  	_ =	shalt  }
0x62: {  	_ =	shalt  }
0x63: {  	_ =	shalt  }
0x64: {  	_ =	shalt  }
0x65: {  	_ =	shalt  }
0x66: {  	_ =	shalt  }
0x67: {  	_ =	shalt  }
0x68: {  	_ =	shalt  }
0x69: {  	_ =	shalt  }
0x6a: {  	_ =	shalt  }
0x6b: {  	_ =	shalt  }
0x6c: {  	_ =	shalt  }
0x6d: {  	_ =	shalt  }
0x6e: {  	_ =	shalt  }
0x6f: {  	_ =	shalt  }
0x70: {  	_ =	shalt  }
0x71: {  	_ =	shalt  }
0x72: {  	_ =	shalt  }
0x73: {  	_ =	shalt  }
0x74: {  	_ =	shalt  }
0x75: {  	_ =	shalt  }
0x76: {  	_ =	shalt  }
0x77: {  	_ =	shalt  }
0x78: {  	_ =	shalt  }
0x79: {  	_ =	shalt  }
0x7a: {  	_ =	shalt  }
0x7b: {  	_ =	shalt  }
0x7c: {  	_ =	shalt  }
0x7d: {  	_ =	shalt  }
0x7e: {  	_ =	shalt  }
0x7f: {  	_ =	shalt  }
0x80: {  	_ =	shalt  }
0x81: {  	_ =	shalt  }
0x82: {  	_ =	shalt  }
0x83: {  	_ =	shalt  }
0x84: {  	_ =	shalt  }
0x85: {  	_ =	shalt  }
0x86: {  	_ =	shalt  }
0x87: {  	_ =	shalt  }
.Lfunc_end0:
.L_simem_size_0:
called_computation_lowered:
.L_overlay_start_0:
0x88: {  	s2 =	sld [smem:$0x3FD9]  }
0x89: {  	s3 =	sld [smem:$0x3FFE];
	_ =	sdelay $0x1  }
0x8a: {  	s1 =	srdreg.scid  }
0x8b: {  	s0 =	sand.u32 $0x1, s1  }
0x8c: {  	s17 =	sshll.u32 s0, $0xA;
	s2 =	sadd.s32 s3, s2  }
0x8d: {  	s2 =	sadd.s32 s2, s17  }
0x8e: {  	[smem:$0x3FBE] =	sst s2  }
0x8f: {  	_ = 	snop  }
0x90: {  	s2 =	sld [smem:$0x3FD0];
	(tm) =	ssettm $0x1  }
0x91: {  	s18 =	sld [smem:$0x3FFB];
	_ =	sdelay $0x3  }
0x92: {  	_ =	strace s18  }
0x93: {  	s3 =	sld [smem:$0x3FFC];
	_ =	sdelay $0x3  }
0x94: {  	_ =	strace s3  }
0x95: {  	s3 =	sld [smem:$0x3FFD];
	_ =	sdelay $0x3  }
0x96: {  	_ =	strace s3  }
0x97: {  	_ =	strace $0x8FFFFFFF  }
0x98: {  	s19 =	sld [smem:$0x3FDB];
	_ =	sdelay $0x1  }
0x99: {  	s4 =	simm.s32 $_scs_section_size  }
0x9a: {  	s5 =	simm.s32 $_size__tile_overlayer_lowered;
	s6 =	simm.s32 $_tile_overlayer_lowered  }
0x9b: {  	s22 =	simm.s32 $0x1BFF;
	s21 =	sshll.u32 s6, $0x1;
	s3 =	sadd.s32 s4, s19  }
0x9c: {  	s7 =	simm.s32 $0x0;
	s20 =	sshll.u32 s5, $0x1;
	s5 =	sadd.s32 s21, s3  }
0x9d: {  	[timem:s7], [sflag:s22] =	dma.local [hbm:s5], s20  }
0x9e: {  	_ =	swait.ge [sflag:s22], s20  }
0x9f: {  	s4 =	ssub.s32 $0x0, s20;
	[sflag:s22] =	ssyncset.done $0x0  }
0xa0: {  	[sflag:s22] =	ssyncadd.s32 s4;
	_ =	sdelay $0x1  }
0xa1: {  	s23 =	simm.s32 $0x1B8B  }
0xa2: {  	_ =	swait.ge [sflag:s23], $0x1  }
0xa3: {  	[sflag:s23] =	ssyncset.done $0x0  }
0xa4: {  	s25 =	simm.s32 $0x1B8E;
	s24 =	sld [smem:$0x3FFE];
	[sflag:s23] =	ssyncadd.s32 $0xFFFFFFFF  }
0xa5: {  	s26 =	simm.s32 $execute0_lowered;
	[smem:$0x3FD2] =	sst s25  }
0xa6: {  	s5 =	sshll.u32 s26, $0x1;
	_ =	strace $0x80000046;
	[dreg:$0x1] =	wrdreg $0xFFFFFFFF  }
0xa7: {  	s28 =	simm.s32 $_size_execute0_lowered;
	s3 =	sadd.s32 s3, s5;
	[dreg:$0x0] =	wrdreg $0x0  }
0xa8: {  	s5 =	sshll.u32 s28, $0x1;
	[dreg:$0x2] =	wrdreg s3  }
0xa9: {  	[dreg:$0x3] =	wrdreg s5  }
0xaa: {  	[dreg:$0x4] =	wrdreg $0xC0  }
0xab: {  	_ =	task [dreg:s7], $0x5FFFF  }
0xac: {  	[dreg:$0x1] =	wrdreg $0xFFFFFFFF  }
0xad: {  	[dreg:$0x0] =	wrdreg $0x60  }
0xae: {  	[dreg:$0x2] =	wrdreg s24  }
0xaf: {  	[dreg:$0x3] =	wrdreg s2  }
0xb0: {  	[dreg:$0x4] =	wrdreg $0x99800  }
0xb1: {  	[dreg:$0x5] =	wrdreg $0x9  }
0xb2: {  	_ =	task.clear_ibuf [dreg:s7], $0x6FFFF;
	_ =	strace $0x90000046  }
0xb3: {  	s29 =	simm.s32 $0x9;
	_ =	strace $0x80000048  }
0xb4: {  	_ =	swait.ge [sflag:s29], $0x1  }
0xb5: {  	[sflag:s29] =	ssyncadd.s32 $0xFFFFFFFF  }
0xb6: {  	_ =	strace $0x90000048  }
0xb7: {  	_ =	sfence  }
0xb8: {  	s30 =	sld [smem:$0x0];
	_ =	sdelay $0x2  }
0xb9: {  	s31 =	sshll.u32 s1, $0xD;
	s1 =	sshrl.u32 s1, $0x2  }
0xba: {  	s3 =	sand.u32 $0x4000, s31;
	s1 =	sadd.s32 s1, s30  }
0xbb: {  	s0 =	sor.u32 s3, s0;
	s1 =	sshll.u32 s1, $0x11  }
0xbc: {  	s0 =	sor.u32 s1, s0  }
0xbd: {  	s0 =	sadd.s32 $0x8F2B, s0  }
0xbe: {  	[sflag:s0] =	ssyncadd.remote.s32 $0x1  }
0xbf: {  	_ =	sfence.sel $0xFFFF  }
0xc0: {  	[dreg:$0x0] =	wrdreg $0xFFFFFFFF;
	(pc) =	sbr.abs _section_cstart, $3  }
0xc1: {  	[dreg:$0x1] =	wrdreg $0xFFFFFFFF  }
0xc2: {  	_ =	task.clear_ibuf [dreg:s7], $0x2FFFF;
	_ =	strace $0x9FFFFFFF  }
0xc3: {  	(tm) =	ssettm $0x7FFFFFFF  }
tec
execute0_lowered:
.L_overlay_start_1:
0x0: {  	(tag) =	ssettag $0x1  }
0x1: {  	s0 =	rddreg [dreg:$0x0]  }
0x2: {  	s14 =	rddreg [dreg:$0x1]  }
0x3: {  	s2 =	rddreg [dreg:$0x2];
	s4 =	simm.s32 $0x0;
	s13 =	stileid.u32  }
0x4: {  	s1 =	srdreg.scid;
	s30 =	simm.s32 $0x2;
	s31 =	simm.s32 $0x4  }
0x5: {  	s18 =	simm.s32 $0x6;
	s28 =	simm.s32 $0xB;
	[smem:$0x7FF] =	sst s4  }
0x6: {  	s5 =	sadd.s32 $0x38800, s0;
	s3 =	smul.u32 $0x16020, s13;
	s1 =	sand.u32 $0x1, s1  }
0x7: {  	s6 =	sadd.s32 $0x2E600, s0;
	s7 =	sadd.s32 $0x29600, s0;
	s8 =	sadd.s32 $0x2400, s0  }
0x8: {  	s11 =	sshll.u32 s13, $0x1;
	s21 =	sshll.u32 s13, $0x6;
	s13 =	simm.s32 $0x9  }
0x9: {  	_ =	strace $0x80000047;
	s9 =	smul.u32 $0x160200, s1;
	s12 =	ssub.s32 $0x2, s1  }
0xa: {  	s1 =	sor.u32 s1, s11;
	s17 =	sor.u32 $0x1C0D, s21;
	s11 =	simm.s32 $0x5  }
0xb: {  	s10 =	sshrl.u32 s3, $0x3;
	s19 =	sshrl.u32 s12, $0x1;
	s1 =	smul.u32 $0x2880, s1  }
0xc: {  	[dreg:$0x5] =	wrdreg s17;
	s9 =	sadd.s32 s3, s9;
	s10 =	sadd.s32 s10, s0  }
0xd: {  	s20 =	ssub.s32 s12, s19;
	s3 =	sadd.s32 s3, s2;
	s12 =	simm.s32 $0x7  }
0xe: {  	s19 =	simm.s32 $0xA;
	s9 =	sshrl.u32 s9, $0x3;
	s22 =	sshrl.u32 s1, $0x3  }
0xf: {  	s10 =	sadd.s32 $0x42A00, s10;
	s15 =	sadd.s32 $0x80, s1;
	s16 =	sadd.s32 $0xC0, s1  }
0x10: {  	s29 =	smax.u32 s20, $0x1;
	s1 =	sshrl.u32 s3, $0x3;
	[dreg:$0x4] =	wrdreg s10  }
0x11: {  	s3 =	simm.s32 $0xD;
	s0 =	sadd.s32 s9, s0;
	[dreg:$0xb] =	wrdreg s29  }
0x12: {  	s23 =	sor.u32 $0x8, s22;
	s24 =	sadd.s32 s5, s22;
	[dreg:$0xc] =	wrdreg s1  }
.Ltmp0:
0x13: {  	s25 =	sadd.s32 s6, s22;
	[dreg:$0x6] =	wrdreg s24;
	(pc) =	sbr.rel .LBB2_1-.Ltmp0, $4  }
0x14: {  	s22 =	simm.s32 $0x40;
	[dreg:$0x7] =	wrdreg s25;
	s26 =	sadd.s32 s5, s23  }
0x15: {  	vm0 =	vmmov $0xff;
	v62 =	vimm.s32 $0x0;
	v0 =	vimm.s32 $0x1;
	s9 =	simm.s32 $0x0;
	s10 =	sadd.s32 s6, s23;
	[dreg:$0x8] =	wrdreg s26  }
0x16: {  	v1 =	vimm.s32 $0x2;
	v63 =	vimm.s32 $0x3;
	v2 =	vimm.s32 $0x4;
	s0 =	sadd.s32 $0x6EC00, s0;
	s24 =	simm.s32 $0x1;
	[dreg:$0x9] =	wrdreg s10  }
0x17: {  	v3 =	vimm.s32 $0x5;
	v4 =	vimm.s32 $0x6;
	v5 =	vimm.s32 $0x7;
	s25 =	simm.s32 $0x3;
	[dreg:$0xa] =	wrdreg s0;
	s10 =	simm.s32 $0x8  }
.LBB2_11:
0x18: {  	_ =	swait.ge [sflag:s28], $0x2400  }
0x19: {  	[sflag:s28] =	ssyncset.done $0x0  }
0x1a: {  	s0 =	simm.s32 $0xC;
	[sflag:s28] =	ssyncadd.s32 $0xFFFFDC00  }
0x1b: {  	_ =	swait.ge [sflag:s0], $0x2400  }
0x1c: {  	[sflag:s0] =	ssyncset.done $0x0  }
0x1d: {  	[sflag:s0] =	ssyncadd.s32 $0xFFFFDC00  }
0x1e: {  	[bflag:$0x0] =	sbarrier.arrive $0xFFFF  }
0x1f: {  	s17 =	rddreg [dreg:$0x5]  }
0x20: {  	s26 =	rddreg [dreg:$0xa]  }
0x21: {  	s3 =	simm.s32 $0xD;
	s1 =	rddreg [dreg:$0xc]  }
0x22: {  	[hbm:s26], [sflag:s17] =	dma.local [spmem:s1], $0x2C04  }
0x23: {  	_ =	swait.ge [sflag:s3], $0x2C04  }
0x24: {  	s9 =	rddreg [dreg:$0xd]  }
0x25: {  	s29 =	rddreg [dreg:$0xb];
	s9 =	sadd.s32 $0x1, s9  }
0x26: {  	p0 =	sne.s32 s9, s29  }
.Ltmp1:
0x27: {  	_ = 	snop;
	(pc) =	sbr.rel @!p0 .LBB2_12-.Ltmp1, $4  }
0x28: {  	_ = 	snop  }
0x29: {  	[sflag:s3] =	ssyncset.done $0x0  }
0x2a: {  	v0 =	vimm.s32 $0x1;
	v1 =	vimm.s32 $0x2;
	[sflag:s3] =	ssyncadd.s32 $0xFFFFD3FC  }
0x2b: {  	v2 =	vimm.s32 $0x4;
	v3 =	vimm.s32 $0x5;
	v4 =	vimm.s32 $0x6;
	s14 =	rddreg [dreg:$0x1]  }
.LBB2_1:
0x2c: {  	[dreg:$0xd] =	wrdreg s9  }
0x2d: {  	s0 =	rddreg [dreg:$0x4]  }
0x2e: {  	[spmem:s1], [sflag:s17] =	dma.local [hbm:s0], $0x2C04  }
0x2f: {  	_ =	swait.ge [sflag:s3], $0x2C04  }
0x30: {  	[sflag:s3] =	ssyncset.done $0x0  }
0x31: {  	[sflag:s3] =	ssyncadd.s32 $0xFFFFD3FC  }
0x32: {  	[bflag:$0x0] =	sbarrier.arrive $0xFFFF  }
0x33: {  	s21 =	rddreg [dreg:$0x6]  }
0x34: {  	[tilespmem:s4], [sflag:$0x1] =	stream.linear.gather [hbm4b:s21+s4], $0x40, $0x38;
	[tilespmem:$0x1F9A0] =	vst v63  }
0x35: {  	s26 =	simm.s32 $0x80;
	s23 =	rddreg [dreg:$0x7]  }
0x36: {  	[tilespmem:s26], [sflag:$0x3] =	stream.linear.gather [hbm4b:s23+s4], $0x40, $0x38;
	[tilespmem:$0x1F9A0] =	vst v63  }
0x37: {  	s9 =	rddreg [dreg:$0x8]  }
0x38: {  	[tilespmem:s22], [sflag:$0x2] =	stream.linear.gather [hbm4b:s9+s4], $0x40, $0x38;
	[tilespmem:$0x1F9A0] =	vst v63  }
0x39: {  	s20 =	simm.s32 $0xC0;
	s17 =	rddreg [dreg:$0x9]  }
0x3a: {  	[tilespmem:s20], [sflag:$0x4] =	stream.linear.gather [hbm4b:s17+s4], $0x40, $0x38;
	[tilespmem:$0x1F9A0] =	vst v63  }
0x3b: {  	_ =	swait.ge [sflag:s24], $0x40  }
0x3c: {  	[sflag:s24] =	ssyncset.done $0x0  }
0x3d: {  	[sflag:s24] =	ssyncadd.s32 $0xFFFFFFC0  }
0x3e: {  	_ =	swait.ge [sflag:s25], $0x40  }
0x3f: {  	[sflag:s25] =	ssyncset.done $0x0  }
0x40: {  	s21 =	simm.s32 $0x180;
	[sflag:s25] =	ssyncadd.s32 $0xFFFFFFC0  }
0x41: {  	[tilespmem:s21], [sflag:$0x5] =	stream.indirect.gather [hbm4b:s14+s22], $0x10, s4, s22, $0xb8;
	[tilespmem:$0x1F9A0] =	vst v63  }
0x42: {  	s23 =	simm.s32 $0x980  }
0x43: {  	[tilespmem:s23], [sflag:$0x7] =	stream.indirect.gather [hbm4b:s7+s22], $0x10, s26, s22, $0xb8;
	[tilespmem:$0x1F9A0] =	vst v63  }
0x44: {  	s29 =	simm.s32 $0x0;
	s26 =	simm.s32 $0x1180  }
0x45: {  	[tilespmem:s26], [sflag:$0x9] =	stream.indirect.gather [hbm4b:s8+s22], $0x80, s4, s22, $0xb8;
	[tilespmem:$0x1F9A0] =	vst v63  }
.LBB2_2:
0x46: {  	_ =	swait.ge [sflag:s30], $0x40  }
0x47: {  	[sflag:s30] =	ssyncset.done $0x0  }
0x48: {  	[sflag:s30] =	ssyncadd.s32 $0xFFFFFFC0  }
0x49: {  	_ =	swait.ge [sflag:s31], $0x40  }
0x4a: {  	[sflag:s31] =	ssyncset.done $0x0  }
0x4b: {  	s0 =	simm.s32 $0x580;
	[sflag:s31] =	ssyncadd.s32 $0xFFFFFFC0  }
0x4c: {  	[tilespmem:s0], [sflag:$0x6] =	stream.indirect.gather [hbm4b:s14+s22], $0x10, s22, s22, $0xb8;
	[tilespmem:$0x1F9A0] =	vst v63  }
0x4d: {  	s23 =	simm.s32 $0xC0;
	s1 =	simm.s32 $0xD80  }
0x4e: {  	[tilespmem:s1], [sflag:$0x8] =	stream.indirect.gather [hbm4b:s7+s22], $0x10, s23, s22, $0xb8;
	[tilespmem:$0x1F9A0] =	vst v63  }
0x4f: {  	s26 =	simm.s32 $0x3180  }
0x50: {  	[tilespmem:s26], [sflag:$0xA] =	stream.indirect.gather [hbm4b:s8+s22], $0x80, s22, s22, $0xb8;
	[tilespmem:$0x1F9A0] =	vst v63  }
0x51: {  	_ =	swait.ge [sflag:s11], $0x400  }
0x52: {  	[sflag:s11] =	ssyncset.done $0x0  }
0x53: {  	[sflag:s11] =	ssyncadd.s32 $0xFFFFFC00  }
0x54: {  	_ =	swait.ge [sflag:s12], $0x400  }
0x55: {  	p0 =	seq.s32 s29, $0x50;
	[sflag:s12] =	ssyncset.done $0x0  }
0x56: {  	p1 =	seq.s32 @!p0 s29, $0x0;
	s0 =	sshll.u32 s29, $0x7;
	[sflag:s12] =	ssyncadd.s32 $0xFFFFFC00  }
0x57: {  	p1 =	por p0, !p1;
	s1 =	sadd.s32 @!p0 s0, s15;
	_ =	swait.ge [sflag:s13], $0x2000  }
.Ltmp2:
0x58: {  	s1 =	sshrl.u32 @!p0 s1, $0x3;
	[sflag:s13] =	ssyncset.done $0x0;
	(pc) =	sbr.rel @!p1 .LBB2_3-.Ltmp2, $4  }
0x59: {  	s9 =	simm.s32 @!p0 $0x0;
	s3 =	sadd.s32 @!p0 s5, s1;
	[sflag:s13] =	ssyncadd.s32 $0xFFFFE000  }
0x5a: {  	[tilespmem:s9], [sflag:$0x1] =	stream.linear.gather @!p0 [hbm4b:s3+s9], $0x40, $0x38;
	[tilespmem:$0x1F9A0] =	vst v63  }
0x5b: {  	s1 =	sadd.s32 @!p0 s6, s1;
	s3 =	simm.s32 @!p0 $0x80  }
0x5c: {  	[tilespmem:s3], [sflag:$0x3] =	stream.linear.gather @!p0 [hbm4b:s1+s9], $0x40, $0x38;
	[tilespmem:$0x1F9A0] =	vst v63  }
.Ltmp3:
0x5d: {  	(pc) =	sbr.rel .LBB2_5-.Ltmp3, $4  }
0x5e: {  	_ = 	snop  }
0x5f: {  	_ =	swait.ge [sflag:s28], $0x2400  }
0x60: {  	[sflag:s28] =	ssyncset.done $0x0  }
0x61: {  	p1 =	por $0x0, $0x0;
	[sflag:s28] =	ssyncadd.s32 $0xFFFFDC00  }
.LBB2_3:
0x62: {  	p1 =	por @!p0 $0x1, $0x1  }
.LBB2_5:
0x63: {  	v8 =	vld [tilespmem:$0x80]  }
0x64: {  	v9 =	vld [tilespmem:$0x90]  }
0x65: {  	v10 =	vld [tilespmem:$0xA0]  }
0x66: {  	v11 =	vld [tilespmem:$0xB0];
	_ =	sdelay $0x1  }
0x67: {  	[tilespmem:$0x100] =	vst v8  }
0x68: {  	[tilespmem:$0x110] =	vst v9  }
0x69: {  	[tilespmem:$0x120] =	vst v10  }
0x6a: {  	s1 =	simm.s32 $0x1C0;
	[tilespmem:$0x130] =	vst v11  }
0x6b: {  	s3 =	simm.s32 $0x9C0;
	v8 =	vld [tilespmem:s1+$0x30]  }
0x6c: {  	v9 =	vld [tilespmem:s3+$0x30];
	_ =	sdelay $0x1  }
0x6d: {  	v11 =	vld [tilespmem:s1+$0xFFFFFFD0]  }
0x6e: {  	v12 =	vld [tilespmem:s3+$0xFFFFFFD0]  }
0x6f: {  	v13 =	vld [tilespmem:s1+$0xFFFFFFE0]  }
0x70: {  	v14 =	vld [tilespmem:s3+$0xFFFFFFE0];
	v8 =	vadd.f32 v9, v8  }
0x71: {  	v15 =	vld [tilespmem:s3+$0xFFFFFFF0]  }
0x72: {  	v17 =	vld [tilespmem:s1+$0x0];
	v16 =	vmul.f32 $2.000000030e-01, v8  }
0x73: {  	v9 =	vld [tilespmem:s1+$0xFFFFFFF0]  }
0x74: {  	v18 =	vld [tilespmem:s3+$0x0];
	v8 =	vmax.f32 v8, v16  }
0x75: {  	v19 =	vld [tilespmem:s3+$0x20];
	v8 =	vmul.f32 $1.442695020e+00, v8  }
0x76: {  	v11 =	vadd.f32 v12, v11;
	v12 =	vadd.f32 v14, v13;
	v13 =	vld [tilespmem:s3+$0x10]  }
0x77: {  	v16 =	vld [tilespmem:s1+$0x10];
	(erf) = vpow2.f32 v8  }
0x78: {  	v14 =	vld [tilespmem:s1+$0x20];
	v9 =	vadd.f32 v15, v9;
	v8 =	vmul.f32 $2.000000030e-01, v11  }
0x79: {  	v10 =	vld [tilespmem:s3+$0xFFFFFFC0];
	v17 =	vadd.f32 v18, v17;
	v15 =	vmul.f32 $2.000000030e-01, v12  }
0x7a: {  	v20 =	vld [tilespmem:s1+$0xFFFFFFC0];
	v21 =	vmul.f32 $2.000000030e-01, v9;
	v8 =	vmax.f32 v11, v8  }
0x7b: {  	v11 =	vmax.f32 v12, v15;
	v12 =	vmul.f32 $2.000000030e-01, v17;
	v8 =	vmul.f32 $1.442695020e+00, v8  }
0x7c: {  	v9 =	vmax.f32 v9, v21;
	v13 =	vadd.f32 v13, v16;
	v11 =	vmul.f32 $1.442695020e+00, v11  }
0x7d: {  	(erf) = vpow2.f32 v8;
	v8 =	vmax.f32 v17, v12;
	v12 =	vadd.f32 v19, v14  }
0x7e: {  	v9 =	vmul.f32 $1.442695020e+00, v9;
	v14 =	vmul.f32 $2.000000030e-01, v13  }
0x7f: {  	v15 =	vadd.f32 v10, v20;
	(erf) = vpow2.f32 v11;
	v11 =	vmul.f32 $2.000000030e-01, v12  }
0x80: {  	v8 =	vmul.f32 $1.442695020e+00, v8;
	v13 =	vmax.f32 v13, v14;
	(erf) = vpow2.f32 v9;
	v10 =	vpop (erf)  }
0x81: {  	s3 =	simm.s32 $0x53C0;
	v9 =	vmul.f32 $2.000000030e-01, v15;
	v11 =	vmax.f32 v12, v11;
	v12 =	vnsel vm0, $0x0, v10  }
0x82: {  	s17 =	simm.s32 $0x1380;
	v13 =	vmul.f32 $1.442695020e+00, v13;
	[tilespmem:s3+$0x230] =	vst v12  }
0x83: {  	(erf) = vpow2.f32 v8;
	v8 =	vmax.f32 v15, v9;
	v9 =	vmul.f32 $1.442695020e+00, v11;
	v11 =	vld [tilespmem:s17+$0x180]  }
0x84: {  	(erf) = vpow2.f32 v13;
	v8 =	vmul.f32 $1.442695020e+00, v8  }
0x85: {  	(erf) = vpow2.f32 v9  }
0x86: {  	(erf) = vpow2.f32 v8;
	v8 =	vperm.xlane v10, v62  }
0x87: {  	v9 =	vpop (erf)  }
0x88: {  	s9 =	simm.s32 $0xA40;
	v12 =	vnsel vm0, $0x0, v9;
	v8 =	vmul.f32 v11, v8;
	v11 =	vpop (erf)  }
0x89: {  	v30 =	vld [tilespmem:s9+$0xFFFFFFC0];
	[tilespmem:s3+$0xFFFFFED0] =	vst v12;
	v12 =	vnsel vm0, $0x0, v11  }
0x8a: {  	s21 =	simm.s32 $0x240;
	v13 =	vld [tilespmem:s17+$0xFFFFFE80];
	v16 =	vpop (erf);
	[tilespmem:s3+$0x1B0] =	vst v8  }
0x8b: {  	v33 =	vld [tilespmem:s21+$0xFFFFFFD0];
	[tilespmem:s3+$0xFFFFFF60] =	vst v12;
	v8 =	vnsel vm0, $0x0, v16  }
0x8c: {  	v14 =	vld [tilespmem:s17+$0x190];
	[tilespmem:s3+$0xFFFFFFF0] =	vst v8;
	v12 =	vpop (erf)  }
0x8d: {  	v19 =	vperm.xlane v9, v62;
	v20 =	vld [tilespmem:s17+$0xFFFFFF80];
	v8 =	vnsel vm0, $0x0, v12;
	v15 =	vpop (erf)  }
0x8e: {  	v36 =	vld [tilespmem:s9+$0xFFFFFFD0];
	[tilespmem:s3+$0x80] =	vst v8;
	v8 =	vnsel vm0, $0x0, v15;
	v17 =	vpop (erf)  }
0x8f: {  	v18 =	vld [tilespmem:s17+$0xFFFFFF00];
	v13 =	vmul.f32 v13, v19;
	[tilespmem:s3+$0x110] =	vst v8;
	v22 =	vnsel vm0, $0x0, v17  }
0x90: {  	v23 =	vperm.xlane v10, v0;
	v21 =	vld [tilespmem:s17+$0x0];
	[tilespmem:s3+$0x1A0] =	vst v22;
	v22 =	vperm.xlane v16, v62  }
0x91: {  	v24 =	vperm.xlane v11, v62;
	[tilespmem:s3+$0xFFFFFE50] =	vst v13;
	v19 =	vld [tilespmem:s17+$0x80];
	v8 =	vpop (erf)  }
0x92: {  	v14 =	vmul.f32 v14, v23;
	v25 =	vnsel vm0, $0x0, v8;
	v20 =	vmul.f32 v20, v22;
	v22 =	vld [tilespmem:s17+$0xFFFFFE90]  }
0x93: {  	v23 =	vperm.xlane v12, v62;
	[tilespmem:s3+$0xFFFFFE40] =	vst v25;
	v25 =	vld [tilespmem:s17+$0x100]  }
0x94: {  	v13 =	vperm.xlane v15, v62;
	v18 =	vmul.f32 v18, v24;
	[tilespmem:s3+$0x1C0] =	vst v14;
	v24 =	vld [tilespmem:s17+$0xFFFFFE00]  }
0x95: {  	v39 =	vld [tilespmem:s21+$0xFFFFFFE0];
	v21 =	vmul.f32 v21, v23;
	[tilespmem:s3+$0xFFFFFF70] =	vst v20;
	v20 =	vperm.xlane v9, v0  }
0x96: {  	v14 =	vperm.xlane v17, v62;
	[tilespmem:s3+$0xFFFFFEE0] =	vst v18;
	v18 =	vld [tilespmem:s17+$0x1A0];
	v13 =	vmul.f32 v19, v13  }
0x97: {  	v23 =	vperm.xlane v8, v62;
	v19 =	vld [tilespmem:s17+$0xFFFFFF10];
	[tilespmem:s3+$0x0] =	vst v21;
	v20 =	vmul.f32 v22, v20  }
0x98: {  	v26 =	vld [tilespmem:s17+$0xFFFFFF90];
	[tilespmem:s3+$0x90] =	vst v13;
	v14 =	vmul.f32 v25, v14  }
0x99: {  	v13 =	vperm.xlane v10, v1;
	v21 =	vmul.f32 v24, v23;
	v23 =	vld [tilespmem:s17+$0x10];
	[tilespmem:s3+$0xFFFFFE60] =	vst v20  }
0x9a: {  	v22 =	vld [tilespmem:s17+$0x90];
	v24 =	vperm.xlane v11, v0;
	[tilespmem:s3+$0x120] =	vst v14  }
0x9b: {  	v13 =	vmul.f32 v18, v13;
	v14 =	vperm.xlane v16, v0;
	[tilespmem:s3+$0xFFFFFDC0] =	vst v21;
	v21 =	vld [tilespmem:s17+$0x110]  }
0x9c: {  	v18 =	vperm.xlane v12, v0;
	v19 =	vmul.f32 v19, v24;
	v24 =	vld [tilespmem:s17+$0xFFFFFEA0]  }
0x9d: {  	v20 =	vperm.xlane v15, v0;
	[tilespmem:s3+$0x1D0] =	vst v13;
	v25 =	vld [tilespmem:s17+$0xFFFFFE10];
	v14 =	vmul.f32 v26, v14  }
0x9e: {  	v41 =	vld [tilespmem:s9+$0xFFFFFFE0];
	v13 =	vperm.xlane v17, v0;
	[tilespmem:s3+$0xFFFFFEF0] =	vst v19;
	v18 =	vmul.f32 v23, v18  }
0x9f: {  	v19 =	vld [tilespmem:s17+$0x1B0];
	[tilespmem:s3+$0xFFFFFF80] =	vst v14;
	v14 =	vmul.f32 v22, v20;
	v20 =	vperm.xlane v9, v1  }
0xa0: {  	v23 =	vperm.xlane v8, v0;
	v26 =	vld [tilespmem:s17+$0xFFFFFF20];
	[tilespmem:s3+$0x10] =	vst v18;
	v13 =	vmul.f32 v21, v13  }
0xa1: {  	v22 =	vld [tilespmem:s17+$0xFFFFFFA0];
	[tilespmem:s3+$0xA0] =	vst v14;
	v20 =	vmul.f32 v24, v20  }
0xa2: {  	v14 =	vperm.xlane v10, v63;
	v18 =	vmul.f32 v25, v23;
	v21 =	vld [tilespmem:s17+$0x20];
	[tilespmem:s3+$0x130] =	vst v13  }
0xa3: {  	v23 =	vperm.xlane v11, v1;
	v24 =	vld [tilespmem:s17+$0xA0];
	[tilespmem:s3+$0xFFFFFE70] =	vst v20  }
0xa4: {  	v13 =	vperm.xlane v16, v1;
	v14 =	vmul.f32 v19, v14;
	[tilespmem:s3+$0xFFFFFDD0] =	vst v18;
	v18 =	vld [tilespmem:s17+$0x120]  }
0xa5: {  	v19 =	vperm.xlane v12, v1;
	v20 =	vmul.f32 v26, v23;
	v26 =	vld [tilespmem:s17+$0xFFFFFEB0]  }
0xa6: {  	v23 =	vperm.xlane v15, v1;
	v25 =	vld [tilespmem:s17+$0xFFFFFE20];
	v13 =	vmul.f32 v22, v13;
	[tilespmem:s3+$0x1E0] =	vst v14  }
0xa7: {  	v14 =	vperm.xlane v17, v1;
	[tilespmem:s3+$0xFFFFFF00] =	vst v20;
	v20 =	vld [tilespmem:s17+$0x1C0];
	v19 =	vmul.f32 v21, v19  }
0xa8: {  	v22 =	vld [tilespmem:s17+$0xFFFFFF30];
	[tilespmem:s3+$0xFFFFFF90] =	vst v13;
	v13 =	vmul.f32 v24, v23;
	v23 =	vperm.xlane v9, v63  }
0xa9: {  	v21 =	vperm.xlane v8, v1;
	v24 =	vld [tilespmem:s17+$0xFFFFFFB0];
	[tilespmem:s3+$0x20] =	vst v19;
	v14 =	vmul.f32 v18, v14  }
0xaa: {  	[tilespmem:s3+$0xB0] =	vst v13;
	v13 =	vperm.xlane v10, v2;
	v23 =	vmul.f32 v26, v23;
	v19 =	vld [tilespmem:s17+$0x30]  }
0xab: {  	v44 =	vld [tilespmem:s21+$0xFFFFFFF0];
	v18 =	vmul.f32 v25, v21;
	v21 =	vperm.xlane v11, v63;
	[tilespmem:s3+$0x140] =	vst v14  }
0xac: {  	v25 =	vld [tilespmem:s17+$0xB0];
	v14 =	vperm.xlane v16, v63;
	v13 =	vmul.f32 v20, v13;
	[tilespmem:s3+$0xFFFFFE80] =	vst v23  }
0xad: {  	v20 =	vperm.xlane v12, v63;
	[tilespmem:s3+$0xFFFFFDE0] =	vst v18;
	v18 =	vld [tilespmem:s17+$0x130];
	v21 =	vmul.f32 v22, v21  }
0xae: {  	v26 =	vld [tilespmem:s17+$0xFFFFFE30];
	v14 =	vmul.f32 v24, v14;
	[tilespmem:s3+$0x1F0] =	vst v13  }
0xaf: {  	v45 =	vld [tilespmem:s9+$0xFFFFFFF0];
	v22 =	vperm.xlane v15, v63;
	[tilespmem:s3+$0xFFFFFF10] =	vst v21;
	v19 =	vmul.f32 v19, v20  }
0xb0: {  	v13 =	vperm.xlane v17, v63;
	v20 =	vld [tilespmem:s17+$0x1D0];
	[tilespmem:s3+$0xFFFFFFA0] =	vst v14  }
0xb1: {  	v23 =	vld [tilespmem:s17+$0xFFFFFEC0];
	v21 =	vperm.xlane v8, v63;
	v14 =	vmul.f32 v25, v22;
	[tilespmem:s3+$0x30] =	vst v19  }
0xb2: {  	v13 =	vmul.f32 v18, v13;
	v19 =	vld [tilespmem:s17+$0x40]  }
0xb3: {  	v56 =	vld [tilespmem:s9+$0x10];
	[tilespmem:s3+$0xC0] =	vst v14;
	v14 =	vperm.xlane v10, v3;
	v18 =	vmul.f32 v26, v21  }
0xb4: {  	v24 =	vld [tilespmem:s17+$0xFFFFFF40];
	v22 =	vperm.xlane v9, v2  }
0xb5: {  	v25 =	vld [tilespmem:s17+$0xFFFFFFC0];
	[tilespmem:s3+$0xFFFFFDF0] =	vst v18;
	v14 =	vmul.f32 v20, v14;
	v18 =	vperm.xlane v12, v2  }
0xb6: {  	v55 =	vadd.f32 v41, v39;
	v22 =	vmul.f32 v23, v22;
	v23 =	vld [tilespmem:s17+$0xC0];
	[tilespmem:s3+$0x150] =	vst v13  }
0xb7: {  	v57 =	vadd.f32 v45, v44;
	v26 =	vld [tilespmem:s17+$0x140];
	[tilespmem:s3+$0x200] =	vst v14;
	v14 =	vmul.f32 v19, v18  }
0xb8: {  	v60 =	vmul.f32 $2.000000030e-01, v55;
	v21 =	vperm.xlane v11, v2;
	[tilespmem:s3+$0xFFFFFE90] =	vst v22;
	v18 =	vld [tilespmem:s9+$0x30]  }
0xb9: {  	v45 =	vmul.f32 $2.000000030e-01, v57;
	v32 =	vperm.xlane v9, v3;
	[tilespmem:s3+$0x40] =	vst v14;
	v14 =	vld [tilespmem:s21+$0x30]  }
0xba: {  	v13 =	vperm.xlane v16, v2;
	v21 =	vmul.f32 v24, v21;
	v22 =	vld [tilespmem:s17+$0xFFFFFED0]  }
0xbb: {  	v43 =	vperm.xlane v9, v4;
	v34 =	vperm.xlane v11, v3;
	v20 =	vld [tilespmem:s17+$0xFFFFFE40]  }
0xbc: {  	v28 =	vperm.xlane v15, v2;
	v13 =	vmul.f32 v25, v13;
	[tilespmem:s3+$0xFFFFFF20] =	vst v21;
	v19 =	vld [tilespmem:s17+$0x1E0]  }
0xbd: {  	v35 =	vperm.xlane v16, v3;
	v29 =	vperm.xlane v17, v2;
	v21 =	vld [tilespmem:s17+$0xFFFFFF50]  }
0xbe: {  	v37 =	vperm.xlane v12, v3;
	[tilespmem:s3+$0xFFFFFFB0] =	vst v13;
	v23 =	vmul.f32 v23, v28;
	v28 =	vld [tilespmem:s21+$0x0];
	v42 =	vadd.f32 v18, v14  }
0xbf: {  	v27 =	vperm.xlane v8, v2;
	v24 =	vld [tilespmem:s17+$0xFFFFFFD0];
	v26 =	vmul.f32 v26, v29  }
0xc0: {  	v29 =	vld [tilespmem:s9+$0x0];
	v32 =	vmul.f32 v22, v32;
	v46 =	vmul.f32 $2.000000030e-01, v42  }
0xc1: {  	v22 =	vld [tilespmem:s21+$0x10];
	v20 =	vmul.f32 v20, v27;
	v27 =	vperm.xlane v10, v4  }
0xc2: {  	v38 =	vperm.xlane v15, v3;
	v40 =	vperm.xlane v17, v3;
	v25 =	vld [tilespmem:s17+$0x50];
	v42 =	vmax.f32 v42, v46  }
0xc3: {  	v58 =	vld [tilespmem:s21+$0x20];
	v19 =	vmul.f32 v19, v27;
	v27 =	vadd.f32 v36, v33;
	v42 =	vmul.f32 $1.442695020e+00, v42  }
0xc4: {  	v48 =	vld [tilespmem:s21+$0xFFFFFFC0];
	v31 =	vperm.xlane v8, v3;
	v21 =	vmul.f32 v21, v34  }
0xc5: {  	v61 =	vld [tilespmem:s9+$0x20];
	v49 =	vmax.f32 v57, v45;
	v59 =	vmul.f32 $2.000000030e-01, v27;
	(erf) = vpow2.f32 v42  }
0xc6: {  	v33 =	vmul.f32 $1.442695020e+00, v49;
	v24 =	vmul.f32 v24, v35;
	v28 =	vadd.f32 v29, v28  }
0xc7: {  	v22 =	vadd.f32 v56, v22;
	v25 =	vmul.f32 v25, v37;
	v27 =	vmax.f32 v27, v59  }
0xc8: {  	v29 =	vmax.f32 v55, v60;
	v50 =	vmul.f32 $2.000000030e-01, v28;
	v27 =	vmul.f32 $1.442695020e+00, v27  }
0xc9: {  	v30 =	vadd.f32 v30, v48;
	[tilespmem:s3+$0x160] =	vst v26;
	v29 =	vmul.f32 $1.442695020e+00, v29;
	v26 =	vmul.f32 $2.000000030e-01, v22  }
0xca: {  	[tilespmem:s3+$0xD0] =	vst v23;
	v23 =	vmax.f32 v28, v50;
	(erf) = vpow2.f32 v27;
	v27 =	vadd.f32 v61, v58  }
0xcb: {  	[tilespmem:s3+$0xFFFFFE00] =	vst v20;
	v28 =	vld [tilespmem:s17+$0xD0];
	v20 =	vmax.f32 v22, v26;
	v26 =	vmul.f32 $2.000000030e-01, v30;
	v23 =	vmul.f32 $1.442695020e+00, v23  }
0xcc: {  	v51 =	vld [tilespmem:s17+$0x150];
	[tilespmem:s3+$0x210] =	vst v19;
	(erf) = vpow2.f32 v29;
	v19 =	vmul.f32 $2.000000030e-01, v27  }
0xcd: {  	[tilespmem:s3+$0xFFFFFEA0] =	vst v32;
	v53 =	vld [tilespmem:s17+$0xFFFFFE50];
	v20 =	vmul.f32 $1.442695020e+00, v20;
	(erf) = vpow2.f32 v33  }
0xce: {  	v54 =	vld [tilespmem:s17+$0xFFFFFEE0];
	[tilespmem:s3+$0xFFFFFF30] =	vst v21;
	(erf) = vpow2.f32 v23;
	v23 =	vmax.f32 v30, v26;
	v19 =	vmax.f32 v27, v19;
	v22 =	vpop (erf)  }
0xcf: {  	s9 =	simm.s32 $0x5840;
	v52 =	vld [tilespmem:s17+$0x1F0];
	[tilespmem:s3+$0xFFFFFFC0] =	vst v24;
	(erf) = vpow2.f32 v20;
	v19 =	vmul.f32 $1.442695020e+00, v19;
	v27 =	vnsel vm0, $0x0, v22  }
0xd0: {  	s14 =	simm.s32 $0x1780;
	v36 =	vld [tilespmem:s17+$0xFFFFFF60];
	v20 =	vmul.f32 $1.442695020e+00, v23;
	v23 =	vmul.f32 v28, v38;
	[tilespmem:s9+$0x230] =	vst v27  }
0xd1: {  	[tilespmem:s3+$0x50] =	vst v25;
	(erf) = vpow2.f32 v19;
	v19 =	vmul.f32 v51, v40;
	v21 =	vld [tilespmem:s14+$0x180]  }
0xd2: {  	v29 =	vld [tilespmem:s17+$0x60];
	[tilespmem:s3+$0xE0] =	vst v23;
	(erf) = vpow2.f32 v20;
	v20 =	vmul.f32 v53, v31  }
0xd3: {  	v6 =	vperm.xlane v16, v5;
	v7 =	vperm.xlane v8, v5;
	v32 =	vld [tilespmem:s17+$0xE0];
	v24 =	vpop (erf);
	[tilespmem:s3+$0x170] =	vst v19  }
0xd4: {  	v18 =	vperm.xlane v11, v4;
	v23 =	vperm.xlane v22, v62;
	v27 =	vld [tilespmem:s17+$0xFFFFFFE0];
	v19 =	vnsel vm0, $0x0, v24;
	[tilespmem:s3+$0xFFFFFE10] =	vst v20  }
0xd5: {  	v14 =	vperm.xlane v16, v4;
	v25 =	vperm.xlane v10, v5;
	v30 =	vpop (erf);
	v33 =	vld [tilespmem:s17+$0x160];
	[tilespmem:s9+$0xFFFFFED0] =	vst v19  }
0xd6: {  	v26 =	vperm.xlane v11, v5;
	v11 =	vnsel vm0, $0x0, v30;
	v38 =	vld [tilespmem:s17+$0xFFFFFE60];
	[tilespmem:$0x1FFD0] =	vst v6;
	v21 =	vmul.f32 v21, v23  }
0xd7: {  	v20 =	vperm.xlane v9, v5;
	v6 =	vperm.xlane v15, v5;
	v16 =	vld [tilespmem:s14+$0xFFFFFE80];
	[tilespmem:s9+$0xFFFFFF60] =	vst v11  }
0xd8: {  	v9 =	vperm.xlane v12, v5;
	v5 =	vperm.xlane v17, v5;
	v23 =	vpop (erf);
	[tilespmem:s9+$0x1B0] =	vst v21  }
0xd9: {  	v21 =	vnsel vm0, $0x0, v23;
	v55 =	vld [tilespmem:s14+$0x190];
	[tilespmem:$0x1FFE0] =	vst v6  }
0xda: {  	v56 =	vperm.xlane v24, v62;
	v19 =	vpop (erf);
	[tilespmem:$0x1FFF0] =	vst v5  }
0xdb: {  	v28 =	vperm.xlane v15, v4;
	v31 =	vperm.xlane v17, v4;
	v17 =	vnsel vm0, $0x0, v19;
	v15 =	vld [tilespmem:s14+$0xFFFFFF00];
	[tilespmem:s9+$0xFFFFFFF0] =	vst v21  }
0xdc: {  	v37 =	vmul.f32 v54, v43;
	v16 =	vmul.f32 v16, v56;
	[tilespmem:s9+$0x80] =	vst v17;
	v21 =	vpop (erf);
	v57 =	vld [tilespmem:s14+$0xFFFFFF80]  }
0xdd: {  	s23 =	simm.s32 $0x2C0;
	v35 =	vmul.f32 v52, v25;
	v60 =	vperm.xlane v22, v0;
	v58 =	vld [tilespmem:s14+$0x0];
	v17 =	vnsel vm0, $0x0, v21  }
0xde: {  	v61 =	vperm.xlane v30, v62;
	v27 =	vmul.f32 v27, v14;
	[tilespmem:s9+$0xFFFFFE50] =	vst v16;
	v14 =	vld [tilespmem:s23+$0xFFFFFFE0];
	v25 =	vpop (erf)  }
0xdf: {  	v50 =	vperm.xlane v23, v62;
	v54 =	vld [tilespmem:s14+$0xFFFFFE90];
	[tilespmem:s9+$0x110] =	vst v17;
	v59 =	vnsel vm0, $0x0, v25;
	v39 =	vmul.f32 v55, v60  }
0xe0: {  	s26 =	simm.s32 $0xAC0;
	v33 =	vmul.f32 v33, v31;
	v52 =	vperm.xlane v19, v62;
	v48 =	vld [tilespmem:s14+$0x80];
	[tilespmem:s9+$0x1A0] =	vst v59;
	v17 =	vpop (erf)  }
0xe1: {  	v31 =	vld [tilespmem:s26+$0xFFFFFFF0];
	v15 =	vmul.f32 v15, v61;
	v49 =	vnsel vm0, $0x0, v17;
	v41 =	vmul.f32 v57, v50;
	[tilespmem:s9+$0x1C0] =	vst v39  }
0xe2: {  	v51 =	vld [tilespmem:s14+$0x100];
	v42 =	vmul.f32 v58, v52;
	v58 =	vperm.xlane v24, v0;
	[tilespmem:s9+$0xFFFFFE40] =	vst v49  }
0xe3: {  	v16 =	vperm.xlane v21, v62;
	[tilespmem:s9+$0xFFFFFEE0] =	vst v15;
	v53 =	vld [tilespmem:s14+$0xFFFFFE00]  }
0xe4: {  	v15 =	vld [tilespmem:s14+$0x1A0];
	[tilespmem:s9+$0xFFFFFF70] =	vst v41;
	v41 =	vmul.f32 v54, v58  }
0xe5: {  	v55 =	vperm.xlane v25, v62;
	v57 =	vld [tilespmem:s14+$0xFFFFFF10];
	[tilespmem:s9+$0x0] =	vst v42;
	v16 =	vmul.f32 v48, v16  }
0xe6: {  	v56 =	vperm.xlane v17, v62;
	v47 =	vld [tilespmem:s14+$0xFFFFFF90];
	[tilespmem:s9+$0xFFFFFE60] =	vst v41  }
0xe7: {  	v60 =	vld [tilespmem:s14+$0x10];
	v39 =	vmul.f32 v51, v55;
	[tilespmem:s9+$0x90] =	vst v16;
	v16 =	vperm.xlane v22, v1  }
0xe8: {  	[tilespmem:s3+$0xFFFFFEB0] =	vst v37;
	v61 =	vperm.xlane v30, v0;
	v52 =	vld [tilespmem:s14+$0xFFFFFEA0];
	v59 =	vmul.f32 v53, v56  }
0xe9: {  	v48 =	vperm.xlane v23, v0;
	v62 =	vld [tilespmem:s14+$0x90];
	[tilespmem:s9+$0x120] =	vst v39;
	v15 =	vmul.f32 v15, v16  }
0xea: {  	v49 =	vld [tilespmem:s14+$0x110];
	v16 =	vperm.xlane v19, v0;
	v40 =	vmul.f32 v57, v61;
	[tilespmem:s9+$0xFFFFFDC0] =	vst v59  }
0xeb: {  	v57 =	vperm.xlane v24, v1;
	v39 =	vmul.f32 v47, v48;
	[tilespmem:s9+$0x1D0] =	vst v15;
	v50 =	vld [tilespmem:s14+$0xFFFFFE10]  }
0xec: {  	v51 =	vperm.xlane v21, v0;
	[tilespmem:s9+$0xFFFFFEF0] =	vst v40;
	v16 =	vmul.f32 v60, v16;
	v53 =	vld [tilespmem:s14+$0x1B0]  }
0xed: {  	v15 =	vperm.xlane v25, v0;
	v55 =	vld [tilespmem:s14+$0xFFFFFF20];
	[tilespmem:s9+$0xFFFFFF80] =	vst v39;
	v41 =	vmul.f32 v52, v57  }
0xee: {  	v54 =	vperm.xlane v17, v0;
	v56 =	vmul.f32 v62, v51;
	v58 =	vld [tilespmem:s14+$0xFFFFFFA0];
	[tilespmem:s9+$0x10] =	vst v16  }
0xef: {  	v60 =	vperm.xlane v22, v63;
	v15 =	vmul.f32 v49, v15;
	v59 =	vld [tilespmem:s14+$0x20];
	[tilespmem:s9+$0xFFFFFE70] =	vst v41  }
0xf0: {  	v61 =	vperm.xlane v30, v1;
	[tilespmem:s9+$0xA0] =	vst v56;
	v52 =	vld [tilespmem:s14+$0xFFFFFEB0];
	v16 =	vmul.f32 v50, v54  }
0xf1: {  	v62 =	vld [tilespmem:s14+$0xA0];
	[tilespmem:s9+$0x130] =	vst v15;
	v15 =	vperm.xlane v23, v1;
	v39 =	vmul.f32 v53, v60  }
0xf2: {  	v37 =	vld [tilespmem:s23+$0x20];
	v48 =	vperm.xlane v19, v1;
	v50 =	vmul.f32 v55, v61;
	[tilespmem:s9+$0xFFFFFDD0] =	vst v16  }
0xf3: {  	v57 =	vperm.xlane v24, v63;
	v15 =	vmul.f32 v58, v15;
	v16 =	vld [tilespmem:s14+$0x120];
	[tilespmem:s9+$0x1E0] =	vst v39  }
0xf4: {  	v51 =	vperm.xlane v21, v1;
	[tilespmem:s9+$0xFFFFFF00] =	vst v50;
	v40 =	vmul.f32 v59, v48;
	v49 =	vld [tilespmem:s14+$0xFFFFFE20]  }
0xf5: {  	v54 =	vld [tilespmem:s14+$0x1C0];
	[tilespmem:s9+$0xFFFFFF90] =	vst v15;
	v44 =	vmul.f32 v52, v57  }
0xf6: {  	v53 =	vperm.xlane v25, v1;
	v56 =	vld [tilespmem:s14+$0xFFFFFF30];
	v15 =	vmul.f32 v62, v51;
	[tilespmem:s9+$0x20] =	vst v40  }
0xf7: {  	v13 =	vperm.xlane v8, v4;
	v55 =	vperm.xlane v17, v1;
	v40 =	vld [tilespmem:s14+$0x30];
	[tilespmem:s9+$0xFFFFFE80] =	vst v44  }
0xf8: {  	v58 =	vld [tilespmem:s14+$0xFFFFFFB0];
	[tilespmem:s9+$0xB0] =	vst v15;
	v15 =	vperm.xlane v22, v2;
	v16 =	vmul.f32 v16, v53  }
0xf9: {  	v60 =	vperm.xlane v30, v63;
	v44 =	vld [tilespmem:s14+$0xFFFFFEC0];
	v59 =	vmul.f32 v49, v55  }
0xfa: {  	v48 =	vperm.xlane v19, v63;
	v61 =	vld [tilespmem:s14+$0xB0];
	v15 =	vmul.f32 v54, v15;
	[tilespmem:s9+$0x140] =	vst v16  }
0xfb: {  	v42 =	vmul.f32 v56, v60;
	v16 =	vperm.xlane v23, v63;
	[tilespmem:s9+$0xFFFFFDE0] =	vst v59;
	v62 =	vld [tilespmem:s14+$0x130]  }
0xfc: {  	v54 =	vperm.xlane v24, v2;
	[tilespmem:s9+$0x1F0] =	vst v15;
	v40 =	vmul.f32 v40, v48;
	v49 =	vld [tilespmem:s14+$0xFFFFFE30]  }
0xfd: {  	v50 =	vperm.xlane v21, v63;
	[tilespmem:s9+$0xFFFFFF10] =	vst v42;
	v16 =	vmul.f32 v58, v16;
	v51 =	vld [tilespmem:s14+$0x1D0]  }
0xfe: {  	v34 =	vperm.xlane v12, v4;
	v53 =	vld [tilespmem:s14+$0xFFFFFF40];
	v43 =	vmul.f32 v44, v54;
	[tilespmem:s9+$0x30] =	vst v40  }
0xff: {  	v15 =	vperm.xlane v25, v63;
	[tilespmem:s9+$0xFFFFFFA0] =	vst v16;
	v16 =	vmul.f32 v61, v50;
	v40 =	vld [tilespmem:s14+$0x40]  }
0x100: {  	v38 =	vmul.f32 v38, v13;
	v52 =	vperm.xlane v17, v63;
	[tilespmem:s9+$0xFFFFFE90] =	vst v43;
	v55 =	vld [tilespmem:s14+$0xFFFFFFC0]  }
0x101: {  	v57 =	vperm.xlane v30, v2;
	v45 =	vld [tilespmem:s14+$0xFFFFFED0];
	v15 =	vmul.f32 v62, v15;
	[tilespmem:s9+$0xC0] =	vst v16  }
0x102: {  	v5 =	vimm.s32 $0x7;
	v46 =	vperm.xlane v17, v2;
	v56 =	vmul.f32 v49, v52;
	v58 =	vld [tilespmem:s14+$0xC0]  }
0x103: {  	v13 =	vperm.xlane v17, v5;
	v42 =	vmul.f32 v53, v57;
	v57 =	vld [tilespmem:s26+$0x30];
	[tilespmem:s9+$0x150] =	vst v15  }
0x104: {  	v60 =	vperm.xlane v19, v2;
	v16 =	vperm.xlane v22, v3;
	[tilespmem:s9+$0xFFFFFDF0] =	vst v56;
	v59 =	vld [tilespmem:s14+$0x140]  }
0x105: {  	v49 =	vperm.xlane v24, v3;
	v15 =	vperm.xlane v23, v2;
	[tilespmem:s9+$0xFFFFFF20] =	vst v42;
	v47 =	vld [tilespmem:s14+$0xFFFFFE40]  }
0x106: {  	v16 =	vmul.f32 v51, v16;
	v42 =	vmul.f32 v36, v18;
	v18 =	vld [tilespmem:s14+$0xFFFFFF50]  }
0x107: {  	v40 =	vmul.f32 v40, v60;
	v15 =	vmul.f32 v55, v15;
	v55 =	vld [tilespmem:s23+$0x30]  }
0x108: {  	v61 =	vperm.xlane v21, v2;
	[tilespmem:s9+$0x200] =	vst v16;
	v45 =	vmul.f32 v45, v49;
	v49 =	vld [tilespmem:s26+$0xFFFFFFE0]  }
0x109: {  	v39 =	vperm.xlane v17, v3;
	v44 =	vperm.xlane v17, v4;
	v62 =	vld [tilespmem:s14+$0x1E0];
	[tilespmem:s9+$0x40] =	vst v40  }
0x10a: {  	v16 =	vperm.xlane v25, v2;
	[tilespmem:s9+$0xFFFFFFB0] =	vst v15;
	v15 =	vmul.f32 v58, v61;
	v40 =	vld [tilespmem:s14+$0x50]  }
0x10b: {  	v17 =	vperm.xlane v30, v5;
	v50 =	vperm.xlane v30, v3;
	v48 =	vld [tilespmem:s14+$0xFFFFFFD0]  }
0x10c: {  	v16 =	vmul.f32 v59, v16;
	[tilespmem:s9+$0xD0] =	vst v15;
	v59 =	vperm.xlane v30, v4;
	v30 =	vld [tilespmem:s23+$0x10]  }
0x10d: {  	v51 =	vld [tilespmem:s14+$0xD0]  }
0x10e: {  	v34 =	vmul.f32 v29, v34;
	v46 =	vmul.f32 v47, v46;
	v47 =	vld [tilespmem:s26+$0xFFFFFFD0]  }
0x10f: {  	v15 =	vperm.xlane v22, v4;
	v29 =	vmul.f32 v18, v50;
	v50 =	vadd.f32 v57, v55;
	v57 =	vld [tilespmem:s26+$0x0]  }
0x110: {  	v28 =	vmul.f32 v32, v28;
	v55 =	vld [tilespmem:s26+$0x20]  }
0x111: {  	v41 =	vperm.xlane v19, v3;
	[tilespmem:s9+$0x160] =	vst v16;
	v15 =	vmul.f32 v62, v15;
	v62 =	vld [tilespmem:s23+$0xFFFFFFD0]  }
0x112: {  	v10 =	vperm.xlane v23, v4;
	v52 =	vperm.xlane v23, v3;
	v53 =	vld [tilespmem:s14+$0x150]  }
0x113: {  	v54 =	vperm.xlane v21, v3;
	v40 =	vmul.f32 v40, v41;
	v41 =	vld [tilespmem:s23+$0x0]  }
0x114: {  	v56 =	vperm.xlane v25, v3;
	v32 =	vmul.f32 v48, v52;
	v48 =	vld [tilespmem:s23+$0xFFFFFFF0]  }
0x115: {  	v58 =	vperm.xlane v24, v4;
	v49 =	vadd.f32 v49, v14;
	v36 =	vmul.f32 $2.000000030e-01, v50;
	[tilespmem:s9+$0x210] =	vst v15;
	v52 =	vld [tilespmem:s26+$0x10]  }
0x116: {  	v22 =	vperm.xlane v22, v5;
	v18 =	vperm.xlane v24, v5;
	v60 =	vld [tilespmem:s14+$0x1F0]  }
0x117: {  	[tilespmem:s3+$0x220] =	vst v35;
	v50 =	vmax.f32 v50, v36;
	v24 =	vmul.f32 v51, v54;
	v54 =	vmul.f32 $2.000000030e-01, v49  }
0x118: {  	v61 =	vld [tilespmem:s26+$0xFFFFFFC0];
	[tilespmem:s9+$0xFFFFFE00] =	vst v46;
	v50 =	vmul.f32 $1.442695020e+00, v50;
	v37 =	vadd.f32 v55, v37;
	v47 =	vadd.f32 v47, v62  }
0x119: {  	[tilespmem:s9+$0xFFFFFEA0] =	vst v45;
	v35 =	vmul.f32 v53, v56;
	v41 =	vadd.f32 v57, v41;
	v57 =	vmax.f32 v49, v54;
	v54 =	vld [tilespmem:s14+$0xFFFFFE50]  }
0x11a: {  	v55 =	vld [tilespmem:s14+$0xFFFFFEE0];
	(erf) = vpow2.f32 v50;
	v31 =	vadd.f32 v31, v48;
	v53 =	vmul.f32 $2.000000030e-01, v47  }
0x11b: {  	[tilespmem:s3+$0xF0] =	vst v28;
	v14 =	vperm.xlane v23, v5;
	v23 =	vld [tilespmem:s23+$0xFFFFFFC0];
	v30 =	vadd.f32 v52, v30;
	v22 =	vmul.f32 v60, v22  }
0x11c: {  	[tilespmem:s3+$0xFFFFFF40] =	vst v42;
	v60 =	vmul.f32 $2.000000030e-01, v41;
	v56 =	vmul.f32 $2.000000030e-01, v31;
	v42 =	vmax.f32 v47, v53  }
0x11d: {  	[tilespmem:s9+$0xFFFFFF30] =	vst v29;
	v53 =	vmul.f32 $1.442695020e+00, v57;
	v29 =	vmul.f32 $1.442695020e+00, v42  }
0x11e: {  	[tilespmem:s9+$0xE0] =	vst v24;
	v24 =	vmul.f32 $2.000000030e-01, v30;
	v31 =	vmax.f32 v31, v56;
	v28 =	vmul.f32 v54, v39  }
0x11f: {  	v39 =	vmul.f32 v55, v58;
	(erf) = vpow2.f32 v29;
	v29 =	vmax.f32 v41, v60  }
0x120: {  	[tilespmem:s3+$0xFFFFFE20] =	vst v38;
	v56 =	vadd.f32 v61, v23;
	v31 =	vmul.f32 $1.442695020e+00, v31;
	v57 =	vmul.f32 $1.442695020e+00, v29  }
0x121: {  	[tilespmem:s3+$0xFFFFFFD0] =	vst v27;
	v49 =	vld [tilespmem:s17+$0xFFFFFEF0];
	(erf) = vpow2.f32 v53;
	v29 =	vmul.f32 $2.000000030e-01, v37  }
0x122: {  	[tilespmem:s9+$0x50] =	vst v40;
	v62 =	vld [tilespmem:s17+$0xFFFFFF70];
	v24 =	vmax.f32 v30, v24;
	v30 =	vmul.f32 $2.000000030e-01, v56;
	(erf) = vpow2.f32 v31  }
0x123: {  	[tilespmem:s9+$0xFFFFFFC0] =	vst v32;
	v11 =	vld [tilespmem:s14+$0x60];
	v24 =	vmul.f32 $1.442695020e+00, v24;
	v23 =	vpop (erf);
	v27 =	vmax.f32 v37, v29;
	(erf) = vpow2.f32 v57  }
0x124: {  	s20 =	simm.s32 $0x5CC0;
	v48 =	vld [tilespmem:s14+$0xFFFFFFE0];
	[tilespmem:s9+$0x220] =	vst v22;
	v30 =	vmax.f32 v56, v30;
	v31 =	vnsel vm0, $0x0, v23;
	v27 =	vmul.f32 $1.442695020e+00, v27  }
0x125: {  	s21 =	simm.s32 $0x1B80;
	v60 =	vld [tilespmem:s14+$0xFFFFFF60];
	(erf) = vpow2.f32 v24;
	v22 =	vmul.f32 $1.442695020e+00, v30;
	[tilespmem:s20+$0x230] =	vst v31  }
0x126: {  	[tilespmem:s3+$0x60] =	vst v34;
	v30 =	vld [tilespmem:s21+$0x180];
	(erf) = vpow2.f32 v27;
	v27 =	vmul.f32 v49, v20  }
0x127: {  	v36 =	vmul.f32 v62, v26;
	v26 =	vld [tilespmem:s17+$0xF0];
	[tilespmem:s9+$0xFFFFFE10] =	vst v28  }
0x128: {  	v8 =	vperm.xlane v19, v4;
	v6 =	vimm.s32 $0x0;
	[tilespmem:s9+$0xFFFFFEB0] =	vst v39;
	v46 =	vld [tilespmem:s14+$0xFFFFFE60]  }
0x129: {  	[tilespmem:s3+$0x180] =	vst v33;
	v19 =	vperm.xlane v19, v5;
	v39 =	vld [tilespmem:s14+$0xFFFFFEF0];
	v61 =	vperm.xlane v23, v6  }
0x12a: {  	v16 =	vperm.xlane v25, v4;
	v29 =	vld [tilespmem:s14+$0xE0];
	(erf) = vpow2.f32 v22;
	[tilespmem:s3+$0xFFFFFEC0] =	vst v27;
	v27 =	vpop (erf)  }
0x12b: {  	[tilespmem:s9+$0x170] =	vst v35;
	v24 =	vld [tilespmem:s17+$0xFFFFFE70];
	v35 =	vmul.f32 v60, v59;
	v28 =	vnsel vm0, $0x0, v27;
	v30 =	vmul.f32 v30, v61  }
0x12c: {  	v15 =	vperm.xlane v21, v4;
	[tilespmem:s3+$0xFFFFFF50] =	vst v36;
	v47 =	vperm.xlane v23, v0;
	v31 =	vld [tilespmem:s14+$0x160]  }
0x12d: {  	v20 =	vperm.xlane v21, v5;
	v21 =	vperm.xlane v25, v5;
	v25 =	vld [tilespmem:s17+$0x70];
	[tilespmem:s9+$0xFFFFFF40] =	vst v35;
	v32 =	vpop (erf)  }
0x12e: {  	v22 =	vld [tilespmem:s17+$0xFFFFFFF0];
	v40 =	vperm.xlane v27, v6;
	v41 =	vperm.xlane v27, v0;
	[tilespmem:s20+$0xFFFFFED0] =	vst v28;
	v28 =	vpop (erf)  }
0x12f: {  	v45 =	vperm.xlane v27, v1;
	v62 =	vnsel vm0, $0x0, v32;
	v49 =	vperm.xlane v32, v6;
	v42 =	vld [tilespmem:s21+$0xFFFFFE80];
	[tilespmem:s20+$0x1B0] =	vst v30;
	v30 =	vpop (erf)  }
0x130: {  	v51 =	vperm.xlane v32, v0;
	[tilespmem:s20+$0xFFFFFF60] =	vst v62;
	v50 =	vld [tilespmem:s21+$0x190];
	v37 =	vnsel vm0, $0x0, v28;
	v38 =	vnsel vm0, $0x0, v30  }
0x131: {  	v54 =	vperm.xlane v32, v1;
	v53 =	vld [tilespmem:s21+$0xFFFFFF00];
	v52 =	vperm.xlane v28, v6;
	[tilespmem:s20+$0xFFFFFFF0] =	vst v37;
	v33 =	vpop (erf)  }
0x132: {  	v55 =	vperm.xlane v28, v0;
	v36 =	vperm.xlane v28, v4;
	v56 =	vld [tilespmem:s21+$0xFFFFFF80];
	[tilespmem:s20+$0x80] =	vst v38;
	v43 =	vnsel vm0, $0x0, v33;
	v34 =	vpop (erf)  }
0x133: {  	v57 =	vperm.xlane v30, v6;
	v61 =	vperm.xlane v30, v0;
	v58 =	vld [tilespmem:s21+$0x0];
	[tilespmem:s20+$0x110] =	vst v43;
	v59 =	vnsel vm0, $0x0, v34;
	v38 =	vpop (erf)  }
0x134: {  	v37 =	vperm.xlane v33, v6;
	v40 =	vmul.f32 v42, v40;
	v42 =	vld [tilespmem:s21+$0x80];
	[tilespmem:s20+$0x1A0] =	vst v59;
	v62 =	vnsel vm0, $0x0, v38  }
0x135: {  	v60 =	vperm.xlane v33, v1;
	v50 =	vmul.f32 v50, v47;
	v47 =	vld [tilespmem:s21+$0x100];
	[tilespmem:s20+$0xFFFFFE40] =	vst v62  }
0x136: {  	v49 =	vmul.f32 v53, v49;
	v53 =	vperm.xlane v33, v0;
	[tilespmem:s20+$0xFFFFFE50] =	vst v40;
	v40 =	vld [tilespmem:s21+$0xFFFFFE00]  }
0x137: {  	v43 =	vperm.xlane v38, v6;
	[tilespmem:s20+$0x1C0] =	vst v50;
	v50 =	vld [tilespmem:s21+$0xFFFFFE90];
	v52 =	vmul.f32 v56, v52  }
0x138: {  	v62 =	vperm.xlane v34, v6;
	[tilespmem:s20+$0xFFFFFEE0] =	vst v49;
	v49 =	vld [tilespmem:s21+$0x1A0];
	v57 =	vmul.f32 v58, v57  }
0x139: {  	v35 =	vperm.xlane v38, v4;
	v42 =	vmul.f32 v42, v37;
	[tilespmem:s20+$0xFFFFFF70] =	vst v52;
	v37 =	vld [tilespmem:s21+$0xFFFFFF10]  }
0x13a: {  	v56 =	vperm.xlane v28, v1;
	[tilespmem:s20+$0x0] =	vst v57;
	v58 =	vmul.f32 v47, v62;
	v47 =	vld [tilespmem:s21+$0xFFFFFF90]  }
0x13b: {  	v62 =	vperm.xlane v23, v1;
	v59 =	vld [tilespmem:s21+$0x10];
	[tilespmem:s20+$0x90] =	vst v42;
	v40 =	vmul.f32 v40, v43  }
0x13c: {  	v57 =	vperm.xlane v38, v0;
	v41 =	vmul.f32 v50, v41;
	[tilespmem:s20+$0x120] =	vst v58;
	v58 =	vld [tilespmem:s21+$0x90]  }
0x13d: {  	v50 =	vperm.xlane v34, v0;
	v42 =	vmul.f32 v49, v62;
	v0 =	vld [tilespmem:s21+$0x110];
	[tilespmem:s20+$0xFFFFFDC0] =	vst v40  }
0x13e: {  	v62 =	vperm.xlane v38, v2;
	[tilespmem:s20+$0xFFFFFE60] =	vst v41;
	v51 =	vmul.f32 v37, v51;
	v37 =	vld [tilespmem:s21+$0xFFFFFE10]  }
0x13f: {  	v41 =	vperm.xlane v30, v1;
	[tilespmem:s20+$0x1D0] =	vst v42;
	v55 =	vmul.f32 v47, v55;
	v47 =	vld [tilespmem:s21+$0xFFFFFEA0]  }
0x140: {  	v40 =	vperm.xlane v38, v1;
	[tilespmem:s20+$0xFFFFFEF0] =	vst v51;
	v59 =	vmul.f32 v59, v61;
	v61 =	vld [tilespmem:s21+$0x1B0]  }
0x141: {  	v51 =	vperm.xlane v34, v1;
	[tilespmem:s20+$0xFFFFFF80] =	vst v55;
	v53 =	vmul.f32 v58, v53;
	v1 =	vld [tilespmem:s21+$0xFFFFFF20]  }
0x142: {  	v43 =	vmul.f32 v11, v8;
	[tilespmem:s20+$0x10] =	vst v59;
	v49 =	vmul.f32 v0, v50;
	v0 =	vld [tilespmem:s21+$0xFFFFFFA0]  }
0x143: {  	[tilespmem:s20+$0xA0] =	vst v53;
	v52 =	vmul.f32 v37, v57;
	v57 =	vld [tilespmem:s21+$0x20];
	v37 =	vperm.xlane v23, v63  }
0x144: {  	v55 =	vperm.xlane v38, v63;
	v42 =	vmul.f32 v47, v45;
	[tilespmem:s20+$0x130] =	vst v49;
	v47 =	vld [tilespmem:s21+$0xA0]  }
0x145: {  	v59 =	vperm.xlane v27, v63;
	[tilespmem:s20+$0xFFFFFDD0] =	vst v52;
	v53 =	vmul.f32 v61, v37;
	v61 =	vld [tilespmem:s21+$0x120]  }
0x146: {  	v45 =	vperm.xlane v32, v63;
	[tilespmem:s20+$0xFFFFFE70] =	vst v42;
	v54 =	vmul.f32 v1, v54;
	v1 =	vld [tilespmem:s21+$0xFFFFFE20]  }
0x147: {  	v52 =	vperm.xlane v28, v63;
	v50 =	vmul.f32 v0, v56;
	v0 =	vld [tilespmem:s21+$0xFFFFFEB0];
	[tilespmem:s20+$0x1E0] =	vst v53  }
0x148: {  	v42 =	vperm.xlane v30, v63;
	[tilespmem:s20+$0xFFFFFF00] =	vst v54;
	v41 =	vmul.f32 v57, v41;
	v37 =	vld [tilespmem:s21+$0x1C0]  }
0x149: {  	v56 =	vperm.xlane v33, v63;
	[tilespmem:s20+$0xFFFFFF90] =	vst v50;
	v49 =	vmul.f32 v47, v60;
	v47 =	vld [tilespmem:s21+$0xFFFFFF30]  }
0x14a: {  	v54 =	vperm.xlane v34, v63;
	v60 =	vld [tilespmem:s21+$0xFFFFFFB0];
	[tilespmem:s20+$0x20] =	vst v41;
	v51 =	vmul.f32 v61, v51  }
0x14b: {  	[tilespmem:s20+$0xB0] =	vst v49;
	v40 =	vmul.f32 v1, v40;
	v58 =	vld [tilespmem:s21+$0x30];
	v1 =	vperm.xlane v23, v2  }
0x14c: {  	v63 =	vperm.xlane v34, v2;
	v53 =	vmul.f32 v0, v59;
	[tilespmem:s20+$0x140] =	vst v51;
	v51 =	vld [tilespmem:s21+$0xB0]  }
0x14d: {  	v57 =	vperm.xlane v30, v2;
	[tilespmem:s20+$0xFFFFFDE0] =	vst v40;
	v37 =	vmul.f32 v37, v1;
	v0 =	vld [tilespmem:s21+$0x130]  }
0x14e: {  	v41 =	vperm.xlane v27, v2;
	[tilespmem:s20+$0xFFFFFE80] =	vst v53;
	v45 =	vmul.f32 v47, v45;
	v1 =	vld [tilespmem:s21+$0xFFFFFE30]  }
0x14f: {  	v61 =	vperm.xlane v28, v2;
	v52 =	vmul.f32 v60, v52;
	v53 =	vld [tilespmem:s21+$0xFFFFFEC0];
	[tilespmem:s20+$0x1F0] =	vst v37  }
0x150: {  	v49 =	vperm.xlane v32, v3;
	v59 =	vperm.xlane v32, v2;
	[tilespmem:s20+$0xFFFFFF10] =	vst v45;
	v37 =	vld [tilespmem:s21+$0x1D0]  }
0x151: {  	v40 =	vperm.xlane v38, v3;
	v42 =	vmul.f32 v58, v42;
	[tilespmem:s20+$0xFFFFFFA0] =	vst v52;
	v52 =	vld [tilespmem:s21+$0xFFFFFF40]  }
0x152: {  	v60 =	vperm.xlane v33, v2;
	v47 =	vmul.f32 v0, v54;
	v54 =	vld [tilespmem:s21+$0xFFFFFFC0]  }
0x153: {  	v58 =	vperm.xlane v27, v3;
	v51 =	vmul.f32 v51, v56;
	[tilespmem:s20+$0x30] =	vst v42;
	v42 =	vld [tilespmem:s17+$0x170]  }
0x154: {  	v0 =	vperm.xlane v23, v3;
	v50 =	vmul.f32 v1, v55;
	v55 =	vld [tilespmem:s21+$0x40];
	[tilespmem:s20+$0x150] =	vst v47  }
0x155: {  	[tilespmem:s20+$0xC0] =	vst v51;
	v41 =	vmul.f32 v53, v41;
	v53 =	vperm.xlane v28, v3;
	v2 =	vld [tilespmem:s21+$0x140]  }
0x156: {  	v51 =	vperm.xlane v30, v3;
	v1 =	vld [tilespmem:s21+$0xC0];
	v45 =	vmul.f32 v37, v0;
	[tilespmem:s20+$0xFFFFFDF0] =	vst v50  }
0x157: {  	v59 =	vmul.f32 v52, v59;
	[tilespmem:s20+$0xFFFFFE90] =	vst v41;
	v50 =	vperm.xlane v33, v3;
	v41 =	vld [tilespmem:s14+$0xFFFFFF70]  }
0x158: {  	v52 =	vperm.xlane v34, v3;
	v54 =	vmul.f32 v54, v61;
	v61 =	vld [tilespmem:s21+$0xFFFFFE40]  }
0x159: {  	v37 =	vperm.xlane v30, v4;
	v0 =	vld [tilespmem:s21+$0xFFFFFED0];
	[tilespmem:s20+$0x200] =	vst v45;
	v45 =	vperm.xlane v27, v4  }
0x15a: {  	[tilespmem:s20+$0xFFFFFF20] =	vst v59;
	v57 =	vmul.f32 v55, v57;
	v63 =	vmul.f32 v2, v63;
	v2 =	vld [tilespmem:s21+$0x1E0]  }
0x15b: {  	v55 =	vmul.f32 v46, v44;
	v56 =	vld [tilespmem:s21+$0xFFFFFF50];
	v1 =	vmul.f32 v1, v60;
	[tilespmem:s20+$0xFFFFFFB0] =	vst v54  }
0x15c: {  	v46 =	vperm.xlane v32, v4;
	v44 =	vmul.f32 v48, v10;
	[tilespmem:s20+$0x40] =	vst v57;
	v57 =	vld [tilespmem:s21+$0xFFFFFFD0]  }
0x15d: {  	v12 =	vimm.s32 $0x4;
	[tilespmem:s20+$0xD0] =	vst v1;
	v59 =	vld [tilespmem:s21+$0x50];
	v3 =	vmul.f32 v61, v62;
	v62 =	vperm.xlane v23, v4  }
0x15e: {  	v11 =	vimm.s32 $0x6;
	v48 =	vperm.xlane v33, v4;
	v60 =	vmul.f32 v0, v58;
	[tilespmem:s20+$0x160] =	vst v63;
	v58 =	vld [tilespmem:s21+$0xD0]  }
0x15f: {  	s1 =	simm.s32 $0x340;
	s23 =	simm.s32 $0x10;
	s17 =	simm.s32 $0x1B80;
	v10 =	vimm.s32 $0x5;
	v54 =	vperm.xlane v34, v4;
	v47 =	vld [tilespmem:s21+$0x150];
	[tilespmem:s20+$0xFFFFFE00] =	vst v3;
	v61 =	vmul.f32 v2, v62  }
.LBB2_6:
0x160: {  	v62 =	vld [tilespmem:s1+$0x30];
	s26 =	sadd.s32 $0x80, s26  }
0x161: {  	v29 =	vmul.f32 v29, v15;
	v15 =	vmov v48;
	v48 =	vld [tilespmem:s26+$0x30]  }
0x162: {  	v31 =	vmul.f32 v31, v16;
	[tilespmem:s20+$0xFFFFFEA0] =	vst v60;
	v16 =	vmov v54;
	v54 =	vld [tilespmem:s26+$0xFFFFFFC0]  }
0x163: {  	v60 =	vld [tilespmem:s1+$0xFFFFFFD0];
	v49 =	vmul.f32 v56, v49  }
0x164: {  	[tilespmem:s20+$0x210] =	vst v61;
	v61 =	vld [tilespmem:s26+$0xFFFFFFD0];
	v53 =	vmul.f32 v57, v53;
	v57 =	vmul.f32 v59, v51  }
0x165: {  	v59 =	vld [tilespmem:s21+$0x1F0];
	v50 =	vmul.f32 v58, v50;
	[tilespmem:s20+$0xFFFFFF30] =	vst v49  }
0x166: {  	[tilespmem:s20+$0x50] =	vst v57;
	v57 =	vld [tilespmem:$0x1FFD0]  }
0x167: {  	[tilespmem:s20+$0xE0] =	vst v50;
	v50 =	vld [tilespmem:s1+$0xFFFFFFE0]  }
0x168: {  	[tilespmem:s20+$0xFFFFFFC0] =	vst v53;
	v63 =	vld [tilespmem:s26+$0xFFFFFFE0]  }
0x169: {  	v0 =	vimm.s32 $0x7;
	v39 =	vmul.f32 v39, v18;
	v24 =	vmul.f32 v24, v7;
	v51 =	vld [tilespmem:s1+$0xFFFFFFF0]  }
0x16a: {  	v25 =	vmul.f32 v25, v9;
	v27 =	vperm.xlane v27, v0;
	v48 =	vadd.f32 v48, v62;
	[tilespmem:s9+$0xFFFFFFD0] =	vst v44;
	v56 =	vld [tilespmem:s1+$0x0]  }
0x16b: {  	v28 =	vperm.xlane v28, v0;
	[tilespmem:s9+$0xFFFFFE20] =	vst v55;
	v47 =	vmul.f32 v47, v52;
	v52 =	vld [tilespmem:s26+$0xFFFFFFF0]  }
0x16c: {  	v23 =	vperm.xlane v23, v0;
	v18 =	vmovc v27;
	v27 =	vadd.f32 v61, v60;
	[tilespmem:s9+$0x60] =	vst v43;
	v60 =	vld [tilespmem:$0x1FFF0];
	v55 =	vmul.f32 $2.000000030e-01, v48  }
0x16d: {  	v32 =	vperm.xlane v32, v0;
	v30 =	vperm.xlane v30, v0;
	[tilespmem:s9+$0xF0] =	vst v29;
	v58 =	vld [tilespmem:s26+$0x0]  }
0x16e: {  	v2 =	vmovc v14;
	v14 =	vmov v28;
	[tilespmem:s20+$0x170] =	vst v47;
	v28 =	vld [tilespmem:s26+$0x10];
	v23 =	vmul.f32 v59, v23;
	v3 =	vmax.f32 v48, v55  }
0x16f: {  	v9 =	vmovc v19;
	v19 =	vmov v30;
	[tilespmem:s9+$0x180] =	vst v31;
	v59 =	vld [tilespmem:$0x1FFE0];
	v61 =	vmul.f32 $2.000000030e-01, v27;
	v48 =	vmul.f32 $1.442695020e+00, v3  }
0x170: {  	[tilespmem:s20+$0x220] =	vst v23;
	v23 =	vmul.f32 v41, v17;
	v62 =	vadd.f32 v63, v50;
	v63 =	vld [tilespmem:s1+$0x10];
	v30 =	vadd.f32 v52, v51  }
0x171: {  	[tilespmem:s3+$0xFFFFFE30] =	vst v24;
	v31 =	vld [tilespmem:s1+$0x20];
	v22 =	vmul.f32 v22, v57;
	v27 =	vmax.f32 v27, v61;
	(erf) = vpow2.f32 v48  }
0x172: {  	v17 =	vmovc v32;
	v50 =	vld [tilespmem:s26+$0x20];
	[tilespmem:s9+$0xFFFFFF50] =	vst v23;
	v32 =	vadd.f32 v58, v56;
	v24 =	vmul.f32 $2.000000030e-01, v62;
	v51 =	vmul.f32 $2.000000030e-01, v30  }
0x173: {  	v29 =	vmul.f32 v42, v60;
	v23 =	vld [tilespmem:s1+$0xFFFFFFC0];
	[tilespmem:s3+$0xFFFFFFE0] =	vst v22;
	v22 =	vmul.f32 $1.442695020e+00, v27  }
0x174: {  	[tilespmem:s3+$0x70] =	vst v25;
	v24 =	vmax.f32 v62, v24;
	v25 =	vmax.f32 v30, v51;
	v30 =	vmul.f32 $2.000000030e-01, v32  }
0x175: {  	v26 =	vmul.f32 v26, v59;
	v24 =	vmul.f32 $1.442695020e+00, v24;
	v28 =	vadd.f32 v28, v63  }
0x176: {  	v27 =	vld [tilespmem:s21+$0xFFFFFE50];
	[tilespmem:s3+$0x190] =	vst v29;
	(erf) = vpow2.f32 v22;
	v25 =	vmul.f32 $1.442695020e+00, v25;
	v22 =	vmax.f32 v32, v30  }
0x177: {  	[tilespmem:s3+$0x100] =	vst v26;
	v26 =	vld [tilespmem:s21+$0xFFFFFF60];
	v29 =	vmul.f32 $2.000000030e-01, v28;
	v30 =	vadd.f32 v50, v31;
	(erf) = vpow2.f32 v24  }
0x178: {  	v33 =	vperm.xlane v33, v0;
	[tilespmem:s9+$0xFFFFFEC0] =	vst v39;
	v43 =	vld [tilespmem:s21+$0x60];
	v53 =	vadd.f32 v54, v23;
	v22 =	vmul.f32 $1.442695020e+00, v22  }
0x179: {  	v52 =	vld [tilespmem:s21+$0xFFFFFEE0];
	(erf) = vpow2.f32 v25;
	v54 =	vmax.f32 v28, v29;
	v24 =	vmul.f32 $2.000000030e-01, v30  }
0x17a: {  	v44 =	vld [tilespmem:s21+$0xFFFFFFE0];
	v28 =	vmul.f32 $1.442695020e+00, v54;
	v23 =	vpop (erf);
	(erf) = vpow2.f32 v22  }
0x17b: {  	v56 =	vmul.f32 v27, v40;
	v31 =	vld [tilespmem:s21+$0x160];
	v25 =	vmul.f32 $2.000000030e-01, v53  }
0x17c: {  	v29 =	vld [tilespmem:s21+$0xE0];
	v57 =	vmul.f32 v26, v46;
	v30 =	vmax.f32 v30, v24;
	(erf) = vpow2.f32 v28  }
0x17d: {  	[tilespmem:$0x1FFD0] =	vst v2;
	s3 =	smov.u32 s9;
	s9 =	smov.u32 s20;
	s20 =	sadd.s32 $0x480, s20;
	v26 =	vld [tilespmem:s14+$0xF0];
	v25 =	vmax.f32 v53, v25;
	v55 =	vnsel vm0, $0x0, v23;
	v30 =	vmul.f32 $1.442695020e+00, v30  }
0x17e: {  	v1 =	vmovc v20;
	v6 =	vimm.s32 $0x2;
	v38 =	vperm.xlane v38, v0;
	s21 =	sadd.s32 $0x400, s21;
	v24 =	vld [tilespmem:s14+$0xFFFFFE70];
	[tilespmem:s20+$0x230] =	vst v55;
	v28 =	vmul.f32 $1.442695020e+00, v25  }
0x17f: {  	v20 =	vmov v33;
	[tilespmem:s9+$0xFFFFFE10] =	vst v56;
	v27 =	vpop (erf);
	v33 =	vld [tilespmem:s21+$0x180];
	(erf) = vpow2.f32 v30;
	v30 =	vmul.f32 v52, v45  }
0x180: {  	v34 =	vperm.xlane v34, v0;
	v2 =	vimm.s32 $0x0;
	v3 =	vimm.s32 $0x1;
	v22 =	vld [tilespmem:s14+$0xFFFFFFF0];
	[tilespmem:s9+$0xFFFFFF40] =	vst v57;
	v32 =	vpop (erf)  }
0x181: {  	v8 =	vmovc v13;
	v13 =	vmovc v38;
	v43 =	vmul.f32 v43, v37;
	v25 =	vld [tilespmem:s14+$0x70];
	(erf) = vpow2.f32 v28;
	[tilespmem:s9+$0xFFFFFEB0] =	vst v30;
	v60 =	vnsel vm0, $0x0, v32  }
0x182: {  	v44 =	vmul.f32 v44, v36;
	v59 =	vperm.xlane v23, v2;
	v47 =	vld [tilespmem:s17+$0xFFFFFE60];
	v58 =	vnsel vm0, $0x0, v27;
	v28 =	vpop (erf);
	[tilespmem:s20+$0xFFFFFF60] =	vst v60  }
0x183: {  	v49 =	vmov v21;
	v0 =	vperm.xlane v23, v3;
	v38 =	vperm.xlane v27, v2;
	[tilespmem:s20+$0xFFFFFED0] =	vst v58;
	v50 =	vld [tilespmem:s21+$0xFFFFFF00];
	v30 =	vpop (erf)  }
0x184: {  	[tilespmem:$0x1FFF0] =	vst v49;
	v40 =	vperm.xlane v27, v6;
	v39 =	vld [tilespmem:s17+$0xFFFFFEF0];
	v61 =	vmul.f32 v33, v59;
	v63 =	vnsel vm0, $0x0, v30  }
0x185: {  	v45 =	vperm.xlane v27, v3;
	v46 =	vperm.xlane v32, v2;
	v42 =	vld [tilespmem:s21+$0xFFFFFE80];
	v33 =	vpop (erf);
	[tilespmem:s20+$0x80] =	vst v63  }
0x186: {  	v21 =	vmovc v34;
	v48 =	vperm.xlane v32, v3;
	v62 =	vnsel vm0, $0x0, v28;
	[tilespmem:s20+$0x1B0] =	vst v61;
	v34 =	vnsel vm0, $0x0, v33;
	v61 =	vld [tilespmem:s21+$0x0]  }
0x187: {  	v51 =	vperm.xlane v32, v6;
	v49 =	vperm.xlane v28, v2;
	[tilespmem:s20+$0xFFFFFFF0] =	vst v62;
	v55 =	vld [tilespmem:s21+$0x190]  }
0x188: {  	[tilespmem:$0x1FFE0] =	vst v1;
	v52 =	vperm.xlane v28, v3;
	v56 =	vld [tilespmem:s21+$0xFFFFFF80];
	v46 =	vmul.f32 v50, v46  }
0x189: {  	v60 =	vperm.xlane v28, v6;
	v41 =	vld [tilespmem:s17+$0xFFFFFF70];
	v53 =	vperm.xlane v30, v2;
	[tilespmem:s20+$0x110] =	vst v34;
	v34 =	vpop (erf)  }
0x18a: {  	v54 =	vperm.xlane v30, v3;
	v59 =	vmul.f32 v42, v38;
	v62 =	vld [tilespmem:s21+$0x80];
	v42 =	vnsel vm0, $0x0, v34;
	v38 =	vpop (erf);
	[tilespmem:s20+$0xFFFFFEE0] =	vst v46  }
0x18b: {  	v57 =	vperm.xlane v33, v2;
	v1 =	vnsel vm0, $0x0, v38;
	[tilespmem:s20+$0x1A0] =	vst v42;
	v53 =	vmul.f32 v61, v53;
	v61 =	vld [tilespmem:s21+$0xFFFFFF10]  }
0x18c: {  	v58 =	vperm.xlane v33, v3;
	v0 =	vmul.f32 v55, v0;
	[tilespmem:s20+$0xFFFFFE40] =	vst v1;
	v50 =	vld [tilespmem:s21+$0x100]  }
0x18d: {  	[tilespmem:s20+$0xFFFFFE50] =	vst v59;
	v49 =	vmul.f32 v56, v49;
	v63 =	vperm.xlane v34, v2;
	v55 =	vld [tilespmem:s21+$0xFFFFFE00]  }
0x18e: {  	v56 =	vperm.xlane v34, v3;
	v1 =	vperm.xlane v38, v3;
	v3 =	vld [tilespmem:s21+$0xFFFFFE90];
	[tilespmem:s20+$0x1C0] =	vst v0  }
0x18f: {  	v2 =	vperm.xlane v38, v2;
	v46 =	vmul.f32 v62, v57;
	v57 =	vld [tilespmem:s21+$0x1A0]  }
0x190: {  	v7 =	vimm.s32 $0x3;
	v59 =	vperm.xlane v38, v6;
	[tilespmem:s20+$0xFFFFFF70] =	vst v49;
	v49 =	vperm.xlane v33, v6;
	v42 =	vld [tilespmem:s14+$0x170]  }
0x191: {  	v4 =	vperm.xlane v38, v7;
	v5 =	vld [tilespmem:s21+$0xFFFFFF90];
	[tilespmem:s20+$0x0] =	vst v53;
	v50 =	vmul.f32 v50, v63  }
0x192: {  	v53 =	vld [tilespmem:s21+$0x10];
	[tilespmem:s20+$0x90] =	vst v46;
	v63 =	vperm.xlane v23, v6;
	v2 =	vmul.f32 v55, v2  }
0x193: {  	v0 =	vperm.xlane v30, v6;
	v3 =	vmul.f32 v3, v45;
	v55 =	vld [tilespmem:s21+$0x90];
	[tilespmem:s20+$0x120] =	vst v50  }
0x194: {  	v62 =	vperm.xlane v34, v6;
	v46 =	vmul.f32 v57, v63;
	[tilespmem:s20+$0xFFFFFDC0] =	vst v2;
	v50 =	vld [tilespmem:s21+$0x110]  }
0x195: {  	v45 =	vperm.xlane v27, v7;
	[tilespmem:s20+$0xFFFFFE60] =	vst v3;
	v3 =	vmul.f32 v61, v48;
	v57 =	vld [tilespmem:s21+$0xFFFFFE10]  }
0x196: {  	v5 =	vmul.f32 v5, v52;
	v52 =	vperm.xlane v30, v7;
	v61 =	vld [tilespmem:s21+$0xFFFFFEA0];
	[tilespmem:s20+$0x1D0] =	vst v46  }
0x197: {  	v48 =	vperm.xlane v28, v7;
	[tilespmem:s20+$0xFFFFFEF0] =	vst v3;
	v3 =	vmul.f32 v53, v54;
	v53 =	vld [tilespmem:s21+$0x1B0]  }
0x198: {  	[tilespmem:s20+$0xFFFFFF80] =	vst v5;
	v2 =	vperm.xlane v32, v7;
	v54 =	vld [tilespmem:s21+$0xFFFFFF20];
	v5 =	vmul.f32 v55, v58  }
0x199: {  	v63 =	vld [tilespmem:s21+$0xFFFFFFA0];
	v46 =	vperm.xlane v33, v7;
	[tilespmem:s20+$0x10] =	vst v3;
	v3 =	vmul.f32 v50, v56  }
0x19a: {  	v50 =	vld [tilespmem:s21+$0x20];
	[tilespmem:s20+$0xA0] =	vst v5;
	v5 =	vperm.xlane v23, v7;
	v1 =	vmul.f32 v57, v1  }
0x19b: {  	v55 =	vperm.xlane v34, v7;
	v40 =	vmul.f32 v61, v40;
	v57 =	vld [tilespmem:s21+$0xA0];
	[tilespmem:s20+$0x130] =	vst v3  }
0x19c: {  	v58 =	vperm.xlane v38, v12;
	v5 =	vmul.f32 v53, v5;
	[tilespmem:s20+$0xFFFFFDD0] =	vst v1;
	v3 =	vld [tilespmem:s21+$0x120]  }
0x19d: {  	v56 =	vperm.xlane v27, v12;
	[tilespmem:s20+$0xFFFFFE70] =	vst v40;
	v40 =	vmul.f32 v54, v51;
	v53 =	vld [tilespmem:s21+$0xFFFFFE20]  }
0x19e: {  	v60 =	vmul.f32 v63, v60;
	v61 =	vperm.xlane v30, v12;
	v51 =	vld [tilespmem:s21+$0xFFFFFEB0];
	[tilespmem:s20+$0x1E0] =	vst v5  }
0x19f: {  	v54 =	vperm.xlane v28, v12;
	[tilespmem:s20+$0xFFFFFF00] =	vst v40;
	v0 =	vmul.f32 v50, v0;
	v50 =	vld [tilespmem:s21+$0x1C0]  }
0x1a0: {  	[tilespmem:s20+$0xFFFFFF90] =	vst v60;
	v60 =	vperm.xlane v34, v12;
	v63 =	vld [tilespmem:s21+$0xFFFFFF30];
	v49 =	vmul.f32 v57, v49  }
0x1a1: {  	v1 =	vperm.xlane v32, v12;
	v57 =	vld [tilespmem:s21+$0xFFFFFFB0];
	[tilespmem:s20+$0x20] =	vst v0;
	v0 =	vmul.f32 v3, v62  }
0x1a2: {  	[tilespmem:s20+$0xB0] =	vst v49;
	v3 =	vmul.f32 v53, v59;
	v59 =	vld [tilespmem:s21+$0x30];
	v53 =	vperm.xlane v23, v12  }
0x1a3: {  	v5 =	vperm.xlane v33, v12;
	v45 =	vmul.f32 v51, v45;
	v6 =	vld [tilespmem:s21+$0xB0];
	[tilespmem:s20+$0x140] =	vst v0  }
0x1a4: {  	v40 =	vperm.xlane v38, v10;
	[tilespmem:s20+$0xFFFFFDE0] =	vst v3;
	v0 =	vld [tilespmem:s21+$0x130];
	v3 =	vmul.f32 v50, v53  }
0x1a5: {  	v62 =	vperm.xlane v27, v10;
	[tilespmem:s20+$0xFFFFFE80] =	vst v45;
	v2 =	vmul.f32 v63, v2;
	v7 =	vld [tilespmem:s21+$0xFFFFFE30]  }
0x1a6: {  	v49 =	vperm.xlane v32, v10;
	v45 =	vld [tilespmem:s21+$0xFFFFFEC0];
	v48 =	vmul.f32 v57, v48;
	[tilespmem:s20+$0x1F0] =	vst v3  }
0x1a7: {  	v51 =	vperm.xlane v30, v10;
	[tilespmem:s20+$0xFFFFFF10] =	vst v2;
	v63 =	vmul.f32 v59, v52;
	v3 =	vld [tilespmem:s21+$0x1D0]  }
0x1a8: {  	v53 =	vperm.xlane v28, v10;
	v57 =	vld [tilespmem:s21+$0xFFFFFF40];
	[tilespmem:s20+$0xFFFFFFA0] =	vst v48;
	v6 =	vmul.f32 v6, v46  }
0x1a9: {  	v50 =	vperm.xlane v33, v10;
	v48 =	vld [tilespmem:s21+$0xFFFFFFC0];
	[tilespmem:s20+$0x30] =	vst v63;
	v0 =	vmul.f32 v0, v55  }
0x1aa: {  	[tilespmem:s20+$0xC0] =	vst v6;
	v6 =	vperm.xlane v23, v10;
	v63 =	vmul.f32 v7, v4;
	v4 =	vld [tilespmem:s21+$0x40]  }
0x1ab: {  	v52 =	vperm.xlane v34, v10;
	v7 =	vmul.f32 v45, v56;
	v55 =	vld [tilespmem:s21+$0xC0];
	[tilespmem:s20+$0x150] =	vst v0  }
0x1ac: {  	v59 =	vperm.xlane v38, v11;
	[tilespmem:s20+$0xFFFFFDF0] =	vst v63;
	v0 =	vld [tilespmem:s21+$0x140];
	v2 =	vmul.f32 v3, v6  }
0x1ad: {  	v46 =	vperm.xlane v32, v11;
	v1 =	vmul.f32 v57, v1;
	[tilespmem:s20+$0xFFFFFE90] =	vst v7;
	v3 =	vld [tilespmem:s21+$0xFFFFFE40]  }
0x1ae: {  	s23 =	sadd.s32 $0x8, s23;
	v45 =	vperm.xlane v27, v11;
	v54 =	vmul.f32 v48, v54;
	v7 =	vld [tilespmem:s21+$0xFFFFFED0];
	[tilespmem:s20+$0x200] =	vst v2  }
0x1af: {  	p2 =	slt.u32 s23, $0x38;
	v6 =	vperm.xlane v28, v11;
	[tilespmem:s20+$0xFFFFFF20] =	vst v1;
	v61 =	vmul.f32 v4, v61;
	v2 =	vld [tilespmem:s21+$0x1E0]  }
.Ltmp4:
0x1b0: {  	v63 =	vperm.xlane v30, v11;
	v56 =	vld [tilespmem:s21+$0xFFFFFF50];
	[tilespmem:s20+$0xFFFFFFB0] =	vst v54;
	v4 =	vmul.f32 v55, v5;
	(pc) =	sbr.rel @p2 .LBB2_6-.Ltmp4, $4  }
0x1b1: {  	v57 =	vld [tilespmem:s21+$0xFFFFFFD0];
	v55 =	vmul.f32 v47, v35;
	[tilespmem:s20+$0x40] =	vst v61;
	v0 =	vmul.f32 v0, v60  }
0x1b2: {  	v35 =	vmov v59;
	[tilespmem:s20+$0xD0] =	vst v4;
	v1 =	vmul.f32 v3, v58;
	v59 =	vld [tilespmem:s21+$0x50];
	v3 =	vperm.xlane v23, v11  }
0x1b3: {  	v48 =	vperm.xlane v33, v11;
	v54 =	vperm.xlane v34, v11;
	v36 =	vmov v6;
	v58 =	vld [tilespmem:s21+$0xD0];
	[tilespmem:s20+$0x160] =	vst v0  }
0x1b4: {  	s1 =	sadd.s32 $0x80, s1;
	s14 =	smov.u32 s17;
	s17 =	smov.u32 s21;
	v37 =	vmovc v63;
	v60 =	vmul.f32 v7, v62;
	v7 =	vmov v8;
	[tilespmem:s20+$0xFFFFFE00] =	vst v1;
	v47 =	vld [tilespmem:s21+$0x150];
	v61 =	vmul.f32 v2, v3  }
0x1b5: {  	[tilespmem:s9+$0xFFFFFE20] =	vst v55  }
0x1b6: {  	[tilespmem:s9+$0xFFFFFFD0] =	vst v44  }
0x1b7: {  	[tilespmem:s9+$0x60] =	vst v43  }
0x1b8: {  	v0 =	vmul.f32 v56, v49;
	[tilespmem:s20+$0xFFFFFEA0] =	vst v60  }
0x1b9: {  	v55 =	vmul.f32 v29, v15;
	[tilespmem:s20+$0x210] =	vst v61  }
0x1ba: {  	v1 =	vmul.f32 v57, v53;
	[tilespmem:s20+$0xFFFFFF30] =	vst v0  }
0x1bb: {  	v57 =	vmul.f32 v31, v16;
	v2 =	vld [tilespmem:s21+$0x1F0];
	[tilespmem:s9+$0xF0] =	vst v55  }
0x1bc: {  	v49 =	vmul.f32 v59, v51;
	[tilespmem:s20+$0xFFFFFFC0] =	vst v1  }
0x1bd: {  	v56 =	vimm.s32 $0x7;
	v50 =	vmul.f32 v58, v50;
	v58 =	vmul.f32 v24, v7;
	[tilespmem:s9+$0x180] =	vst v57  }
0x1be: {  	[tilespmem:s20+$0x50] =	vst v49;
	v51 =	vmul.f32 v47, v52;
	v52 =	vperm.xlane v23, v56  }
0x1bf: {  	[tilespmem:s20+$0xE0] =	vst v50  }
0x1c0: {  	[tilespmem:s3+$0xFFFFFE30] =	vst v58;
	v53 =	vmul.f32 v2, v52  }
0x1c1: {  	[tilespmem:s20+$0x170] =	vst v51  }
0x1c2: {  	[tilespmem:s20+$0x220] =	vst v53  }
0x1c3: {  	v3 =	vld [tilespmem:$0x1FFD0];
	_ =	sdelay $0x2  }
0x1c4: {  	v59 =	vmul.f32 v39, v18  }
0x1c5: {  	v60 =	vmul.f32 v41, v17  }
0x1c6: {  	[tilespmem:s9+$0xFFFFFEC0] =	vst v59;
	v3 =	vmul.f32 v22, v3  }
0x1c7: {  	v61 =	vld [tilespmem:s21+$0xFFFFFE50];
	[tilespmem:s9+$0xFFFFFF50] =	vst v60  }
0x1c8: {  	v0 =	vld [tilespmem:$0x1FFE0];
	[tilespmem:s3+$0xFFFFFFE0] =	vst v3  }
0x1c9: {  	v3 =	vld [tilespmem:$0x1FFF0];
	_ =	sdelay $0x1  }
0x1ca: {  	v62 =	vmul.f32 v25, v9  }
0x1cb: {  	v2 =	vmul.f32 v61, v40  }
0x1cc: {  	v63 =	vld [tilespmem:s21+$0xFFFFFEE0];
	v0 =	vmul.f32 v26, v0;
	[tilespmem:s3+$0x70] =	vst v62  }
0x1cd: {  	v39 =	vld [tilespmem:s21+$0xFFFFFF60];
	[tilespmem:s20+$0xFFFFFE10] =	vst v2;
	v3 =	vmul.f32 v42, v3  }
0x1ce: {  	[tilespmem:s3+$0x100] =	vst v0;
	v2 =	vld [tilespmem:s17+$0xFFFFFE60]  }
0x1cf: {  	v41 =	vld [tilespmem:s21+$0xFFFFFFE0];
	[tilespmem:s3+$0x190] =	vst v3  }
0x1d0: {  	v4 =	vld [tilespmem:s21+$0x60]  }
0x1d1: {  	v1 =	vmul.f32 v63, v45;
	v5 =	vld [tilespmem:s21+$0xE0]  }
0x1d2: {  	v0 =	vmul.f32 v39, v46;
	v6 =	vld [tilespmem:s21+$0x160]  }
0x1d3: {  	v43 =	vmul.f32 v2, v35;
	v42 =	vld [tilespmem:s14+$0xFFFFFE70];
	[tilespmem:s20+$0xFFFFFEB0] =	vst v1  }
0x1d4: {  	v45 =	vmul.f32 v41, v36;
	[tilespmem:s20+$0xFFFFFF40] =	vst v0;
	v47 =	vld [tilespmem:s14+$0xFFFFFFF0]  }
0x1d5: {  	[tilespmem:s20+$0xFFFFFE20] =	vst v43;
	v8 =	vld [tilespmem:s14+$0x70];
	v4 =	vmul.f32 v4, v37  }
0x1d6: {  	[tilespmem:s20+$0xFFFFFFD0] =	vst v45;
	v9 =	vld [tilespmem:s14+$0xF0];
	v5 =	vmul.f32 v5, v48  }
0x1d7: {  	v44 =	vld [tilespmem:s17+$0xFFFFFEF0];
	v6 =	vmul.f32 v6, v54;
	[tilespmem:s20+$0x60] =	vst v4  }
0x1d8: {  	v46 =	vld [tilespmem:s17+$0xFFFFFF70];
	v7 =	vmul.f32 v42, v13;
	[tilespmem:s20+$0xF0] =	vst v5  }
0x1d9: {  	v53 =	vld [tilespmem:s17+$0xFFFFFE70];
	v1 =	vmul.f32 v47, v14;
	[tilespmem:s20+$0x180] =	vst v6  }
0x1da: {  	v49 =	vperm.xlane v27, v56;
	v51 =	vld [tilespmem:s14+$0x170];
	v55 =	vmul.f32 v8, v19;
	[tilespmem:s9+$0xFFFFFE30] =	vst v7  }
0x1db: {  	v50 =	vperm.xlane v32, v56;
	v54 =	vld [tilespmem:s17+$0xFFFFFFF0];
	v59 =	vmul.f32 v9, v20;
	[tilespmem:s9+$0xFFFFFFE0] =	vst v1  }
0x1dc: {  	v58 =	vperm.xlane v38, v56;
	v0 =	vmul.f32 v44, v49;
	[tilespmem:s9+$0x70] =	vst v55;
	v57 =	vld [tilespmem:s17+$0x70]  }
0x1dd: {  	v52 =	vmul.f32 v46, v50;
	[tilespmem:s9+$0x100] =	vst v59;
	v60 =	vld [tilespmem:s17+$0xF0]  }
0x1de: {  	v8 =	vperm.xlane v28, v56;
	v3 =	vmul.f32 v53, v58;
	[tilespmem:s20+$0xFFFFFEC0] =	vst v0;
	v61 =	vld [tilespmem:s17+$0x170]  }
0x1df: {  	v9 =	vperm.xlane v30, v56;
	v5 =	vmul.f32 v51, v21;
	[tilespmem:s20+$0xFFFFFF50] =	vst v52  }
0x1e0: {  	v62 =	vperm.xlane v33, v56;
	[tilespmem:s20+$0xFFFFFE30] =	vst v3;
	v0 =	vmul.f32 v54, v8  }
0x1e1: {  	v63 =	vperm.xlane v34, v56;
	[tilespmem:s9+$0x190] =	vst v5;
	v2 =	vmul.f32 v57, v9  }
0x1e2: {  	[tilespmem:s20+$0xFFFFFFE0] =	vst v0;
	v1 =	vmul.f32 v60, v62  }
0x1e3: {  	v6 =	vmul.f32 v61, v63;
	[tilespmem:s20+$0x70] =	vst v2  }
0x1e4: {  	[tilespmem:s20+$0x100] =	vst v1  }
0x1e5: {  	s1 =	simm.s32 $0x100;
	s14 =	simm.s32 $0x5180;
	[tilespmem:s20+$0x190] =	vst v6  }
0x1e6: {  	[spmem:s2] =	stream.indirect.scatter.add.f32 [tilespmem:s14], [sflag:$0xB], $0x90, s1, s22, $0xb8;
	[tilespmem:$0x1F9A0] =	vst v63  }
0x1e7: {  	_ =	swait.ge [sflag:s18], $0x400  }
0x1e8: {  	[sflag:s18] =	ssyncset.done $0x0  }
0x1e9: {  	[sflag:s18] =	ssyncadd.s32 $0xFFFFFC00  }
0x1ea: {  	_ =	swait.ge [sflag:s10], $0x400  }
0x1eb: {  	[sflag:s10] =	ssyncset.done $0x0  }
0x1ec: {  	[sflag:s10] =	ssyncadd.s32 $0xFFFFFC00  }
0x1ed: {  	s0 =	sadd.s32 @!p0 s0, s16;
	_ =	swait.ge [sflag:s19], $0x2000  }
0x1ee: {  	s0 =	sshrl.u32 @!p0 s0, $0x3;
	s3 =	simm.s32 @!p0 $0x0;
	[sflag:s19] =	ssyncset.done $0x0  }
0x1ef: {  	s9 =	simm.s32 @!p0 $0x40;
	s1 =	sadd.s32 @!p0 s5, s0;
	[sflag:s19] =	ssyncadd.s32 $0xFFFFE000  }
0x1f0: {  	[tilespmem:s9], [sflag:$0x2] =	stream.linear.gather @!p0 [hbm4b:s1+s3], $0x40, $0x38;
	[tilespmem:$0x1F9A0] =	vst v63  }
0x1f1: {  	s0 =	sadd.s32 @!p0 s6, s0;
	s1 =	simm.s32 @!p0 $0xC0  }
0x1f2: {  	[tilespmem:s1], [sflag:$0x4] =	stream.linear.gather @!p0 [hbm4b:s0+s3], $0x40, $0x38;
	[tilespmem:$0x1F9A0] =	vst v63  }
0x1f3: {  	s0 =	simm.s32 @!p1 $0xC  }
0x1f4: {  	_ =	swait.ge @!p1 [sflag:s0], $0x2400  }
0x1f5: {  	[sflag:s0] =	ssyncset.done @!p1 $0x0  }
0x1f6: {  	[sflag:s0] =	ssyncadd.s32 @!p1 $0xFFFFDC00  }
0x1f7: {  	v7 =	vld [tilespmem:$0xC0]  }
0x1f8: {  	v32 =	vld [tilespmem:$0xD0]  }
0x1f9: {  	v33 =	vld [tilespmem:$0xE0]  }
0x1fa: {  	v34 =	vld [tilespmem:$0xF0];
	_ =	sdelay $0x1  }
0x1fb: {  	[tilespmem:$0x140] =	vst v7  }
0x1fc: {  	[tilespmem:$0x150] =	vst v32  }
0x1fd: {  	[tilespmem:$0x160] =	vst v33  }
0x1fe: {  	s17 =	simm.s32 $0x5C0;
	[tilespmem:$0x170] =	vst v34  }
0x1ff: {  	s20 =	simm.s32 $0xDC0;
	v0 =	vld [tilespmem:s17+$0x30]  }
0x200: {  	v1 =	vld [tilespmem:s20+$0x30]  }
0x201: {  	v3 =	vld [tilespmem:s17+$0xFFFFFFD0]  }
0x202: {  	v35 =	vld [tilespmem:s20+$0xFFFFFFD0]  }
0x203: {  	v36 =	vld [tilespmem:s17+$0xFFFFFFE0]  }
0x204: {  	v37 =	vld [tilespmem:s20+$0xFFFFFFE0]  }
0x205: {  	v38 =	vld [tilespmem:s17+$0xFFFFFFF0]  }
0x206: {  	v39 =	vld [tilespmem:s20+$0xFFFFFFF0]  }
0x207: {  	v9 =	vld [tilespmem:s17+$0x0];
	v0 =	vadd.f32 v1, v0  }
0x208: {  	v14 =	vld [tilespmem:s20+$0x0]  }
0x209: {  	v41 =	vld [tilespmem:s20+$0x10];
	v8 =	vmul.f32 $2.000000030e-01, v0  }
0x20a: {  	v42 =	vld [tilespmem:s17+$0x20]  }
0x20b: {  	v15 =	vld [tilespmem:s20+$0x20];
	v3 =	vadd.f32 v35, v3;
	v0 =	vmax.f32 v0, v8  }
0x20c: {  	v8 =	vld [tilespmem:s17+$0x10];
	v0 =	vmul.f32 $1.442695020e+00, v0  }
0x20d: {  	v2 =	vld [tilespmem:s20+$0xFFFFFFC0];
	v40 =	vadd.f32 v37, v36;
	v43 =	vmul.f32 $2.000000030e-01, v3  }
0x20e: {  	v16 =	vld [tilespmem:s17+$0xFFFFFFC0];
	v1 =	vadd.f32 v39, v38;
	(erf) = vpow2.f32 v0  }
0x20f: {  	v9 =	vadd.f32 v14, v9;
	v44 =	vmul.f32 $2.000000030e-01, v40;
	v0 =	vmax.f32 v3, v43  }
0x210: {  	v48 =	vadd.f32 v15, v42;
	v13 =	vmul.f32 $2.000000030e-01, v1;
	v0 =	vmul.f32 $1.442695020e+00, v0  }
0x211: {  	v46 =	vmul.f32 $2.000000030e-01, v9;
	v45 =	vmax.f32 v40, v44;
	v5 =	vadd.f32 v41, v8  }
0x212: {  	v1 =	vmax.f32 v1, v13;
	v3 =	vmul.f32 $1.442695020e+00, v45;
	(erf) = vpow2.f32 v0  }
0x213: {  	v2 =	vadd.f32 v2, v16;
	v1 =	vmul.f32 $1.442695020e+00, v1;
	v49 =	vmul.f32 $2.000000030e-01, v5  }
0x214: {  	v50 =	vmul.f32 $2.000000030e-01, v48;
	v47 =	vmax.f32 v9, v46;
	(erf) = vpow2.f32 v3  }
0x215: {  	v0 =	vmul.f32 $1.442695020e+00, v47;
	(erf) = vpow2.f32 v1;
	v5 =	vmax.f32 v5, v49  }
0x216: {  	v51 =	vmul.f32 $2.000000030e-01, v2;
	v3 =	vmax.f32 v48, v50;
	v5 =	vmul.f32 $1.442695020e+00, v5  }
0x217: {  	v54 =	vmul.f32 $1.442695020e+00, v3;
	v40 =	vpop (erf);
	(erf) = vpow2.f32 v0  }
0x218: {  	s0 =	simm.s32 $0x77C0;
	v53 =	vmax.f32 v2, v51;
	v52 =	vnsel vm0, $0x0, v40;
	(erf) = vpow2.f32 v5  }
0x219: {  	s14 =	simm.s32 $0x3380;
	v0 =	vmul.f32 $1.442695020e+00, v53;
	[tilespmem:s0+$0x230] =	vst v52;
	(erf) = vpow2.f32 v54  }
0x21a: {  	v55 =	vld [tilespmem:s14+$0x180]  }
0x21b: {  	(erf) = vpow2.f32 v0;
	v9 =	vpop (erf)  }
0x21c: {  	v58 =	vimm.s32 $0x0;
	v59 =	vnsel vm0, $0x0, v9  }
0x21d: {  	v57 =	vperm.xlane v40, v58;
	v41 =	vpop (erf);
	[tilespmem:s0+$0xFFFFFED0] =	vst v59  }
0x21e: {  	s23 =	simm.s32 $0xE40;
	v60 =	vnsel vm0, $0x0, v41;
	v16 =	vpop (erf);
	v1 =	vld [tilespmem:s14+$0xFFFFFE80]  }
0x21f: {  	s21 =	simm.s32 $0x640;
	v23 =	vld [tilespmem:s23+$0xFFFFFFC0];
	[tilespmem:s0+$0xFFFFFF60] =	vst v60;
	v61 =	vnsel vm0, $0x0, v16;
	v0 =	vmul.f32 v55, v57  }
0x220: {  	v26 =	vld [tilespmem:s21+$0xFFFFFFD0];
	[tilespmem:s0+$0xFFFFFFF0] =	vst v61;
	v42 =	vpop (erf)  }
0x221: {  	v33 =	vperm.xlane v9, v58;
	v63 =	vld [tilespmem:s14+$0xFFFFFF00];
	[tilespmem:s0+$0x1B0] =	vst v0;
	v32 =	vnsel vm0, $0x0, v42;
	v15 =	vpop (erf)  }
0x222: {  	v34 =	vld [tilespmem:s14+$0xFFFFFF80];
	[tilespmem:s0+$0x80] =	vst v32;
	v35 =	vnsel vm0, $0x0, v15;
	v17 =	vpop (erf)  }
0x223: {  	v62 =	vld [tilespmem:s14+$0x190];
	v1 =	vmul.f32 v1, v33;
	[tilespmem:s0+$0x110] =	vst v35;
	v37 =	vnsel vm0, $0x0, v17  }
0x224: {  	v36 =	vld [tilespmem:s14+$0x0];
	v8 =	vpop (erf);
	[tilespmem:s0+$0x1A0] =	vst v37  }
0x225: {  	v13 =	vperm.xlane v41, v58;
	v55 =	vimm.s32 $0x1;
	v39 =	vld [tilespmem:s14+$0x80];
	v14 =	vnsel vm0, $0x0, v8;
	[tilespmem:s0+$0xFFFFFE50] =	vst v1  }
0x226: {  	v43 =	vperm.xlane v16, v58;
	v38 =	vperm.xlane v40, v55;
	[tilespmem:s0+$0xFFFFFE40] =	vst v14;
	v14 =	vld [tilespmem:s14+$0x100]  }
0x227: {  	v51 =	vperm.xlane v9, v55;
	v3 =	vmul.f32 v63, v13;
	v46 =	vld [tilespmem:s14+$0xFFFFFE90]  }
0x228: {  	v44 =	vperm.xlane v42, v58;
	v0 =	vmul.f32 v34, v43;
	v13 =	vld [tilespmem:s14+$0xFFFFFE00]  }
0x229: {  	v29 =	vld [tilespmem:s23+$0xFFFFFFD0];
	v45 =	vperm.xlane v15, v58;
	[tilespmem:s0+$0xFFFFFEE0] =	vst v3;
	v2 =	vmul.f32 v62, v38  }
0x22a: {  	v47 =	vperm.xlane v17, v58;
	v50 =	vld [tilespmem:s14+$0xFFFFFF10];
	[tilespmem:s0+$0xFFFFFF70] =	vst v0;
	v6 =	vmul.f32 v36, v44  }
0x22b: {  	v49 =	vperm.xlane v8, v58;
	v18 =	vld [tilespmem:s14+$0xFFFFFF90];
	[tilespmem:s0+$0x1C0] =	vst v2;
	v1 =	vmul.f32 v39, v45  }
0x22c: {  	v48 =	vld [tilespmem:s14+$0x1A0];
	[tilespmem:s0+$0x0] =	vst v6;
	v2 =	vmul.f32 v14, v47;
	v0 =	vmul.f32 v46, v51  }
0x22d: {  	v52 =	vmul.f32 v13, v49;
	v53 =	vld [tilespmem:s14+$0x10];
	[tilespmem:s0+$0x90] =	vst v1;
	v13 =	vperm.xlane v41, v55  }
0x22e: {  	v57 =	vimm.s32 $0x2;
	v60 =	vperm.xlane v16, v55;
	v59 =	vld [tilespmem:s14+$0x90];
	[tilespmem:s0+$0x120] =	vst v2  }
0x22f: {  	v54 =	vperm.xlane v40, v57;
	[tilespmem:s0+$0xFFFFFE60] =	vst v0;
	v61 =	vld [tilespmem:s14+$0x110];
	v63 =	vmul.f32 v50, v13  }
0x230: {  	v62 =	vperm.xlane v42, v55;
	v2 =	vmul.f32 v18, v60;
	[tilespmem:s0+$0xFFFFFDC0] =	vst v52;
	v13 =	vld [tilespmem:s14+$0xFFFFFEA0]  }
0x231: {  	v32 =	vperm.xlane v15, v55;
	v14 =	vld [tilespmem:s14+$0xFFFFFE10];
	v1 =	vmul.f32 v48, v54;
	[tilespmem:s0+$0xFFFFFEF0] =	vst v63  }
0x232: {  	v33 =	vperm.xlane v17, v55;
	[tilespmem:s0+$0xFFFFFF80] =	vst v2;
	v34 =	vmul.f32 v53, v62;
	v18 =	vld [tilespmem:s14+$0xFFFFFF20]  }
0x233: {  	v38 =	vperm.xlane v9, v57;
	v39 =	vld [tilespmem:s14+$0xFFFFFFA0];
	[tilespmem:s0+$0x1D0] =	vst v1;
	v37 =	vmul.f32 v59, v32  }
0x234: {  	v36 =	vperm.xlane v8, v55;
	v35 =	vld [tilespmem:s14+$0x1B0];
	[tilespmem:s0+$0x10] =	vst v34;
	v43 =	vmul.f32 v61, v33  }
0x235: {  	v47 =	vperm.xlane v41, v57;
	v4 =	vmul.f32 v13, v38;
	v45 =	vld [tilespmem:s14+$0x20];
	[tilespmem:s0+$0xA0] =	vst v37  }
0x236: {  	v48 =	vperm.xlane v16, v57;
	v59 =	vimm.s32 $0x3;
	v44 =	vmul.f32 v14, v36;
	v13 =	vld [tilespmem:s14+$0xA0];
	[tilespmem:s0+$0x130] =	vst v43  }
0x237: {  	v46 =	vperm.xlane v40, v59;
	[tilespmem:s0+$0xFFFFFE70] =	vst v4;
	v49 =	vld [tilespmem:s14+$0x120];
	v51 =	vmul.f32 v18, v47  }
0x238: {  	v50 =	vperm.xlane v42, v57;
	v0 =	vmul.f32 v39, v48;
	[tilespmem:s0+$0xFFFFFDD0] =	vst v44;
	v18 =	vld [tilespmem:s14+$0xFFFFFEB0]  }
0x239: {  	v52 =	vperm.xlane v15, v57;
	v14 =	vld [tilespmem:s14+$0xFFFFFE20];
	v2 =	vmul.f32 v35, v46;
	[tilespmem:s0+$0xFFFFFF00] =	vst v51  }
0x23a: {  	v63 =	vperm.xlane v9, v59;
	[tilespmem:s0+$0xFFFFFF90] =	vst v0;
	v61 =	vld [tilespmem:s14+$0xFFFFFF30]  }
0x23b: {  	v3 =	vmul.f32 v45, v50;
	[tilespmem:s0+$0x1E0] =	vst v2;
	v62 =	vmul.f32 v13, v52;
	v13 =	vld [tilespmem:s14+$0xFFFFFFB0]  }
0x23c: {  	v53 =	vperm.xlane v17, v57;
	v54 =	vld [tilespmem:s14+$0x1C0]  }
0x23d: {  	v60 =	vperm.xlane v8, v57;
	[tilespmem:s0+$0x20] =	vst v3;
	v7 =	vmul.f32 v18, v63;
	v63 =	vld [tilespmem:s21+$0xFFFFFFE0]  }
0x23e: {  	v1 =	vmul.f32 v49, v53;
	v3 =	vld [tilespmem:s14+$0x30];
	[tilespmem:s0+$0xB0] =	vst v62  }
0x23f: {  	v35 =	vperm.xlane v16, v59;
	v32 =	vmul.f32 v14, v60;
	v14 =	vld [tilespmem:s14+$0xB0]  }
0x240: {  	v33 =	vperm.xlane v40, v12;
	v34 =	vperm.xlane v41, v59;
	v62 =	vld [tilespmem:s21+$0x30];
	[tilespmem:s0+$0x140] =	vst v1  }
0x241: {  	v38 =	vperm.xlane v15, v59;
	[tilespmem:s0+$0xFFFFFE80] =	vst v7;
	v36 =	vld [tilespmem:s14+$0x130];
	v1 =	vmul.f32 v13, v35  }
0x242: {  	v37 =	vperm.xlane v42, v59;
	[tilespmem:s0+$0xFFFFFDE0] =	vst v32;
	v5 =	vmul.f32 v61, v34;
	v7 =	vld [tilespmem:s14+$0xFFFFFEC0]  }
0x243: {  	v18 =	vld [tilespmem:s14+$0xFFFFFE30];
	v0 =	vmul.f32 v54, v33;
	[tilespmem:s0+$0xFFFFFFA0] =	vst v1  }
0x244: {  	[tilespmem:s0+$0xFFFFFF10] =	vst v5;
	v3 =	vmul.f32 v3, v37;
	v45 =	vmul.f32 v14, v38;
	v14 =	vld [tilespmem:s14+$0xFFFFFFC0]  }
0x245: {  	v39 =	vperm.xlane v17, v59;
	v13 =	vld [tilespmem:s14+$0xFFFFFF40];
	[tilespmem:s0+$0x1F0] =	vst v0  }
0x246: {  	v25 =	vperm.xlane v9, v10;
	v44 =	vperm.xlane v8, v59;
	v43 =	vld [tilespmem:s14+$0x1D0];
	[tilespmem:s0+$0x30] =	vst v3  }
0x247: {  	v51 =	vperm.xlane v16, v12;
	v0 =	vmul.f32 v36, v39;
	v3 =	vld [tilespmem:s14+$0x40]  }
0x248: {  	v27 =	vperm.xlane v41, v10;
	v47 =	vmul.f32 v18, v44;
	v44 =	vld [tilespmem:s21+$0xFFFFFFF0]  }
0x249: {  	v46 =	vperm.xlane v9, v12;
	[tilespmem:s0+$0x150] =	vst v0;
	v0 =	vmul.f32 v14, v51;
	v14 =	vld [tilespmem:s23+$0x30]  }
0x24a: {  	v28 =	vperm.xlane v16, v10;
	v49 =	vperm.xlane v41, v12;
	[tilespmem:s0+$0xC0] =	vst v45;
	v45 =	vld [tilespmem:s23+$0xFFFFFFF0]  }
0x24b: {  	v48 =	vperm.xlane v40, v10;
	v6 =	vmul.f32 v7, v46;
	v50 =	vld [tilespmem:s14+$0xC0]  }
0x24c: {  	v30 =	vperm.xlane v42, v10;
	[tilespmem:s0+$0xFFFFFDF0] =	vst v47;
	v52 =	vld [tilespmem:s14+$0x140];
	v5 =	vmul.f32 v13, v49  }
0x24d: {  	v21 =	vperm.xlane v15, v12;
	[tilespmem:s0+$0xFFFFFE90] =	vst v6;
	v19 =	vld [tilespmem:s14+$0xFFFFFE40];
	v1 =	vmul.f32 v43, v48  }
0x24e: {  	v31 =	vperm.xlane v15, v10;
	v22 =	vperm.xlane v17, v12;
	v6 =	vld [tilespmem:s14+$0xFFFFFED0];
	[tilespmem:s0+$0xFFFFFF20] =	vst v5;
	v5 =	vadd.f32 v14, v62  }
0x24f: {  	v20 =	vperm.xlane v8, v12;
	v53 =	vperm.xlane v42, v12;
	v61 =	vld [tilespmem:s14+$0xFFFFFF50];
	[tilespmem:s0+$0x200] =	vst v1  }
0x250: {  	v24 =	vperm.xlane v8, v10;
	v60 =	vld [tilespmem:s14+$0x1E0];
	v46 =	vmul.f32 $2.000000030e-01, v5  }
0x251: {  	v33 =	vperm.xlane v17, v10;
	v43 =	vld [tilespmem:s23+$0xFFFFFFE0];
	v54 =	vmul.f32 v3, v53;
	[tilespmem:s0+$0xFFFFFFB0] =	vst v0  }
0x252: {  	v0 =	vld [tilespmem:s14+$0xFFFFFFD0];
	v7 =	vmul.f32 v50, v21;
	v19 =	vmul.f32 v19, v20;
	v5 =	vmax.f32 v5, v46  }
0x253: {  	v21 =	vld [tilespmem:s21+$0x0];
	v20 =	vperm.xlane v40, v11;
	v5 =	vmul.f32 $1.442695020e+00, v5  }
0x254: {  	v2 =	vmul.f32 v52, v22;
	v22 =	vld [tilespmem:s23+$0x0];
	v4 =	vmul.f32 v61, v27;
	v27 =	vadd.f32 v45, v44  }
0x255: {  	v47 =	vld [tilespmem:s21+$0x20];
	v3 =	vmul.f32 v60, v20;
	v20 =	vadd.f32 v29, v26;
	(erf) = vpow2.f32 v5  }
0x256: {  	v37 =	vperm.xlane v9, v11;
	v49 =	vld [tilespmem:s23+$0x20];
	v6 =	vmul.f32 v6, v25;
	v26 =	vadd.f32 v43, v63  }
0x257: {  	[tilespmem:s0+$0x40] =	vst v54;
	v25 =	vld [tilespmem:s21+$0x10];
	v36 =	vmul.f32 $2.000000030e-01, v27;
	v48 =	vmul.f32 $2.000000030e-01, v20  }
0x258: {  	v1 =	vld [tilespmem:s14+$0x50];
	v0 =	vmul.f32 v0, v28;
	v34 =	vmul.f32 $2.000000030e-01, v26  }
0x259: {  	v29 =	vld [tilespmem:s23+$0x10];
	v21 =	vadd.f32 v22, v21;
	v22 =	vmax.f32 v27, v36;
	v5 =	vmax.f32 v20, v48  }
0x25a: {  	[tilespmem:s0+$0xD0] =	vst v7;
	v28 =	vld [tilespmem:s21+$0xFFFFFFC0];
	v22 =	vmul.f32 $1.442695020e+00, v22;
	v20 =	vmax.f32 v26, v34;
	v5 =	vmul.f32 $1.442695020e+00, v5  }
0x25b: {  	v51 =	vadd.f32 v49, v47;
	[tilespmem:s0+$0xFFFFFE00] =	vst v19;
	v26 =	vmul.f32 $2.000000030e-01, v21;
	v20 =	vmul.f32 $1.442695020e+00, v20  }
0x25c: {  	v18 =	vperm.xlane v41, v11;
	[tilespmem:s0+$0x160] =	vst v2;
	v54 =	vld [tilespmem:s14+$0xFFFFFE50];
	(erf) = vpow2.f32 v5  }
0x25d: {  	v53 =	vmul.f32 $2.000000030e-01, v51;
	[tilespmem:s0+$0xFFFFFEA0] =	vst v6;
	v50 =	vmax.f32 v21, v26;
	v21 =	vld [tilespmem:s14+$0xD0];
	(erf) = vpow2.f32 v20  }
0x25e: {  	[tilespmem:s0+$0xFFFFFF30] =	vst v4;
	v46 =	vperm.xlane v8, v56;
	v25 =	vadd.f32 v29, v25;
	v26 =	vld [tilespmem:s14+$0x150];
	(erf) = vpow2.f32 v22;
	v22 =	vpop (erf)  }
0x25f: {  	s9 =	simm.s32 $0x3780;
	s3 =	simm.s32 $0x7C40;
	v39 =	vld [tilespmem:s14+$0xFFFFFEE0];
	v1 =	vmul.f32 v1, v30;
	[tilespmem:s0+$0xFFFFFFC0] =	vst v0;
	v23 =	vadd.f32 v23, v28;
	v60 =	vnsel vm0, $0x0, v22  }
0x260: {  	v36 =	vld [tilespmem:s14+$0xFFFFFF60];
	v52 =	vmul.f32 $2.000000030e-01, v25;
	v5 =	vmul.f32 $1.442695020e+00, v50;
	[tilespmem:s3+$0x230] =	vst v60  }
0x261: {  	[tilespmem:s0+$0x210] =	vst v3;
	v38 =	vmul.f32 v54, v24;
	v19 =	vmul.f32 $2.000000030e-01, v23;
	v63 =	vld [tilespmem:s9+$0x180]  }
0x262: {  	v27 =	vld [tilespmem:s14+$0xFFFFFFE0];
	[tilespmem:s0+$0x50] =	vst v1;
	v2 =	vmax.f32 v25, v52;
	(erf) = vpow2.f32 v5;
	v5 =	vmul.f32 v21, v31  }
0x263: {  	v3 =	vmax.f32 v51, v53;
	v35 =	vld [tilespmem:s14+$0x1F0];
	[tilespmem:s0+$0xFFFFFE10] =	vst v38;
	v2 =	vmul.f32 $1.442695020e+00, v2;
	v7 =	vmul.f32 v26, v33  }
0x264: {  	v3 =	vmul.f32 $1.442695020e+00, v3;
	v29 =	vld [tilespmem:s14+$0x60];
	v61 =	vmax.f32 v23, v19;
	[tilespmem:s0+$0xE0] =	vst v5;
	v43 =	vperm.xlane v22, v58  }
0x265: {  	v62 =	vmul.f32 $1.442695020e+00, v61;
	(erf) = vpow2.f32 v2;
	[tilespmem:s0+$0x170] =	vst v7;
	v32 =	vld [tilespmem:s14+$0xE0];
	v26 =	vpop (erf)  }
0x266: {  	(erf) = vpow2.f32 v3;
	v33 =	vld [tilespmem:s14+$0x160];
	[tilespmem:$0x1FF90] =	vst v46;
	v44 =	vnsel vm0, $0x0, v26;
	v45 =	vmul.f32 v63, v43  }
0x267: {  	v49 =	vperm.xlane v42, v56;
	(erf) = vpow2.f32 v62;
	[tilespmem:s3+$0xFFFFFED0] =	vst v44  }
0x268: {  	v13 =	vperm.xlane v8, v11;
	v14 =	vperm.xlane v16, v11;
	v38 =	vld [tilespmem:s14+$0xFFFFFE60];
	v30 =	vpop (erf);
	[tilespmem:s3+$0x1B0] =	vst v45  }
0x269: {  	v51 =	vperm.xlane v15, v56;
	v37 =	vmul.f32 v39, v37;
	v47 =	vnsel vm0, $0x0, v30;
	v0 =	vld [tilespmem:s9+$0xFFFFFE80];
	[tilespmem:$0x1FFA0] =	vst v49  }
0x26a: {  	v34 =	vperm.xlane v42, v11;
	v52 =	vperm.xlane v17, v56;
	[tilespmem:s3+$0xFFFFFF60] =	vst v47  }
0x26b: {  	v28 =	vperm.xlane v15, v11;
	v48 =	vperm.xlane v40, v56;
	v3 =	vld [tilespmem:s9+$0x190];
	[tilespmem:$0x1FFB0] =	vst v51  }
0x26c: {  	v27 =	vmul.f32 v27, v14;
	v20 =	vperm.xlane v9, v56;
	v23 =	vpop (erf);
	[tilespmem:$0x1FFC0] =	vst v52  }
0x26d: {  	s26 =	simm.s32 $0x6C0;
	v9 =	vperm.xlane v16, v56;
	v31 =	vperm.xlane v17, v11;
	v50 =	vnsel vm0, $0x0, v23;
	v19 =	vpop (erf);
	v4 =	vld [tilespmem:s9+$0xFFFFFF00]  }
0x26e: {  	s20 =	simm.s32 $0xEC0;
	v35 =	vmul.f32 v35, v48;
	v25 =	vperm.xlane v41, v56;
	v53 =	vnsel vm0, $0x0, v19;
	v21 =	vpop (erf);
	[tilespmem:s3+$0xFFFFFFF0] =	vst v50;
	v14 =	vld [tilespmem:s26+$0xFFFFFFE0]  }
0x26f: {  	v28 =	vmul.f32 v32, v28;
	v32 =	vmul.f32 v33, v31;
	v61 =	vnsel vm0, $0x0, v21;
	v24 =	vpop (erf);
	[tilespmem:s3+$0x80] =	vst v53;
	v31 =	vld [tilespmem:s20+$0xFFFFFFF0]  }
0x270: {  	v39 =	vperm.xlane v22, v55;
	v54 =	vperm.xlane v26, v58;
	v63 =	vnsel vm0, $0x0, v24;
	v17 =	vpop (erf);
	[tilespmem:s3+$0x110] =	vst v61;
	v60 =	vld [tilespmem:s9+$0xFFFFFF80]  }
0x271: {  	v15 =	vperm.xlane v30, v58;
	v41 =	vperm.xlane v23, v58;
	v16 =	vnsel vm0, $0x0, v17;
	[tilespmem:s3+$0x1A0] =	vst v63;
	v62 =	vld [tilespmem:s9+$0x0]  }
0x272: {  	v42 =	vperm.xlane v19, v58;
	v0 =	vmul.f32 v0, v54;
	[tilespmem:s3+$0xFFFFFE40] =	vst v16;
	v16 =	vld [tilespmem:s9+$0x100]  }
0x273: {  	v38 =	vmul.f32 v38, v13;
	v40 =	vld [tilespmem:s9+$0x80];
	v3 =	vmul.f32 v3, v39  }
0x274: {  	v43 =	vperm.xlane v21, v58;
	[tilespmem:s3+$0xFFFFFE50] =	vst v0;
	v4 =	vmul.f32 v4, v15;
	v15 =	vld [tilespmem:s9+$0xFFFFFE00]  }
0x275: {  	v45 =	vperm.xlane v24, v58;
	v44 =	vld [tilespmem:s9+$0xFFFFFE90];
	[tilespmem:s3+$0x1C0] =	vst v3;
	v2 =	vmul.f32 v60, v41  }
0x276: {  	v49 =	vperm.xlane v26, v55;
	v6 =	vmul.f32 v62, v42;
	v46 =	vld [tilespmem:s9+$0x1A0];
	[tilespmem:s3+$0xFFFFFEE0] =	vst v4  }
0x277: {  	v47 =	vperm.xlane v17, v58;
	v3 =	vmul.f32 v16, v45;
	v48 =	vld [tilespmem:s9+$0xFFFFFF10];
	[tilespmem:s3+$0xFFFFFF70] =	vst v2  }
0x278: {  	v13 =	vperm.xlane v17, v56;
	v0 =	vmul.f32 v40, v43;
	[tilespmem:s3+$0x0] =	vst v6;
	v50 =	vld [tilespmem:s9+$0xFFFFFF90]  }
0x279: {  	v53 =	vperm.xlane v22, v57;
	[tilespmem:s3+$0x120] =	vst v3;
	v52 =	vld [tilespmem:s9+$0x10];
	v51 =	vmul.f32 v15, v47  }
0x27a: {  	[tilespmem:s3+$0x90] =	vst v0;
	v2 =	vmul.f32 v44, v49;
	v61 =	vld [tilespmem:s9+$0x110];
	v15 =	vperm.xlane v30, v55  }
0x27b: {  	v60 =	vperm.xlane v23, v55;
	v54 =	vld [tilespmem:s9+$0x90];
	v0 =	vmul.f32 v46, v53;
	[tilespmem:s3+$0xFFFFFDC0] =	vst v51  }
0x27c: {  	v62 =	vperm.xlane v19, v55;
	[tilespmem:s3+$0xFFFFFE60] =	vst v2;
	v16 =	vld [tilespmem:s9+$0xFFFFFE10];
	v1 =	vmul.f32 v48, v15  }
0x27d: {  	v42 =	vperm.xlane v24, v55;
	v15 =	vld [tilespmem:s9+$0xFFFFFEA0];
	[tilespmem:s3+$0x1D0] =	vst v0;
	v3 =	vmul.f32 v50, v60  }
0x27e: {  	v63 =	vperm.xlane v21, v55;
	v43 =	vmul.f32 v52, v62;
	v44 =	vld [tilespmem:s9+$0x1B0];
	[tilespmem:s3+$0xFFFFFEF0] =	vst v1  }
0x27f: {  	v45 =	vperm.xlane v17, v55;
	v0 =	vmul.f32 v61, v42;
	v46 =	vld [tilespmem:s9+$0xFFFFFF20];
	[tilespmem:s3+$0xFFFFFF80] =	vst v3  }
0x280: {  	v47 =	vperm.xlane v26, v57;
	v2 =	vmul.f32 v54, v63;
	[tilespmem:s3+$0x10] =	vst v43;
	v48 =	vld [tilespmem:s9+$0xFFFFFFA0]  }
0x281: {  	v51 =	vperm.xlane v22, v59;
	[tilespmem:s3+$0x130] =	vst v0;
	v50 =	vld [tilespmem:s9+$0x20];
	v49 =	vmul.f32 v16, v45  }
0x282: {  	v52 =	vperm.xlane v30, v57;
	[tilespmem:s3+$0xA0] =	vst v2;
	v54 =	vld [tilespmem:s9+$0x120];
	v3 =	vmul.f32 v15, v47  }
0x283: {  	v53 =	vperm.xlane v23, v57;
	v15 =	vld [tilespmem:s9+$0xA0];
	v2 =	vmul.f32 v44, v51;
	[tilespmem:s3+$0xFFFFFDD0] =	vst v49  }
0x284: {  	v60 =	vperm.xlane v19, v57;
	[tilespmem:s3+$0xFFFFFE70] =	vst v3;
	v16 =	vld [tilespmem:s9+$0xFFFFFE20];
	v61 =	vmul.f32 v46, v52  }
0x285: {  	v42 =	vperm.xlane v24, v57;
	v63 =	vld [tilespmem:s9+$0xFFFFFEB0];
	[tilespmem:s3+$0x1E0] =	vst v2;
	v0 =	vmul.f32 v48, v53  }
0x286: {  	v62 =	vperm.xlane v21, v57;
	v43 =	vmul.f32 v50, v60;
	v44 =	vld [tilespmem:s9+$0x1C0];
	[tilespmem:s3+$0xFFFFFF00] =	vst v61  }
0x287: {  	v45 =	vperm.xlane v17, v57;
	v1 =	vmul.f32 v54, v42;
	v46 =	vld [tilespmem:s9+$0xFFFFFF30];
	[tilespmem:s3+$0xFFFFFF90] =	vst v0  }
0x288: {  	v48 =	vperm.xlane v26, v59;
	v47 =	vmul.f32 v15, v62;
	[tilespmem:s3+$0x20] =	vst v43;
	v15 =	vld [tilespmem:s9+$0xFFFFFFB0]  }
0x289: {  	v50 =	vperm.xlane v22, v12;
	[tilespmem:s3+$0x140] =	vst v1;
	v3 =	vld [tilespmem:s9+$0x30];
	v49 =	vmul.f32 v16, v45  }
0x28a: {  	v39 =	vperm.xlane v17, v10;
	[tilespmem:s3+$0xB0] =	vst v47;
	v53 =	vld [tilespmem:s9+$0x130];
	v7 =	vmul.f32 v63, v48  }
0x28b: {  	v51 =	vperm.xlane v30, v59;
	v16 =	vld [tilespmem:s9+$0xB0];
	v0 =	vmul.f32 v44, v50;
	[tilespmem:s3+$0xFFFFFDE0] =	vst v49  }
0x28c: {  	v52 =	vperm.xlane v23, v59;
	v54 =	vperm.xlane v19, v59;
	[tilespmem:s3+$0xFFFFFE80] =	vst v7;
	v60 =	vld [tilespmem:s9+$0xFFFFFE30]  }
0x28d: {  	v62 =	vperm.xlane v24, v59;
	v5 =	vmul.f32 v46, v51;
	v7 =	vld [tilespmem:s9+$0xFFFFFEC0];
	[tilespmem:s3+$0x1F0] =	vst v0  }
0x28e: {  	v61 =	vperm.xlane v21, v59;
	v1 =	vmul.f32 v15, v52;
	v63 =	vld [tilespmem:s9+$0x1D0]  }
0x28f: {  	v3 =	vmul.f32 v3, v54;
	v0 =	vmul.f32 v53, v62;
	v62 =	vld [tilespmem:s26+$0x30];
	[tilespmem:s3+$0xFFFFFF10] =	vst v5  }
0x290: {  	v40 =	vperm.xlane v17, v59;
	v42 =	vperm.xlane v26, v12;
	v15 =	vld [tilespmem:s9+$0xFFFFFF40];
	[tilespmem:s3+$0xFFFFFFA0] =	vst v1  }
0x291: {  	v47 =	vperm.xlane v23, v12;
	v41 =	vmul.f32 v16, v61;
	[tilespmem:s3+$0x30] =	vst v3;
	v16 =	vld [tilespmem:s9+$0xFFFFFFC0]  }
0x292: {  	v45 =	vperm.xlane v30, v12;
	v44 =	vperm.xlane v22, v10;
	[tilespmem:s3+$0x150] =	vst v0;
	v3 =	vld [tilespmem:s9+$0x40]  }
0x293: {  	v50 =	vperm.xlane v21, v12;
	[tilespmem:s3+$0xC0] =	vst v41;
	v48 =	vld [tilespmem:s9+$0x140];
	v43 =	vmul.f32 v60, v40  }
0x294: {  	v49 =	vperm.xlane v19, v12;
	v6 =	vmul.f32 v7, v42;
	v46 =	vld [tilespmem:s9+$0xC0]  }
0x295: {  	v51 =	vperm.xlane v24, v12;
	v1 =	vmul.f32 v63, v44;
	v63 =	vld [tilespmem:s20+$0x30];
	[tilespmem:s3+$0xFFFFFDF0] =	vst v43  }
0x296: {  	v42 =	vperm.xlane v30, v10;
	[tilespmem:s3+$0xFFFFFE90] =	vst v6;
	v6 =	vperm.xlane v17, v12;
	v40 =	vld [tilespmem:s9+$0xFFFFFE40]  }
0x297: {  	v5 =	vmul.f32 v15, v45;
	v41 =	vld [tilespmem:s9+$0xFFFFFED0];
	[tilespmem:s3+$0x200] =	vst v1;
	v0 =	vmul.f32 v16, v47  }
0x298: {  	v52 =	vld [tilespmem:s9+$0x1E0];
	v1 =	vmul.f32 v48, v51;
	v51 =	vperm.xlane v30, v11  }
0x299: {  	[tilespmem:s3+$0xFFFFFF20] =	vst v5;
	v5 =	vmul.f32 v36, v18;
	v53 =	vmul.f32 v46, v50;
	v50 =	vld [tilespmem:s26+$0xFFFFFFF0]  }
0x29a: {  	v36 =	vperm.xlane v17, v11;
	v17 =	vperm.xlane v30, v56;
	v30 =	vld [tilespmem:s26+$0x10]  }
0x29b: {  	v3 =	vmul.f32 v3, v49;
	v18 =	vld [tilespmem:s9+$0xFFFFFF50]  }
0x29c: {  	[tilespmem:s3+$0xFFFFFFB0] =	vst v0;
	v48 =	vadd.f32 v63, v62;
	v62 =	vld [tilespmem:s20+$0x0]  }
0x29d: {  	v34 =	vmul.f32 v29, v34;
	[tilespmem:s3+$0x40] =	vst v3;
	v7 =	vld [tilespmem:s9+$0xFFFFFFD0]  }
0x29e: {  	v54 =	vperm.xlane v22, v11;
	v22 =	vperm.xlane v22, v56;
	[tilespmem:s3+$0x160] =	vst v1;
	v2 =	vld [tilespmem:s9+$0x50]  }
0x29f: {  	v61 =	vperm.xlane v19, v10;
	v60 =	vperm.xlane v23, v10;
	[tilespmem:s3+$0xD0] =	vst v53;
	v46 =	vld [tilespmem:s9+$0x150]  }
0x2a0: {  	v44 =	vperm.xlane v23, v11;
	v3 =	vperm.xlane v26, v10;
	v45 =	vld [tilespmem:s9+$0xD0]  }
0x2a1: {  	v6 =	vmul.f32 v40, v6;
	v40 =	vld [tilespmem:s20+$0xFFFFFFD0];
	v0 =	vmul.f32 v52, v54  }
0x2a2: {  	v47 =	vperm.xlane v21, v10;
	v3 =	vmul.f32 v41, v3;
	v41 =	vld [tilespmem:s20+$0xFFFFFFE0]  }
0x2a3: {  	v49 =	vperm.xlane v24, v10;
	v54 =	vld [tilespmem:s26+$0xFFFFFFD0];
	[tilespmem:s3+$0x210] =	vst v0;
	v0 =	vperm.xlane v26, v11  }
0x2a4: {  	v53 =	vld [tilespmem:s20+$0xFFFFFFC0];
	v29 =	vmul.f32 v18, v42;
	v18 =	vperm.xlane v26, v56  }
0x2a5: {  	v52 =	vld [tilespmem:s9+$0x1F0];
	v1 =	vmul.f32 v7, v60;
	v60 =	vmul.f32 $2.000000030e-01, v48  }
0x2a6: {  	v2 =	vmul.f32 v2, v61;
	v61 =	vld [tilespmem:s26+$0x0];
	v63 =	vmul.f32 v46, v49  }
0x2a7: {  	[tilespmem:s0+$0x220] =	vst v35;
	v7 =	vadd.f32 v31, v50;
	v31 =	vld [tilespmem:s26+$0x20];
	v26 =	vmul.f32 v45, v47;
	v41 =	vadd.f32 v41, v14  }
0x2a8: {  	[tilespmem:s0+$0xFFFFFEB0] =	vst v37;
	v49 =	vld [tilespmem:s20+$0x20];
	v14 =	vperm.xlane v23, v56;
	v33 =	vmax.f32 v48, v60;
	v40 =	vadd.f32 v40, v54  }
0x2a9: {  	[tilespmem:s0+$0xFFFFFE20] =	vst v38;
	v46 =	vld [tilespmem:s20+$0x10];
	v23 =	vmul.f32 $2.000000030e-01, v7;
	v33 =	vmul.f32 $1.442695020e+00, v33  }
0x2aa: {  	[tilespmem:s0+$0xFFFFFFD0] =	vst v27;
	v50 =	vld [tilespmem:s26+$0xFFFFFFC0];
	v48 =	vmul.f32 $2.000000030e-01, v41;
	v47 =	vmul.f32 $2.000000030e-01, v40  }
0x2ab: {  	[tilespmem:s0+$0x60] =	vst v34;
	v7 =	vmax.f32 v7, v23;
	(erf) = vpow2.f32 v33;
	v4 =	vadd.f32 v62, v61  }
0x2ac: {  	[tilespmem:s0+$0xFFFFFF40] =	vst v5;
	v52 =	vmul.f32 v52, v22;
	v22 =	vmax.f32 v41, v48;
	v5 =	vmax.f32 v40, v47  }
0x2ad: {  	[tilespmem:s0+$0xF0] =	vst v28;
	v7 =	vmul.f32 $1.442695020e+00, v7;
	v62 =	vadd.f32 v49, v31;
	v5 =	vmul.f32 $1.442695020e+00, v5  }
0x2ae: {  	[tilespmem:s3+$0xFFFFFE00] =	vst v6;
	v60 =	vmul.f32 $1.442695020e+00, v22;
	v22 =	vadd.f32 v46, v30;
	v23 =	vmul.f32 $2.000000030e-01, v4  }
0x2af: {  	[tilespmem:s3+$0xFFFFFF30] =	vst v29;
	v54 =	vld [tilespmem:s14+$0xFFFFFEF0];
	v6 =	vadd.f32 v53, v50;
	v41 =	vmul.f32 $2.000000030e-01, v62;
	(erf) = vpow2.f32 v5  }
0x2b0: {  	[tilespmem:s3+$0x170] =	vst v63;
	v63 =	vld [tilespmem:s9+$0xFFFFFF60];
	v4 =	vmax.f32 v4, v23;
	v23 =	vmul.f32 $2.000000030e-01, v22;
	(erf) = vpow2.f32 v60  }
0x2b1: {  	[tilespmem:s3+$0xE0] =	vst v26;
	v26 =	vld [tilespmem:s14+$0xFFFFFE70];
	v4 =	vmul.f32 $1.442695020e+00, v4;
	(erf) = vpow2.f32 v7  }
0x2b2: {  	[tilespmem:s0+$0x180] =	vst v32;
	v29 =	vld [tilespmem:s9+$0xE0];
	v42 =	vmul.f32 $2.000000030e-01, v6;
	v22 =	vmax.f32 v22, v23  }
0x2b3: {  	[tilespmem:s3+$0xFFFFFFC0] =	vst v1;
	v61 =	vld [tilespmem:s9+$0xFFFFFE50];
	v1 =	vmax.f32 v62, v41;
	v22 =	vmul.f32 $1.442695020e+00, v22;
	(erf) = vpow2.f32 v4  }
0x2b4: {  	[tilespmem:s3+$0xFFFFFEA0] =	vst v3;
	v48 =	vld [tilespmem:s9+$0xFFFFFFE0];
	v53 =	vmul.f32 v54, v20;
	v1 =	vmul.f32 $1.442695020e+00, v1;
	v23 =	vpop (erf)  }
0x2b5: {  	s17 =	simm.s32 $0x80C0;
	[tilespmem:s3+$0x50] =	vst v2;
	v40 =	vld [tilespmem:s14+$0xFFFFFF70];
	v49 =	vmax.f32 v6, v42;
	(erf) = vpow2.f32 v22;
	v46 =	vnsel vm0, $0x0, v23  }
0x2b6: {  	s21 =	simm.s32 $0x3B80;
	v30 =	vld [tilespmem:s9+$0xFFFFFEE0];
	v50 =	vmul.f32 $1.442695020e+00, v49;
	(erf) = vpow2.f32 v1;
	[tilespmem:s17+$0x230] =	vst v46  }
0x2b7: {  	v15 =	vperm.xlane v21, v11;
	[tilespmem:s3+$0x220] =	vst v52;
	v35 =	vmul.f32 v63, v51;
	v52 =	vld [tilespmem:s21+$0x180]  }
0x2b8: {  	v31 =	vld [tilespmem:s9+$0x160];
	[tilespmem:s0+$0xFFFFFEC0] =	vst v53;
	v2 =	vmul.f32 v61, v39;
	(erf) = vpow2.f32 v50;
	v27 =	vpop (erf)  }
0x2b9: {  	v16 =	vperm.xlane v24, v11;
	v47 =	vld [tilespmem:s9+$0x60];
	v20 =	vperm.xlane v21, v56;
	[tilespmem:s3+$0xFFFFFF40] =	vst v35;
	v32 =	vpop (erf)  }
0x2ba: {  	v21 =	vperm.xlane v24, v56;
	v24 =	vld [tilespmem:s14+$0x70];
	[tilespmem:s3+$0xFFFFFE10] =	vst v2;
	v54 =	vperm.xlane v23, v58;
	v60 =	vnsel vm0, $0x0, v27;
	v28 =	vpop (erf)  }
0x2bb: {  	v43 =	vperm.xlane v19, v11;
	v37 =	vmul.f32 v40, v25;
	v25 =	vld [tilespmem:s14+$0xF0];
	[tilespmem:s17+$0xFFFFFED0] =	vst v60;
	v53 =	vnsel vm0, $0x0, v28  }
0x2bc: {  	v39 =	vmul.f32 v30, v0;
	v63 =	vld [tilespmem:s21+$0xFFFFFE80];
	v30 =	vpop (erf);
	v61 =	vmul.f32 v52, v54;
	v52 =	vnsel vm0, $0x0, v32;
	[tilespmem:s17+$0xFFFFFFF0] =	vst v53  }
0x2bd: {  	v19 =	vperm.xlane v19, v56;
	v44 =	vmul.f32 v48, v44;
	v54 =	vnsel vm0, $0x0, v30;
	[tilespmem:s17+$0xFFFFFF60] =	vst v52;
	v49 =	vld [tilespmem:s21+$0xFFFFFF80]  }
0x2be: {  	v43 =	vmul.f32 v47, v43;
	v62 =	vperm.xlane v27, v58;
	v33 =	vpop (erf);
	[tilespmem:s17+$0x80] =	vst v54;
	v41 =	vld [tilespmem:s21+$0xFFFFFF00]  }
0x2bf: {  	v1 =	vperm.xlane v27, v55;
	v2 =	vperm.xlane v27, v57;
	[tilespmem:s17+$0x1B0] =	vst v61;
	v56 =	vnsel vm0, $0x0, v33;
	v34 =	vpop (erf);
	v51 =	vld [tilespmem:s21+$0x0]  }
0x2c0: {  	v5 =	vperm.xlane v32, v58;
	v7 =	vperm.xlane v32, v55;
	v6 =	vld [tilespmem:s21+$0x190];
	[tilespmem:s17+$0x110] =	vst v56;
	v60 =	vnsel vm0, $0x0, v34  }
0x2c1: {  	v40 =	vperm.xlane v28, v58;
	v50 =	vperm.xlane v30, v58;
	v38 =	vpop (erf);
	v3 =	vld [tilespmem:s21+$0x80];
	[tilespmem:s17+$0x1A0] =	vst v60  }
0x2c2: {  	[tilespmem:s0+$0xFFFFFF50] =	vst v37;
	v61 =	vperm.xlane v23, v55;
	v0 =	vmul.f32 v63, v62;
	v62 =	vnsel vm0, $0x0, v38;
	v56 =	vld [tilespmem:s21+$0x100]  }
0x2c3: {  	v22 =	vld [tilespmem:s14+$0xFFFFFFF0];
	v63 =	vperm.xlane v33, v58;
	[tilespmem:s17+$0xFFFFFE40] =	vst v62;
	v5 =	vmul.f32 v41, v5  }
0x2c4: {  	[tilespmem:s17+$0xFFFFFE50] =	vst v0;
	v0 =	vld [tilespmem:s21+$0xFFFFFE00];
	v40 =	vmul.f32 v49, v40;
	v50 =	vmul.f32 v51, v50  }
0x2c5: {  	v60 =	vld [tilespmem:s21+$0xFFFFFE90];
	v6 =	vmul.f32 v6, v61;
	v61 =	vperm.xlane v34, v58;
	[tilespmem:s17+$0xFFFFFEE0] =	vst v5  }
0x2c6: {  	v42 =	vperm.xlane v32, v57;
	[tilespmem:s17+$0xFFFFFF70] =	vst v40;
	v3 =	vmul.f32 v3, v63;
	v63 =	vld [tilespmem:s21+$0xFFFFFF10]  }
0x2c7: {  	v62 =	vperm.xlane v38, v58;
	[tilespmem:s17+$0x0] =	vst v50;
	v51 =	vmul.f32 v56, v61;
	v56 =	vld [tilespmem:s21+$0xFFFFFF90]  }
0x2c8: {  	v45 =	vperm.xlane v28, v55;
	v53 =	vperm.xlane v30, v55;
	[tilespmem:s17+$0x1C0] =	vst v6;
	v4 =	vld [tilespmem:s21+$0x10]  }
0x2c9: {  	v37 =	vperm.xlane v30, v11;
	v5 =	vld [tilespmem:s21+$0x1A0];
	v0 =	vmul.f32 v0, v62;
	[tilespmem:s17+$0x120] =	vst v51  }
0x2ca: {  	v52 =	vperm.xlane v33, v57;
	[tilespmem:s17+$0x90] =	vst v3;
	v1 =	vmul.f32 v60, v1;
	v62 =	vld [tilespmem:s21+$0x110]  }
0x2cb: {  	v49 =	vperm.xlane v28, v57;
	v61 =	vld [tilespmem:s21+$0x90];
	[tilespmem:s17+$0xFFFFFDC0] =	vst v0;
	v7 =	vmul.f32 v63, v7  }
0x2cc: {  	v58 =	vperm.xlane v23, v57;
	[tilespmem:s17+$0xFFFFFE60] =	vst v1;
	v63 =	vld [tilespmem:s21+$0xFFFFFE10];
	v45 =	vmul.f32 v56, v45  }
0x2cd: {  	v60 =	vperm.xlane v34, v55;
	v56 =	vld [tilespmem:s21+$0xFFFFFEA0];
	v4 =	vmul.f32 v4, v53;
	[tilespmem:s17+$0xFFFFFEF0] =	vst v7  }
0x2ce: {  	v41 =	vperm.xlane v33, v55;
	v3 =	vmul.f32 v5, v58;
	[tilespmem:s17+$0xFFFFFF80] =	vst v45;
	v58 =	vld [tilespmem:s21+$0xFFFFFF20]  }
0x2cf: {  	v50 =	vperm.xlane v38, v55;
	[tilespmem:s17+$0x10] =	vst v4;
	v5 =	vmul.f32 v62, v60;
	v60 =	vld [tilespmem:s21+$0xFFFFFFA0]  }
0x2d0: {  	v0 =	vperm.xlane v38, v57;
	v41 =	vmul.f32 v61, v41;
	[tilespmem:s17+$0x1D0] =	vst v3;
	v61 =	vld [tilespmem:s21+$0x20]  }
0x2d1: {  	[tilespmem:s3+$0xFFFFFEB0] =	vst v39;
	v1 =	vperm.xlane v30, v57;
	v7 =	vperm.xlane v34, v57;
	v57 =	vld [tilespmem:s21+$0x1B0]  }
0x2d2: {  	v39 =	vld [tilespmem:s9+$0xFFFFFEF0];
	v54 =	vperm.xlane v32, v12;
	[tilespmem:s17+$0xA0] =	vst v41;
	v2 =	vmul.f32 v56, v2  }
0x2d3: {  	v48 =	vperm.xlane v33, v11;
	v40 =	vmul.f32 v63, v50;
	[tilespmem:s17+$0x130] =	vst v5;
	v63 =	vld [tilespmem:s21+$0xA0]  }
0x2d4: {  	v62 =	vperm.xlane v23, v59;
	v56 =	vld [tilespmem:s21+$0x120];
	[tilespmem:s17+$0xFFFFFE70] =	vst v2;
	v42 =	vmul.f32 v58, v42  }
0x2d5: {  	v35 =	vperm.xlane v38, v11;
	[tilespmem:s17+$0xFFFFFDD0] =	vst v40;
	v6 =	vmul.f32 v60, v49;
	v58 =	vld [tilespmem:s21+$0xFFFFFEB0]  }
0x2d6: {  	v1 =	vmul.f32 v61, v1;
	v41 =	vmul.f32 v57, v62;
	v57 =	vld [tilespmem:s21+$0xFFFFFE20];
	[tilespmem:s17+$0xFFFFFF00] =	vst v42  }
0x2d7: {  	v45 =	vperm.xlane v38, v59;
	v4 =	vperm.xlane v27, v59;
	[tilespmem:s17+$0xFFFFFF90] =	vst v6;
	v61 =	vld [tilespmem:s21+$0xFFFFFF30]  }
0x2d8: {  	v3 =	vperm.xlane v32, v59;
	v5 =	vmul.f32 v63, v52;
	[tilespmem:s17+$0x20] =	vst v1;
	v62 =	vld [tilespmem:s21+$0xFFFFFFB0]  }
0x2d9: {  	v40 =	vperm.xlane v28, v59;
	[tilespmem:s17+$0x1E0] =	vst v41;
	v7 =	vmul.f32 v56, v7;
	v63 =	vld [tilespmem:s21+$0x30]  }
0x2da: {  	v2 =	vperm.xlane v30, v59;
	v60 =	vld [tilespmem:s21+$0x1C0];
	[tilespmem:s17+$0xB0] =	vst v5;
	v4 =	vmul.f32 v58, v4  }
0x2db: {  	v46 =	vld [tilespmem:s9+$0xFFFFFE60];
	v49 =	vperm.xlane v33, v59;
	[tilespmem:s17+$0x140] =	vst v7;
	v0 =	vmul.f32 v57, v0  }
0x2dc: {  	v42 =	vperm.xlane v34, v59;
	v59 =	vld [tilespmem:s21+$0x130];
	[tilespmem:s17+$0xFFFFFE80] =	vst v4;
	v3 =	vmul.f32 v61, v3  }
0x2dd: {  	v58 =	vld [tilespmem:s21+$0xB0];
	v57 =	vperm.xlane v23, v12;
	[tilespmem:s17+$0xFFFFFDE0] =	vst v0;
	v40 =	vmul.f32 v62, v40  }
0x2de: {  	v55 =	vperm.xlane v33, v12;
	v61 =	vld [tilespmem:s21+$0xFFFFFEC0];
	v2 =	vmul.f32 v63, v2;
	[tilespmem:s17+$0xFFFFFF10] =	vst v3  }
0x2df: {  	v53 =	vperm.xlane v28, v10;
	v5 =	vmul.f32 v60, v57;
	v60 =	vld [tilespmem:s21+$0xFFFFFE30];
	[tilespmem:s17+$0xFFFFFFA0] =	vst v40  }
0x2e0: {  	v50 =	vperm.xlane v33, v10;
	v6 =	vperm.xlane v38, v12;
	[tilespmem:s17+$0x30] =	vst v2;
	v40 =	vld [tilespmem:s21+$0xFFFFFF40]  }
0x2e1: {  	v1 =	vperm.xlane v27, v12;
	[tilespmem:s17+$0x1F0] =	vst v5;
	v42 =	vmul.f32 v59, v42;
	v63 =	vld [tilespmem:s21+$0x40]  }
0x2e2: {  	v52 =	vperm.xlane v34, v10;
	v7 =	vmul.f32 v58, v49;
	v51 =	vld [tilespmem:s21+$0x1D0]  }
0x2e3: {  	v41 =	vperm.xlane v38, v10;
	v62 =	vld [tilespmem:s21+$0xFFFFFFC0];
	v1 =	vmul.f32 v61, v1;
	[tilespmem:s17+$0x150] =	vst v42  }
0x2e4: {  	v4 =	vperm.xlane v30, v12;
	v0 =	vperm.xlane v28, v12;
	[tilespmem:s17+$0xC0] =	vst v7;
	v42 =	vld [tilespmem:s21+$0x140]  }
0x2e5: {  	v61 =	vld [tilespmem:s21+$0xC0];
	v45 =	vmul.f32 v60, v45;
	v60 =	vperm.xlane v23, v10;
	[tilespmem:s17+$0xFFFFFE90] =	vst v1  }
0x2e6: {  	v3 =	vperm.xlane v34, v12;
	v4 =	vmul.f32 v63, v4;
	v63 =	vld [tilespmem:s21+$0xFFFFFED0]  }
0x2e7: {  	[tilespmem:s17+$0xFFFFFDF0] =	vst v45;
	v54 =	vmul.f32 v40, v54;
	v40 =	vld [tilespmem:s9+$0xFFFFFF70];
	v7 =	vmul.f32 v51, v60  }
0x2e8: {  	v2 =	vperm.xlane v27, v10;
	v0 =	vmul.f32 v62, v0;
	v62 =	vld [tilespmem:s21+$0xFFFFFE40]  }
0x2e9: {  	v49 =	vperm.xlane v32, v10;
	[tilespmem:s17+$0x200] =	vst v7;
	v3 =	vmul.f32 v42, v3;
	v42 =	vld [tilespmem:s14+$0x170]  }
0x2ea: {  	v45 =	vperm.xlane v27, v11;
	v51 =	vperm.xlane v30, v10;
	[tilespmem:s17+$0xFFFFFF20] =	vst v54;
	v7 =	vld [tilespmem:s21+$0x1E0]  }
0x2eb: {  	v5 =	vmul.f32 v61, v55;
	v55 =	vmul.f32 v46, v36;
	[tilespmem:s17+$0xFFFFFFB0] =	vst v0;
	v56 =	vld [tilespmem:s21+$0xFFFFFF50]  }
0x2ec: {  	v46 =	vperm.xlane v32, v11;
	[tilespmem:s17+$0x40] =	vst v4;
	v57 =	vld [tilespmem:s21+$0xFFFFFFD0];
	v60 =	vmul.f32 v63, v2  }
0x2ed: {  	v59 =	vld [tilespmem:s21+$0x50];
	[tilespmem:s17+$0xD0] =	vst v5;
	v63 =	vperm.xlane v23, v11;
	v6 =	vmul.f32 v62, v6  }
0x2ee: {  	v36 =	vperm.xlane v28, v11;
	v54 =	vperm.xlane v34, v11;
	[tilespmem:s17+$0x160] =	vst v3;
	v58 =	vld [tilespmem:s21+$0xD0]  }
0x2ef: {  	s1 =	simm.s32 $0x740;
	s23 =	simm.s32 $0x10;
	s14 =	simm.s32 $0x3B80;
	v47 =	vld [tilespmem:s21+$0x150];
	v62 =	vimm.s32 $0x0;
	[tilespmem:s17+$0xFFFFFE00] =	vst v6;
	v61 =	vmul.f32 v7, v63;
	v63 =	vimm.s32 $0x3  }
.LBB2_8:
0x2f0: {  	v0 =	vld [tilespmem:s1+$0x30];
	s20 =	sadd.s32 $0x80, s20;
	v2 =	vmul.f32 v29, v15;
	v5 =	vmul.f32 v31, v16;
	v8 =	vimm.s32 $0x7  }
0x2f1: {  	v3 =	vld [tilespmem:s20+$0x30];
	v6 =	vperm.xlane v38, v8;
	v27 =	vperm.xlane v27, v8  }
0x2f2: {  	[tilespmem:s17+$0x210] =	vst v61;
	v29 =	vld [tilespmem:s20+$0xFFFFFFC0];
	v32 =	vperm.xlane v32, v8;
	v28 =	vperm.xlane v28, v8  }
0x2f3: {  	[tilespmem:s17+$0xFFFFFEA0] =	vst v60;
	v30 =	vperm.xlane v30, v8;
	v33 =	vperm.xlane v33, v8;
	v7 =	vld [tilespmem:s21+$0x1F0]  }
0x2f4: {  	v31 =	vld [tilespmem:s1+$0xFFFFFFD0];
	v1 =	vmul.f32 v56, v49;
	v4 =	vmul.f32 v57, v53  }
0x2f5: {  	v15 =	vmov v48;
	v61 =	vmul.f32 v58, v50;
	v48 =	vmul.f32 v47, v52;
	v49 =	vld [tilespmem:s20+$0xFFFFFFD0]  }
0x2f6: {  	[tilespmem:s3+$0xFFFFFE20] =	vst v55;
	v50 =	vperm.xlane v23, v8;
	v52 =	vperm.xlane v34, v8;
	v8 =	vld [tilespmem:$0x1FF90]  }
0x2f7: {  	v60 =	vmul.f32 v59, v51;
	v59 =	vld [tilespmem:$0x1FFB0];
	[tilespmem:s17+$0xFFFFFF30] =	vst v1  }
0x2f8: {  	[tilespmem:s17+$0xFFFFFFC0] =	vst v4;
	v23 =	vld [tilespmem:s1+$0xFFFFFFE0]  }
0x2f9: {  	[tilespmem:s17+$0x170] =	vst v48;
	v51 =	vld [tilespmem:s20+$0xFFFFFFE0]  }
0x2fa: {  	v53 =	vld [tilespmem:s1+$0xFFFFFFF0];
	[tilespmem:s3+$0xFFFFFFD0] =	vst v44  }
0x2fb: {  	[tilespmem:s3+$0x180] =	vst v5;
	v55 =	vld [tilespmem:s20+$0xFFFFFFF0]  }
0x2fc: {  	[tilespmem:s17+$0xE0] =	vst v61;
	v0 =	vadd.f32 v3, v0;
	v61 =	vld [tilespmem:s1+$0x20]  }
0x2fd: {  	v16 =	vmov v54;
	v54 =	vmul.f32 v39, v18;
	v18 =	vmov v27;
	[tilespmem:s17+$0x50] =	vst v60;
	v34 =	vld [tilespmem:s20+$0x20]  }
0x2fe: {  	v56 =	vmul.f32 $2.000000030e-01, v0;
	v26 =	vmul.f32 v26, v8;
	v8 =	vmovc v13;
	v27 =	vadd.f32 v49, v31;
	v31 =	vld [tilespmem:s1+$0x0];
	[tilespmem:s3+$0x60] =	vst v43  }
0x2ff: {  	[tilespmem:$0x1FF90] =	vst v8;
	v8 =	vld [tilespmem:$0x1FFA0]  }
0x300: {  	v22 =	vmul.f32 v22, v9;
	[tilespmem:s3+$0xF0] =	vst v2;
	v58 =	vld [tilespmem:s20+$0x0];
	v0 =	vmax.f32 v0, v56  }
0x301: {  	v9 =	vmov v20;
	v60 =	vld [tilespmem:s20+$0x10];
	v38 =	vmul.f32 $2.000000030e-01, v27;
	v0 =	vmul.f32 $1.442695020e+00, v0  }
0x302: {  	v57 =	vmul.f32 v40, v17;
	v4 =	vmul.f32 v7, v50;
	[tilespmem:s0+$0xFFFFFE30] =	vst v26;
	v1 =	vadd.f32 v51, v23;
	v23 =	vld [tilespmem:s1+$0x10]  }
0x303: {  	v20 =	vmovc v33;
	v2 =	vmul.f32 v25, v59;
	v26 =	vmovc v19;
	(erf) = vpow2.f32 v0;
	v33 =	vmax.f32 v27, v38;
	v38 =	vld [tilespmem:s1+$0xFFFFFFC0]  }
0x304: {  	v13 =	vmovc v6;
	v6 =	vadd.f32 v55, v53;
	[tilespmem:$0x1FFA0] =	vst v26;
	v26 =	vmul.f32 $2.000000030e-01, v1;
	v0 =	vmul.f32 $1.442695020e+00, v33  }
0x305: {  	[tilespmem:s3+$0xFFFFFF50] =	vst v57;
	v3 =	vadd.f32 v34, v61;
	v24 =	vmul.f32 v24, v8;
	v8 =	vld [tilespmem:$0x1FFC0];
	v27 =	vadd.f32 v58, v31  }
0x306: {  	[tilespmem:s0+$0xFFFFFFE0] =	vst v22;
	v48 =	vld [tilespmem:s21+$0xFFFFFF60];
	v1 =	vmax.f32 v1, v26;
	v26 =	vmul.f32 $2.000000030e-01, v6;
	(erf) = vpow2.f32 v0  }
0x307: {  	v12 =	vmovc v14;
	[tilespmem:s3+$0xFFFFFEC0] =	vst v54;
	v44 =	vld [tilespmem:s21+$0xFFFFFFE0];
	v1 =	vmul.f32 $1.442695020e+00, v1;
	v22 =	vmul.f32 $2.000000030e-01, v27;
	v5 =	vadd.f32 v60, v23  }
0x308: {  	v14 =	vmovc v28;
	[tilespmem:s17+$0x220] =	vst v4;
	v28 =	vld [tilespmem:s21+$0xFFFFFE50];
	v51 =	vmul.f32 $2.000000030e-01, v3;
	v6 =	vmax.f32 v6, v26;
	v4 =	vadd.f32 v29, v38  }
0x309: {  	[tilespmem:s0+$0x70] =	vst v24;
	v24 =	vld [tilespmem:s21+$0xFFFFFEE0];
	v49 =	vmax.f32 v27, v22;
	v22 =	vmul.f32 $2.000000030e-01, v5;
	(erf) = vpow2.f32 v1  }
0x30a: {  	[tilespmem:s0+$0x100] =	vst v2;
	v43 =	vld [tilespmem:s21+$0x60];
	v39 =	vmul.f32 $1.442695020e+00, v6;
	v25 =	vmul.f32 v42, v8  }
0x30b: {  	v29 =	vld [tilespmem:s21+$0xE0];
	v8 =	vmovc v21;
	v21 =	vmovc v52;
	v6 =	vmul.f32 $1.442695020e+00, v49;
	v52 =	vmul.f32 $2.000000030e-01, v4;
	v50 =	vmax.f32 v5, v22  }
0x30c: {  	[tilespmem:$0x1FFB0] =	vst v9;
	v3 =	vmax.f32 v3, v51;
	v26 =	vld [tilespmem:s9+$0xFFFFFE70];
	(erf) = vpow2.f32 v39;
	v1 =	vmul.f32 $1.442695020e+00, v50;
	v23 =	vpop (erf)  }
0x30d: {  	v58 =	vmul.f32 v28, v41;
	v22 =	vld [tilespmem:s9+$0xFFFFFFF0];
	[tilespmem:s0+$0x190] =	vst v25;
	s0 =	smov.u32 s3;
	s3 =	smov.u32 s17;
	(erf) = vpow2.f32 v6;
	s17 =	sadd.s32 $0x480, s17;
	v53 =	vnsel vm0, $0x0, v23  }
0x30e: {  	v3 =	vmul.f32 $1.442695020e+00, v3;
	v2 =	vmax.f32 v4, v52;
	v31 =	vld [tilespmem:s21+$0x160];
	s21 =	sadd.s32 $0x400, s21;
	[tilespmem:s17+$0x230] =	vst v53;
	(erf) = vpow2.f32 v1  }
0x30f: {  	[tilespmem:$0x1FFC0] =	vst v8;
	v59 =	vmul.f32 v24, v45;
	v54 =	vmul.f32 $1.442695020e+00, v2;
	v55 =	vld [tilespmem:s21+$0x180]  }
0x310: {  	v24 =	vld [tilespmem:s9+$0x70];
	[tilespmem:s3+$0xFFFFFE10] =	vst v58;
	(erf) = vpow2.f32 v3;
	v27 =	vpop (erf)  }
0x311: {  	v17 =	vmovc v32;
	v0 =	vmul.f32 v48, v46;
	v25 =	vld [tilespmem:s9+$0xF0];
	[tilespmem:s3+$0xFFFFFEB0] =	vst v59;
	(erf) = vpow2.f32 v54;
	v60 =	vnsel vm0, $0x0, v27  }
0x312: {  	v44 =	vmul.f32 v44, v36;
	v8 =	vimm.s32 $0x1;
	v56 =	vperm.xlane v23, v62;
	v47 =	vld [tilespmem:s14+$0xFFFFFE60];
	[tilespmem:s17+$0xFFFFFED0] =	vst v60;
	v32 =	vpop (erf)  }
0x313: {  	[tilespmem:s3+$0xFFFFFF40] =	vst v0;
	v43 =	vmul.f32 v43, v37;
	v61 =	vperm.xlane v27, v62;
	v3 =	vld [tilespmem:s21+$0xFFFFFE80];
	v57 =	vnsel vm0, $0x0, v32  }
0x314: {  	v9 =	vimm.s32 $0x2;
	v1 =	vperm.xlane v27, v8;
	v39 =	vld [tilespmem:s14+$0xFFFFFEF0];
	v2 =	vmul.f32 v55, v56;
	[tilespmem:s17+$0xFFFFFF60] =	vst v57  }
0x315: {  	v19 =	vmov v30;
	v41 =	vperm.xlane v27, v9;
	v7 =	vperm.xlane v32, v62;
	v28 =	vpop (erf);
	v40 =	vld [tilespmem:s14+$0xFFFFFF70]  }
0x316: {  	v0 =	vperm.xlane v32, v8;
	v45 =	vperm.xlane v32, v9;
	v58 =	vnsel vm0, $0x0, v28;
	v42 =	vld [tilespmem:s21+$0xFFFFFF00];
	v30 =	vpop (erf);
	[tilespmem:s17+$0x1B0] =	vst v2  }
0x317: {  	v6 =	vperm.xlane v28, v62;
	v46 =	vperm.xlane v28, v8;
	[tilespmem:s17+$0xFFFFFFF0] =	vst v58;
	v59 =	vnsel vm0, $0x0, v30;
	v49 =	vld [tilespmem:s21+$0x190];
	v33 =	vpop (erf)  }
0x318: {  	v4 =	vperm.xlane v28, v9;
	v50 =	vld [tilespmem:s21+$0xFFFFFF80];
	[tilespmem:s17+$0x80] =	vst v59;
	v3 =	vmul.f32 v3, v61;
	v60 =	vnsel vm0, $0x0, v33  }
0x319: {  	v5 =	vperm.xlane v30, v62;
	v48 =	vperm.xlane v30, v8;
	v53 =	vld [tilespmem:s21+$0x0];
	v34 =	vpop (erf);
	[tilespmem:s17+$0x110] =	vst v60  }
0x31a: {  	v61 =	vperm.xlane v23, v8;
	v51 =	vperm.xlane v33, v62;
	v54 =	vnsel vm0, $0x0, v34;
	v38 =	vpop (erf);
	[tilespmem:s17+$0xFFFFFE50] =	vst v3;
	v2 =	vld [tilespmem:s21+$0x80]  }
0x31b: {  	v52 =	vperm.xlane v33, v8;
	v55 =	vperm.xlane v34, v62;
	v60 =	vnsel vm0, $0x0, v38;
	[tilespmem:s17+$0x1A0] =	vst v54;
	v59 =	vld [tilespmem:s21+$0xFFFFFE90]  }
0x31c: {  	v3 =	vperm.xlane v33, v9;
	[tilespmem:s17+$0xFFFFFE40] =	vst v60;
	v57 =	vld [tilespmem:s21+$0x100];
	v49 =	vmul.f32 v49, v61  }
0x31d: {  	v58 =	vperm.xlane v38, v62;
	v7 =	vmul.f32 v42, v7;
	v56 =	vld [tilespmem:s21+$0xFFFFFE00]  }
0x31e: {  	v54 =	vperm.xlane v38, v8;
	v42 =	vld [tilespmem:s9+$0x170];
	v61 =	vmul.f32 v50, v6;
	[tilespmem:s17+$0x1C0] =	vst v49  }
0x31f: {  	v60 =	vperm.xlane v38, v63;
	[tilespmem:s17+$0xFFFFFEE0] =	vst v7;
	v5 =	vmul.f32 v53, v5;
	v49 =	vld [tilespmem:s21+$0x1A0]  }
0x320: {  	v6 =	vperm.xlane v34, v8;
	[tilespmem:s17+$0xFFFFFF70] =	vst v61;
	v2 =	vmul.f32 v2, v51;
	v51 =	vld [tilespmem:s21+$0xFFFFFF10]  }
0x321: {  	v50 =	vperm.xlane v38, v9;
	v61 =	vld [tilespmem:s21+$0xFFFFFF90];
	[tilespmem:s17+$0x0] =	vst v5;
	v5 =	vmul.f32 v57, v55  }
0x322: {  	v55 =	vmul.f32 v56, v58;
	v56 =	vld [tilespmem:s21+$0x10];
	[tilespmem:s17+$0x90] =	vst v2;
	v2 =	vperm.xlane v23, v9  }
0x323: {  	v7 =	vperm.xlane v30, v9;
	v1 =	vmul.f32 v59, v1;
	v62 =	vld [tilespmem:s21+$0x90];
	[tilespmem:s17+$0x120] =	vst v5  }
0x324: {  	v53 =	vperm.xlane v34, v9;
	[tilespmem:s17+$0xFFFFFDC0] =	vst v55;
	v55 =	vld [tilespmem:s21+$0x110];
	v2 =	vmul.f32 v49, v2  }
0x325: {  	v59 =	vperm.xlane v30, v63;
	[tilespmem:s17+$0xFFFFFE60] =	vst v1;
	v49 =	vld [tilespmem:s21+$0xFFFFFE10];
	v0 =	vmul.f32 v51, v0  }
0x326: {  	v57 =	vperm.xlane v27, v63;
	v51 =	vld [tilespmem:s21+$0xFFFFFEA0];
	v46 =	vmul.f32 v61, v46;
	[tilespmem:s17+$0x1D0] =	vst v2  }
0x327: {  	v1 =	vperm.xlane v28, v63;
	[tilespmem:s17+$0xFFFFFEF0] =	vst v0;
	v0 =	vmul.f32 v56, v48;
	v48 =	vld [tilespmem:s21+$0x1B0]  }
0x328: {  	v58 =	vperm.xlane v34, v63;
	[tilespmem:s17+$0xFFFFFF80] =	vst v46;
	v56 =	vld [tilespmem:s21+$0xFFFFFF20];
	v46 =	vmul.f32 v62, v52  }
0x329: {  	v5 =	vperm.xlane v32, v63;
	v52 =	vld [tilespmem:s21+$0xFFFFFFA0];
	[tilespmem:s17+$0x10] =	vst v0;
	v0 =	vmul.f32 v55, v6  }
0x32a: {  	v8 =	vimm.s32 $0x4;
	v62 =	vperm.xlane v23, v63;
	v6 =	vmul.f32 v49, v54;
	v49 =	vld [tilespmem:s21+$0x20];
	[tilespmem:s17+$0xA0] =	vst v46  }
0x32b: {  	v61 =	vperm.xlane v38, v8;
	v41 =	vmul.f32 v51, v41;
	v51 =	vld [tilespmem:s21+$0xA0];
	[tilespmem:s17+$0x130] =	vst v0  }
0x32c: {  	v2 =	vperm.xlane v33, v63;
	[tilespmem:s17+$0xFFFFFDD0] =	vst v6;
	v6 =	vld [tilespmem:s21+$0x120];
	v46 =	vmul.f32 v48, v62  }
0x32d: {  	v55 =	vperm.xlane v28, v8;
	[tilespmem:s17+$0xFFFFFE70] =	vst v41;
	v48 =	vld [tilespmem:s21+$0xFFFFFE20];
	v63 =	vmul.f32 v56, v45  }
0x32e: {  	v54 =	vperm.xlane v27, v8;
	v45 =	vld [tilespmem:s21+$0xFFFFFEB0];
	v4 =	vmul.f32 v52, v4;
	[tilespmem:s17+$0x1E0] =	vst v46  }
0x32f: {  	v0 =	vperm.xlane v32, v8;
	[tilespmem:s17+$0xFFFFFF00] =	vst v63;
	v7 =	vmul.f32 v49, v7;
	v46 =	vld [tilespmem:s21+$0x1C0]  }
0x330: {  	v41 =	vperm.xlane v38, v10;
	[tilespmem:s17+$0xFFFFFF90] =	vst v4;
	v52 =	vld [tilespmem:s21+$0xFFFFFF30];
	v3 =	vmul.f32 v51, v3  }
0x331: {  	v56 =	vperm.xlane v30, v8;
	v51 =	vld [tilespmem:s21+$0xFFFFFFB0];
	[tilespmem:s17+$0x20] =	vst v7;
	v6 =	vmul.f32 v6, v53  }
0x332: {  	v53 =	vperm.xlane v23, v8;
	v7 =	vmul.f32 v48, v50;
	v48 =	vld [tilespmem:s21+$0x30];
	[tilespmem:s17+$0xB0] =	vst v3  }
0x333: {  	v62 =	vperm.xlane v33, v8;
	v45 =	vmul.f32 v45, v57;
	v57 =	vld [tilespmem:s21+$0xB0];
	[tilespmem:s17+$0x140] =	vst v6  }
0x334: {  	v4 =	vperm.xlane v34, v8;
	[tilespmem:s17+$0xFFFFFDE0] =	vst v7;
	v6 =	vld [tilespmem:s21+$0x130];
	v3 =	vmul.f32 v46, v53  }
0x335: {  	v63 =	vperm.xlane v27, v10;
	[tilespmem:s17+$0xFFFFFE80] =	vst v45;
	v7 =	vld [tilespmem:s21+$0xFFFFFE30];
	v5 =	vmul.f32 v52, v5  }
0x336: {  	v49 =	vperm.xlane v32, v10;
	v45 =	vld [tilespmem:s21+$0xFFFFFEC0];
	v1 =	vmul.f32 v51, v1;
	[tilespmem:s17+$0x1F0] =	vst v3  }
0x337: {  	v8 =	vperm.xlane v30, v11;
	[tilespmem:s17+$0xFFFFFF10] =	vst v5;
	v3 =	vmul.f32 v48, v59;
	v5 =	vld [tilespmem:s21+$0x1D0]  }
0x338: {  	v50 =	vperm.xlane v33, v10;
	[tilespmem:s17+$0xFFFFFFA0] =	vst v1;
	v48 =	vld [tilespmem:s21+$0xFFFFFF40];
	v46 =	vmul.f32 v57, v2  }
0x339: {  	v53 =	vperm.xlane v28, v10;
	v57 =	vld [tilespmem:s21+$0xFFFFFFC0];
	[tilespmem:s17+$0x30] =	vst v3;
	v3 =	vmul.f32 v6, v58  }
0x33a: {  	v6 =	vmul.f32 v7, v60;
	v7 =	vld [tilespmem:s21+$0x40];
	[tilespmem:s17+$0xC0] =	vst v46;
	v60 =	vperm.xlane v23, v10  }
0x33b: {  	v51 =	vperm.xlane v30, v10;
	v54 =	vmul.f32 v45, v54;
	v58 =	vld [tilespmem:s21+$0xC0];
	[tilespmem:s17+$0x150] =	vst v3  }
0x33c: {  	v52 =	vperm.xlane v34, v10;
	[tilespmem:s17+$0xFFFFFDF0] =	vst v6;
	v3 =	vld [tilespmem:s21+$0x140];
	v1 =	vmul.f32 v5, v60  }
0x33d: {  	v2 =	vperm.xlane v38, v11;
	[tilespmem:s17+$0xFFFFFE90] =	vst v54;
	v5 =	vld [tilespmem:s21+$0xFFFFFE40];
	v0 =	vmul.f32 v48, v0  }
0x33e: {  	s23 =	sadd.s32 $0x8, s23;
	v45 =	vperm.xlane v27, v11;
	v60 =	vld [tilespmem:s21+$0xFFFFFED0];
	v54 =	vmul.f32 v57, v55;
	[tilespmem:s17+$0x200] =	vst v1  }
0x33f: {  	p1 =	slt.u32 s23, $0x38;
	v46 =	vperm.xlane v32, v11;
	[tilespmem:s17+$0xFFFFFF20] =	vst v0;
	v0 =	vmul.f32 v7, v56;
	v1 =	vld [tilespmem:s21+$0x1E0]  }
.Ltmp5:
0x340: {  	v6 =	vperm.xlane v28, v11;
	[tilespmem:s17+$0xFFFFFFB0] =	vst v54;
	v56 =	vld [tilespmem:s21+$0xFFFFFF50];
	v7 =	vmul.f32 v58, v62;
	(pc) =	sbr.rel @p1 .LBB2_8-.Ltmp5, $4  }
0x341: {  	v55 =	vmul.f32 v47, v35;
	v57 =	vld [tilespmem:s21+$0xFFFFFFD0];
	[tilespmem:s17+$0x40] =	vst v0;
	v0 =	vmul.f32 v3, v4  }
0x342: {  	v35 =	vmov v2;
	v2 =	vmul.f32 v5, v61;
	v59 =	vld [tilespmem:s21+$0x50];
	[tilespmem:s17+$0xD0] =	vst v7;
	v7 =	vperm.xlane v23, v11  }
0x343: {  	v9 =	vmovc v12;
	v48 =	vperm.xlane v33, v11;
	v54 =	vperm.xlane v34, v11;
	v62 =	vimm.s32 $0x0;
	v58 =	vld [tilespmem:s21+$0xD0];
	[tilespmem:s17+$0x160] =	vst v0  }
0x344: {  	s1 =	sadd.s32 $0x80, s1;
	s9 =	smov.u32 s14;
	s14 =	smov.u32 s21;
	v37 =	vmovc v8;
	v36 =	vmovc v6;
	v60 =	vmul.f32 v60, v63;
	v63 =	vimm.s32 $0x3;
	[tilespmem:s17+$0xFFFFFE00] =	vst v2;
	v47 =	vld [tilespmem:s21+$0x150];
	v61 =	vmul.f32 v1, v7  }
0x345: {  	[tilespmem:s3+$0xFFFFFE20] =	vst v55  }
0x346: {  	[tilespmem:s3+$0xFFFFFFD0] =	vst v44  }
0x347: {  	[tilespmem:s17+$0x210] =	vst v61  }
0x348: {  	v0 =	vmul.f32 v56, v49;
	[tilespmem:s3+$0x60] =	vst v43;
	v2 =	vld [tilespmem:s21+$0x1F0]  }
0x349: {  	[tilespmem:s17+$0xFFFFFEA0] =	vst v60;
	v1 =	vmul.f32 v57, v53  }
0x34a: {  	v10 =	vimm.s32 $0x7;
	[tilespmem:s17+$0xFFFFFF30] =	vst v0;
	v59 =	vmul.f32 v59, v51  }
0x34b: {  	v11 =	vperm.xlane v23, v10;
	[tilespmem:s17+$0xFFFFFFC0] =	vst v1;
	v60 =	vmul.f32 v58, v50  }
0x34c: {  	[tilespmem:s17+$0x50] =	vst v59;
	v61 =	vmul.f32 v47, v52  }
0x34d: {  	[tilespmem:s17+$0xE0] =	vst v60;
	v12 =	vmul.f32 v2, v11  }
0x34e: {  	[tilespmem:s17+$0x170] =	vst v61  }
0x34f: {  	v23 =	vld [tilespmem:s21+$0xFFFFFE50];
	[tilespmem:s17+$0x220] =	vst v12  }
0x350: {  	v3 =	vld [tilespmem:$0x1FF90]  }
0x351: {  	v29 =	vmul.f32 v29, v15  }
0x352: {  	v31 =	vmul.f32 v31, v16  }
0x353: {  	v44 =	vmul.f32 v39, v18;
	[tilespmem:s3+$0xF0] =	vst v29  }
0x354: {  	v47 =	vmul.f32 v23, v41;
	[tilespmem:s3+$0x180] =	vst v31  }
0x355: {  	v50 =	vld [tilespmem:s21+$0xFFFFFEE0];
	[tilespmem:s3+$0xFFFFFEC0] =	vst v44;
	v3 =	vmul.f32 v26, v3  }
0x356: {  	v49 =	vmul.f32 v40, v17;
	v4 =	vld [tilespmem:s21+$0xFFFFFF60];
	[tilespmem:s17+$0xFFFFFE10] =	vst v47  }
0x357: {  	v51 =	vld [tilespmem:s14+$0xFFFFFE60];
	[tilespmem:s0+$0xFFFFFE30] =	vst v3  }
0x358: {  	v3 =	vmul.f32 v22, v9;
	v0 =	vld [tilespmem:$0x1FFA0];
	[tilespmem:s3+$0xFFFFFF50] =	vst v49  }
0x359: {  	v5 =	vld [tilespmem:$0x1FFB0]  }
0x35a: {  	v7 =	vld [tilespmem:s9+$0xFFFFFE70];
	[tilespmem:s0+$0xFFFFFFE0] =	vst v3  }
0x35b: {  	v2 =	vmul.f32 v50, v45;
	v6 =	vld [tilespmem:$0x1FFC0]  }
0x35c: {  	v53 =	vld [tilespmem:s9+$0xFFFFFFF0];
	v4 =	vmul.f32 v4, v46  }
0x35d: {  	v1 =	vmul.f32 v51, v35;
	v3 =	vld [tilespmem:s21+$0xFFFFFFE0];
	[tilespmem:s17+$0xFFFFFEB0] =	vst v2  }
0x35e: {  	v55 =	vld [tilespmem:s9+$0xF0];
	[tilespmem:s17+$0xFFFFFF40] =	vst v4;
	v5 =	vmul.f32 v25, v5  }
0x35f: {  	v52 =	vld [tilespmem:s21+$0x60];
	v7 =	vmul.f32 v7, v13;
	[tilespmem:s17+$0xFFFFFE20] =	vst v1  }
0x360: {  	v6 =	vmul.f32 v42, v6;
	[tilespmem:s0+$0x100] =	vst v5;
	v5 =	vld [tilespmem:s21+$0xE0]  }
0x361: {  	[tilespmem:s3+$0xFFFFFE30] =	vst v7;
	v1 =	vmul.f32 v53, v14;
	v2 =	vld [tilespmem:s14+$0xFFFFFEF0]  }
0x362: {  	v3 =	vmul.f32 v3, v36;
	[tilespmem:s0+$0x190] =	vst v6;
	v6 =	vld [tilespmem:s21+$0x160]  }
0x363: {  	v8 =	vld [tilespmem:s9+$0x70];
	v7 =	vmul.f32 v55, v20;
	[tilespmem:s3+$0xFFFFFFE0] =	vst v1  }
0x364: {  	v4 =	vld [tilespmem:s14+$0xFFFFFF70];
	v0 =	vmul.f32 v24, v0;
	[tilespmem:s17+$0xFFFFFFD0] =	vst v3;
	v3 =	vperm.xlane v27, v10  }
0x365: {  	[tilespmem:s3+$0x100] =	vst v7;
	v56 =	vld [tilespmem:s14+$0xFFFFFFF0];
	v5 =	vmul.f32 v5, v48  }
0x366: {  	[tilespmem:s0+$0x70] =	vst v0;
	v0 =	vmul.f32 v52, v37;
	v2 =	vmul.f32 v2, v3  }
0x367: {  	v6 =	vmul.f32 v6, v54;
	v54 =	vperm.xlane v32, v10;
	[tilespmem:s17+$0xF0] =	vst v5;
	v5 =	vld [tilespmem:s9+$0x170]  }
0x368: {  	v59 =	vperm.xlane v28, v10;
	[tilespmem:s17+$0x60] =	vst v0;
	v3 =	vld [tilespmem:s14+$0xFFFFFE70]  }
0x369: {  	v57 =	vld [tilespmem:s14+$0x70];
	[tilespmem:s17+$0xFFFFFEC0] =	vst v2;
	v0 =	vmul.f32 v4, v54;
	v4 =	vmul.f32 v8, v19  }
0x36a: {  	v2 =	vmul.f32 v56, v59;
	[tilespmem:s17+$0x180] =	vst v6;
	v58 =	vld [tilespmem:s14+$0xF0]  }
0x36b: {  	v6 =	vperm.xlane v38, v10;
	[tilespmem:s3+$0x70] =	vst v4;
	v4 =	vld [tilespmem:s14+$0x170]  }
0x36c: {  	v60 =	vperm.xlane v30, v10;
	[tilespmem:s17+$0xFFFFFFE0] =	vst v2;
	v5 =	vmul.f32 v5, v21  }
0x36d: {  	[tilespmem:s17+$0xFFFFFF50] =	vst v0;
	v3 =	vmul.f32 v3, v6;
	v6 =	vperm.xlane v33, v10  }
0x36e: {  	v0 =	vmul.f32 v57, v60;
	[tilespmem:s3+$0x190] =	vst v5;
	v5 =	vperm.xlane v34, v10  }
.Ltmp6:
0x36f: {  	[tilespmem:s17+$0xFFFFFE30] =	vst v3;
	v1 =	vmul.f32 v58, v6;
	(pc) =	sbr.rel @p0 .LBB2_11-.Ltmp6, $4  }
0x370: {  	[tilespmem:s17+$0x70] =	vst v0;
	v61 =	vmul.f32 v4, v5  }
0x371: {  	[tilespmem:s17+$0x100] =	vst v1  }
0x372: {  	s26 =	simm.s32 $0x140;
	s1 =	simm.s32 $0x7580;
	[tilespmem:s17+$0x190] =	vst v61  }
0x373: {  	v5 =	vimm.s32 $0x7;
	[spmem:s2] =	stream.indirect.scatter.add.f32 [tilespmem:s1], [sflag:$0xC], $0x90, s26, s22, $0xb8;
	[tilespmem:$0x1F9A0] =	vst v63  }
0x374: {  	_ =	swait.ge [sflag:s24], $0x40  }
0x375: {  	[sflag:s24] =	ssyncset.done $0x0  }
0x376: {  	[sflag:s24] =	ssyncadd.s32 $0xFFFFFFC0  }
0x377: {  	_ =	swait.ge [sflag:s25], $0x40  }
0x378: {  	[sflag:s25] =	ssyncset.done $0x0  }
0x379: {  	[sflag:s25] =	ssyncadd.s32 $0xFFFFFFC0  }
0x37a: {  	s0 =	simm.s32 $0x180;
	s14 =	rddreg [dreg:$0x1]  }
0x37b: {  	[tilespmem:s0], [sflag:$0x5] =	stream.indirect.gather [hbm4b:s14+s22], $0x10, s4, s22, $0xb8;
	[tilespmem:$0x1F9A0] =	vst v63  }
.Ltmp7:
0x37c: {  	_ = 	snop;
	(pc) =	sbr.rel .LBB2_2-.Ltmp7, $4  }
0x37d: {  	s23 =	simm.s32 $0x80;
	s1 =	simm.s32 $0x980  }
0x37e: {  	[tilespmem:s1], [sflag:$0x7] =	stream.indirect.gather [hbm4b:s7+s22], $0x10, s23, s22, $0xb8;
	[tilespmem:$0x1F9A0] =	vst v63  }
0x37f: {  	s26 =	simm.s32 $0x1180;
	s29 =	sadd.s32 $0x1, s29;
	v0 =	vimm.s32 $0x1;
	v1 =	vimm.s32 $0x2  }
0x380: {  	v2 =	vimm.s32 $0x4;
	v3 =	vimm.s32 $0x5;
	v4 =	vimm.s32 $0x6;
	[tilespmem:s26], [sflag:$0x9] =	stream.indirect.gather [hbm4b:s8+s22], $0x80, s4, s22, $0xb8;
	[tilespmem:$0x1F9A0] =	vst v63  }
.LBB2_12:
0x381: {  	_ =	sfence.sel $0x180000  }
0x382: {  	[bflag:$0x0] =	sbarrier.arrive $0xFFFF  }
0x383: {  	_ =	strace $0x90000047  }
0x384: {  	s0 =	stileid.u32;
	[bflag:$0x2] =	sbarrier.arrive $0xFFFF  }
0x385: {  	p0 =	sne.s32 s0, $0x0;
	s0 =	rddreg [dreg:$0x3]  }
0x386: {  	s0 =	sadd.s32 @!p0 $0x100000, s0  }
0x387: {  	[sflag:s0] =	ssyncadd.tile.s32 @!p0 $0x1;
	_ =	shalt  }
.Lfunc_end2:
_tile_overlayer_lowered:
.L_overlay_start_2:
0x388: {  	(tag) =	ssettag $0x2  }
0x389: {  	s0 =	rddreg [dreg:$0x0];
	s2 =	stileid.u32  }
0x38a: {  	s1 =	rddreg [dreg:$0x1];
	p0 =	sne.s32 s2, $0x0  }
0x38b: {  	s3 =	rddreg [dreg:$0x2];
	[bflag:$0x3] =	sbarrier.arrive $0xFFFF;
	s2 =	simm.s32 @!p0 $0x1C0D  }
0x38c: {  	[timem:s3], [sflag:s2] =	dma.local @!p0 [hbm:s0], s1  }
0x38d: {  	s0 =	simm.s32 @!p0 $0xD  }
0x38e: {  	_ =	swait.ge @!p0 [sflag:s0], s1  }
0x38f: {  	s1 =	ssub.s32 @!p0 $0x0, s1;
	[sflag:s0] =	ssyncset.done @!p0 $0x0  }
0x390: {  	[sflag:s0] =	ssyncadd.s32 @!p0 s1  }
0x391: {  	[bflag:$0x3] =	sbarrier.arrive $0xFFFF  }
0x392: {  	_ =	shalt  }

</sc_bundles>
